<compile_context>
chip_gen: v7x
topology: tpu7x:2x2x1
jax: 0.10.2.dev20260603
libtpu: 0.0.44.dev20260713+nightly
codegen_flags: <defaults>
</compile_context>

<pallas_src>
import jax
import jax.numpy as jnp
from jax import lax
from jax.experimental import pallas as pl
from jax.experimental.pallas import tpu as pltpu
from jax.experimental.pallas import tpu_sc as plsc

NC = 2
NS = 16
TILES = NC * NS
CH = 80
BLK = 512


def _pad_rows(n, m):
  return ((n + m - 1) // m) * m


def _scatter_kernel(nch, npad, d, gather):
  rows = npad // NS
  ncopy = rows // CH

  assert nch % 2 == 0

  def body(g_hbm, srcr_hbm, dstr_hbm, zrows_hbm, out_hbm,
           src_v, dst_v, buf0_v, buf1_v, agg_sh, sem0, sem1, semz):
    c = lax.axis_index("c")
    s = lax.axis_index("s")
    wid = s * NC + c
    if gather:
      pltpu.async_copy(srcr_hbm.at[wid], src_v, sem0)
    pltpu.async_copy(dstr_hbm.at[wid], dst_v, sem1)
    pltpu.sync_copy(zrows_hbm, buf0_v)
    for r in range(ncopy):
      pltpu.async_copy(buf0_v, agg_sh.at[pl.ds(s * rows + r * CH, CH)], semz)
    for r in range(ncopy):
      pltpu.make_async_copy(
          buf0_v, agg_sh.at[pl.ds(s * rows + r * CH, CH)], semz).wait()
    if gather:
      pltpu.make_async_copy(srcr_hbm.at[wid], src_v, sem0).wait()
    pltpu.make_async_copy(dstr_hbm.at[wid], dst_v, sem1).wait()
    if not gather:
      pltpu.sync_copy(g_hbm.at[pl.ds(0, CH)], buf0_v)
    plsc.subcore_barrier()

    if gather:
      def sidx(j):
        return src_v.at[pl.ds(j * CH, CH)]

      pltpu.async_copy(g_hbm.at[sidx(0)], buf0_v, sem0)

      def step(i, carry):
        j0 = 2 * i
        j1 = j0 + 1
        j2 = jnp.minimum(j0 + 2, nch - 1)
        pltpu.make_async_copy(g_hbm.at[sidx(j0)], buf0_v, sem0).wait()
        pltpu.async_copy(g_hbm.at[sidx(j1)], buf1_v, sem1)
        pltpu.sync_copy(buf0_v, agg_sh.at[dst_v.at[j0]], add=True)
        pltpu.make_async_copy(g_hbm.at[sidx(j1)], buf1_v, sem1).wait()
        pltpu.async_copy(g_hbm.at[sidx(j2)], buf0_v, sem0)
        pltpu.sync_copy(buf1_v, agg_sh.at[dst_v.at[j1]], add=True)
        return carry

      lax.fori_loop(0, nch // 2, step, 0)
      pltpu.make_async_copy(g_hbm.at[sidx(0)], buf0_v, sem0).wait()
    else:

      def step(j, carry):
        pltpu.sync_copy(buf0_v, agg_sh.at[dst_v.at[j]], add=True)
        return carry

      lax.fori_loop(0, nch, step, 0)
    plsc.subcore_barrier()
    bufs = [buf0_v, buf1_v]
    sems = [sem0, sem1]
    pltpu.sync_copy(agg_sh.at[pl.ds(s * rows, CH)], buf0_v)
    for r in range(ncopy):
      cur = bufs[r % 2]
      csem = sems[r % 2]
      dst_slice = out_hbm.at[pl.ds(c * npad + s * rows + r * CH, CH)]
      pltpu.async_copy(cur, dst_slice, csem)
      if r + 1 < ncopy:
        pltpu.sync_copy(agg_sh.at[pl.ds(s * rows + (r + 1) * CH, CH)],
                        bufs[(r + 1) % 2])
      pltpu.make_async_copy(cur, dst_slice, csem).wait()

  return pl.kernel(
      body,
      out_type=jax.ShapeDtypeStruct((NC * npad, d), jnp.float32),
      mesh=plsc.VectorSubcoreMesh(core_axis_name="c", subcore_axis_name="s"),
      scratch_types=[
          pltpu.VMEM((nch * CH,), jnp.int32),
          pltpu.VMEM((nch, CH), jnp.int32),
          pltpu.VMEM((CH, d), jnp.float32),
          pltpu.VMEM((CH, d), jnp.float32),
          pltpu.VMEM_SHARED((npad, d), jnp.float32),
          pltpu.SemaphoreType.DMA,
          pltpu.SemaphoreType.DMA,
          pltpu.SemaphoreType.DMA,
      ],
  )


def _stage0_body(x_ref, w_ref, d0_ref, d1_ref, g_ref, dv_ref):
  deg = d0_ref[:, 0:1] + d1_ref[:, 0:1]
  dinv = lax.rsqrt(deg + 1.0)
  dv = jnp.broadcast_to(dinv, (BLK, 128))
  dv_ref[...] = dv
  h1 = jnp.dot(x_ref[...], w_ref[...], preferred_element_type=jnp.float32)
  g_ref[...] = dv * h1


def _stage_mid_body(p0_ref, p1_ref, g_ref, dv_ref, bc_ref,
                    w1_ref, b1_ref, w2_ref, b2_ref, wn_ref, gn_ref):
  dv = dv_ref[...]
  conv = dv * (p0_ref[...] + p1_ref[...] + g_ref[...]) + bc_ref[...]
  a = jnp.maximum(
      jnp.dot(conv, w1_ref[...], preferred_element_type=jnp.float32)
      + b1_ref[...], 0.0)
  h = jnp.maximum(
      jnp.dot(a, w2_ref[...], preferred_element_type=jnp.float32)
      + b2_ref[...], 0.0)
  gn_ref[...] = dv * jnp.dot(h, wn_ref[...], preferred_element_type=jnp.float32)


def _stage3_body(p0_ref, p1_ref, g_ref, dv_ref, bc_ref,
                 w1_ref, b1_ref, w2_ref, b2_ref,
                 f1_ref, f1b_ref, f2_ref, f2b_ref, y_ref):
  conv = dv_ref[...] * (p0_ref[...] + p1_ref[...] + g_ref[...]) + bc_ref[...]
  a = jnp.maximum(
      jnp.dot(conv, w1_ref[...], preferred_element_type=jnp.float32)
      + b1_ref[...], 0.0)
  h = jnp.maximum(
      jnp.dot(a, w2_ref[...], preferred_element_type=jnp.float32)
      + b2_ref[...], 0.0)
  z = jnp.maximum(
      jnp.dot(h, f1_ref[...], preferred_element_type=jnp.float32)
      + f1b_ref[...], 0.0)
  t = jnp.dot(z, f2_ref[...], preferred_element_type=jnp.float32) + f2b_ref[...]
  y_ref[...] = 1.0 / (1.0 + jnp.exp(-t))


def _row_spec(d):
  return pl.BlockSpec((BLK, d), lambda i: (i, 0))


def _full_spec(r, c):
  return pl.BlockSpec((r, c), lambda i: (0, 0))


def _call_stage0(xp, wc0, deg0, deg1, npad):
  grid = npad // BLK
  return pl.pallas_call(
      _stage0_body,
      grid=(grid,),
      in_specs=[_row_spec(128), _full_spec(128, 128), _row_spec(128),
                _row_spec(128)],
      out_specs=(_row_spec(128), _row_spec(128)),
      out_shape=(jax.ShapeDtypeStruct((npad, 128), jnp.float32),
                 jax.ShapeDtypeStruct((npad, 128), jnp.float32)),
  )(xp, wc0, deg0, deg1)


def _call_stage_mid(p0, p1, g, dv, bc, w1, b1, w2, b2, wn, npad):
  grid = npad // BLK
  return pl.pallas_call(
      _stage_mid_body,
      grid=(grid,),
      in_specs=[_row_spec(128), _row_spec(128), _row_spec(128), _row_spec(128),
                _full_spec(1, 128), _full_spec(128, 128), _full_spec(1, 128),
                _full_spec(128, 128), _full_spec(1, 128), _full_spec(128, 128)],
      out_specs=_row_spec(128),
      out_shape=jax.ShapeDtypeStruct((npad, 128), jnp.float32),
  )(p0, p1, g, dv, bc, w1, b1, w2, b2, wn)


def _call_stage3(p0, p1, g, dv, bc, w1, b1, w2, b2, f1, f1b, f2, f2b, npad):
  grid = npad // BLK
  return pl.pallas_call(
      _stage3_body,
      grid=(grid,),
      in_specs=[_row_spec(128), _row_spec(128), _row_spec(128), _row_spec(128),
                _full_spec(1, 128), _full_spec(128, 128), _full_spec(1, 128),
                _full_spec(128, 128), _full_spec(1, 128),
                _full_spec(128, 128), _full_spec(1, 128),
                _full_spec(128, 128), _full_spec(1, 128)],
      out_specs=_row_spec(128),
      out_shape=jax.ShapeDtypeStruct((npad, 128), jnp.float32),
  )(p0, p1, g, dv, bc, w1, b1, w2, b2, f1, f1b, f2, f2b)


def kernel(x, edge_index, Wc0, bc0, m0w1, m0b1, m0w2, m0b2,
           Wc1, bc1, m1w1, m1b1, m1w2, m1b2,
           Wc2, bc2, m2w1, m2b1, m2w2, m2b2,
           fc1_w, fc1_b, fc2_w, fc2_b):
  n, d = x.shape
  e = edge_index.shape[1]
  h2 = fc1_w.shape[1]

  npad = _pad_rows(n + 1, 2048)
  npad = _pad_rows(npad, BLK)

  nch = (e + TILES * CH - 1) // (TILES * CH)
  nch = nch + (nch % 2)
  epad = TILES * CH * nch

  src = edge_index[0]
  dst = edge_index[1]
  pad_e = epad - e
  srcp = jnp.concatenate([src, jnp.zeros((pad_e,), jnp.int32)])
  dstp = jnp.concatenate([dst, jnp.full((pad_e,), n, jnp.int32)])
  srcr = srcp.reshape(TILES, nch * CH)
  dstr = dstp.reshape(TILES, nch, CH)

  xp = jnp.zeros((npad, d), jnp.float32).at[:n].set(x)
  ones_t = jnp.ones((CH, d), jnp.float32)
  z128 = jnp.zeros((CH, d), jnp.float32)

  count = _scatter_kernel(nch, npad, d, gather=False)
  scat = _scatter_kernel(nch, npad, d, gather=True)

  degp = count(ones_t, srcr, dstr, z128)
  g0, dv = _call_stage0(xp, Wc0, degp[:npad], degp[npad:], npad)

  def row(v):
    return v.reshape(1, -1)

  p = scat(g0, srcr, dstr, z128)
  g1 = _call_stage_mid(p[:npad], p[npad:], g0, dv, row(bc0), m0w1, row(m0b1),
                       m0w2, row(m0b2), Wc1, npad)
  p = scat(g1, srcr, dstr, z128)
  g2 = _call_stage_mid(p[:npad], p[npad:], g1, dv, row(bc1), m1w1, row(m1b1),
                       m1w2, row(m1b2), Wc2, npad)
  p = scat(g2, srcr, dstr, z128)

  f1 = jnp.zeros((d, d), jnp.float32).at[:, :h2].set(fc1_w)
  f1b = jnp.zeros((1, d), jnp.float32).at[0, :h2].set(fc1_b)
  f2 = jnp.zeros((d, d), jnp.float32).at[:h2, 0].set(fc2_w[:, 0])
  f2b = jnp.zeros((1, d), jnp.float32).at[0, 0].set(fc2_b[0])

  y = _call_stage3(p[:npad], p[npad:], g2, dv, row(bc2), m2w1, row(m2b1),
                   m2w2, row(m2b2), f1, f1b, f2, f2b, npad)
  return y[:n, :1]

# --- scband reference (transcript-rebuilt; emitter-appended) ---
"""Pipeline reference for scband-gcnwith-mlp-12360915878362 (READ-ONLY COPY).

The authoritative reference and input builder live on the scoring server;
editing this copy changes nothing except your own understanding.
"""

import jax, jax.numpy as jnp
import numpy as np

N = 10000
D = 128
E = 320000
H2 = 64
OUT = 1


def setup_inputs(seed: int = 0) -> dict:
    key = jax.random.key(seed)
    ks = jax.random.split(key, 24)
    s = 1.0 / np.sqrt(D)
    inp = {}
    inp['x'] = jax.random.normal(ks[0], (N, D), dtype=jnp.float32)
    inp['edge_index'] = jax.random.randint(ks[1], (2, E), 0, N, dtype=jnp.int32)
    # GCN conv layer 0 (input_dim=128 -> hidden=128)
    inp['Wc0'] = jax.random.normal(ks[2], (D, D), dtype=jnp.float32) * s
    inp['bc0'] = jnp.zeros((D,), dtype=jnp.float32)
    inp['m0w1'] = jax.random.normal(ks[3], (D, D), dtype=jnp.float32) * s
    inp['m0b1'] = jnp.zeros((D,), dtype=jnp.float32)
    inp['m0w2'] = jax.random.normal(ks[4], (D, D), dtype=jnp.float32) * s
    inp['m0b2'] = jnp.zeros((D,), dtype=jnp.float32)
    # GCN conv layer 1 (hidden=128 -> hidden=128)
    inp['Wc1'] = jax.random.normal(ks[5], (D, D), dtype=jnp.float32) * s
    inp['bc1'] = jnp.zeros((D,), dtype=jnp.float32)
    inp['m1w1'] = jax.random.normal(ks[6], (D, D), dtype=jnp.float32) * s
    inp['m1b1'] = jnp.zeros((D,), dtype=jnp.float32)
    inp['m1w2'] = jax.random.normal(ks[7], (D, D), dtype=jnp.float32) * s
    inp['m1b2'] = jnp.zeros((D,), dtype=jnp.float32)
    # extra conv appended in __init__ (hidden_dims[-1] -> hidden_dims[-1])
    inp['Wc2'] = jax.random.normal(ks[8], (D, D), dtype=jnp.float32) * s
    inp['bc2'] = jnp.zeros((D,), dtype=jnp.float32)
    inp['m2w1'] = jax.random.normal(ks[9], (D, D), dtype=jnp.float32) * s
    inp['m2b1'] = jnp.zeros((D,), dtype=jnp.float32)
    inp['m2w2'] = jax.random.normal(ks[10], (D, D), dtype=jnp.float32) * s
    inp['m2b2'] = jnp.zeros((D,), dtype=jnp.float32)
    # output head
    inp['fc1_w'] = jax.random.normal(ks[11], (D, H2), dtype=jnp.float32) * s
    inp['fc1_b'] = jnp.zeros((H2,), dtype=jnp.float32)
    inp['fc2_w'] = jax.random.normal(ks[12], (H2, OUT), dtype=jnp.float32) * (1.0 / np.sqrt(H2))
    inp['fc2_b'] = jnp.zeros((OUT,), dtype=jnp.float32)
    return inp


def _gcn_conv(x, src, dst, W, b):
    n = x.shape[0]
    loop = jnp.arange(n, dtype=src.dtype)
    s_idx = jnp.concatenate([src, loop])
    d_idx = jnp.concatenate([dst, loop])
    deg = jnp.zeros((n,), dtype=jnp.float32).at[d_idx].add(1.0)
    dinv = jnp.where(deg > 0, 1.0 / jnp.sqrt(deg), 0.0)
    norm = dinv[s_idx] * dinv[d_idx]
    h = x @ W
    msg = h[s_idx] * norm[:, None]
    out = jnp.zeros_like(h).at[d_idx].add(msg)
    return out + b


def reference(x, edge_index, Wc0, bc0, m0w1, m0b1, m0w2, m0b2, Wc1, bc1, m1w1, m1b1, m1w2, m1b2, Wc2, bc2, m2w1, m2b1, m2w2, m2b2, fc1_w, fc1_b, fc2_w, fc2_b):
    src = edge_index[0]
    dst = edge_index[1]
    h = x
    layers = [
        (Wc0, bc0, m0w1, m0b1, m0w2, m0b2),
        (Wc1, bc1, m1w1, m1b1, m1w2, m1b2),
        (Wc2, bc2, m2w1, m2b1, m2w2, m2b2),
    ]
    for (Wc, bc, w1, b1, w2, b2) in layers:
        h = _gcn_conv(h, src, dst, Wc, bc)
        h = jnp.maximum(h @ w1 + b1, 0.0) @ w2 + b2
        h = jnp.maximum(h, 0.0)
    h = jnp.maximum(h @ fc1_w + fc1_b, 0.0)
    h = h @ fc2_w + fc2_b
    return jax.nn.sigmoid(h)

if __name__ == "__main__":
    import jax
    _d = setup_inputs()
    print(jax.jit(kernel)(*tuple(_d.values())))

</pallas_src>

<mosaic_0001>
#map = affine_map<(d0, d1) -> (0, 0)>
#map1 = affine_map<(d0, d1) -> (0, 0, 0)>
module attributes {stable_mosaic.version = 14 : i64} {
  func.func @body(%arg0: i32, %arg1: i32, %arg2: memref<10240x128xf32, #tpu.memory_space<hbm>>, %arg3: memref<32x10080xi32, #tpu.memory_space<hbm>>, %arg4: memref<32x126x80xi32, #tpu.memory_space<hbm>>, %arg5: memref<80x128xf32, #tpu.memory_space<hbm>>, %arg6: memref<20480x128xf32, #tpu.memory_space<hbm>>, %arg7: memref<10080xi32, #tpu.memory_space<vmem>>, %arg8: memref<126x80xi32, #tpu.memory_space<vmem>>, %arg9: memref<80x128xf32, #tpu.memory_space<vmem>>, %arg10: memref<80x128xf32, #tpu.memory_space<vmem>>, %arg11: memref<10240x128xf32, #tpu.memory_space<vmem_shared>>, %arg12: memref<!tpu.dma_semaphore, #tpu.memory_space<semaphore_mem>>, %arg13: memref<!tpu.dma_semaphore, #tpu.memory_space<semaphore_mem>>, %arg14: memref<!tpu.dma_semaphore, #tpu.memory_space<semaphore_mem>>) attributes {dimension_semantics = [#tpu.dimension_semantics<core_parallel>, #tpu.dimension_semantics<subcore_parallel>], iteration_bounds = array<i64: 2, 16>, scalar_prefetch = 0 : i64, scratch_operands = 8 : i64, tpu.core_type = #tpu.core_type<sc_vector_subcore>, window_params = [{transform_indices = #map}, {transform_indices = #map}, {transform_indices = #map1}, {transform_indices = #map}, {transform_indices = #map}]} {
    %mul3A = arith.constant 2 : i32
    %mul3A_0 = arith.muli %arg1, %mul3A : i32
    %add3A = arith.addi %mul3A_0, %arg0 : i32
    %dma_start3A = arith.constant 0 : i32
    %dma_start3A_1 = tpu.memref_slice %arg3[%add3A, %dma_start3A] : memref<32x10080xi32, #tpu.memory_space<hbm>> -> memref<1x10080xi32, #tpu.memory_space<hbm>>
    %dma_start3A_2 = tpu.memref_squeeze %dma_start3A_1 : memref<1x10080xi32, #tpu.memory_space<hbm>> -> memref<10080xi32, #tpu.memory_space<hbm>>
    %dma_start3A_3 = arith.constant 0 : i32
    %dma_start3A_4 = tpu.memref_slice %arg3[%add3A, %dma_start3A_3] : memref<32x10080xi32, #tpu.memory_space<hbm>> -> memref<1x10080xi32, #tpu.memory_space<hbm>>
    %dma_start3A_5 = tpu.memref_squeeze %dma_start3A_4 : memref<1x10080xi32, #tpu.memory_space<hbm>> -> memref<10080xi32, #tpu.memory_space<hbm>>
    tpu.enqueue_dma source(%dma_start3A_5 : memref<10080xi32, #tpu.memory_space<hbm>>) target(%arg7 : memref<10080xi32, #tpu.memory_space<vmem>>) target_semaphore(%arg12 : memref<!tpu.dma_semaphore, #tpu.memory_space<semaphore_mem>>)
    %dma_start3A_6 = arith.constant 0 : i32
    %dma_start3A_7 = arith.constant 0 : i32
    %dma_start3A_8 = tpu.memref_slice %arg4[%add3A, %dma_start3A_6, %dma_start3A_7] : memref<32x126x80xi32, #tpu.memory_space<hbm>> -> memref<1x126x80xi32, #tpu.memory_space<hbm>>
    %dma_start3A_9 = tpu.memref_squeeze %dma_start3A_8 : memref<1x126x80xi32, #tpu.memory_space<hbm>> -> memref<126x80xi32, #tpu.memory_space<hbm>>
    %dma_start3A_10 = arith.constant 0 : i32
    %dma_start3A_11 = arith.constant 0 : i32
    %dma_start3A_12 = tpu.memref_slice %arg4[%add3A, %dma_start3A_10, %dma_start3A_11] : memref<32x126x80xi32, #tpu.memory_space<hbm>> -> memref<1x126x80xi32, #tpu.memory_space<hbm>>
    %dma_start3A_13 = tpu.memref_squeeze %dma_start3A_12 : memref<1x126x80xi32, #tpu.memory_space<hbm>> -> memref<126x80xi32, #tpu.memory_space<hbm>>
    tpu.enqueue_dma source(%dma_start3A_13 : memref<126x80xi32, #tpu.memory_space<hbm>>) target(%arg8 : memref<126x80xi32, #tpu.memory_space<vmem>>) target_semaphore(%arg13 : memref<!tpu.dma_semaphore, #tpu.memory_space<semaphore_mem>>)
    "tpu.region"() ({
      %run_scoped3A = tpu.sem_alloc : memref<!tpu.dma_semaphore, #tpu.memory_space<semaphore_mem>>
      tpu.enqueue_dma source(%arg5 : memref<80x128xf32, #tpu.memory_space<hbm>>) target(%arg9 : memref<80x128xf32, #tpu.memory_space<vmem>>) target_semaphore(%run_scoped3A : memref<!tpu.dma_semaphore, #tpu.memory_space<semaphore_mem>>)
      tpu.wait_dma2 semaphore(%run_scoped3A : memref<!tpu.dma_semaphore, #tpu.memory_space<semaphore_mem>>) src(%arg5 : memref<80x128xf32, #tpu.memory_space<hbm>>) dst(%arg9 : memref<80x128xf32, #tpu.memory_space<vmem>>)
      tpu.yield
    }) : () -> ()
    %mul3A_14 = arith.constant 640 : i32
    %mul3A_15 = arith.muli %arg1, %mul3A_14 : i32
    %add3A_16 = arith.constant 0 : i32
    %add3A_17 = arith.addi %mul3A_15, %add3A_16 : i32
    %dma_start3A_18 = arith.constant 0 : i32
    %dma_start3A_19 = tpu.memref_slice %arg11[%add3A_17, %dma_start3A_18] : memref<10240x128xf32, #tpu.memory_space<vmem_shared>> -> memref<80x128xf32, #tpu.memory_space<vmem_shared>>
    %dma_start3A_20 = arith.constant 0 : i32
    %dma_start3A_21 = tpu.memref_slice %arg11[%add3A_17, %dma_start3A_20] : memref<10240x128xf32, #tpu.memory_space<vmem_shared>> -> memref<80x128xf32, #tpu.memory_space<vmem_shared>>
    tpu.enqueue_dma source(%arg9 : memref<80x128xf32, #tpu.memory_space<vmem>>) target(%dma_start3A_21 : memref<80x128xf32, #tpu.memory_space<vmem_shared>>) target_semaphore(%arg14 : memref<!tpu.dma_semaphore, #tpu.memory_space<semaphore_mem>>)
    %mul3A_22 = arith.constant 640 : i32
    %mul3A_23 = arith.muli %arg1, %mul3A_22 : i32
    %add3A_24 = arith.constant 80 : i32
    %add3A_25 = arith.addi %mul3A_23, %add3A_24 : i32
    %dma_start3A_26 = arith.constant 0 : i32
    %dma_start3A_27 = tpu.memref_slice %arg11[%add3A_25, %dma_start3A_26] : memref<10240x128xf32, #tpu.memory_space<vmem_shared>> -> memref<80x128xf32, #tpu.memory_space<vmem_shared>>
    %dma_start3A_28 = arith.constant 0 : i32
    %dma_start3A_29 = tpu.memref_slice %arg11[%add3A_25, %dma_start3A_28] : memref<10240x128xf32, #tpu.memory_space<vmem_shared>> -> memref<80x128xf32, #tpu.memory_space<vmem_shared>>
    tpu.enqueue_dma source(%arg9 : memref<80x128xf32, #tpu.memory_space<vmem>>) target(%dma_start3A_29 : memref<80x128xf32, #tpu.memory_space<vmem_shared>>) target_semaphore(%arg14 : memref<!tpu.dma_semaphore, #tpu.memory_space<semaphore_mem>>)
    %mul3A_30 = arith.constant 640 : i32
    %mul3A_31 = arith.muli %arg1, %mul3A_30 : i32
    %add3A_32 = arith.constant 160 : i32
    %add3A_33 = arith.addi %mul3A_31, %add3A_32 : i32
    %dma_start3A_34 = arith.constant 0 : i32
    %dma_start3A_35 = tpu.memref_slice %arg11[%add3A_33, %dma_start3A_34] : memref<10240x128xf32, #tpu.memory_space<vmem_shared>> -> memref<80x128xf32, #tpu.memory_space<vmem_shared>>
    %dma_start3A_36 = arith.constant 0 : i32
    %dma_start3A_37 = tpu.memref_slice %arg11[%add3A_33, %dma_start3A_36] : memref<10240x128xf32, #tpu.memory_space<vmem_shared>> -> memref<80x128xf32, #tpu.memory_space<vmem_shared>>
    tpu.enqueue_dma source(%arg9 : memref<80x128xf32, #tpu.memory_space<vmem>>) target(%dma_start3A_37 : memref<80x128xf32, #tpu.memory_space<vmem_shared>>) target_semaphore(%arg14 : memref<!tpu.dma_semaphore, #tpu.memory_space<semaphore_mem>>)
    %mul3A_38 = arith.constant 640 : i32
    %mul3A_39 = arith.muli %arg1, %mul3A_38 : i32
    %add3A_40 = arith.constant 240 : i32
    %add3A_41 = arith.addi %mul3A_39, %add3A_40 : i32
    %dma_start3A_42 = arith.constant 0 : i32
    %dma_start3A_43 = tpu.memref_slice %arg11[%add3A_41, %dma_start3A_42] : memref<10240x128xf32, #tpu.memory_space<vmem_shared>> -> memref<80x128xf32, #tpu.memory_space<vmem_shared>>
    %dma_start3A_44 = arith.constant 0 : i32
    %dma_start3A_45 = tpu.memref_slice %arg11[%add3A_41, %dma_start3A_44] : memref<10240x128xf32, #tpu.memory_space<vmem_shared>> -> memref<80x128xf32, #tpu.memory_space<vmem_shared>>
    tpu.enqueue_dma source(%arg9 : memref<80x128xf32, #tpu.memory_space<vmem>>) target(%dma_start3A_45 : memref<80x128xf32, #tpu.memory_space<vmem_shared>>) target_semaphore(%arg14 : memref<!tpu.dma_semaphore, #tpu.memory_space<semaphore_mem>>)
    %mul3A_46 = arith.constant 640 : i32
    %mul3A_47 = arith.muli %arg1, %mul3A_46 : i32
    %add3A_48 = arith.constant 320 : i32
    %add3A_49 = arith.addi %mul3A_47, %add3A_48 : i32
    %dma_start3A_50 = arith.constant 0 : i32
    %dma_start3A_51 = tpu.memref_slice %arg11[%add3A_49, %dma_start3A_50] : memref<10240x128xf32, #tpu.memory_space<vmem_shared>> -> memref<80x128xf32, #tpu.memory_space<vmem_shared>>
    %dma_start3A_52 = arith.constant 0 : i32
    %dma_start3A_53 = tpu.memref_slice %arg11[%add3A_49, %dma_start3A_52] : memref<10240x128xf32, #tpu.memory_space<vmem_shared>> -> memref<80x128xf32, #tpu.memory_space<vmem_shared>>
    tpu.enqueue_dma source(%arg9 : memref<80x128xf32, #tpu.memory_space<vmem>>) target(%dma_start3A_53 : memref<80x128xf32, #tpu.memory_space<vmem_shared>>) target_semaphore(%arg14 : memref<!tpu.dma_semaphore, #tpu.memory_space<semaphore_mem>>)
    %mul3A_54 = arith.constant 640 : i32
    %mul3A_55 = arith.muli %arg1, %mul3A_54 : i32
    %add3A_56 = arith.constant 400 : i32
    %add3A_57 = arith.addi %mul3A_55, %add3A_56 : i32
    %dma_start3A_58 = arith.constant 0 : i32
    %dma_start3A_59 = tpu.memref_slice %arg11[%add3A_57, %dma_start3A_58] : memref<10240x128xf32, #tpu.memory_space<vmem_shared>> -> memref<80x128xf32, #tpu.memory_space<vmem_shared>>
    %dma_start3A_60 = arith.constant 0 : i32
    %dma_start3A_61 = tpu.memref_slice %arg11[%add3A_57, %dma_start3A_60] : memref<10240x128xf32, #tpu.memory_space<vmem_shared>> -> memref<80x128xf32, #tpu.memory_space<vmem_shared>>
    tpu.enqueue_dma source(%arg9 : memref<80x128xf32, #tpu.memory_space<vmem>>) target(%dma_start3A_61 : memref<80x128xf32, #tpu.memory_space<vmem_shared>>) target_semaphore(%arg14 : memref<!tpu.dma_semaphore, #tpu.memory_space<semaphore_mem>>)
    %mul3A_62 = arith.constant 640 : i32
    %mul3A_63 = arith.muli %arg1, %mul3A_62 : i32
    %add3A_64 = arith.constant 480 : i32
    %add3A_65 = arith.addi %mul3A_63, %add3A_64 : i32
    %dma_start3A_66 = arith.constant 0 : i32
    %dma_start3A_67 = tpu.memref_slice %arg11[%add3A_65, %dma_start3A_66] : memref<10240x128xf32, #tpu.memory_space<vmem_shared>> -> memref<80x128xf32, #tpu.memory_space<vmem_shared>>
    %dma_start3A_68 = arith.constant 0 : i32
    %dma_start3A_69 = tpu.memref_slice %arg11[%add3A_65, %dma_start3A_68] : memref<10240x128xf32, #tpu.memory_space<vmem_shared>> -> memref<80x128xf32, #tpu.memory_space<vmem_shared>>
    tpu.enqueue_dma source(%arg9 : memref<80x128xf32, #tpu.memory_space<vmem>>) target(%dma_start3A_69 : memref<80x128xf32, #tpu.memory_space<vmem_shared>>) target_semaphore(%arg14 : memref<!tpu.dma_semaphore, #tpu.memory_space<semaphore_mem>>)
    %mul3A_70 = arith.constant 640 : i32
    %mul3A_71 = arith.muli %arg1, %mul3A_70 : i32
    %add3A_72 = arith.constant 560 : i32
    %add3A_73 = arith.addi %mul3A_71, %add3A_72 : i32
    %dma_start3A_74 = arith.constant 0 : i32
    %dma_start3A_75 = tpu.memref_slice %arg11[%add3A_73, %dma_start3A_74] : memref<10240x128xf32, #tpu.memory_space<vmem_shared>> -> memref<80x128xf32, #tpu.memory_space<vmem_shared>>
    %dma_start3A_76 = arith.constant 0 : i32
    %dma_start3A_77 = tpu.memref_slice %arg11[%add3A_73, %dma_start3A_76] : memref<10240x128xf32, #tpu.memory_space<vmem_shared>> -> memref<80x128xf32, #tpu.memory_space<vmem_shared>>
    tpu.enqueue_dma source(%arg9 : memref<80x128xf32, #tpu.memory_space<vmem>>) target(%dma_start3A_77 : memref<80x128xf32, #tpu.memory_space<vmem_shared>>) target_semaphore(%arg14 : memref<!tpu.dma_semaphore, #tpu.memory_space<semaphore_mem>>)
    %mul3A_78 = arith.constant 640 : i32
    %mul3A_79 = arith.muli %arg1, %mul3A_78 : i32
    %add3A_80 = arith.constant 0 : i32
    %add3A_81 = arith.addi %mul3A_79, %add3A_80 : i32
    %dma_wait3A = arith.constant 0 : i32
    %dma_wait3A_82 = tpu.memref_slice %arg11[%add3A_81, %dma_wait3A] : memref<10240x128xf32, #tpu.memory_space<vmem_shared>> -> memref<80x128xf32, #tpu.memory_space<vmem_shared>>
    %dma_wait3A_83 = arith.constant 0 : i32
    %dma_wait3A_84 = tpu.memref_slice %arg11[%add3A_81, %dma_wait3A_83] : memref<10240x128xf32, #tpu.memory_space<vmem_shared>> -> memref<80x128xf32, #tpu.memory_space<vmem_shared>>
    tpu.wait_dma2 semaphore(%arg14 : memref<!tpu.dma_semaphore, #tpu.memory_space<semaphore_mem>>) src(%arg9 : memref<80x128xf32, #tpu.memory_space<vmem>>) dst(%dma_wait3A_84 : memref<80x128xf32, #tpu.memory_space<vmem_shared>>)
    %mul3A_85 = arith.constant 640 : i32
    %mul3A_86 = arith.muli %arg1, %mul3A_85 : i32
    %add3A_87 = arith.constant 80 : i32
    %add3A_88 = arith.addi %mul3A_86, %add3A_87 : i32
    %dma_wait3A_89 = arith.constant 0 : i32
    %dma_wait3A_90 = tpu.memref_slice %arg11[%add3A_88, %dma_wait3A_89] : memref<10240x128xf32, #tpu.memory_space<vmem_shared>> -> memref<80x128xf32, #tpu.memory_space<vmem_shared>>
    %dma_wait3A_91 = arith.constant 0 : i32
    %dma_wait3A_92 = tpu.memref_slice %arg11[%add3A_88, %dma_wait3A_91] : memref<10240x128xf32, #tpu.memory_space<vmem_shared>> -> memref<80x128xf32, #tpu.memory_space<vmem_shared>>
    tpu.wait_dma2 semaphore(%arg14 : memref<!tpu.dma_semaphore, #tpu.memory_space<semaphore_mem>>) src(%arg9 : memref<80x128xf32, #tpu.memory_space<vmem>>) dst(%dma_wait3A_92 : memref<80x128xf32, #tpu.memory_space<vmem_shared>>)
    %mul3A_93 = arith.constant 640 : i32
    %mul3A_94 = arith.muli %arg1, %mul3A_93 : i32
    %add3A_95 = arith.constant 160 : i32
    %add3A_96 = arith.addi %mul3A_94, %add3A_95 : i32
    %dma_wait3A_97 = arith.constant 0 : i32
    %dma_wait3A_98 = tpu.memref_slice %arg11[%add3A_96, %dma_wait3A_97] : memref<10240x128xf32, #tpu.memory_space<vmem_shared>> -> memref<80x128xf32, #tpu.memory_space<vmem_shared>>
    %dma_wait3A_99 = arith.constant 0 : i32
    %dma_wait3A_100 = tpu.memref_slice %arg11[%add3A_96, %dma_wait3A_99] : memref<10240x128xf32, #tpu.memory_space<vmem_shared>> -> memref<80x128xf32, #tpu.memory_space<vmem_shared>>
    tpu.wait_dma2 semaphore(%arg14 : memref<!tpu.dma_semaphore, #tpu.memory_space<semaphore_mem>>) src(%arg9 : memref<80x128xf32, #tpu.memory_space<vmem>>) dst(%dma_wait3A_100 : memref<80x128xf32, #tpu.memory_space<vmem_shared>>)
    %mul3A_101 = arith.constant 640 : i32
    %mul3A_102 = arith.muli %arg1, %mul3A_101 : i32
    %add3A_103 = arith.constant 240 : i32
    %add3A_104 = arith.addi %mul3A_102, %add3A_103 : i32
    %dma_wait3A_105 = arith.constant 0 : i32
    %dma_wait3A_106 = tpu.memref_slice %arg11[%add3A_104, %dma_wait3A_105] : memref<10240x128xf32, #tpu.memory_space<vmem_shared>> -> memref<80x128xf32, #tpu.memory_space<vmem_shared>>
    %dma_wait3A_107 = arith.constant 0 : i32
    %dma_wait3A_108 = tpu.memref_slice %arg11[%add3A_104, %dma_wait3A_107] : memref<10240x128xf32, #tpu.memory_space<vmem_shared>> -> memref<80x128xf32, #tpu.memory_space<vmem_shared>>
    tpu.wait_dma2 semaphore(%arg14 : memref<!tpu.dma_semaphore, #tpu.memory_space<semaphore_mem>>) src(%arg9 : memref<80x128xf32, #tpu.memory_space<vmem>>) dst(%dma_wait3A_108 : memref<80x128xf32, #tpu.memory_space<vmem_shared>>)
    %mul3A_109 = arith.constant 640 : i32
    %mul3A_110 = arith.muli %arg1, %mul3A_109 : i32
    %add3A_111 = arith.constant 320 : i32
    %add3A_112 = arith.addi %mul3A_110, %add3A_111 : i32
    %dma_wait3A_113 = arith.constant 0 : i32
    %dma_wait3A_114 = tpu.memref_slice %arg11[%add3A_112, %dma_wait3A_113] : memref<10240x128xf32, #tpu.memory_space<vmem_shared>> -> memref<80x128xf32, #tpu.memory_space<vmem_shared>>
    %dma_wait3A_115 = arith.constant 0 : i32
    %dma_wait3A_116 = tpu.memref_slice %arg11[%add3A_112, %dma_wait3A_115] : memref<10240x128xf32, #tpu.memory_space<vmem_shared>> -> memref<80x128xf32, #tpu.memory_space<vmem_shared>>
    tpu.wait_dma2 semaphore(%arg14 : memref<!tpu.dma_semaphore, #tpu.memory_space<semaphore_mem>>) src(%arg9 : memref<80x128xf32, #tpu.memory_space<vmem>>) dst(%dma_wait3A_116 : memref<80x128xf32, #tpu.memory_space<vmem_shared>>)
    %mul3A_117 = arith.constant 640 : i32
    %mul3A_118 = arith.muli %arg1, %mul3A_117 : i32
    %add3A_119 = arith.constant 400 : i32
    %add3A_120 = arith.addi %mul3A_118, %add3A_119 : i32
    %dma_wait3A_121 = arith.constant 0 : i32
    %dma_wait3A_122 = tpu.memref_slice %arg11[%add3A_120, %dma_wait3A_121] : memref<10240x128xf32, #tpu.memory_space<vmem_shared>> -> memref<80x128xf32, #tpu.memory_space<vmem_shared>>
    %dma_wait3A_123 = arith.constant 0 : i32
    %dma_wait3A_124 = tpu.memref_slice %arg11[%add3A_120, %dma_wait3A_123] : memref<10240x128xf32, #tpu.memory_space<vmem_shared>> -> memref<80x128xf32, #tpu.memory_space<vmem_shared>>
    tpu.wait_dma2 semaphore(%arg14 : memref<!tpu.dma_semaphore, #tpu.memory_space<semaphore_mem>>) src(%arg9 : memref<80x128xf32, #tpu.memory_space<vmem>>) dst(%dma_wait3A_124 : memref<80x128xf32, #tpu.memory_space<vmem_shared>>)
    %mul3A_125 = arith.constant 640 : i32
    %mul3A_126 = arith.muli %arg1, %mul3A_125 : i32
    %add3A_127 = arith.constant 480 : i32
    %add3A_128 = arith.addi %mul3A_126, %add3A_127 : i32
    %dma_wait3A_129 = arith.constant 0 : i32
    %dma_wait3A_130 = tpu.memref_slice %arg11[%add3A_128, %dma_wait3A_129] : memref<10240x128xf32, #tpu.memory_space<vmem_shared>> -> memref<80x128xf32, #tpu.memory_space<vmem_shared>>
    %dma_wait3A_131 = arith.constant 0 : i32
    %dma_wait3A_132 = tpu.memref_slice %arg11[%add3A_128, %dma_wait3A_131] : memref<10240x128xf32, #tpu.memory_space<vmem_shared>> -> memref<80x128xf32, #tpu.memory_space<vmem_shared>>
    tpu.wait_dma2 semaphore(%arg14 : memref<!tpu.dma_semaphore, #tpu.memory_space<semaphore_mem>>) src(%arg9 : memref<80x128xf32, #tpu.memory_space<vmem>>) dst(%dma_wait3A_132 : memref<80x128xf32, #tpu.memory_space<vmem_shared>>)
    %mul3A_133 = arith.constant 640 : i32
    %mul3A_134 = arith.muli %arg1, %mul3A_133 : i32
    %add3A_135 = arith.constant 560 : i32
    %add3A_136 = arith.addi %mul3A_134, %add3A_135 : i32
    %dma_wait3A_137 = arith.constant 0 : i32
    %dma_wait3A_138 = tpu.memref_slice %arg11[%add3A_136, %dma_wait3A_137] : memref<10240x128xf32, #tpu.memory_space<vmem_shared>> -> memref<80x128xf32, #tpu.memory_space<vmem_shared>>
    %dma_wait3A_139 = arith.constant 0 : i32
    %dma_wait3A_140 = tpu.memref_slice %arg11[%add3A_136, %dma_wait3A_139] : memref<10240x128xf32, #tpu.memory_space<vmem_shared>> -> memref<80x128xf32, #tpu.memory_space<vmem_shared>>
    tpu.wait_dma2 semaphore(%arg14 : memref<!tpu.dma_semaphore, #tpu.memory_space<semaphore_mem>>) src(%arg9 : memref<80x128xf32, #tpu.memory_space<vmem>>) dst(%dma_wait3A_140 : memref<80x128xf32, #tpu.memory_space<vmem_shared>>)
    %dma_wait3A_141 = arith.constant 0 : i32
    %dma_wait3A_142 = tpu.memref_slice %arg3[%add3A, %dma_wait3A_141] : memref<32x10080xi32, #tpu.memory_space<hbm>> -> memref<1x10080xi32, #tpu.memory_space<hbm>>
    %dma_wait3A_143 = tpu.memref_squeeze %dma_wait3A_142 : memref<1x10080xi32, #tpu.memory_space<hbm>> -> memref<10080xi32, #tpu.memory_space<hbm>>
    %dma_wait3A_144 = arith.constant 0 : i32
    %dma_wait3A_145 = tpu.memref_slice %arg3[%add3A, %dma_wait3A_144] : memref<32x10080xi32, #tpu.memory_space<hbm>> -> memref<1x10080xi32, #tpu.memory_space<hbm>>
    %dma_wait3A_146 = tpu.memref_squeeze %dma_wait3A_145 : memref<1x10080xi32, #tpu.memory_space<hbm>> -> memref<10080xi32, #tpu.memory_space<hbm>>
    tpu.wait_dma2 semaphore(%arg12 : memref<!tpu.dma_semaphore, #tpu.memory_space<semaphore_mem>>) src(%dma_wait3A_146 : memref<10080xi32, #tpu.memory_space<hbm>>) dst(%arg7 : memref<10080xi32, #tpu.memory_space<vmem>>)
    %dma_wait3A_147 = arith.constant 0 : i32
    %dma_wait3A_148 = arith.constant 0 : i32
    %dma_wait3A_149 = tpu.memref_slice %arg4[%add3A, %dma_wait3A_147, %dma_wait3A_148] : memref<32x126x80xi32, #tpu.memory_space<hbm>> -> memref<1x126x80xi32, #tpu.memory_space<hbm>>
    %dma_wait3A_150 = tpu.memref_squeeze %dma_wait3A_149 : memref<1x126x80xi32, #tpu.memory_space<hbm>> -> memref<126x80xi32, #tpu.memory_space<hbm>>
    %dma_wait3A_151 = arith.constant 0 : i32
    %dma_wait3A_152 = arith.constant 0 : i32
    %dma_wait3A_153 = tpu.memref_slice %arg4[%add3A, %dma_wait3A_151, %dma_wait3A_152] : memref<32x126x80xi32, #tpu.memory_space<hbm>> -> memref<1x126x80xi32, #tpu.memory_space<hbm>>
    %dma_wait3A_154 = tpu.memref_squeeze %dma_wait3A_153 : memref<1x126x80xi32, #tpu.memory_space<hbm>> -> memref<126x80xi32, #tpu.memory_space<hbm>>
    tpu.wait_dma2 semaphore(%arg13 : memref<!tpu.dma_semaphore, #tpu.memory_space<semaphore_mem>>) src(%dma_wait3A_154 : memref<126x80xi32, #tpu.memory_space<hbm>>) dst(%arg8 : memref<126x80xi32, #tpu.memory_space<vmem>>)
    %barrier3A = arith.constant 0 : index
    tpu.barrier barrier_id(%barrier3A)
    %dma_start3A_155 = arith.constant 0 : i32
    %dma_start3A_156 = tpu.memref_slice %arg7[%dma_start3A_155] : memref<10080xi32, #tpu.memory_space<vmem>> -> memref<80xi32, #tpu.memory_space<vmem>>
    %dma_start3A_157 = arith.constant 0 : i32
    %dma_start3A_158 = arith.constant 0 : i32
    %dma_start3A_159 = tpu.memref_slice %arg2[%dma_start3A_157, %dma_start3A_158] : memref<10240x128xf32, #tpu.memory_space<hbm>> -> memref<10240x128xf32, #tpu.memory_space<hbm>>
    tpu.enqueue_indirect_dma source(%dma_start3A_159 : memref<10240x128xf32, #tpu.memory_space<hbm>>) target(%arg9 : memref<80x128xf32, #tpu.memory_space<vmem>>) offsets(%dma_start3A_156 : memref<80xi32, #tpu.memory_space<vmem>>) semaphore(%arg12 : memref<!tpu.dma_semaphore, #tpu.memory_space<semaphore_mem>>)
    %scan3A = arith.constant 0 : i32
    %scan3A_160 = arith.constant 0 : i32
    %scan3A_161 = arith.constant 63 : i32
    %scan3A_162 = arith.addi %scan3A_160, %scan3A_161 : i32
    %scan3A_163 = arith.constant 1 : i32
    scf.for %scan3A_321 = %scan3A_160 to %scan3A_162 step %scan3A_163  : i32 {
      %mul3A_322 = arith.constant 2 : i32
      %mul3A_323 = arith.muli %mul3A_322, %scan3A_321 : i32
      %add3A_324 = arith.constant 1 : i32
      %add3A_325 = arith.addi %mul3A_323, %add3A_324 : i32
      %add3A_326 = arith.constant 2 : i32
      %add3A_327 = arith.addi %mul3A_323, %add3A_326 : i32
      %min3A = arith.constant 125 : i32
      %min3A_328 = arith.minsi %add3A_327, %min3A : i32
      %mul3A_329 = arith.constant 80 : i32
      %mul3A_330 = arith.muli %mul3A_323, %mul3A_329 : i32
      %dma_wait3A_331 = tpu.memref_slice %arg7[%mul3A_330] : memref<10080xi32, #tpu.memory_space<vmem>> -> memref<80xi32, #tpu.memory_space<vmem>>
      %dma_wait3A_332 = arith.constant 0 : i32
      %dma_wait3A_333 = arith.constant 0 : i32
      %dma_wait3A_334 = tpu.memref_slice %arg2[%dma_wait3A_332, %dma_wait3A_333] : memref<10240x128xf32, #tpu.memory_space<hbm>> -> memref<10240x128xf32, #tpu.memory_space<hbm>>
      tpu.wait_indirect_dma semaphore(%arg12 : memref<!tpu.dma_semaphore, #tpu.memory_space<semaphore_mem>>) src(%dma_wait3A_334 : memref<10240x128xf32, #tpu.memory_space<hbm>>) dst(%arg9 : memref<80x128xf32, #tpu.memory_space<vmem>>)
      %mul3A_335 = arith.constant 80 : i32
      %mul3A_336 = arith.muli %add3A_325, %mul3A_335 : i32
      %dma_start3A_337 = tpu.memref_slice %arg7[%mul3A_336] : memref<10080xi32, #tpu.memory_space<vmem>> -> memref<80xi32, #tpu.memory_space<vmem>>
      %dma_start3A_338 = arith.constant 0 : i32
      %dma_start3A_339 = arith.constant 0 : i32
      %dma_start3A_340 = tpu.memref_slice %arg2[%dma_start3A_338, %dma_start3A_339] : memref<10240x128xf32, #tpu.memory_space<hbm>> -> memref<10240x128xf32, #tpu.memory_space<hbm>>
      tpu.enqueue_indirect_dma source(%dma_start3A_340 : memref<10240x128xf32, #tpu.memory_space<hbm>>) target(%arg10 : memref<80x128xf32, #tpu.memory_space<vmem>>) offsets(%dma_start3A_337 : memref<80xi32, #tpu.memory_space<vmem>>) semaphore(%arg13 : memref<!tpu.dma_semaphore, #tpu.memory_space<semaphore_mem>>)
      "tpu.region"() ({
        %run_scoped3A = tpu.sem_alloc : memref<!tpu.dma_semaphore, #tpu.memory_space<semaphore_mem>>
        %dma_start3A_353 = arith.constant 0 : i32
        %dma_start3A_354 = tpu.memref_slice %arg8[%mul3A_323, %dma_start3A_353] : memref<126x80xi32, #tpu.memory_space<vmem>> -> memref<1x80xi32, #tpu.memory_space<vmem>>
        %dma_start3A_355 = tpu.memref_squeeze %dma_start3A_354 : memref<1x80xi32, #tpu.memory_space<vmem>> -> memref<80xi32, #tpu.memory_space<vmem>>
        %dma_start3A_356 = arith.constant 0 : i32
        %dma_start3A_357 = arith.constant 0 : i32
        %dma_start3A_358 = tpu.memref_slice %arg11[%dma_start3A_356, %dma_start3A_357] : memref<10240x128xf32, #tpu.memory_space<vmem_shared>> -> memref<10240x128xf32, #tpu.memory_space<vmem_shared>>
        tpu.enqueue_indirect_dma source(%arg9 : memref<80x128xf32, #tpu.memory_space<vmem>>) target(%dma_start3A_358 : memref<10240x128xf32, #tpu.memory_space<vmem_shared>>) offsets(%dma_start3A_355 : memref<80xi32, #tpu.memory_space<vmem>>) semaphore(%run_scoped3A : memref<!tpu.dma_semaphore, #tpu.memory_space<semaphore_mem>>) {add = true}
        %dma_wait3A_359 = arith.constant 0 : i32
        %dma_wait3A_360 = tpu.memref_slice %arg8[%mul3A_323, %dma_wait3A_359] : memref<126x80xi32, #tpu.memory_space<vmem>> -> memref<1x80xi32, #tpu.memory_space<vmem>>
        %dma_wait3A_361 = tpu.memref_squeeze %dma_wait3A_360 : memref<1x80xi32, #tpu.memory_space<vmem>> -> memref<80xi32, #tpu.memory_space<vmem>>
        %dma_wait3A_362 = arith.constant 0 : i32
        %dma_wait3A_363 = arith.constant 0 : i32
        %dma_wait3A_364 = tpu.memref_slice %arg11[%dma_wait3A_362, %dma_wait3A_363] : memref<10240x128xf32, #tpu.memory_space<vmem_shared>> -> memref<10240x128xf32, #tpu.memory_space<vmem_shared>>
        tpu.wait_indirect_dma semaphore(%run_scoped3A : memref<!tpu.dma_semaphore, #tpu.memory_space<semaphore_mem>>) src(%arg9 : memref<80x128xf32, #tpu.memory_space<vmem>>) dst(%dma_wait3A_364 : memref<10240x128xf32, #tpu.memory_space<vmem_shared>>)
        tpu.yield
      }) : () -> ()
      %mul3A_341 = arith.constant 80 : i32
      %mul3A_342 = arith.muli %add3A_325, %mul3A_341 : i32
      %dma_wait3A_343 = tpu.memref_slice %arg7[%mul3A_342] : memref<10080xi32, #tpu.memory_space<vmem>> -> memref<80xi32, #tpu.memory_space<vmem>>
      %dma_wait3A_344 = arith.constant 0 : i32
      %dma_wait3A_345 = arith.constant 0 : i32
      %dma_wait3A_346 = tpu.memref_slice %arg2[%dma_wait3A_344, %dma_wait3A_345] : memref<10240x128xf32, #tpu.memory_space<hbm>> -> memref<10240x128xf32, #tpu.memory_space<hbm>>
      tpu.wait_indirect_dma semaphore(%arg13 : memref<!tpu.dma_semaphore, #tpu.memory_space<semaphore_mem>>) src(%dma_wait3A_346 : memref<10240x128xf32, #tpu.memory_space<hbm>>) dst(%arg10 : memref<80x128xf32, #tpu.memory_space<vmem>>)
      %mul3A_347 = arith.constant 80 : i32
      %mul3A_348 = arith.muli %min3A_328, %mul3A_347 : i32
      %dma_start3A_349 = tpu.memref_slice %arg7[%mul3A_348] : memref<10080xi32, #tpu.memory_space<vmem>> -> memref<80xi32, #tpu.memory_space<vmem>>
      %dma_start3A_350 = arith.constant 0 : i32
      %dma_start3A_351 = arith.constant 0 : i32
      %dma_start3A_352 = tpu.memref_slice %arg2[%dma_start3A_350, %dma_start3A_351] : memref<10240x128xf32, #tpu.memory_space<hbm>> -> memref<10240x128xf32, #tpu.memory_space<hbm>>
      tpu.enqueue_indirect_dma source(%dma_start3A_352 : memref<10240x128xf32, #tpu.memory_space<hbm>>) target(%arg9 : memref<80x128xf32, #tpu.memory_space<vmem>>) offsets(%dma_start3A_349 : memref<80xi32, #tpu.memory_space<vmem>>) semaphore(%arg12 : memref<!tpu.dma_semaphore, #tpu.memory_space<semaphore_mem>>)
      "tpu.region"() ({
        %run_scoped3A = tpu.sem_alloc : memref<!tpu.dma_semaphore, #tpu.memory_space<semaphore_mem>>
        %dma_start3A_353 = arith.constant 0 : i32
        %dma_start3A_354 = tpu.memref_slice %arg8[%add3A_325, %dma_start3A_353] : memref<126x80xi32, #tpu.memory_space<vmem>> -> memref<1x80xi32, #tpu.memory_space<vmem>>
        %dma_start3A_355 = tpu.memref_squeeze %dma_start3A_354 : memref<1x80xi32, #tpu.memory_space<vmem>> -> memref<80xi32, #tpu.memory_space<vmem>>
        %dma_start3A_356 = arith.constant 0 : i32
        %dma_start3A_357 = arith.constant 0 : i32
        %dma_start3A_358 = tpu.memref_slice %arg11[%dma_start3A_356, %dma_start3A_357] : memref<10240x128xf32, #tpu.memory_space<vmem_shared>> -> memref<10240x128xf32, #tpu.memory_space<vmem_shared>>
        tpu.enqueue_indirect_dma source(%arg10 : memref<80x128xf32, #tpu.memory_space<vmem>>) target(%dma_start3A_358 : memref<10240x128xf32, #tpu.memory_space<vmem_shared>>) offsets(%dma_start3A_355 : memref<80xi32, #tpu.memory_space<vmem>>) semaphore(%run_scoped3A : memref<!tpu.dma_semaphore, #tpu.memory_space<semaphore_mem>>) {add = true}
        %dma_wait3A_359 = arith.constant 0 : i32
        %dma_wait3A_360 = tpu.memref_slice %arg8[%add3A_325, %dma_wait3A_359] : memref<126x80xi32, #tpu.memory_space<vmem>> -> memref<1x80xi32, #tpu.memory_space<vmem>>
        %dma_wait3A_361 = tpu.memref_squeeze %dma_wait3A_360 : memref<1x80xi32, #tpu.memory_space<vmem>> -> memref<80xi32, #tpu.memory_space<vmem>>
        %dma_wait3A_362 = arith.constant 0 : i32
        %dma_wait3A_363 = arith.constant 0 : i32
        %dma_wait3A_364 = tpu.memref_slice %arg11[%dma_wait3A_362, %dma_wait3A_363] : memref<10240x128xf32, #tpu.memory_space<vmem_shared>> -> memref<10240x128xf32, #tpu.memory_space<vmem_shared>>
        tpu.wait_indirect_dma semaphore(%run_scoped3A : memref<!tpu.dma_semaphore, #tpu.memory_space<semaphore_mem>>) src(%arg10 : memref<80x128xf32, #tpu.memory_space<vmem>>) dst(%dma_wait3A_364 : memref<10240x128xf32, #tpu.memory_space<vmem_shared>>)
        tpu.yield
      }) : () -> ()
    }
    %scan3A_164 = arith.constant 63 : i32
    %dma_wait3A_165 = arith.constant 0 : i32
    %dma_wait3A_166 = tpu.memref_slice %arg7[%dma_wait3A_165] : memref<10080xi32, #tpu.memory_space<vmem>> -> memref<80xi32, #tpu.memory_space<vmem>>
    %dma_wait3A_167 = arith.constant 0 : i32
    %dma_wait3A_168 = arith.constant 0 : i32
    %dma_wait3A_169 = tpu.memref_slice %arg2[%dma_wait3A_167, %dma_wait3A_168] : memref<10240x128xf32, #tpu.memory_space<hbm>> -> memref<10240x128xf32, #tpu.memory_space<hbm>>
    tpu.wait_indirect_dma semaphore(%arg12 : memref<!tpu.dma_semaphore, #tpu.memory_space<semaphore_mem>>) src(%dma_wait3A_169 : memref<10240x128xf32, #tpu.memory_space<hbm>>) dst(%arg9 : memref<80x128xf32, #tpu.memory_space<vmem>>)
    %barrier3A_170 = arith.constant 0 : index
    tpu.barrier barrier_id(%barrier3A_170)
    %mul3A_171 = arith.constant 640 : i32
    %mul3A_172 = arith.muli %arg1, %mul3A_171 : i32
    "tpu.region"() ({
      %run_scoped3A = tpu.sem_alloc : memref<!tpu.dma_semaphore, #tpu.memory_space<semaphore_mem>>
      %dma_start3A_321 = arith.constant 0 : i32
      %dma_start3A_322 = tpu.memref_slice %arg11[%mul3A_172, %dma_start3A_321] : memref<10240x128xf32, #tpu.memory_space<vmem_shared>> -> memref<80x128xf32, #tpu.memory_space<vmem_shared>>
      %dma_start3A_323 = arith.constant 0 : i32
      %dma_start3A_324 = tpu.memref_slice %arg11[%mul3A_172, %dma_start3A_323] : memref<10240x128xf32, #tpu.memory_space<vmem_shared>> -> memref<80x128xf32, #tpu.memory_space<vmem_shared>>
      tpu.enqueue_dma source(%dma_start3A_324 : memref<80x128xf32, #tpu.memory_space<vmem_shared>>) target(%arg9 : memref<80x128xf32, #tpu.memory_space<vmem>>) target_semaphore(%run_scoped3A : memref<!tpu.dma_semaphore, #tpu.memory_space<semaphore_mem>>)
      %dma_wait3A_325 = arith.constant 0 : i32
      %dma_wait3A_326 = tpu.memref_slice %arg11[%mul3A_172, %dma_wait3A_325] : memref<10240x128xf32, #tpu.memory_space<vmem_shared>> -> memref<80x128xf32, #tpu.memory_space<vmem_shared>>
      %dma_wait3A_327 = arith.constant 0 : i32
      %dma_wait3A_328 = tpu.memref_slice %arg11[%mul3A_172, %dma_wait3A_327] : memref<10240x128xf32, #tpu.memory_space<vmem_shared>> -> memref<80x128xf32, #tpu.memory_space<vmem_shared>>
      tpu.wait_dma2 semaphore(%run_scoped3A : memref<!tpu.dma_semaphore, #tpu.memory_space<semaphore_mem>>) src(%dma_wait3A_328 : memref<80x128xf32, #tpu.memory_space<vmem_shared>>) dst(%arg9 : memref<80x128xf32, #tpu.memory_space<vmem>>)
      tpu.yield
    }) : () -> ()
    %mul3A_173 = arith.constant 10240 : i32
    %mul3A_174 = arith.muli %arg0, %mul3A_173 : i32
    %mul3A_175 = arith.constant 640 : i32
    %mul3A_176 = arith.muli %arg1, %mul3A_175 : i32
    %add3A_177 = arith.addi %mul3A_174, %mul3A_176 : i32
    %add3A_178 = arith.constant 0 : i32
    %add3A_179 = arith.addi %add3A_177, %add3A_178 : i32
    %dma_start3A_180 = arith.constant 0 : i32
    %dma_start3A_181 = tpu.memref_slice %arg6[%add3A_179, %dma_start3A_180] : memref<20480x128xf32, #tpu.memory_space<hbm>> -> memref<80x128xf32, #tpu.memory_space<hbm>>
    %dma_start3A_182 = arith.constant 0 : i32
    %dma_start3A_183 = tpu.memref_slice %arg6[%add3A_179, %dma_start3A_182] : memref<20480x128xf32, #tpu.memory_space<hbm>> -> memref<80x128xf32, #tpu.memory_space<hbm>>
    tpu.enqueue_dma source(%arg9 : memref<80x128xf32, #tpu.memory_space<vmem>>) target(%dma_start3A_183 : memref<80x128xf32, #tpu.memory_space<hbm>>) target_semaphore(%arg12 : memref<!tpu.dma_semaphore, #tpu.memory_space<semaphore_mem>>)
    %mul3A_184 = arith.constant 640 : i32
    %mul3A_185 = arith.muli %arg1, %mul3A_184 : i32
    %add3A_186 = arith.constant 80 : i32
    %add3A_187 = arith.addi %mul3A_185, %add3A_186 : i32
    "tpu.region"() ({
      %run_scoped3A = tpu.sem_alloc : memref<!tpu.dma_semaphore, #tpu.memory_space<semaphore_mem>>
      %dma_start3A_321 = arith.constant 0 : i32
      %dma_start3A_322 = tpu.memref_slice %arg11[%add3A_187, %dma_start3A_321] : memref<10240x128xf32, #tpu.memory_space<vmem_shared>> -> memref<80x128xf32, #tpu.memory_space<vmem_shared>>
      %dma_start3A_323 = arith.constant 0 : i32
      %dma_start3A_324 = tpu.memref_slice %arg11[%add3A_187, %dma_start3A_323] : memref<10240x128xf32, #tpu.memory_space<vmem_shared>> -> memref<80x128xf32, #tpu.memory_space<vmem_shared>>
      tpu.enqueue_dma source(%dma_start3A_324 : memref<80x128xf32, #tpu.memory_space<vmem_shared>>) target(%arg10 : memref<80x128xf32, #tpu.memory_space<vmem>>) target_semaphore(%run_scoped3A : memref<!tpu.dma_semaphore, #tpu.memory_space<semaphore_mem>>)
      %dma_wait3A_325 = arith.constant 0 : i32
      %dma_wait3A_326 = tpu.memref_slice %arg11[%add3A_187, %dma_wait3A_325] : memref<10240x128xf32, #tpu.memory_space<vmem_shared>> -> memref<80x128xf32, #tpu.memory_space<vmem_shared>>
      %dma_wait3A_327 = arith.constant 0 : i32
      %dma_wait3A_328 = tpu.memref_slice %arg11[%add3A_187, %dma_wait3A_327] : memref<10240x128xf32, #tpu.memory_space<vmem_shared>> -> memref<80x128xf32, #tpu.memory_space<vmem_shared>>
      tpu.wait_dma2 semaphore(%run_scoped3A : memref<!tpu.dma_semaphore, #tpu.memory_space<semaphore_mem>>) src(%dma_wait3A_328 : memref<80x128xf32, #tpu.memory_space<vmem_shared>>) dst(%arg10 : memref<80x128xf32, #tpu.memory_space<vmem>>)
      tpu.yield
    }) : () -> ()
    %dma_wait3A_188 = arith.constant 0 : i32
    %dma_wait3A_189 = tpu.memref_slice %arg6[%add3A_179, %dma_wait3A_188] : memref<20480x128xf32, #tpu.memory_space<hbm>> -> memref<80x128xf32, #tpu.memory_space<hbm>>
    %dma_wait3A_190 = arith.constant 0 : i32
    %dma_wait3A_191 = tpu.memref_slice %arg6[%add3A_179, %dma_wait3A_190] : memref<20480x128xf32, #tpu.memory_space<hbm>> -> memref<80x128xf32, #tpu.memory_space<hbm>>
    tpu.wait_dma2 semaphore(%arg12 : memref<!tpu.dma_semaphore, #tpu.memory_space<semaphore_mem>>) src(%arg9 : memref<80x128xf32, #tpu.memory_space<vmem>>) dst(%dma_wait3A_191 : memref<80x128xf32, #tpu.memory_space<hbm>>)
    %mul3A_192 = arith.constant 10240 : i32
    %mul3A_193 = arith.muli %arg0, %mul3A_192 : i32
    %mul3A_194 = arith.constant 640 : i32
    %mul3A_195 = arith.muli %arg1, %mul3A_194 : i32
    %add3A_196 = arith.addi %mul3A_193, %mul3A_195 : i32
    %add3A_197 = arith.constant 80 : i32
    %add3A_198 = arith.addi %add3A_196, %add3A_197 : i32
    %dma_start3A_199 = arith.constant 0 : i32
    %dma_start3A_200 = tpu.memref_slice %arg6[%add3A_198, %dma_start3A_199] : memref<20480x128xf32, #tpu.memory_space<hbm>> -> memref<80x128xf32, #tpu.memory_space<hbm>>
    %dma_start3A_201 = arith.constant 0 : i32
    %dma_start3A_202 = tpu.memref_slice %arg6[%add3A_198, %dma_start3A_201] : memref<20480x128xf32, #tpu.memory_space<hbm>> -> memref<80x128xf32, #tpu.memory_space<hbm>>
    tpu.enqueue_dma source(%arg10 : memref<80x128xf32, #tpu.memory_space<vmem>>) target(%dma_start3A_202 : memref<80x128xf32, #tpu.memory_space<hbm>>) target_semaphore(%arg13 : memref<!tpu.dma_semaphore, #tpu.memory_space<semaphore_mem>>)
    %mul3A_203 = arith.constant 640 : i32
    %mul3A_204 = arith.muli %arg1, %mul3A_203 : i32
    %add3A_205 = arith.constant 160 : i32
    %add3A_206 = arith.addi %mul3A_204, %add3A_205 : i32
    "tpu.region"() ({
      %run_scoped3A = tpu.sem_alloc : memref<!tpu.dma_semaphore, #tpu.memory_space<semaphore_mem>>
      %dma_start3A_321 = arith.constant 0 : i32
      %dma_start3A_322 = tpu.memref_slice %arg11[%add3A_206, %dma_start3A_321] : memref<10240x128xf32, #tpu.memory_space<vmem_shared>> -> memref<80x128xf32, #tpu.memory_space<vmem_shared>>
      %dma_start3A_323 = arith.constant 0 : i32
      %dma_start3A_324 = tpu.memref_slice %arg11[%add3A_206, %dma_start3A_323] : memref<10240x128xf32, #tpu.memory_space<vmem_shared>> -> memref<80x128xf32, #tpu.memory_space<vmem_shared>>
      tpu.enqueue_dma source(%dma_start3A_324 : memref<80x128xf32, #tpu.memory_space<vmem_shared>>) target(%arg9 : memref<80x128xf32, #tpu.memory_space<vmem>>) target_semaphore(%run_scoped3A : memref<!tpu.dma_semaphore, #tpu.memory_space<semaphore_mem>>)
      %dma_wait3A_325 = arith.constant 0 : i32
      %dma_wait3A_326 = tpu.memref_slice %arg11[%add3A_206, %dma_wait3A_325] : memref<10240x128xf32, #tpu.memory_space<vmem_shared>> -> memref<80x128xf32, #tpu.memory_space<vmem_shared>>
      %dma_wait3A_327 = arith.constant 0 : i32
      %dma_wait3A_328 = tpu.memref_slice %arg11[%add3A_206, %dma_wait3A_327] : memref<10240x128xf32, #tpu.memory_space<vmem_shared>> -> memref<80x128xf32, #tpu.memory_space<vmem_shared>>
      tpu.wait_dma2 semaphore(%run_scoped3A : memref<!tpu.dma_semaphore, #tpu.memory_space<semaphore_mem>>) src(%dma_wait3A_328 : memref<80x128xf32, #tpu.memory_space<vmem_shared>>) dst(%arg9 : memref<80x128xf32, #tpu.memory_space<vmem>>)
      tpu.yield
    }) : () -> ()
    %dma_wait3A_207 = arith.constant 0 : i32
    %dma_wait3A_208 = tpu.memref_slice %arg6[%add3A_198, %dma_wait3A_207] : memref<20480x128xf32, #tpu.memory_space<hbm>> -> memref<80x128xf32, #tpu.memory_space<hbm>>
    %dma_wait3A_209 = arith.constant 0 : i32
    %dma_wait3A_210 = tpu.memref_slice %arg6[%add3A_198, %dma_wait3A_209] : memref<20480x128xf32, #tpu.memory_space<hbm>> -> memref<80x128xf32, #tpu.memory_space<hbm>>
    tpu.wait_dma2 semaphore(%arg13 : memref<!tpu.dma_semaphore, #tpu.memory_space<semaphore_mem>>) src(%arg10 : memref<80x128xf32, #tpu.memory_space<vmem>>) dst(%dma_wait3A_210 : memref<80x128xf32, #tpu.memory_space<hbm>>)
    %mul3A_211 = arith.constant 10240 : i32
    %mul3A_212 = arith.muli %arg0, %mul3A_211 : i32
    %mul3A_213 = arith.constant 640 : i32
    %mul3A_214 = arith.muli %arg1, %mul3A_213 : i32
    %add3A_215 = arith.addi %mul3A_212, %mul3A_214 : i32
    %add3A_216 = arith.constant 160 : i32
    %add3A_217 = arith.addi %add3A_215, %add3A_216 : i32
    %dma_start3A_218 = arith.constant 0 : i32
    %dma_start3A_219 = tpu.memref_slice %arg6[%add3A_217, %dma_start3A_218] : memref<20480x128xf32, #tpu.memory_space<hbm>> -> memref<80x128xf32, #tpu.memory_space<hbm>>
    %dma_start3A_220 = arith.constant 0 : i32
    %dma_start3A_221 = tpu.memref_slice %arg6[%add3A_217, %dma_start3A_220] : memref<20480x128xf32, #tpu.memory_space<hbm>> -> memref<80x128xf32, #tpu.memory_space<hbm>>
    tpu.enqueue_dma source(%arg9 : memref<80x128xf32, #tpu.memory_space<vmem>>) target(%dma_start3A_221 : memref<80x128xf32, #tpu.memory_space<hbm>>) target_semaphore(%arg12 : memref<!tpu.dma_semaphore, #tpu.memory_space<semaphore_mem>>)
    %mul3A_222 = arith.constant 640 : i32
    %mul3A_223 = arith.muli %arg1, %mul3A_222 : i32
    %add3A_224 = arith.constant 240 : i32
    %add3A_225 = arith.addi %mul3A_223, %add3A_224 : i32
    "tpu.region"() ({
      %run_scoped3A = tpu.sem_alloc : memref<!tpu.dma_semaphore, #tpu.memory_space<semaphore_mem>>
      %dma_start3A_321 = arith.constant 0 : i32
      %dma_start3A_322 = tpu.memref_slice %arg11[%add3A_225, %dma_start3A_321] : memref<10240x128xf32, #tpu.memory_space<vmem_shared>> -> memref<80x128xf32, #tpu.memory_space<vmem_shared>>
      %dma_start3A_323 = arith.constant 0 : i32
      %dma_start3A_324 = tpu.memref_slice %arg11[%add3A_225, %dma_start3A_323] : memref<10240x128xf32, #tpu.memory_space<vmem_shared>> -> memref<80x128xf32, #tpu.memory_space<vmem_shared>>
      tpu.enqueue_dma source(%dma_start3A_324 : memref<80x128xf32, #tpu.memory_space<vmem_shared>>) target(%arg10 : memref<80x128xf32, #tpu.memory_space<vmem>>) target_semaphore(%run_scoped3A : memref<!tpu.dma_semaphore, #tpu.memory_space<semaphore_mem>>)
      %dma_wait3A_325 = arith.constant 0 : i32
      %dma_wait3A_326 = tpu.memref_slice %arg11[%add3A_225, %dma_wait3A_325] : memref<10240x128xf32, #tpu.memory_space<vmem_shared>> -> memref<80x128xf32, #tpu.memory_space<vmem_shared>>
      %dma_wait3A_327 = arith.constant 0 : i32
      %dma_wait3A_328 = tpu.memref_slice %arg11[%add3A_225, %dma_wait3A_327] : memref<10240x128xf32, #tpu.memory_space<vmem_shared>> -> memref<80x128xf32, #tpu.memory_space<vmem_shared>>
      tpu.wait_dma2 semaphore(%run_scoped3A : memref<!tpu.dma_semaphore, #tpu.memory_space<semaphore_mem>>) src(%dma_wait3A_328 : memref<80x128xf32, #tpu.memory_space<vmem_shared>>) dst(%arg10 : memref<80x128xf32, #tpu.memory_space<vmem>>)
      tpu.yield
    }) : () -> ()
    %dma_wait3A_226 = arith.constant 0 : i32
    %dma_wait3A_227 = tpu.memref_slice %arg6[%add3A_217, %dma_wait3A_226] : memref<20480x128xf32, #tpu.memory_space<hbm>> -> memref<80x128xf32, #tpu.memory_space<hbm>>
    %dma_wait3A_228 = arith.constant 0 : i32
    %dma_wait3A_229 = tpu.memref_slice %arg6[%add3A_217, %dma_wait3A_228] : memref<20480x128xf32, #tpu.memory_space<hbm>> -> memref<80x128xf32, #tpu.memory_space<hbm>>
    tpu.wait_dma2 semaphore(%arg12 : memref<!tpu.dma_semaphore, #tpu.memory_space<semaphore_mem>>) src(%arg9 : memref<80x128xf32, #tpu.memory_space<vmem>>) dst(%dma_wait3A_229 : memref<80x128xf32, #tpu.memory_space<hbm>>)
    %mul3A_230 = arith.constant 10240 : i32
    %mul3A_231 = arith.muli %arg0, %mul3A_230 : i32
    %mul3A_232 = arith.constant 640 : i32
    %mul3A_233 = arith.muli %arg1, %mul3A_232 : i32
    %add3A_234 = arith.addi %mul3A_231, %mul3A_233 : i32
    %add3A_235 = arith.constant 240 : i32
    %add3A_236 = arith.addi %add3A_234, %add3A_235 : i32
    %dma_start3A_237 = arith.constant 0 : i32
    %dma_start3A_238 = tpu.memref_slice %arg6[%add3A_236, %dma_start3A_237] : memref<20480x128xf32, #tpu.memory_space<hbm>> -> memref<80x128xf32, #tpu.memory_space<hbm>>
    %dma_start3A_239 = arith.constant 0 : i32
    %dma_start3A_240 = tpu.memref_slice %arg6[%add3A_236, %dma_start3A_239] : memref<20480x128xf32, #tpu.memory_space<hbm>> -> memref<80x128xf32, #tpu.memory_space<hbm>>
    tpu.enqueue_dma source(%arg10 : memref<80x128xf32, #tpu.memory_space<vmem>>) target(%dma_start3A_240 : memref<80x128xf32, #tpu.memory_space<hbm>>) target_semaphore(%arg13 : memref<!tpu.dma_semaphore, #tpu.memory_space<semaphore_mem>>)
    %mul3A_241 = arith.constant 640 : i32
    %mul3A_242 = arith.muli %arg1, %mul3A_241 : i32
    %add3A_243 = arith.constant 320 : i32
    %add3A_244 = arith.addi %mul3A_242, %add3A_243 : i32
    "tpu.region"() ({
      %run_scoped3A = tpu.sem_alloc : memref<!tpu.dma_semaphore, #tpu.memory_space<semaphore_mem>>
      %dma_start3A_321 = arith.constant 0 : i32
      %dma_start3A_322 = tpu.memref_slice %arg11[%add3A_244, %dma_start3A_321] : memref<10240x128xf32, #tpu.memory_space<vmem_shared>> -> memref<80x128xf32, #tpu.memory_space<vmem_shared>>
      %dma_start3A_323 = arith.constant 0 : i32
      %dma_start3A_324 = tpu.memref_slice %arg11[%add3A_244, %dma_start3A_323] : memref<10240x128xf32, #tpu.memory_space<vmem_shared>> -> memref<80x128xf32, #tpu.memory_space<vmem_shared>>
      tpu.enqueue_dma source(%dma_start3A_324 : memref<80x128xf32, #tpu.memory_space<vmem_shared>>) target(%arg9 : memref<80x128xf32, #tpu.memory_space<vmem>>) target_semaphore(%run_scoped3A : memref<!tpu.dma_semaphore, #tpu.memory_space<semaphore_mem>>)
      %dma_wait3A_325 = arith.constant 0 : i32
      %dma_wait3A_326 = tpu.memref_slice %arg11[%add3A_244, %dma_wait3A_325] : memref<10240x128xf32, #tpu.memory_space<vmem_shared>> -> memref<80x128xf32, #tpu.memory_space<vmem_shared>>
      %dma_wait3A_327 = arith.constant 0 : i32
      %dma_wait3A_328 = tpu.memref_slice %arg11[%add3A_244, %dma_wait3A_327] : memref<10240x128xf32, #tpu.memory_space<vmem_shared>> -> memref<80x128xf32, #tpu.memory_space<vmem_shared>>
      tpu.wait_dma2 semaphore(%run_scoped3A : memref<!tpu.dma_semaphore, #tpu.memory_space<semaphore_mem>>) src(%dma_wait3A_328 : memref<80x128xf32, #tpu.memory_space<vmem_shared>>) dst(%arg9 : memref<80x128xf32, #tpu.memory_space<vmem>>)
      tpu.yield
    }) : () -> ()
    %dma_wait3A_245 = arith.constant 0 : i32
    %dma_wait3A_246 = tpu.memref_slice %arg6[%add3A_236, %dma_wait3A_245] : memref<20480x128xf32, #tpu.memory_space<hbm>> -> memref<80x128xf32, #tpu.memory_space<hbm>>
    %dma_wait3A_247 = arith.constant 0 : i32
    %dma_wait3A_248 = tpu.memref_slice %arg6[%add3A_236, %dma_wait3A_247] : memref<20480x128xf32, #tpu.memory_space<hbm>> -> memref<80x128xf32, #tpu.memory_space<hbm>>
    tpu.wait_dma2 semaphore(%arg13 : memref<!tpu.dma_semaphore, #tpu.memory_space<semaphore_mem>>) src(%arg10 : memref<80x128xf32, #tpu.memory_space<vmem>>) dst(%dma_wait3A_248 : memref<80x128xf32, #tpu.memory_space<hbm>>)
    %mul3A_249 = arith.constant 10240 : i32
    %mul3A_250 = arith.muli %arg0, %mul3A_249 : i32
    %mul3A_251 = arith.constant 640 : i32
    %mul3A_252 = arith.muli %arg1, %mul3A_251 : i32
    %add3A_253 = arith.addi %mul3A_250, %mul3A_252 : i32
    %add3A_254 = arith.constant 320 : i32
    %add3A_255 = arith.addi %add3A_253, %add3A_254 : i32
    %dma_start3A_256 = arith.constant 0 : i32
    %dma_start3A_257 = tpu.memref_slice %arg6[%add3A_255, %dma_start3A_256] : memref<20480x128xf32, #tpu.memory_space<hbm>> -> memref<80x128xf32, #tpu.memory_space<hbm>>
    %dma_start3A_258 = arith.constant 0 : i32
    %dma_start3A_259 = tpu.memref_slice %arg6[%add3A_255, %dma_start3A_258] : memref<20480x128xf32, #tpu.memory_space<hbm>> -> memref<80x128xf32, #tpu.memory_space<hbm>>
    tpu.enqueue_dma source(%arg9 : memref<80x128xf32, #tpu.memory_space<vmem>>) target(%dma_start3A_259 : memref<80x128xf32, #tpu.memory_space<hbm>>) target_semaphore(%arg12 : memref<!tpu.dma_semaphore, #tpu.memory_space<semaphore_mem>>)
    %mul3A_260 = arith.constant 640 : i32
    %mul3A_261 = arith.muli %arg1, %mul3A_260 : i32
    %add3A_262 = arith.constant 400 : i32
    %add3A_263 = arith.addi %mul3A_261, %add3A_262 : i32
    "tpu.region"() ({
      %run_scoped3A = tpu.sem_alloc : memref<!tpu.dma_semaphore, #tpu.memory_space<semaphore_mem>>
      %dma_start3A_321 = arith.constant 0 : i32
      %dma_start3A_322 = tpu.memref_slice %arg11[%add3A_263, %dma_start3A_321] : memref<10240x128xf32, #tpu.memory_space<vmem_shared>> -> memref<80x128xf32, #tpu.memory_space<vmem_shared>>
      %dma_start3A_323 = arith.constant 0 : i32
      %dma_start3A_324 = tpu.memref_slice %arg11[%add3A_263, %dma_start3A_323] : memref<10240x128xf32, #tpu.memory_space<vmem_shared>> -> memref<80x128xf32, #tpu.memory_space<vmem_shared>>
      tpu.enqueue_dma source(%dma_start3A_324 : memref<80x128xf32, #tpu.memory_space<vmem_shared>>) target(%arg10 : memref<80x128xf32, #tpu.memory_space<vmem>>) target_semaphore(%run_scoped3A : memref<!tpu.dma_semaphore, #tpu.memory_space<semaphore_mem>>)
      %dma_wait3A_325 = arith.constant 0 : i32
      %dma_wait3A_326 = tpu.memref_slice %arg11[%add3A_263, %dma_wait3A_325] : memref<10240x128xf32, #tpu.memory_space<vmem_shared>> -> memref<80x128xf32, #tpu.memory_space<vmem_shared>>
      %dma_wait3A_327 = arith.constant 0 : i32
      %dma_wait3A_328 = tpu.memref_slice %arg11[%add3A_263, %dma_wait3A_327] : memref<10240x128xf32, #tpu.memory_space<vmem_shared>> -> memref<80x128xf32, #tpu.memory_space<vmem_shared>>
      tpu.wait_dma2 semaphore(%run_scoped3A : memref<!tpu.dma_semaphore, #tpu.memory_space<semaphore_mem>>) src(%dma_wait3A_328 : memref<80x128xf32, #tpu.memory_space<vmem_shared>>) dst(%arg10 : memref<80x128xf32, #tpu.memory_space<vmem>>)
      tpu.yield
    }) : () -> ()
    %dma_wait3A_264 = arith.constant 0 : i32
    %dma_wait3A_265 = tpu.memref_slice %arg6[%add3A_255, %dma_wait3A_264] : memref<20480x128xf32, #tpu.memory_space<hbm>> -> memref<80x128xf32, #tpu.memory_space<hbm>>
    %dma_wait3A_266 = arith.constant 0 : i32
    %dma_wait3A_267 = tpu.memref_slice %arg6[%add3A_255, %dma_wait3A_266] : memref<20480x128xf32, #tpu.memory_space<hbm>> -> memref<80x128xf32, #tpu.memory_space<hbm>>
    tpu.wait_dma2 semaphore(%arg12 : memref<!tpu.dma_semaphore, #tpu.memory_space<semaphore_mem>>) src(%arg9 : memref<80x128xf32, #tpu.memory_space<vmem>>) dst(%dma_wait3A_267 : memref<80x128xf32, #tpu.memory_space<hbm>>)
    %mul3A_268 = arith.constant 10240 : i32
    %mul3A_269 = arith.muli %arg0, %mul3A_268 : i32
    %mul3A_270 = arith.constant 640 : i32
    %mul3A_271 = arith.muli %arg1, %mul3A_270 : i32
    %add3A_272 = arith.addi %mul3A_269, %mul3A_271 : i32
    %add3A_273 = arith.constant 400 : i32
    %add3A_274 = arith.addi %add3A_272, %add3A_273 : i32
    %dma_start3A_275 = arith.constant 0 : i32
    %dma_start3A_276 = tpu.memref_slice %arg6[%add3A_274, %dma_start3A_275] : memref<20480x128xf32, #tpu.memory_space<hbm>> -> memref<80x128xf32, #tpu.memory_space<hbm>>
    %dma_start3A_277 = arith.constant 0 : i32
    %dma_start3A_278 = tpu.memref_slice %arg6[%add3A_274, %dma_start3A_277] : memref<20480x128xf32, #tpu.memory_space<hbm>> -> memref<80x128xf32, #tpu.memory_space<hbm>>
    tpu.enqueue_dma source(%arg10 : memref<80x128xf32, #tpu.memory_space<vmem>>) target(%dma_start3A_278 : memref<80x128xf32, #tpu.memory_space<hbm>>) target_semaphore(%arg13 : memref<!tpu.dma_semaphore, #tpu.memory_space<semaphore_mem>>)
    %mul3A_279 = arith.constant 640 : i32
    %mul3A_280 = arith.muli %arg1, %mul3A_279 : i32
    %add3A_281 = arith.constant 480 : i32
    %add3A_282 = arith.addi %mul3A_280, %add3A_281 : i32
    "tpu.region"() ({
      %run_scoped3A = tpu.sem_alloc : memref<!tpu.dma_semaphore, #tpu.memory_space<semaphore_mem>>
      %dma_start3A_321 = arith.constant 0 : i32
      %dma_start3A_322 = tpu.memref_slice %arg11[%add3A_282, %dma_start3A_321] : memref<10240x128xf32, #tpu.memory_space<vmem_shared>> -> memref<80x128xf32, #tpu.memory_space<vmem_shared>>
      %dma_start3A_323 = arith.constant 0 : i32
      %dma_start3A_324 = tpu.memref_slice %arg11[%add3A_282, %dma_start3A_323] : memref<10240x128xf32, #tpu.memory_space<vmem_shared>> -> memref<80x128xf32, #tpu.memory_space<vmem_shared>>
      tpu.enqueue_dma source(%dma_start3A_324 : memref<80x128xf32, #tpu.memory_space<vmem_shared>>) target(%arg9 : memref<80x128xf32, #tpu.memory_space<vmem>>) target_semaphore(%run_scoped3A : memref<!tpu.dma_semaphore, #tpu.memory_space<semaphore_mem>>)
      %dma_wait3A_325 = arith.constant 0 : i32
      %dma_wait3A_326 = tpu.memref_slice %arg11[%add3A_282, %dma_wait3A_325] : memref<10240x128xf32, #tpu.memory_space<vmem_shared>> -> memref<80x128xf32, #tpu.memory_space<vmem_shared>>
      %dma_wait3A_327 = arith.constant 0 : i32
      %dma_wait3A_328 = tpu.memref_slice %arg11[%add3A_282, %dma_wait3A_327] : memref<10240x128xf32, #tpu.memory_space<vmem_shared>> -> memref<80x128xf32, #tpu.memory_space<vmem_shared>>
      tpu.wait_dma2 semaphore(%run_scoped3A : memref<!tpu.dma_semaphore, #tpu.memory_space<semaphore_mem>>) src(%dma_wait3A_328 : memref<80x128xf32, #tpu.memory_space<vmem_shared>>) dst(%arg9 : memref<80x128xf32, #tpu.memory_space<vmem>>)
      tpu.yield
    }) : () -> ()
    %dma_wait3A_283 = arith.constant 0 : i32
    %dma_wait3A_284 = tpu.memref_slice %arg6[%add3A_274, %dma_wait3A_283] : memref<20480x128xf32, #tpu.memory_space<hbm>> -> memref<80x128xf32, #tpu.memory_space<hbm>>
    %dma_wait3A_285 = arith.constant 0 : i32
    %dma_wait3A_286 = tpu.memref_slice %arg6[%add3A_274, %dma_wait3A_285] : memref<20480x128xf32, #tpu.memory_space<hbm>> -> memref<80x128xf32, #tpu.memory_space<hbm>>
    tpu.wait_dma2 semaphore(%arg13 : memref<!tpu.dma_semaphore, #tpu.memory_space<semaphore_mem>>) src(%arg10 : memref<80x128xf32, #tpu.memory_space<vmem>>) dst(%dma_wait3A_286 : memref<80x128xf32, #tpu.memory_space<hbm>>)
    %mul3A_287 = arith.constant 10240 : i32
    %mul3A_288 = arith.muli %arg0, %mul3A_287 : i32
    %mul3A_289 = arith.constant 640 : i32
    %mul3A_290 = arith.muli %arg1, %mul3A_289 : i32
    %add3A_291 = arith.addi %mul3A_288, %mul3A_290 : i32
    %add3A_292 = arith.constant 480 : i32
    %add3A_293 = arith.addi %add3A_291, %add3A_292 : i32
    %dma_start3A_294 = arith.constant 0 : i32
    %dma_start3A_295 = tpu.memref_slice %arg6[%add3A_293, %dma_start3A_294] : memref<20480x128xf32, #tpu.memory_space<hbm>> -> memref<80x128xf32, #tpu.memory_space<hbm>>
    %dma_start3A_296 = arith.constant 0 : i32
    %dma_start3A_297 = tpu.memref_slice %arg6[%add3A_293, %dma_start3A_296] : memref<20480x128xf32, #tpu.memory_space<hbm>> -> memref<80x128xf32, #tpu.memory_space<hbm>>
    tpu.enqueue_dma source(%arg9 : memref<80x128xf32, #tpu.memory_space<vmem>>) target(%dma_start3A_297 : memref<80x128xf32, #tpu.memory_space<hbm>>) target_semaphore(%arg12 : memref<!tpu.dma_semaphore, #tpu.memory_space<semaphore_mem>>)
    %mul3A_298 = arith.constant 640 : i32
    %mul3A_299 = arith.muli %arg1, %mul3A_298 : i32
    %add3A_300 = arith.constant 560 : i32
    %add3A_301 = arith.addi %mul3A_299, %add3A_300 : i32
    "tpu.region"() ({
      %run_scoped3A = tpu.sem_alloc : memref<!tpu.dma_semaphore, #tpu.memory_space<semaphore_mem>>
      %dma_start3A_321 = arith.constant 0 : i32
      %dma_start3A_322 = tpu.memref_slice %arg11[%add3A_301, %dma_start3A_321] : memref<10240x128xf32, #tpu.memory_space<vmem_shared>> -> memref<80x128xf32, #tpu.memory_space<vmem_shared>>
      %dma_start3A_323 = arith.constant 0 : i32
      %dma_start3A_324 = tpu.memref_slice %arg11[%add3A_301, %dma_start3A_323] : memref<10240x128xf32, #tpu.memory_space<vmem_shared>> -> memref<80x128xf32, #tpu.memory_space<vmem_shared>>
      tpu.enqueue_dma source(%dma_start3A_324 : memref<80x128xf32, #tpu.memory_space<vmem_shared>>) target(%arg10 : memref<80x128xf32, #tpu.memory_space<vmem>>) target_semaphore(%run_scoped3A : memref<!tpu.dma_semaphore, #tpu.memory_space<semaphore_mem>>)
      %dma_wait3A_325 = arith.constant 0 : i32
      %dma_wait3A_326 = tpu.memref_slice %arg11[%add3A_301, %dma_wait3A_325] : memref<10240x128xf32, #tpu.memory_space<vmem_shared>> -> memref<80x128xf32, #tpu.memory_space<vmem_shared>>
      %dma_wait3A_327 = arith.constant 0 : i32
      %dma_wait3A_328 = tpu.memref_slice %arg11[%add3A_301, %dma_wait3A_327] : memref<10240x128xf32, #tpu.memory_space<vmem_shared>> -> memref<80x128xf32, #tpu.memory_space<vmem_shared>>
      tpu.wait_dma2 semaphore(%run_scoped3A : memref<!tpu.dma_semaphore, #tpu.memory_space<semaphore_mem>>) src(%dma_wait3A_328 : memref<80x128xf32, #tpu.memory_space<vmem_shared>>) dst(%arg10 : memref<80x128xf32, #tpu.memory_space<vmem>>)
      tpu.yield
    }) : () -> ()
    %dma_wait3A_302 = arith.constant 0 : i32
    %dma_wait3A_303 = tpu.memref_slice %arg6[%add3A_293, %dma_wait3A_302] : memref<20480x128xf32, #tpu.memory_space<hbm>> -> memref<80x128xf32, #tpu.memory_space<hbm>>
    %dma_wait3A_304 = arith.constant 0 : i32
    %dma_wait3A_305 = tpu.memref_slice %arg6[%add3A_293, %dma_wait3A_304] : memref<20480x128xf32, #tpu.memory_space<hbm>> -> memref<80x128xf32, #tpu.memory_space<hbm>>
    tpu.wait_dma2 semaphore(%arg12 : memref<!tpu.dma_semaphore, #tpu.memory_space<semaphore_mem>>) src(%arg9 : memref<80x128xf32, #tpu.memory_space<vmem>>) dst(%dma_wait3A_305 : memref<80x128xf32, #tpu.memory_space<hbm>>)
    %mul3A_306 = arith.constant 10240 : i32
    %mul3A_307 = arith.muli %arg0, %mul3A_306 : i32
    %mul3A_308 = arith.constant 640 : i32
    %mul3A_309 = arith.muli %arg1, %mul3A_308 : i32
    %add3A_310 = arith.addi %mul3A_307, %mul3A_309 : i32
    %add3A_311 = arith.constant 560 : i32
    %add3A_312 = arith.addi %add3A_310, %add3A_311 : i32
    %dma_start3A_313 = arith.constant 0 : i32
    %dma_start3A_314 = tpu.memref_slice %arg6[%add3A_312, %dma_start3A_313] : memref<20480x128xf32, #tpu.memory_space<hbm>> -> memref<80x128xf32, #tpu.memory_space<hbm>>
    %dma_start3A_315 = arith.constant 0 : i32
    %dma_start3A_316 = tpu.memref_slice %arg6[%add3A_312, %dma_start3A_315] : memref<20480x128xf32, #tpu.memory_space<hbm>> -> memref<80x128xf32, #tpu.memory_space<hbm>>
    tpu.enqueue_dma source(%arg10 : memref<80x128xf32, #tpu.memory_space<vmem>>) target(%dma_start3A_316 : memref<80x128xf32, #tpu.memory_space<hbm>>) target_semaphore(%arg13 : memref<!tpu.dma_semaphore, #tpu.memory_space<semaphore_mem>>)
    %dma_wait3A_317 = arith.constant 0 : i32
    %dma_wait3A_318 = tpu.memref_slice %arg6[%add3A_312, %dma_wait3A_317] : memref<20480x128xf32, #tpu.memory_space<hbm>> -> memref<80x128xf32, #tpu.memory_space<hbm>>
    %dma_wait3A_319 = arith.constant 0 : i32
    %dma_wait3A_320 = tpu.memref_slice %arg6[%add3A_312, %dma_wait3A_319] : memref<20480x128xf32, #tpu.memory_space<hbm>> -> memref<80x128xf32, #tpu.memory_space<hbm>>
    tpu.wait_dma2 semaphore(%arg13 : memref<!tpu.dma_semaphore, #tpu.memory_space<semaphore_mem>>) src(%arg10 : memref<80x128xf32, #tpu.memory_space<vmem>>) dst(%dma_wait3A_320 : memref<80x128xf32, #tpu.memory_space<hbm>>)
    return
  }
}

#map = affine_map<(d0, d1) -> (0, 0)>
#map1 = affine_map<(d0, d1) -> (0, 0, 0)>
module attributes {stable_mosaic.version = 14 : i64} {
  func.func @body(%arg0: i32, %arg1: i32, %arg2: memref<80x128xf32, #tpu.memory_space<hbm>>, %arg3: memref<32x10080xi32, #tpu.memory_space<hbm>>, %arg4: memref<32x126x80xi32, #tpu.memory_space<hbm>>, %arg5: memref<80x128xf32, #tpu.memory_space<hbm>>, %arg6: memref<20480x128xf32, #tpu.memory_space<hbm>>, %arg7: memref<10080xi32, #tpu.memory_space<vmem>>, %arg8: memref<126x80xi32, #tpu.memory_space<vmem>>, %arg9: memref<80x128xf32, #tpu.memory_space<vmem>>, %arg10: memref<80x128xf32, #tpu.memory_space<vmem>>, %arg11: memref<10240x128xf32, #tpu.memory_space<vmem_shared>>, %arg12: memref<!tpu.dma_semaphore, #tpu.memory_space<semaphore_mem>>, %arg13: memref<!tpu.dma_semaphore, #tpu.memory_space<semaphore_mem>>, %arg14: memref<!tpu.dma_semaphore, #tpu.memory_space<semaphore_mem>>) attributes {dimension_semantics = [#tpu.dimension_semantics<core_parallel>, #tpu.dimension_semantics<subcore_parallel>], iteration_bounds = array<i64: 2, 16>, scalar_prefetch = 0 : i64, scratch_operands = 8 : i64, tpu.core_type = #tpu.core_type<sc_vector_subcore>, window_params = [{transform_indices = #map}, {transform_indices = #map}, {transform_indices = #map1}, {transform_indices = #map}, {transform_indices = #map}]} {
    %mul3A = arith.constant 2 : i32
    %mul3A_0 = arith.muli %arg1, %mul3A : i32
    %add3A = arith.addi %mul3A_0, %arg0 : i32
    %dma_start3A = arith.constant 0 : i32
    %dma_start3A_1 = arith.constant 0 : i32
    %dma_start3A_2 = tpu.memref_slice %arg4[%add3A, %dma_start3A, %dma_start3A_1] : memref<32x126x80xi32, #tpu.memory_space<hbm>> -> memref<1x126x80xi32, #tpu.memory_space<hbm>>
    %dma_start3A_3 = tpu.memref_squeeze %dma_start3A_2 : memref<1x126x80xi32, #tpu.memory_space<hbm>> -> memref<126x80xi32, #tpu.memory_space<hbm>>
    %dma_start3A_4 = arith.constant 0 : i32
    %dma_start3A_5 = arith.constant 0 : i32
    %dma_start3A_6 = tpu.memref_slice %arg4[%add3A, %dma_start3A_4, %dma_start3A_5] : memref<32x126x80xi32, #tpu.memory_space<hbm>> -> memref<1x126x80xi32, #tpu.memory_space<hbm>>
    %dma_start3A_7 = tpu.memref_squeeze %dma_start3A_6 : memref<1x126x80xi32, #tpu.memory_space<hbm>> -> memref<126x80xi32, #tpu.memory_space<hbm>>
    tpu.enqueue_dma source(%dma_start3A_7 : memref<126x80xi32, #tpu.memory_space<hbm>>) target(%arg8 : memref<126x80xi32, #tpu.memory_space<vmem>>) target_semaphore(%arg13 : memref<!tpu.dma_semaphore, #tpu.memory_space<semaphore_mem>>)
    "tpu.region"() ({
      %run_scoped3A = tpu.sem_alloc : memref<!tpu.dma_semaphore, #tpu.memory_space<semaphore_mem>>
      tpu.enqueue_dma source(%arg5 : memref<80x128xf32, #tpu.memory_space<hbm>>) target(%arg9 : memref<80x128xf32, #tpu.memory_space<vmem>>) target_semaphore(%run_scoped3A : memref<!tpu.dma_semaphore, #tpu.memory_space<semaphore_mem>>)
      tpu.wait_dma2 semaphore(%run_scoped3A : memref<!tpu.dma_semaphore, #tpu.memory_space<semaphore_mem>>) src(%arg5 : memref<80x128xf32, #tpu.memory_space<hbm>>) dst(%arg9 : memref<80x128xf32, #tpu.memory_space<vmem>>)
      tpu.yield
    }) : () -> ()
    %mul3A_8 = arith.constant 640 : i32
    %mul3A_9 = arith.muli %arg1, %mul3A_8 : i32
    %add3A_10 = arith.constant 0 : i32
    %add3A_11 = arith.addi %mul3A_9, %add3A_10 : i32
    %dma_start3A_12 = arith.constant 0 : i32
    %dma_start3A_13 = tpu.memref_slice %arg11[%add3A_11, %dma_start3A_12] : memref<10240x128xf32, #tpu.memory_space<vmem_shared>> -> memref<80x128xf32, #tpu.memory_space<vmem_shared>>
    %dma_start3A_14 = arith.constant 0 : i32
    %dma_start3A_15 = tpu.memref_slice %arg11[%add3A_11, %dma_start3A_14] : memref<10240x128xf32, #tpu.memory_space<vmem_shared>> -> memref<80x128xf32, #tpu.memory_space<vmem_shared>>
    tpu.enqueue_dma source(%arg9 : memref<80x128xf32, #tpu.memory_space<vmem>>) target(%dma_start3A_15 : memref<80x128xf32, #tpu.memory_space<vmem_shared>>) target_semaphore(%arg14 : memref<!tpu.dma_semaphore, #tpu.memory_space<semaphore_mem>>)
    %mul3A_16 = arith.constant 640 : i32
    %mul3A_17 = arith.muli %arg1, %mul3A_16 : i32
    %add3A_18 = arith.constant 80 : i32
    %add3A_19 = arith.addi %mul3A_17, %add3A_18 : i32
    %dma_start3A_20 = arith.constant 0 : i32
    %dma_start3A_21 = tpu.memref_slice %arg11[%add3A_19, %dma_start3A_20] : memref<10240x128xf32, #tpu.memory_space<vmem_shared>> -> memref<80x128xf32, #tpu.memory_space<vmem_shared>>
    %dma_start3A_22 = arith.constant 0 : i32
    %dma_start3A_23 = tpu.memref_slice %arg11[%add3A_19, %dma_start3A_22] : memref<10240x128xf32, #tpu.memory_space<vmem_shared>> -> memref<80x128xf32, #tpu.memory_space<vmem_shared>>
    tpu.enqueue_dma source(%arg9 : memref<80x128xf32, #tpu.memory_space<vmem>>) target(%dma_start3A_23 : memref<80x128xf32, #tpu.memory_space<vmem_shared>>) target_semaphore(%arg14 : memref<!tpu.dma_semaphore, #tpu.memory_space<semaphore_mem>>)
    %mul3A_24 = arith.constant 640 : i32
    %mul3A_25 = arith.muli %arg1, %mul3A_24 : i32
    %add3A_26 = arith.constant 160 : i32
    %add3A_27 = arith.addi %mul3A_25, %add3A_26 : i32
    %dma_start3A_28 = arith.constant 0 : i32
    %dma_start3A_29 = tpu.memref_slice %arg11[%add3A_27, %dma_start3A_28] : memref<10240x128xf32, #tpu.memory_space<vmem_shared>> -> memref<80x128xf32, #tpu.memory_space<vmem_shared>>
    %dma_start3A_30 = arith.constant 0 : i32
    %dma_start3A_31 = tpu.memref_slice %arg11[%add3A_27, %dma_start3A_30] : memref<10240x128xf32, #tpu.memory_space<vmem_shared>> -> memref<80x128xf32, #tpu.memory_space<vmem_shared>>
    tpu.enqueue_dma source(%arg9 : memref<80x128xf32, #tpu.memory_space<vmem>>) target(%dma_start3A_31 : memref<80x128xf32, #tpu.memory_space<vmem_shared>>) target_semaphore(%arg14 : memref<!tpu.dma_semaphore, #tpu.memory_space<semaphore_mem>>)
    %mul3A_32 = arith.constant 640 : i32
    %mul3A_33 = arith.muli %arg1, %mul3A_32 : i32
    %add3A_34 = arith.constant 240 : i32
    %add3A_35 = arith.addi %mul3A_33, %add3A_34 : i32
    %dma_start3A_36 = arith.constant 0 : i32
    %dma_start3A_37 = tpu.memref_slice %arg11[%add3A_35, %dma_start3A_36] : memref<10240x128xf32, #tpu.memory_space<vmem_shared>> -> memref<80x128xf32, #tpu.memory_space<vmem_shared>>
    %dma_start3A_38 = arith.constant 0 : i32
    %dma_start3A_39 = tpu.memref_slice %arg11[%add3A_35, %dma_start3A_38] : memref<10240x128xf32, #tpu.memory_space<vmem_shared>> -> memref<80x128xf32, #tpu.memory_space<vmem_shared>>
    tpu.enqueue_dma source(%arg9 : memref<80x128xf32, #tpu.memory_space<vmem>>) target(%dma_start3A_39 : memref<80x128xf32, #tpu.memory_space<vmem_shared>>) target_semaphore(%arg14 : memref<!tpu.dma_semaphore, #tpu.memory_space<semaphore_mem>>)
    %mul3A_40 = arith.constant 640 : i32
    %mul3A_41 = arith.muli %arg1, %mul3A_40 : i32
    %add3A_42 = arith.constant 320 : i32
    %add3A_43 = arith.addi %mul3A_41, %add3A_42 : i32
    %dma_start3A_44 = arith.constant 0 : i32
    %dma_start3A_45 = tpu.memref_slice %arg11[%add3A_43, %dma_start3A_44] : memref<10240x128xf32, #tpu.memory_space<vmem_shared>> -> memref<80x128xf32, #tpu.memory_space<vmem_shared>>
    %dma_start3A_46 = arith.constant 0 : i32
    %dma_start3A_47 = tpu.memref_slice %arg11[%add3A_43, %dma_start3A_46] : memref<10240x128xf32, #tpu.memory_space<vmem_shared>> -> memref<80x128xf32, #tpu.memory_space<vmem_shared>>
    tpu.enqueue_dma source(%arg9 : memref<80x128xf32, #tpu.memory_space<vmem>>) target(%dma_start3A_47 : memref<80x128xf32, #tpu.memory_space<vmem_shared>>) target_semaphore(%arg14 : memref<!tpu.dma_semaphore, #tpu.memory_space<semaphore_mem>>)
    %mul3A_48 = arith.constant 640 : i32
    %mul3A_49 = arith.muli %arg1, %mul3A_48 : i32
    %add3A_50 = arith.constant 400 : i32
    %add3A_51 = arith.addi %mul3A_49, %add3A_50 : i32
    %dma_start3A_52 = arith.constant 0 : i32
    %dma_start3A_53 = tpu.memref_slice %arg11[%add3A_51, %dma_start3A_52] : memref<10240x128xf32, #tpu.memory_space<vmem_shared>> -> memref<80x128xf32, #tpu.memory_space<vmem_shared>>
    %dma_start3A_54 = arith.constant 0 : i32
    %dma_start3A_55 = tpu.memref_slice %arg11[%add3A_51, %dma_start3A_54] : memref<10240x128xf32, #tpu.memory_space<vmem_shared>> -> memref<80x128xf32, #tpu.memory_space<vmem_shared>>
    tpu.enqueue_dma source(%arg9 : memref<80x128xf32, #tpu.memory_space<vmem>>) target(%dma_start3A_55 : memref<80x128xf32, #tpu.memory_space<vmem_shared>>) target_semaphore(%arg14 : memref<!tpu.dma_semaphore, #tpu.memory_space<semaphore_mem>>)
    %mul3A_56 = arith.constant 640 : i32
    %mul3A_57 = arith.muli %arg1, %mul3A_56 : i32
    %add3A_58 = arith.constant 480 : i32
    %add3A_59 = arith.addi %mul3A_57, %add3A_58 : i32
    %dma_start3A_60 = arith.constant 0 : i32
    %dma_start3A_61 = tpu.memref_slice %arg11[%add3A_59, %dma_start3A_60] : memref<10240x128xf32, #tpu.memory_space<vmem_shared>> -> memref<80x128xf32, #tpu.memory_space<vmem_shared>>
    %dma_start3A_62 = arith.constant 0 : i32
    %dma_start3A_63 = tpu.memref_slice %arg11[%add3A_59, %dma_start3A_62] : memref<10240x128xf32, #tpu.memory_space<vmem_shared>> -> memref<80x128xf32, #tpu.memory_space<vmem_shared>>
    tpu.enqueue_dma source(%arg9 : memref<80x128xf32, #tpu.memory_space<vmem>>) target(%dma_start3A_63 : memref<80x128xf32, #tpu.memory_space<vmem_shared>>) target_semaphore(%arg14 : memref<!tpu.dma_semaphore, #tpu.memory_space<semaphore_mem>>)
    %mul3A_64 = arith.constant 640 : i32
    %mul3A_65 = arith.muli %arg1, %mul3A_64 : i32
    %add3A_66 = arith.constant 560 : i32
    %add3A_67 = arith.addi %mul3A_65, %add3A_66 : i32
    %dma_start3A_68 = arith.constant 0 : i32
    %dma_start3A_69 = tpu.memref_slice %arg11[%add3A_67, %dma_start3A_68] : memref<10240x128xf32, #tpu.memory_space<vmem_shared>> -> memref<80x128xf32, #tpu.memory_space<vmem_shared>>
    %dma_start3A_70 = arith.constant 0 : i32
    %dma_start3A_71 = tpu.memref_slice %arg11[%add3A_67, %dma_start3A_70] : memref<10240x128xf32, #tpu.memory_space<vmem_shared>> -> memref<80x128xf32, #tpu.memory_space<vmem_shared>>
    tpu.enqueue_dma source(%arg9 : memref<80x128xf32, #tpu.memory_space<vmem>>) target(%dma_start3A_71 : memref<80x128xf32, #tpu.memory_space<vmem_shared>>) target_semaphore(%arg14 : memref<!tpu.dma_semaphore, #tpu.memory_space<semaphore_mem>>)
    %mul3A_72 = arith.constant 640 : i32
    %mul3A_73 = arith.muli %arg1, %mul3A_72 : i32
    %add3A_74 = arith.constant 0 : i32
    %add3A_75 = arith.addi %mul3A_73, %add3A_74 : i32
    %dma_wait3A = arith.constant 0 : i32
    %dma_wait3A_76 = tpu.memref_slice %arg11[%add3A_75, %dma_wait3A] : memref<10240x128xf32, #tpu.memory_space<vmem_shared>> -> memref<80x128xf32, #tpu.memory_space<vmem_shared>>
    %dma_wait3A_77 = arith.constant 0 : i32
    %dma_wait3A_78 = tpu.memref_slice %arg11[%add3A_75, %dma_wait3A_77] : memref<10240x128xf32, #tpu.memory_space<vmem_shared>> -> memref<80x128xf32, #tpu.memory_space<vmem_shared>>
    tpu.wait_dma2 semaphore(%arg14 : memref<!tpu.dma_semaphore, #tpu.memory_space<semaphore_mem>>) src(%arg9 : memref<80x128xf32, #tpu.memory_space<vmem>>) dst(%dma_wait3A_78 : memref<80x128xf32, #tpu.memory_space<vmem_shared>>)
    %mul3A_79 = arith.constant 640 : i32
    %mul3A_80 = arith.muli %arg1, %mul3A_79 : i32
    %add3A_81 = arith.constant 80 : i32
    %add3A_82 = arith.addi %mul3A_80, %add3A_81 : i32
    %dma_wait3A_83 = arith.constant 0 : i32
    %dma_wait3A_84 = tpu.memref_slice %arg11[%add3A_82, %dma_wait3A_83] : memref<10240x128xf32, #tpu.memory_space<vmem_shared>> -> memref<80x128xf32, #tpu.memory_space<vmem_shared>>
    %dma_wait3A_85 = arith.constant 0 : i32
    %dma_wait3A_86 = tpu.memref_slice %arg11[%add3A_82, %dma_wait3A_85] : memref<10240x128xf32, #tpu.memory_space<vmem_shared>> -> memref<80x128xf32, #tpu.memory_space<vmem_shared>>
    tpu.wait_dma2 semaphore(%arg14 : memref<!tpu.dma_semaphore, #tpu.memory_space<semaphore_mem>>) src(%arg9 : memref<80x128xf32, #tpu.memory_space<vmem>>) dst(%dma_wait3A_86 : memref<80x128xf32, #tpu.memory_space<vmem_shared>>)
    %mul3A_87 = arith.constant 640 : i32
    %mul3A_88 = arith.muli %arg1, %mul3A_87 : i32
    %add3A_89 = arith.constant 160 : i32
    %add3A_90 = arith.addi %mul3A_88, %add3A_89 : i32
    %dma_wait3A_91 = arith.constant 0 : i32
    %dma_wait3A_92 = tpu.memref_slice %arg11[%add3A_90, %dma_wait3A_91] : memref<10240x128xf32, #tpu.memory_space<vmem_shared>> -> memref<80x128xf32, #tpu.memory_space<vmem_shared>>
    %dma_wait3A_93 = arith.constant 0 : i32
    %dma_wait3A_94 = tpu.memref_slice %arg11[%add3A_90, %dma_wait3A_93] : memref<10240x128xf32, #tpu.memory_space<vmem_shared>> -> memref<80x128xf32, #tpu.memory_space<vmem_shared>>
    tpu.wait_dma2 semaphore(%arg14 : memref<!tpu.dma_semaphore, #tpu.memory_space<semaphore_mem>>) src(%arg9 : memref<80x128xf32, #tpu.memory_space<vmem>>) dst(%dma_wait3A_94 : memref<80x128xf32, #tpu.memory_space<vmem_shared>>)
    %mul3A_95 = arith.constant 640 : i32
    %mul3A_96 = arith.muli %arg1, %mul3A_95 : i32
    %add3A_97 = arith.constant 240 : i32
    %add3A_98 = arith.addi %mul3A_96, %add3A_97 : i32
    %dma_wait3A_99 = arith.constant 0 : i32
    %dma_wait3A_100 = tpu.memref_slice %arg11[%add3A_98, %dma_wait3A_99] : memref<10240x128xf32, #tpu.memory_space<vmem_shared>> -> memref<80x128xf32, #tpu.memory_space<vmem_shared>>
    %dma_wait3A_101 = arith.constant 0 : i32
    %dma_wait3A_102 = tpu.memref_slice %arg11[%add3A_98, %dma_wait3A_101] : memref<10240x128xf32, #tpu.memory_space<vmem_shared>> -> memref<80x128xf32, #tpu.memory_space<vmem_shared>>
    tpu.wait_dma2 semaphore(%arg14 : memref<!tpu.dma_semaphore, #tpu.memory_space<semaphore_mem>>) src(%arg9 : memref<80x128xf32, #tpu.memory_space<vmem>>) dst(%dma_wait3A_102 : memref<80x128xf32, #tpu.memory_space<vmem_shared>>)
    %mul3A_103 = arith.constant 640 : i32
    %mul3A_104 = arith.muli %arg1, %mul3A_103 : i32
    %add3A_105 = arith.constant 320 : i32
    %add3A_106 = arith.addi %mul3A_104, %add3A_105 : i32
    %dma_wait3A_107 = arith.constant 0 : i32
    %dma_wait3A_108 = tpu.memref_slice %arg11[%add3A_106, %dma_wait3A_107] : memref<10240x128xf32, #tpu.memory_space<vmem_shared>> -> memref<80x128xf32, #tpu.memory_space<vmem_shared>>
    %dma_wait3A_109 = arith.constant 0 : i32
    %dma_wait3A_110 = tpu.memref_slice %arg11[%add3A_106, %dma_wait3A_109] : memref<10240x128xf32, #tpu.memory_space<vmem_shared>> -> memref<80x128xf32, #tpu.memory_space<vmem_shared>>
    tpu.wait_dma2 semaphore(%arg14 : memref<!tpu.dma_semaphore, #tpu.memory_space<semaphore_mem>>) src(%arg9 : memref<80x128xf32, #tpu.memory_space<vmem>>) dst(%dma_wait3A_110 : memref<80x128xf32, #tpu.memory_space<vmem_shared>>)
    %mul3A_111 = arith.constant 640 : i32
    %mul3A_112 = arith.muli %arg1, %mul3A_111 : i32
    %add3A_113 = arith.constant 400 : i32
    %add3A_114 = arith.addi %mul3A_112, %add3A_113 : i32
    %dma_wait3A_115 = arith.constant 0 : i32
    %dma_wait3A_116 = tpu.memref_slice %arg11[%add3A_114, %dma_wait3A_115] : memref<10240x128xf32, #tpu.memory_space<vmem_shared>> -> memref<80x128xf32, #tpu.memory_space<vmem_shared>>
    %dma_wait3A_117 = arith.constant 0 : i32
    %dma_wait3A_118 = tpu.memref_slice %arg11[%add3A_114, %dma_wait3A_117] : memref<10240x128xf32, #tpu.memory_space<vmem_shared>> -> memref<80x128xf32, #tpu.memory_space<vmem_shared>>
    tpu.wait_dma2 semaphore(%arg14 : memref<!tpu.dma_semaphore, #tpu.memory_space<semaphore_mem>>) src(%arg9 : memref<80x128xf32, #tpu.memory_space<vmem>>) dst(%dma_wait3A_118 : memref<80x128xf32, #tpu.memory_space<vmem_shared>>)
    %mul3A_119 = arith.constant 640 : i32
    %mul3A_120 = arith.muli %arg1, %mul3A_119 : i32
    %add3A_121 = arith.constant 480 : i32
    %add3A_122 = arith.addi %mul3A_120, %add3A_121 : i32
    %dma_wait3A_123 = arith.constant 0 : i32
    %dma_wait3A_124 = tpu.memref_slice %arg11[%add3A_122, %dma_wait3A_123] : memref<10240x128xf32, #tpu.memory_space<vmem_shared>> -> memref<80x128xf32, #tpu.memory_space<vmem_shared>>
    %dma_wait3A_125 = arith.constant 0 : i32
    %dma_wait3A_126 = tpu.memref_slice %arg11[%add3A_122, %dma_wait3A_125] : memref<10240x128xf32, #tpu.memory_space<vmem_shared>> -> memref<80x128xf32, #tpu.memory_space<vmem_shared>>
    tpu.wait_dma2 semaphore(%arg14 : memref<!tpu.dma_semaphore, #tpu.memory_space<semaphore_mem>>) src(%arg9 : memref<80x128xf32, #tpu.memory_space<vmem>>) dst(%dma_wait3A_126 : memref<80x128xf32, #tpu.memory_space<vmem_shared>>)
    %mul3A_127 = arith.constant 640 : i32
    %mul3A_128 = arith.muli %arg1, %mul3A_127 : i32
    %add3A_129 = arith.constant 560 : i32
    %add3A_130 = arith.addi %mul3A_128, %add3A_129 : i32
    %dma_wait3A_131 = arith.constant 0 : i32
    %dma_wait3A_132 = tpu.memref_slice %arg11[%add3A_130, %dma_wait3A_131] : memref<10240x128xf32, #tpu.memory_space<vmem_shared>> -> memref<80x128xf32, #tpu.memory_space<vmem_shared>>
    %dma_wait3A_133 = arith.constant 0 : i32
    %dma_wait3A_134 = tpu.memref_slice %arg11[%add3A_130, %dma_wait3A_133] : memref<10240x128xf32, #tpu.memory_space<vmem_shared>> -> memref<80x128xf32, #tpu.memory_space<vmem_shared>>
    tpu.wait_dma2 semaphore(%arg14 : memref<!tpu.dma_semaphore, #tpu.memory_space<semaphore_mem>>) src(%arg9 : memref<80x128xf32, #tpu.memory_space<vmem>>) dst(%dma_wait3A_134 : memref<80x128xf32, #tpu.memory_space<vmem_shared>>)
    %dma_wait3A_135 = arith.constant 0 : i32
    %dma_wait3A_136 = arith.constant 0 : i32
    %dma_wait3A_137 = tpu.memref_slice %arg4[%add3A, %dma_wait3A_135, %dma_wait3A_136] : memref<32x126x80xi32, #tpu.memory_space<hbm>> -> memref<1x126x80xi32, #tpu.memory_space<hbm>>
    %dma_wait3A_138 = tpu.memref_squeeze %dma_wait3A_137 : memref<1x126x80xi32, #tpu.memory_space<hbm>> -> memref<126x80xi32, #tpu.memory_space<hbm>>
    %dma_wait3A_139 = arith.constant 0 : i32
    %dma_wait3A_140 = arith.constant 0 : i32
    %dma_wait3A_141 = tpu.memref_slice %arg4[%add3A, %dma_wait3A_139, %dma_wait3A_140] : memref<32x126x80xi32, #tpu.memory_space<hbm>> -> memref<1x126x80xi32, #tpu.memory_space<hbm>>
    %dma_wait3A_142 = tpu.memref_squeeze %dma_wait3A_141 : memref<1x126x80xi32, #tpu.memory_space<hbm>> -> memref<126x80xi32, #tpu.memory_space<hbm>>
    tpu.wait_dma2 semaphore(%arg13 : memref<!tpu.dma_semaphore, #tpu.memory_space<semaphore_mem>>) src(%dma_wait3A_142 : memref<126x80xi32, #tpu.memory_space<hbm>>) dst(%arg8 : memref<126x80xi32, #tpu.memory_space<vmem>>)
    "tpu.region"() ({
      %run_scoped3A = tpu.sem_alloc : memref<!tpu.dma_semaphore, #tpu.memory_space<semaphore_mem>>
      %dma_start3A_299 = arith.constant 0 : i32
      %dma_start3A_300 = arith.constant 0 : i32
      %dma_start3A_301 = tpu.memref_slice %arg2[%dma_start3A_299, %dma_start3A_300] : memref<80x128xf32, #tpu.memory_space<hbm>> -> memref<80x128xf32, #tpu.memory_space<hbm>>
      %dma_start3A_302 = arith.constant 0 : i32
      %dma_start3A_303 = arith.constant 0 : i32
      %dma_start3A_304 = tpu.memref_slice %arg2[%dma_start3A_302, %dma_start3A_303] : memref<80x128xf32, #tpu.memory_space<hbm>> -> memref<80x128xf32, #tpu.memory_space<hbm>>
      tpu.enqueue_dma source(%dma_start3A_304 : memref<80x128xf32, #tpu.memory_space<hbm>>) target(%arg9 : memref<80x128xf32, #tpu.memory_space<vmem>>) target_semaphore(%run_scoped3A : memref<!tpu.dma_semaphore, #tpu.memory_space<semaphore_mem>>)
      %dma_wait3A_305 = arith.constant 0 : i32
      %dma_wait3A_306 = arith.constant 0 : i32
      %dma_wait3A_307 = tpu.memref_slice %arg2[%dma_wait3A_305, %dma_wait3A_306] : memref<80x128xf32, #tpu.memory_space<hbm>> -> memref<80x128xf32, #tpu.memory_space<hbm>>
      %dma_wait3A_308 = arith.constant 0 : i32
      %dma_wait3A_309 = arith.constant 0 : i32
      %dma_wait3A_310 = tpu.memref_slice %arg2[%dma_wait3A_308, %dma_wait3A_309] : memref<80x128xf32, #tpu.memory_space<hbm>> -> memref<80x128xf32, #tpu.memory_space<hbm>>
      tpu.wait_dma2 semaphore(%run_scoped3A : memref<!tpu.dma_semaphore, #tpu.memory_space<semaphore_mem>>) src(%dma_wait3A_310 : memref<80x128xf32, #tpu.memory_space<hbm>>) dst(%arg9 : memref<80x128xf32, #tpu.memory_space<vmem>>)
      tpu.yield
    }) : () -> ()
    %barrier3A = arith.constant 0 : index
    tpu.barrier barrier_id(%barrier3A)
    %scan3A = arith.constant 0 : i32
    %scan3A_143 = arith.constant 0 : i32
    %scan3A_144 = arith.constant 126 : i32
    %scan3A_145 = arith.addi %scan3A_143, %scan3A_144 : i32
    %scan3A_146 = arith.constant 1 : i32
    scf.for %scan3A_299 = %scan3A_143 to %scan3A_145 step %scan3A_146  : i32 {
      "tpu.region"() ({
        %run_scoped3A = tpu.sem_alloc : memref<!tpu.dma_semaphore, #tpu.memory_space<semaphore_mem>>
        %dma_start3A_300 = arith.constant 0 : i32
        %dma_start3A_301 = tpu.memref_slice %arg8[%scan3A_299, %dma_start3A_300] : memref<126x80xi32, #tpu.memory_space<vmem>> -> memref<1x80xi32, #tpu.memory_space<vmem>>
        %dma_start3A_302 = tpu.memref_squeeze %dma_start3A_301 : memref<1x80xi32, #tpu.memory_space<vmem>> -> memref<80xi32, #tpu.memory_space<vmem>>
        %dma_start3A_303 = arith.constant 0 : i32
        %dma_start3A_304 = arith.constant 0 : i32
        %dma_start3A_305 = tpu.memref_slice %arg11[%dma_start3A_303, %dma_start3A_304] : memref<10240x128xf32, #tpu.memory_space<vmem_shared>> -> memref<10240x128xf32, #tpu.memory_space<vmem_shared>>
        tpu.enqueue_indirect_dma source(%arg9 : memref<80x128xf32, #tpu.memory_space<vmem>>) target(%dma_start3A_305 : memref<10240x128xf32, #tpu.memory_space<vmem_shared>>) offsets(%dma_start3A_302 : memref<80xi32, #tpu.memory_space<vmem>>) semaphore(%run_scoped3A : memref<!tpu.dma_semaphore, #tpu.memory_space<semaphore_mem>>) {add = true}
        %dma_wait3A_306 = arith.constant 0 : i32
        %dma_wait3A_307 = tpu.memref_slice %arg8[%scan3A_299, %dma_wait3A_306] : memref<126x80xi32, #tpu.memory_space<vmem>> -> memref<1x80xi32, #tpu.memory_space<vmem>>
        %dma_wait3A_308 = tpu.memref_squeeze %dma_wait3A_307 : memref<1x80xi32, #tpu.memory_space<vmem>> -> memref<80xi32, #tpu.memory_space<vmem>>
        %dma_wait3A_309 = arith.constant 0 : i32
        %dma_wait3A_310 = arith.constant 0 : i32
        %dma_wait3A_311 = tpu.memref_slice %arg11[%dma_wait3A_309, %dma_wait3A_310] : memref<10240x128xf32, #tpu.memory_space<vmem_shared>> -> memref<10240x128xf32, #tpu.memory_space<vmem_shared>>
        tpu.wait_indirect_dma semaphore(%run_scoped3A : memref<!tpu.dma_semaphore, #tpu.memory_space<semaphore_mem>>) src(%arg9 : memref<80x128xf32, #tpu.memory_space<vmem>>) dst(%dma_wait3A_311 : memref<10240x128xf32, #tpu.memory_space<vmem_shared>>)
        tpu.yield
      }) : () -> ()
    }
    %scan3A_147 = arith.constant 126 : i32
    %barrier3A_148 = arith.constant 0 : index
    tpu.barrier barrier_id(%barrier3A_148)
    %mul3A_149 = arith.constant 640 : i32
    %mul3A_150 = arith.muli %arg1, %mul3A_149 : i32
    "tpu.region"() ({
      %run_scoped3A = tpu.sem_alloc : memref<!tpu.dma_semaphore, #tpu.memory_space<semaphore_mem>>
      %dma_start3A_299 = arith.constant 0 : i32
      %dma_start3A_300 = tpu.memref_slice %arg11[%mul3A_150, %dma_start3A_299] : memref<10240x128xf32, #tpu.memory_space<vmem_shared>> -> memref<80x128xf32, #tpu.memory_space<vmem_shared>>
      %dma_start3A_301 = arith.constant 0 : i32
      %dma_start3A_302 = tpu.memref_slice %arg11[%mul3A_150, %dma_start3A_301] : memref<10240x128xf32, #tpu.memory_space<vmem_shared>> -> memref<80x128xf32, #tpu.memory_space<vmem_shared>>
      tpu.enqueue_dma source(%dma_start3A_302 : memref<80x128xf32, #tpu.memory_space<vmem_shared>>) target(%arg9 : memref<80x128xf32, #tpu.memory_space<vmem>>) target_semaphore(%run_scoped3A : memref<!tpu.dma_semaphore, #tpu.memory_space<semaphore_mem>>)
      %dma_wait3A_303 = arith.constant 0 : i32
      %dma_wait3A_304 = tpu.memref_slice %arg11[%mul3A_150, %dma_wait3A_303] : memref<10240x128xf32, #tpu.memory_space<vmem_shared>> -> memref<80x128xf32, #tpu.memory_space<vmem_shared>>
      %dma_wait3A_305 = arith.constant 0 : i32
      %dma_wait3A_306 = tpu.memref_slice %arg11[%mul3A_150, %dma_wait3A_305] : memref<10240x128xf32, #tpu.memory_space<vmem_shared>> -> memref<80x128xf32, #tpu.memory_space<vmem_shared>>
      tpu.wait_dma2 semaphore(%run_scoped3A : memref<!tpu.dma_semaphore, #tpu.memory_space<semaphore_mem>>) src(%dma_wait3A_306 : memref<80x128xf32, #tpu.memory_space<vmem_shared>>) dst(%arg9 : memref<80x128xf32, #tpu.memory_space<vmem>>)
      tpu.yield
    }) : () -> ()
    %mul3A_151 = arith.constant 10240 : i32
    %mul3A_152 = arith.muli %arg0, %mul3A_151 : i32
    %mul3A_153 = arith.constant 640 : i32
    %mul3A_154 = arith.muli %arg1, %mul3A_153 : i32
    %add3A_155 = arith.addi %mul3A_152, %mul3A_154 : i32
    %add3A_156 = arith.constant 0 : i32
    %add3A_157 = arith.addi %add3A_155, %add3A_156 : i32
    %dma_start3A_158 = arith.constant 0 : i32
    %dma_start3A_159 = tpu.memref_slice %arg6[%add3A_157, %dma_start3A_158] : memref<20480x128xf32, #tpu.memory_space<hbm>> -> memref<80x128xf32, #tpu.memory_space<hbm>>
    %dma_start3A_160 = arith.constant 0 : i32
    %dma_start3A_161 = tpu.memref_slice %arg6[%add3A_157, %dma_start3A_160] : memref<20480x128xf32, #tpu.memory_space<hbm>> -> memref<80x128xf32, #tpu.memory_space<hbm>>
    tpu.enqueue_dma source(%arg9 : memref<80x128xf32, #tpu.memory_space<vmem>>) target(%dma_start3A_161 : memref<80x128xf32, #tpu.memory_space<hbm>>) target_semaphore(%arg12 : memref<!tpu.dma_semaphore, #tpu.memory_space<semaphore_mem>>)
    %mul3A_162 = arith.constant 640 : i32
    %mul3A_163 = arith.muli %arg1, %mul3A_162 : i32
    %add3A_164 = arith.constant 80 : i32
    %add3A_165 = arith.addi %mul3A_163, %add3A_164 : i32
    "tpu.region"() ({
      %run_scoped3A = tpu.sem_alloc : memref<!tpu.dma_semaphore, #tpu.memory_space<semaphore_mem>>
      %dma_start3A_299 = arith.constant 0 : i32
      %dma_start3A_300 = tpu.memref_slice %arg11[%add3A_165, %dma_start3A_299] : memref<10240x128xf32, #tpu.memory_space<vmem_shared>> -> memref<80x128xf32, #tpu.memory_space<vmem_shared>>
      %dma_start3A_301 = arith.constant 0 : i32
      %dma_start3A_302 = tpu.memref_slice %arg11[%add3A_165, %dma_start3A_301] : memref<10240x128xf32, #tpu.memory_space<vmem_shared>> -> memref<80x128xf32, #tpu.memory_space<vmem_shared>>
      tpu.enqueue_dma source(%dma_start3A_302 : memref<80x128xf32, #tpu.memory_space<vmem_shared>>) target(%arg10 : memref<80x128xf32, #tpu.memory_space<vmem>>) target_semaphore(%run_scoped3A : memref<!tpu.dma_semaphore, #tpu.memory_space<semaphore_mem>>)
      %dma_wait3A_303 = arith.constant 0 : i32
      %dma_wait3A_304 = tpu.memref_slice %arg11[%add3A_165, %dma_wait3A_303] : memref<10240x128xf32, #tpu.memory_space<vmem_shared>> -> memref<80x128xf32, #tpu.memory_space<vmem_shared>>
      %dma_wait3A_305 = arith.constant 0 : i32
      %dma_wait3A_306 = tpu.memref_slice %arg11[%add3A_165, %dma_wait3A_305] : memref<10240x128xf32, #tpu.memory_space<vmem_shared>> -> memref<80x128xf32, #tpu.memory_space<vmem_shared>>
      tpu.wait_dma2 semaphore(%run_scoped3A : memref<!tpu.dma_semaphore, #tpu.memory_space<semaphore_mem>>) src(%dma_wait3A_306 : memref<80x128xf32, #tpu.memory_space<vmem_shared>>) dst(%arg10 : memref<80x128xf32, #tpu.memory_space<vmem>>)
      tpu.yield
    }) : () -> ()
    %dma_wait3A_166 = arith.constant 0 : i32
    %dma_wait3A_167 = tpu.memref_slice %arg6[%add3A_157, %dma_wait3A_166] : memref<20480x128xf32, #tpu.memory_space<hbm>> -> memref<80x128xf32, #tpu.memory_space<hbm>>
    %dma_wait3A_168 = arith.constant 0 : i32
    %dma_wait3A_169 = tpu.memref_slice %arg6[%add3A_157, %dma_wait3A_168] : memref<20480x128xf32, #tpu.memory_space<hbm>> -> memref<80x128xf32, #tpu.memory_space<hbm>>
    tpu.wait_dma2 semaphore(%arg12 : memref<!tpu.dma_semaphore, #tpu.memory_space<semaphore_mem>>) src(%arg9 : memref<80x128xf32, #tpu.memory_space<vmem>>) dst(%dma_wait3A_169 : memref<80x128xf32, #tpu.memory_space<hbm>>)
    %mul3A_170 = arith.constant 10240 : i32
    %mul3A_171 = arith.muli %arg0, %mul3A_170 : i32
    %mul3A_172 = arith.constant 640 : i32
    %mul3A_173 = arith.muli %arg1, %mul3A_172 : i32
    %add3A_174 = arith.addi %mul3A_171, %mul3A_173 : i32
    %add3A_175 = arith.constant 80 : i32
    %add3A_176 = arith.addi %add3A_174, %add3A_175 : i32
    %dma_start3A_177 = arith.constant 0 : i32
    %dma_start3A_178 = tpu.memref_slice %arg6[%add3A_176, %dma_start3A_177] : memref<20480x128xf32, #tpu.memory_space<hbm>> -> memref<80x128xf32, #tpu.memory_space<hbm>>
    %dma_start3A_179 = arith.constant 0 : i32
    %dma_start3A_180 = tpu.memref_slice %arg6[%add3A_176, %dma_start3A_179] : memref<20480x128xf32, #tpu.memory_space<hbm>> -> memref<80x128xf32, #tpu.memory_space<hbm>>
    tpu.enqueue_dma source(%arg10 : memref<80x128xf32, #tpu.memory_space<vmem>>) target(%dma_start3A_180 : memref<80x128xf32, #tpu.memory_space<hbm>>) target_semaphore(%arg13 : memref<!tpu.dma_semaphore, #tpu.memory_space<semaphore_mem>>)
    %mul3A_181 = arith.constant 640 : i32
    %mul3A_182 = arith.muli %arg1, %mul3A_181 : i32
    %add3A_183 = arith.constant 160 : i32
    %add3A_184 = arith.addi %mul3A_182, %add3A_183 : i32
    "tpu.region"() ({
      %run_scoped3A = tpu.sem_alloc : memref<!tpu.dma_semaphore, #tpu.memory_space<semaphore_mem>>
      %dma_start3A_299 = arith.constant 0 : i32
      %dma_start3A_300 = tpu.memref_slice %arg11[%add3A_184, %dma_start3A_299] : memref<10240x128xf32, #tpu.memory_space<vmem_shared>> -> memref<80x128xf32, #tpu.memory_space<vmem_shared>>
      %dma_start3A_301 = arith.constant 0 : i32
      %dma_start3A_302 = tpu.memref_slice %arg11[%add3A_184, %dma_start3A_301] : memref<10240x128xf32, #tpu.memory_space<vmem_shared>> -> memref<80x128xf32, #tpu.memory_space<vmem_shared>>
      tpu.enqueue_dma source(%dma_start3A_302 : memref<80x128xf32, #tpu.memory_space<vmem_shared>>) target(%arg9 : memref<80x128xf32, #tpu.memory_space<vmem>>) target_semaphore(%run_scoped3A : memref<!tpu.dma_semaphore, #tpu.memory_space<semaphore_mem>>)
      %dma_wait3A_303 = arith.constant 0 : i32
      %dma_wait3A_304 = tpu.memref_slice %arg11[%add3A_184, %dma_wait3A_303] : memref<10240x128xf32, #tpu.memory_space<vmem_shared>> -> memref<80x128xf32, #tpu.memory_space<vmem_shared>>
      %dma_wait3A_305 = arith.constant 0 : i32
      %dma_wait3A_306 = tpu.memref_slice %arg11[%add3A_184, %dma_wait3A_305] : memref<10240x128xf32, #tpu.memory_space<vmem_shared>> -> memref<80x128xf32, #tpu.memory_space<vmem_shared>>
      tpu.wait_dma2 semaphore(%run_scoped3A : memref<!tpu.dma_semaphore, #tpu.memory_space<semaphore_mem>>) src(%dma_wait3A_306 : memref<80x128xf32, #tpu.memory_space<vmem_shared>>) dst(%arg9 : memref<80x128xf32, #tpu.memory_space<vmem>>)
      tpu.yield
    }) : () -> ()
    %dma_wait3A_185 = arith.constant 0 : i32
    %dma_wait3A_186 = tpu.memref_slice %arg6[%add3A_176, %dma_wait3A_185] : memref<20480x128xf32, #tpu.memory_space<hbm>> -> memref<80x128xf32, #tpu.memory_space<hbm>>
    %dma_wait3A_187 = arith.constant 0 : i32
    %dma_wait3A_188 = tpu.memref_slice %arg6[%add3A_176, %dma_wait3A_187] : memref<20480x128xf32, #tpu.memory_space<hbm>> -> memref<80x128xf32, #tpu.memory_space<hbm>>
    tpu.wait_dma2 semaphore(%arg13 : memref<!tpu.dma_semaphore, #tpu.memory_space<semaphore_mem>>) src(%arg10 : memref<80x128xf32, #tpu.memory_space<vmem>>) dst(%dma_wait3A_188 : memref<80x128xf32, #tpu.memory_space<hbm>>)
    %mul3A_189 = arith.constant 10240 : i32
    %mul3A_190 = arith.muli %arg0, %mul3A_189 : i32
    %mul3A_191 = arith.constant 640 : i32
    %mul3A_192 = arith.muli %arg1, %mul3A_191 : i32
    %add3A_193 = arith.addi %mul3A_190, %mul3A_192 : i32
    %add3A_194 = arith.constant 160 : i32
    %add3A_195 = arith.addi %add3A_193, %add3A_194 : i32
    %dma_start3A_196 = arith.constant 0 : i32
    %dma_start3A_197 = tpu.memref_slice %arg6[%add3A_195, %dma_start3A_196] : memref<20480x128xf32, #tpu.memory_space<hbm>> -> memref<80x128xf32, #tpu.memory_space<hbm>>
    %dma_start3A_198 = arith.constant 0 : i32
    %dma_start3A_199 = tpu.memref_slice %arg6[%add3A_195, %dma_start3A_198] : memref<20480x128xf32, #tpu.memory_space<hbm>> -> memref<80x128xf32, #tpu.memory_space<hbm>>
    tpu.enqueue_dma source(%arg9 : memref<80x128xf32, #tpu.memory_space<vmem>>) target(%dma_start3A_199 : memref<80x128xf32, #tpu.memory_space<hbm>>) target_semaphore(%arg12 : memref<!tpu.dma_semaphore, #tpu.memory_space<semaphore_mem>>)
    %mul3A_200 = arith.constant 640 : i32
    %mul3A_201 = arith.muli %arg1, %mul3A_200 : i32
    %add3A_202 = arith.constant 240 : i32
    %add3A_203 = arith.addi %mul3A_201, %add3A_202 : i32
    "tpu.region"() ({
      %run_scoped3A = tpu.sem_alloc : memref<!tpu.dma_semaphore, #tpu.memory_space<semaphore_mem>>
      %dma_start3A_299 = arith.constant 0 : i32
      %dma_start3A_300 = tpu.memref_slice %arg11[%add3A_203, %dma_start3A_299] : memref<10240x128xf32, #tpu.memory_space<vmem_shared>> -> memref<80x128xf32, #tpu.memory_space<vmem_shared>>
      %dma_start3A_301 = arith.constant 0 : i32
      %dma_start3A_302 = tpu.memref_slice %arg11[%add3A_203, %dma_start3A_301] : memref<10240x128xf32, #tpu.memory_space<vmem_shared>> -> memref<80x128xf32, #tpu.memory_space<vmem_shared>>
      tpu.enqueue_dma source(%dma_start3A_302 : memref<80x128xf32, #tpu.memory_space<vmem_shared>>) target(%arg10 : memref<80x128xf32, #tpu.memory_space<vmem>>) target_semaphore(%run_scoped3A : memref<!tpu.dma_semaphore, #tpu.memory_space<semaphore_mem>>)
      %dma_wait3A_303 = arith.constant 0 : i32
      %dma_wait3A_304 = tpu.memref_slice %arg11[%add3A_203, %dma_wait3A_303] : memref<10240x128xf32, #tpu.memory_space<vmem_shared>> -> memref<80x128xf32, #tpu.memory_space<vmem_shared>>
      %dma_wait3A_305 = arith.constant 0 : i32
      %dma_wait3A_306 = tpu.memref_slice %arg11[%add3A_203, %dma_wait3A_305] : memref<10240x128xf32, #tpu.memory_space<vmem_shared>> -> memref<80x128xf32, #tpu.memory_space<vmem_shared>>
      tpu.wait_dma2 semaphore(%run_scoped3A : memref<!tpu.dma_semaphore, #tpu.memory_space<semaphore_mem>>) src(%dma_wait3A_306 : memref<80x128xf32, #tpu.memory_space<vmem_shared>>) dst(%arg10 : memref<80x128xf32, #tpu.memory_space<vmem>>)
      tpu.yield
    }) : () -> ()
    %dma_wait3A_204 = arith.constant 0 : i32
    %dma_wait3A_205 = tpu.memref_slice %arg6[%add3A_195, %dma_wait3A_204] : memref<20480x128xf32, #tpu.memory_space<hbm>> -> memref<80x128xf32, #tpu.memory_space<hbm>>
    %dma_wait3A_206 = arith.constant 0 : i32
    %dma_wait3A_207 = tpu.memref_slice %arg6[%add3A_195, %dma_wait3A_206] : memref<20480x128xf32, #tpu.memory_space<hbm>> -> memref<80x128xf32, #tpu.memory_space<hbm>>
    tpu.wait_dma2 semaphore(%arg12 : memref<!tpu.dma_semaphore, #tpu.memory_space<semaphore_mem>>) src(%arg9 : memref<80x128xf32, #tpu.memory_space<vmem>>) dst(%dma_wait3A_207 : memref<80x128xf32, #tpu.memory_space<hbm>>)
    %mul3A_208 = arith.constant 10240 : i32
    %mul3A_209 = arith.muli %arg0, %mul3A_208 : i32
    %mul3A_210 = arith.constant 640 : i32
    %mul3A_211 = arith.muli %arg1, %mul3A_210 : i32
    %add3A_212 = arith.addi %mul3A_209, %mul3A_211 : i32
    %add3A_213 = arith.constant 240 : i32
    %add3A_214 = arith.addi %add3A_212, %add3A_213 : i32
    %dma_start3A_215 = arith.constant 0 : i32
    %dma_start3A_216 = tpu.memref_slice %arg6[%add3A_214, %dma_start3A_215] : memref<20480x128xf32, #tpu.memory_space<hbm>> -> memref<80x128xf32, #tpu.memory_space<hbm>>
    %dma_start3A_217 = arith.constant 0 : i32
    %dma_start3A_218 = tpu.memref_slice %arg6[%add3A_214, %dma_start3A_217] : memref<20480x128xf32, #tpu.memory_space<hbm>> -> memref<80x128xf32, #tpu.memory_space<hbm>>
    tpu.enqueue_dma source(%arg10 : memref<80x128xf32, #tpu.memory_space<vmem>>) target(%dma_start3A_218 : memref<80x128xf32, #tpu.memory_space<hbm>>) target_semaphore(%arg13 : memref<!tpu.dma_semaphore, #tpu.memory_space<semaphore_mem>>)
    %mul3A_219 = arith.constant 640 : i32
    %mul3A_220 = arith.muli %arg1, %mul3A_219 : i32
    %add3A_221 = arith.constant 320 : i32
    %add3A_222 = arith.addi %mul3A_220, %add3A_221 : i32
    "tpu.region"() ({
      %run_scoped3A = tpu.sem_alloc : memref<!tpu.dma_semaphore, #tpu.memory_space<semaphore_mem>>
      %dma_start3A_299 = arith.constant 0 : i32
      %dma_start3A_300 = tpu.memref_slice %arg11[%add3A_222, %dma_start3A_299] : memref<10240x128xf32, #tpu.memory_space<vmem_shared>> -> memref<80x128xf32, #tpu.memory_space<vmem_shared>>
      %dma_start3A_301 = arith.constant 0 : i32
      %dma_start3A_302 = tpu.memref_slice %arg11[%add3A_222, %dma_start3A_301] : memref<10240x128xf32, #tpu.memory_space<vmem_shared>> -> memref<80x128xf32, #tpu.memory_space<vmem_shared>>
      tpu.enqueue_dma source(%dma_start3A_302 : memref<80x128xf32, #tpu.memory_space<vmem_shared>>) target(%arg9 : memref<80x128xf32, #tpu.memory_space<vmem>>) target_semaphore(%run_scoped3A : memref<!tpu.dma_semaphore, #tpu.memory_space<semaphore_mem>>)
      %dma_wait3A_303 = arith.constant 0 : i32
      %dma_wait3A_304 = tpu.memref_slice %arg11[%add3A_222, %dma_wait3A_303] : memref<10240x128xf32, #tpu.memory_space<vmem_shared>> -> memref<80x128xf32, #tpu.memory_space<vmem_shared>>
      %dma_wait3A_305 = arith.constant 0 : i32
      %dma_wait3A_306 = tpu.memref_slice %arg11[%add3A_222, %dma_wait3A_305] : memref<10240x128xf32, #tpu.memory_space<vmem_shared>> -> memref<80x128xf32, #tpu.memory_space<vmem_shared>>
      tpu.wait_dma2 semaphore(%run_scoped3A : memref<!tpu.dma_semaphore, #tpu.memory_space<semaphore_mem>>) src(%dma_wait3A_306 : memref<80x128xf32, #tpu.memory_space<vmem_shared>>) dst(%arg9 : memref<80x128xf32, #tpu.memory_space<vmem>>)
      tpu.yield
    }) : () -> ()
    %dma_wait3A_223 = arith.constant 0 : i32
    %dma_wait3A_224 = tpu.memref_slice %arg6[%add3A_214, %dma_wait3A_223] : memref<20480x128xf32, #tpu.memory_space<hbm>> -> memref<80x128xf32, #tpu.memory_space<hbm>>
    %dma_wait3A_225 = arith.constant 0 : i32
    %dma_wait3A_226 = tpu.memref_slice %arg6[%add3A_214, %dma_wait3A_225] : memref<20480x128xf32, #tpu.memory_space<hbm>> -> memref<80x128xf32, #tpu.memory_space<hbm>>
    tpu.wait_dma2 semaphore(%arg13 : memref<!tpu.dma_semaphore, #tpu.memory_space<semaphore_mem>>) src(%arg10 : memref<80x128xf32, #tpu.memory_space<vmem>>) dst(%dma_wait3A_226 : memref<80x128xf32, #tpu.memory_space<hbm>>)
    %mul3A_227 = arith.constant 10240 : i32
    %mul3A_228 = arith.muli %arg0, %mul3A_227 : i32
    %mul3A_229 = arith.constant 640 : i32
    %mul3A_230 = arith.muli %arg1, %mul3A_229 : i32
    %add3A_231 = arith.addi %mul3A_228, %mul3A_230 : i32
    %add3A_232 = arith.constant 320 : i32
    %add3A_233 = arith.addi %add3A_231, %add3A_232 : i32
    %dma_start3A_234 = arith.constant 0 : i32
    %dma_start3A_235 = tpu.memref_slice %arg6[%add3A_233, %dma_start3A_234] : memref<20480x128xf32, #tpu.memory_space<hbm>> -> memref<80x128xf32, #tpu.memory_space<hbm>>
    %dma_start3A_236 = arith.constant 0 : i32
    %dma_start3A_237 = tpu.memref_slice %arg6[%add3A_233, %dma_start3A_236] : memref<20480x128xf32, #tpu.memory_space<hbm>> -> memref<80x128xf32, #tpu.memory_space<hbm>>
    tpu.enqueue_dma source(%arg9 : memref<80x128xf32, #tpu.memory_space<vmem>>) target(%dma_start3A_237 : memref<80x128xf32, #tpu.memory_space<hbm>>) target_semaphore(%arg12 : memref<!tpu.dma_semaphore, #tpu.memory_space<semaphore_mem>>)
    %mul3A_238 = arith.constant 640 : i32
    %mul3A_239 = arith.muli %arg1, %mul3A_238 : i32
    %add3A_240 = arith.constant 400 : i32
    %add3A_241 = arith.addi %mul3A_239, %add3A_240 : i32
    "tpu.region"() ({
      %run_scoped3A = tpu.sem_alloc : memref<!tpu.dma_semaphore, #tpu.memory_space<semaphore_mem>>
      %dma_start3A_299 = arith.constant 0 : i32
      %dma_start3A_300 = tpu.memref_slice %arg11[%add3A_241, %dma_start3A_299] : memref<10240x128xf32, #tpu.memory_space<vmem_shared>> -> memref<80x128xf32, #tpu.memory_space<vmem_shared>>
      %dma_start3A_301 = arith.constant 0 : i32
      %dma_start3A_302 = tpu.memref_slice %arg11[%add3A_241, %dma_start3A_301] : memref<10240x128xf32, #tpu.memory_space<vmem_shared>> -> memref<80x128xf32, #tpu.memory_space<vmem_shared>>
      tpu.enqueue_dma source(%dma_start3A_302 : memref<80x128xf32, #tpu.memory_space<vmem_shared>>) target(%arg10 : memref<80x128xf32, #tpu.memory_space<vmem>>) target_semaphore(%run_scoped3A : memref<!tpu.dma_semaphore, #tpu.memory_space<semaphore_mem>>)
      %dma_wait3A_303 = arith.constant 0 : i32
      %dma_wait3A_304 = tpu.memref_slice %arg11[%add3A_241, %dma_wait3A_303] : memref<10240x128xf32, #tpu.memory_space<vmem_shared>> -> memref<80x128xf32, #tpu.memory_space<vmem_shared>>
      %dma_wait3A_305 = arith.constant 0 : i32
      %dma_wait3A_306 = tpu.memref_slice %arg11[%add3A_241, %dma_wait3A_305] : memref<10240x128xf32, #tpu.memory_space<vmem_shared>> -> memref<80x128xf32, #tpu.memory_space<vmem_shared>>
      tpu.wait_dma2 semaphore(%run_scoped3A : memref<!tpu.dma_semaphore, #tpu.memory_space<semaphore_mem>>) src(%dma_wait3A_306 : memref<80x128xf32, #tpu.memory_space<vmem_shared>>) dst(%arg10 : memref<80x128xf32, #tpu.memory_space<vmem>>)
      tpu.yield
    }) : () -> ()
    %dma_wait3A_242 = arith.constant 0 : i32
    %dma_wait3A_243 = tpu.memref_slice %arg6[%add3A_233, %dma_wait3A_242] : memref<20480x128xf32, #tpu.memory_space<hbm>> -> memref<80x128xf32, #tpu.memory_space<hbm>>
    %dma_wait3A_244 = arith.constant 0 : i32
    %dma_wait3A_245 = tpu.memref_slice %arg6[%add3A_233, %dma_wait3A_244] : memref<20480x128xf32, #tpu.memory_space<hbm>> -> memref<80x128xf32, #tpu.memory_space<hbm>>
    tpu.wait_dma2 semaphore(%arg12 : memref<!tpu.dma_semaphore, #tpu.memory_space<semaphore_mem>>) src(%arg9 : memref<80x128xf32, #tpu.memory_space<vmem>>) dst(%dma_wait3A_245 : memref<80x128xf32, #tpu.memory_space<hbm>>)
    %mul3A_246 = arith.constant 10240 : i32
    %mul3A_247 = arith.muli %arg0, %mul3A_246 : i32
    %mul3A_248 = arith.constant 640 : i32
    %mul3A_249 = arith.muli %arg1, %mul3A_248 : i32
    %add3A_250 = arith.addi %mul3A_247, %mul3A_249 : i32
    %add3A_251 = arith.constant 400 : i32
    %add3A_252 = arith.addi %add3A_250, %add3A_251 : i32
    %dma_start3A_253 = arith.constant 0 : i32
    %dma_start3A_254 = tpu.memref_slice %arg6[%add3A_252, %dma_start3A_253] : memref<20480x128xf32, #tpu.memory_space<hbm>> -> memref<80x128xf32, #tpu.memory_space<hbm>>
    %dma_start3A_255 = arith.constant 0 : i32
    %dma_start3A_256 = tpu.memref_slice %arg6[%add3A_252, %dma_start3A_255] : memref<20480x128xf32, #tpu.memory_space<hbm>> -> memref<80x128xf32, #tpu.memory_space<hbm>>
    tpu.enqueue_dma source(%arg10 : memref<80x128xf32, #tpu.memory_space<vmem>>) target(%dma_start3A_256 : memref<80x128xf32, #tpu.memory_space<hbm>>) target_semaphore(%arg13 : memref<!tpu.dma_semaphore, #tpu.memory_space<semaphore_mem>>)
    %mul3A_257 = arith.constant 640 : i32
    %mul3A_258 = arith.muli %arg1, %mul3A_257 : i32
    %add3A_259 = arith.constant 480 : i32
    %add3A_260 = arith.addi %mul3A_258, %add3A_259 : i32
    "tpu.region"() ({
      %run_scoped3A = tpu.sem_alloc : memref<!tpu.dma_semaphore, #tpu.memory_space<semaphore_mem>>
      %dma_start3A_299 = arith.constant 0 : i32
      %dma_start3A_300 = tpu.memref_slice %arg11[%add3A_260, %dma_start3A_299] : memref<10240x128xf32, #tpu.memory_space<vmem_shared>> -> memref<80x128xf32, #tpu.memory_space<vmem_shared>>
      %dma_start3A_301 = arith.constant 0 : i32
      %dma_start3A_302 = tpu.memref_slice %arg11[%add3A_260, %dma_start3A_301] : memref<10240x128xf32, #tpu.memory_space<vmem_shared>> -> memref<80x128xf32, #tpu.memory_space<vmem_shared>>
      tpu.enqueue_dma source(%dma_start3A_302 : memref<80x128xf32, #tpu.memory_space<vmem_shared>>) target(%arg9 : memref<80x128xf32, #tpu.memory_space<vmem>>) target_semaphore(%run_scoped3A : memref<!tpu.dma_semaphore, #tpu.memory_space<semaphore_mem>>)
      %dma_wait3A_303 = arith.constant 0 : i32
      %dma_wait3A_304 = tpu.memref_slice %arg11[%add3A_260, %dma_wait3A_303] : memref<10240x128xf32, #tpu.memory_space<vmem_shared>> -> memref<80x128xf32, #tpu.memory_space<vmem_shared>>
      %dma_wait3A_305 = arith.constant 0 : i32
      %dma_wait3A_306 = tpu.memref_slice %arg11[%add3A_260, %dma_wait3A_305] : memref<10240x128xf32, #tpu.memory_space<vmem_shared>> -> memref<80x128xf32, #tpu.memory_space<vmem_shared>>
      tpu.wait_dma2 semaphore(%run_scoped3A : memref<!tpu.dma_semaphore, #tpu.memory_space<semaphore_mem>>) src(%dma_wait3A_306 : memref<80x128xf32, #tpu.memory_space<vmem_shared>>) dst(%arg9 : memref<80x128xf32, #tpu.memory_space<vmem>>)
      tpu.yield
    }) : () -> ()
    %dma_wait3A_261 = arith.constant 0 : i32
    %dma_wait3A_262 = tpu.memref_slice %arg6[%add3A_252, %dma_wait3A_261] : memref<20480x128xf32, #tpu.memory_space<hbm>> -> memref<80x128xf32, #tpu.memory_space<hbm>>
    %dma_wait3A_263 = arith.constant 0 : i32
    %dma_wait3A_264 = tpu.memref_slice %arg6[%add3A_252, %dma_wait3A_263] : memref<20480x128xf32, #tpu.memory_space<hbm>> -> memref<80x128xf32, #tpu.memory_space<hbm>>
    tpu.wait_dma2 semaphore(%arg13 : memref<!tpu.dma_semaphore, #tpu.memory_space<semaphore_mem>>) src(%arg10 : memref<80x128xf32, #tpu.memory_space<vmem>>) dst(%dma_wait3A_264 : memref<80x128xf32, #tpu.memory_space<hbm>>)
    %mul3A_265 = arith.constant 10240 : i32
    %mul3A_266 = arith.muli %arg0, %mul3A_265 : i32
    %mul3A_267 = arith.constant 640 : i32
    %mul3A_268 = arith.muli %arg1, %mul3A_267 : i32
    %add3A_269 = arith.addi %mul3A_266, %mul3A_268 : i32
    %add3A_270 = arith.constant 480 : i32
    %add3A_271 = arith.addi %add3A_269, %add3A_270 : i32
    %dma_start3A_272 = arith.constant 0 : i32
    %dma_start3A_273 = tpu.memref_slice %arg6[%add3A_271, %dma_start3A_272] : memref<20480x128xf32, #tpu.memory_space<hbm>> -> memref<80x128xf32, #tpu.memory_space<hbm>>
    %dma_start3A_274 = arith.constant 0 : i32
    %dma_start3A_275 = tpu.memref_slice %arg6[%add3A_271, %dma_start3A_274] : memref<20480x128xf32, #tpu.memory_space<hbm>> -> memref<80x128xf32, #tpu.memory_space<hbm>>
    tpu.enqueue_dma source(%arg9 : memref<80x128xf32, #tpu.memory_space<vmem>>) target(%dma_start3A_275 : memref<80x128xf32, #tpu.memory_space<hbm>>) target_semaphore(%arg12 : memref<!tpu.dma_semaphore, #tpu.memory_space<semaphore_mem>>)
    %mul3A_276 = arith.constant 640 : i32
    %mul3A_277 = arith.muli %arg1, %mul3A_276 : i32
    %add3A_278 = arith.constant 560 : i32
    %add3A_279 = arith.addi %mul3A_277, %add3A_278 : i32
    "tpu.region"() ({
      %run_scoped3A = tpu.sem_alloc : memref<!tpu.dma_semaphore, #tpu.memory_space<semaphore_mem>>
      %dma_start3A_299 = arith.constant 0 : i32
      %dma_start3A_300 = tpu.memref_slice %arg11[%add3A_279, %dma_start3A_299] : memref<10240x128xf32, #tpu.memory_space<vmem_shared>> -> memref<80x128xf32, #tpu.memory_space<vmem_shared>>
      %dma_start3A_301 = arith.constant 0 : i32
      %dma_start3A_302 = tpu.memref_slice %arg11[%add3A_279, %dma_start3A_301] : memref<10240x128xf32, #tpu.memory_space<vmem_shared>> -> memref<80x128xf32, #tpu.memory_space<vmem_shared>>
      tpu.enqueue_dma source(%dma_start3A_302 : memref<80x128xf32, #tpu.memory_space<vmem_shared>>) target(%arg10 : memref<80x128xf32, #tpu.memory_space<vmem>>) target_semaphore(%run_scoped3A : memref<!tpu.dma_semaphore, #tpu.memory_space<semaphore_mem>>)
      %dma_wait3A_303 = arith.constant 0 : i32
      %dma_wait3A_304 = tpu.memref_slice %arg11[%add3A_279, %dma_wait3A_303] : memref<10240x128xf32, #tpu.memory_space<vmem_shared>> -> memref<80x128xf32, #tpu.memory_space<vmem_shared>>
      %dma_wait3A_305 = arith.constant 0 : i32
      %dma_wait3A_306 = tpu.memref_slice %arg11[%add3A_279, %dma_wait3A_305] : memref<10240x128xf32, #tpu.memory_space<vmem_shared>> -> memref<80x128xf32, #tpu.memory_space<vmem_shared>>
      tpu.wait_dma2 semaphore(%run_scoped3A : memref<!tpu.dma_semaphore, #tpu.memory_space<semaphore_mem>>) src(%dma_wait3A_306 : memref<80x128xf32, #tpu.memory_space<vmem_shared>>) dst(%arg10 : memref<80x128xf32, #tpu.memory_space<vmem>>)
      tpu.yield
    }) : () -> ()
    %dma_wait3A_280 = arith.constant 0 : i32
    %dma_wait3A_281 = tpu.memref_slice %arg6[%add3A_271, %dma_wait3A_280] : memref<20480x128xf32, #tpu.memory_space<hbm>> -> memref<80x128xf32, #tpu.memory_space<hbm>>
    %dma_wait3A_282 = arith.constant 0 : i32
    %dma_wait3A_283 = tpu.memref_slice %arg6[%add3A_271, %dma_wait3A_282] : memref<20480x128xf32, #tpu.memory_space<hbm>> -> memref<80x128xf32, #tpu.memory_space<hbm>>
    tpu.wait_dma2 semaphore(%arg12 : memref<!tpu.dma_semaphore, #tpu.memory_space<semaphore_mem>>) src(%arg9 : memref<80x128xf32, #tpu.memory_space<vmem>>) dst(%dma_wait3A_283 : memref<80x128xf32, #tpu.memory_space<hbm>>)
    %mul3A_284 = arith.constant 10240 : i32
    %mul3A_285 = arith.muli %arg0, %mul3A_284 : i32
    %mul3A_286 = arith.constant 640 : i32
    %mul3A_287 = arith.muli %arg1, %mul3A_286 : i32
    %add3A_288 = arith.addi %mul3A_285, %mul3A_287 : i32
    %add3A_289 = arith.constant 560 : i32
    %add3A_290 = arith.addi %add3A_288, %add3A_289 : i32
    %dma_start3A_291 = arith.constant 0 : i32
    %dma_start3A_292 = tpu.memref_slice %arg6[%add3A_290, %dma_start3A_291] : memref<20480x128xf32, #tpu.memory_space<hbm>> -> memref<80x128xf32, #tpu.memory_space<hbm>>
    %dma_start3A_293 = arith.constant 0 : i32
    %dma_start3A_294 = tpu.memref_slice %arg6[%add3A_290, %dma_start3A_293] : memref<20480x128xf32, #tpu.memory_space<hbm>> -> memref<80x128xf32, #tpu.memory_space<hbm>>
    tpu.enqueue_dma source(%arg10 : memref<80x128xf32, #tpu.memory_space<vmem>>) target(%dma_start3A_294 : memref<80x128xf32, #tpu.memory_space<hbm>>) target_semaphore(%arg13 : memref<!tpu.dma_semaphore, #tpu.memory_space<semaphore_mem>>)
    %dma_wait3A_295 = arith.constant 0 : i32
    %dma_wait3A_296 = tpu.memref_slice %arg6[%add3A_290, %dma_wait3A_295] : memref<20480x128xf32, #tpu.memory_space<hbm>> -> memref<80x128xf32, #tpu.memory_space<hbm>>
    %dma_wait3A_297 = arith.constant 0 : i32
    %dma_wait3A_298 = tpu.memref_slice %arg6[%add3A_290, %dma_wait3A_297] : memref<20480x128xf32, #tpu.memory_space<hbm>> -> memref<80x128xf32, #tpu.memory_space<hbm>>
    tpu.wait_dma2 semaphore(%arg13 : memref<!tpu.dma_semaphore, #tpu.memory_space<semaphore_mem>>) src(%arg10 : memref<80x128xf32, #tpu.memory_space<vmem>>) dst(%dma_wait3A_298 : memref<80x128xf32, #tpu.memory_space<hbm>>)
    return
  }
}

#map = affine_map<(d0, d1) -> (0, 0)>
#map1 = affine_map<(d0, d1) -> (0, 0, 0)>
module attributes {stable_mosaic.version = 14 : i64} {
  func.func @body(%arg0: i32, %arg1: i32, %arg2: memref<10240x128xf32, #tpu.memory_space<hbm>>, %arg3: memref<32x10080xi32, #tpu.memory_space<hbm>>, %arg4: memref<32x126x80xi32, #tpu.memory_space<hbm>>, %arg5: memref<80x128xf32, #tpu.memory_space<hbm>>, %arg6: memref<20480x128xf32, #tpu.memory_space<hbm>>, %arg7: memref<10080xi32, #tpu.memory_space<vmem>>, %arg8: memref<126x80xi32, #tpu.memory_space<vmem>>, %arg9: memref<80x128xf32, #tpu.memory_space<vmem>>, %arg10: memref<80x128xf32, #tpu.memory_space<vmem>>, %arg11: memref<10240x128xf32, #tpu.memory_space<vmem_shared>>, %arg12: memref<!tpu.dma_semaphore, #tpu.memory_space<semaphore_mem>>, %arg13: memref<!tpu.dma_semaphore, #tpu.memory_space<semaphore_mem>>, %arg14: memref<!tpu.dma_semaphore, #tpu.memory_space<semaphore_mem>>) attributes {dimension_semantics = [#tpu.dimension_semantics<core_parallel>, #tpu.dimension_semantics<subcore_parallel>], iteration_bounds = array<i64: 2, 16>, scalar_prefetch = 0 : i64, scratch_operands = 8 : i64, tpu.core_type = #tpu.core_type<sc_vector_subcore>, window_params = [{transform_indices = #map}, {transform_indices = #map}, {transform_indices = #map1}, {transform_indices = #map}, {transform_indices = #map}]} {
    %mul3A = arith.constant 2 : i32
    %mul3A_0 = arith.muli %arg1, %mul3A : i32
    %add3A = arith.addi %mul3A_0, %arg0 : i32
    %dma_start3A = arith.constant 0 : i32
    %dma_start3A_1 = tpu.memref_slice %arg3[%add3A, %dma_start3A] : memref<32x10080xi32, #tpu.memory_space<hbm>> -> memref<1x10080xi32, #tpu.memory_space<hbm>>
    %dma_start3A_2 = tpu.memref_squeeze %dma_start3A_1 : memref<1x10080xi32, #tpu.memory_space<hbm>> -> memref<10080xi32, #tpu.memory_space<hbm>>
    %dma_start3A_3 = arith.constant 0 : i32
    %dma_start3A_4 = tpu.memref_slice %arg3[%add3A, %dma_start3A_3] : memref<32x10080xi32, #tpu.memory_space<hbm>> -> memref<1x10080xi32, #tpu.memory_space<hbm>>
    %dma_start3A_5 = tpu.memref_squeeze %dma_start3A_4 : memref<1x10080xi32, #tpu.memory_space<hbm>> -> memref<10080xi32, #tpu.memory_space<hbm>>
    tpu.enqueue_dma source(%dma_start3A_5 : memref<10080xi32, #tpu.memory_space<hbm>>) target(%arg7 : memref<10080xi32, #tpu.memory_space<vmem>>) target_semaphore(%arg12 : memref<!tpu.dma_semaphore, #tpu.memory_space<semaphore_mem>>)
    %dma_start3A_6 = arith.constant 0 : i32
    %dma_start3A_7 = arith.constant 0 : i32
    %dma_start3A_8 = tpu.memref_slice %arg4[%add3A, %dma_start3A_6, %dma_start3A_7] : memref<32x126x80xi32, #tpu.memory_space<hbm>> -> memref<1x126x80xi32, #tpu.memory_space<hbm>>
    %dma_start3A_9 = tpu.memref_squeeze %dma_start3A_8 : memref<1x126x80xi32, #tpu.memory_space<hbm>> -> memref<126x80xi32, #tpu.memory_space<hbm>>
    %dma_start3A_10 = arith.constant 0 : i32
    %dma_start3A_11 = arith.constant 0 : i32
    %dma_start3A_12 = tpu.memref_slice %arg4[%add3A, %dma_start3A_10, %dma_start3A_11] : memref<32x126x80xi32, #tpu.memory_space<hbm>> -> memref<1x126x80xi32, #tpu.memory_space<hbm>>
    %dma_start3A_13 = tpu.memref_squeeze %dma_start3A_12 : memref<1x126x80xi32, #tpu.memory_space<hbm>> -> memref<126x80xi32, #tpu.memory_space<hbm>>
    tpu.enqueue_dma source(%dma_start3A_13 : memref<126x80xi32, #tpu.memory_space<hbm>>) target(%arg8 : memref<126x80xi32, #tpu.memory_space<vmem>>) target_semaphore(%arg13 : memref<!tpu.dma_semaphore, #tpu.memory_space<semaphore_mem>>)
    "tpu.region"() ({
      %run_scoped3A = tpu.sem_alloc : memref<!tpu.dma_semaphore, #tpu.memory_space<semaphore_mem>>
      tpu.enqueue_dma source(%arg5 : memref<80x128xf32, #tpu.memory_space<hbm>>) target(%arg9 : memref<80x128xf32, #tpu.memory_space<vmem>>) target_semaphore(%run_scoped3A : memref<!tpu.dma_semaphore, #tpu.memory_space<semaphore_mem>>)
      tpu.wait_dma2 semaphore(%run_scoped3A : memref<!tpu.dma_semaphore, #tpu.memory_space<semaphore_mem>>) src(%arg5 : memref<80x128xf32, #tpu.memory_space<hbm>>) dst(%arg9 : memref<80x128xf32, #tpu.memory_space<vmem>>)
      tpu.yield
    }) : () -> ()
    %mul3A_14 = arith.constant 640 : i32
    %mul3A_15 = arith.muli %arg1, %mul3A_14 : i32
    %add3A_16 = arith.constant 0 : i32
    %add3A_17 = arith.addi %mul3A_15, %add3A_16 : i32
    %dma_start3A_18 = arith.constant 0 : i32
    %dma_start3A_19 = tpu.memref_slice %arg11[%add3A_17, %dma_start3A_18] : memref<10240x128xf32, #tpu.memory_space<vmem_shared>> -> memref<80x128xf32, #tpu.memory_space<vmem_shared>>
    %dma_start3A_20 = arith.constant 0 : i32
    %dma_start3A_21 = tpu.memref_slice %arg11[%add3A_17, %dma_start3A_20] : memref<10240x128xf32, #tpu.memory_space<vmem_shared>> -> memref<80x128xf32, #tpu.memory_space<vmem_shared>>
    tpu.enqueue_dma source(%arg9 : memref<80x128xf32, #tpu.memory_space<vmem>>) target(%dma_start3A_21 : memref<80x128xf32, #tpu.memory_space<vmem_shared>>) target_semaphore(%arg14 : memref<!tpu.dma_semaphore, #tpu.memory_space<semaphore_mem>>)
    %mul3A_22 = arith.constant 640 : i32
    %mul3A_23 = arith.muli %arg1, %mul3A_22 : i32
    %add3A_24 = arith.constant 80 : i32
    %add3A_25 = arith.addi %mul3A_23, %add3A_24 : i32
    %dma_start3A_26 = arith.constant 0 : i32
    %dma_start3A_27 = tpu.memref_slice %arg11[%add3A_25, %dma_start3A_26] : memref<10240x128xf32, #tpu.memory_space<vmem_shared>> -> memref<80x128xf32, #tpu.memory_space<vmem_shared>>
    %dma_start3A_28 = arith.constant 0 : i32
    %dma_start3A_29 = tpu.memref_slice %arg11[%add3A_25, %dma_start3A_28] : memref<10240x128xf32, #tpu.memory_space<vmem_shared>> -> memref<80x128xf32, #tpu.memory_space<vmem_shared>>
    tpu.enqueue_dma source(%arg9 : memref<80x128xf32, #tpu.memory_space<vmem>>) target(%dma_start3A_29 : memref<80x128xf32, #tpu.memory_space<vmem_shared>>) target_semaphore(%arg14 : memref<!tpu.dma_semaphore, #tpu.memory_space<semaphore_mem>>)
    %mul3A_30 = arith.constant 640 : i32
    %mul3A_31 = arith.muli %arg1, %mul3A_30 : i32
    %add3A_32 = arith.constant 160 : i32
    %add3A_33 = arith.addi %mul3A_31, %add3A_32 : i32
    %dma_start3A_34 = arith.constant 0 : i32
    %dma_start3A_35 = tpu.memref_slice %arg11[%add3A_33, %dma_start3A_34] : memref<10240x128xf32, #tpu.memory_space<vmem_shared>> -> memref<80x128xf32, #tpu.memory_space<vmem_shared>>
    %dma_start3A_36 = arith.constant 0 : i32
    %dma_start3A_37 = tpu.memref_slice %arg11[%add3A_33, %dma_start3A_36] : memref<10240x128xf32, #tpu.memory_space<vmem_shared>> -> memref<80x128xf32, #tpu.memory_space<vmem_shared>>
    tpu.enqueue_dma source(%arg9 : memref<80x128xf32, #tpu.memory_space<vmem>>) target(%dma_start3A_37 : memref<80x128xf32, #tpu.memory_space<vmem_shared>>) target_semaphore(%arg14 : memref<!tpu.dma_semaphore, #tpu.memory_space<semaphore_mem>>)
    %mul3A_38 = arith.constant 640 : i32
    %mul3A_39 = arith.muli %arg1, %mul3A_38 : i32
    %add3A_40 = arith.constant 240 : i32
    %add3A_41 = arith.addi %mul3A_39, %add3A_40 : i32
    %dma_start3A_42 = arith.constant 0 : i32
    %dma_start3A_43 = tpu.memref_slice %arg11[%add3A_41, %dma_start3A_42] : memref<10240x128xf32, #tpu.memory_space<vmem_shared>> -> memref<80x128xf32, #tpu.memory_space<vmem_shared>>
    %dma_start3A_44 = arith.constant 0 : i32
    %dma_start3A_45 = tpu.memref_slice %arg11[%add3A_41, %dma_start3A_44] : memref<10240x128xf32, #tpu.memory_space<vmem_shared>> -> memref<80x128xf32, #tpu.memory_space<vmem_shared>>
    tpu.enqueue_dma source(%arg9 : memref<80x128xf32, #tpu.memory_space<vmem>>) target(%dma_start3A_45 : memref<80x128xf32, #tpu.memory_space<vmem_shared>>) target_semaphore(%arg14 : memref<!tpu.dma_semaphore, #tpu.memory_space<semaphore_mem>>)
    %mul3A_46 = arith.constant 640 : i32
    %mul3A_47 = arith.muli %arg1, %mul3A_46 : i32
    %add3A_48 = arith.constant 320 : i32
    %add3A_49 = arith.addi %mul3A_47, %add3A_48 : i32
    %dma_start3A_50 = arith.constant 0 : i32
    %dma_start3A_51 = tpu.memref_slice %arg11[%add3A_49, %dma_start3A_50] : memref<10240x128xf32, #tpu.memory_space<vmem_shared>> -> memref<80x128xf32, #tpu.memory_space<vmem_shared>>
    %dma_start3A_52 = arith.constant 0 : i32
    %dma_start3A_53 = tpu.memref_slice %arg11[%add3A_49, %dma_start3A_52] : memref<10240x128xf32, #tpu.memory_space<vmem_shared>> -> memref<80x128xf32, #tpu.memory_space<vmem_shared>>
    tpu.enqueue_dma source(%arg9 : memref<80x128xf32, #tpu.memory_space<vmem>>) target(%dma_start3A_53 : memref<80x128xf32, #tpu.memory_space<vmem_shared>>) target_semaphore(%arg14 : memref<!tpu.dma_semaphore, #tpu.memory_space<semaphore_mem>>)
    %mul3A_54 = arith.constant 640 : i32
    %mul3A_55 = arith.muli %arg1, %mul3A_54 : i32
    %add3A_56 = arith.constant 400 : i32
    %add3A_57 = arith.addi %mul3A_55, %add3A_56 : i32
    %dma_start3A_58 = arith.constant 0 : i32
    %dma_start3A_59 = tpu.memref_slice %arg11[%add3A_57, %dma_start3A_58] : memref<10240x128xf32, #tpu.memory_space<vmem_shared>> -> memref<80x128xf32, #tpu.memory_space<vmem_shared>>
    %dma_start3A_60 = arith.constant 0 : i32
    %dma_start3A_61 = tpu.memref_slice %arg11[%add3A_57, %dma_start3A_60] : memref<10240x128xf32, #tpu.memory_space<vmem_shared>> -> memref<80x128xf32, #tpu.memory_space<vmem_shared>>
    tpu.enqueue_dma source(%arg9 : memref<80x128xf32, #tpu.memory_space<vmem>>) target(%dma_start3A_61 : memref<80x128xf32, #tpu.memory_space<vmem_shared>>) target_semaphore(%arg14 : memref<!tpu.dma_semaphore, #tpu.memory_space<semaphore_mem>>)
    %mul3A_62 = arith.constant 640 : i32
    %mul3A_63 = arith.muli %arg1, %mul3A_62 : i32
    %add3A_64 = arith.constant 480 : i32
    %add3A_65 = arith.addi %mul3A_63, %add3A_64 : i32
    %dma_start3A_66 = arith.constant 0 : i32
    %dma_start3A_67 = tpu.memref_slice %arg11[%add3A_65, %dma_start3A_66] : memref<10240x128xf32, #tpu.memory_space<vmem_shared>> -> memref<80x128xf32, #tpu.memory_space<vmem_shared>>
    %dma_start3A_68 = arith.constant 0 : i32
    %dma_start3A_69 = tpu.memref_slice %arg11[%add3A_65, %dma_start3A_68] : memref<10240x128xf32, #tpu.memory_space<vmem_shared>> -> memref<80x128xf32, #tpu.memory_space<vmem_shared>>
    tpu.enqueue_dma source(%arg9 : memref<80x128xf32, #tpu.memory_space<vmem>>) target(%dma_start3A_69 : memref<80x128xf32, #tpu.memory_space<vmem_shared>>) target_semaphore(%arg14 : memref<!tpu.dma_semaphore, #tpu.memory_space<semaphore_mem>>)
    %mul3A_70 = arith.constant 640 : i32
    %mul3A_71 = arith.muli %arg1, %mul3A_70 : i32
    %add3A_72 = arith.constant 560 : i32
    %add3A_73 = arith.addi %mul3A_71, %add3A_72 : i32
    %dma_start3A_74 = arith.constant 0 : i32
    %dma_start3A_75 = tpu.memref_slice %arg11[%add3A_73, %dma_start3A_74] : memref<10240x128xf32, #tpu.memory_space<vmem_shared>> -> memref<80x128xf32, #tpu.memory_space<vmem_shared>>
    %dma_start3A_76 = arith.constant 0 : i32
    %dma_start3A_77 = tpu.memref_slice %arg11[%add3A_73, %dma_start3A_76] : memref<10240x128xf32, #tpu.memory_space<vmem_shared>> -> memref<80x128xf32, #tpu.memory_space<vmem_shared>>
    tpu.enqueue_dma source(%arg9 : memref<80x128xf32, #tpu.memory_space<vmem>>) target(%dma_start3A_77 : memref<80x128xf32, #tpu.memory_space<vmem_shared>>) target_semaphore(%arg14 : memref<!tpu.dma_semaphore, #tpu.memory_space<semaphore_mem>>)
    %mul3A_78 = arith.constant 640 : i32
    %mul3A_79 = arith.muli %arg1, %mul3A_78 : i32
    %add3A_80 = arith.constant 0 : i32
    %add3A_81 = arith.addi %mul3A_79, %add3A_80 : i32
    %dma_wait3A = arith.constant 0 : i32
    %dma_wait3A_82 = tpu.memref_slice %arg11[%add3A_81, %dma_wait3A] : memref<10240x128xf32, #tpu.memory_space<vmem_shared>> -> memref<80x128xf32, #tpu.memory_space<vmem_shared>>
    %dma_wait3A_83 = arith.constant 0 : i32
    %dma_wait3A_84 = tpu.memref_slice %arg11[%add3A_81, %dma_wait3A_83] : memref<10240x128xf32, #tpu.memory_space<vmem_shared>> -> memref<80x128xf32, #tpu.memory_space<vmem_shared>>
    tpu.wait_dma2 semaphore(%arg14 : memref<!tpu.dma_semaphore, #tpu.memory_space<semaphore_mem>>) src(%arg9 : memref<80x128xf32, #tpu.memory_space<vmem>>) dst(%dma_wait3A_84 : memref<80x128xf32, #tpu.memory_space<vmem_shared>>)
    %mul3A_85 = arith.constant 640 : i32
    %mul3A_86 = arith.muli %arg1, %mul3A_85 : i32
    %add3A_87 = arith.constant 80 : i32
    %add3A_88 = arith.addi %mul3A_86, %add3A_87 : i32
    %dma_wait3A_89 = arith.constant 0 : i32
    %dma_wait3A_90 = tpu.memref_slice %arg11[%add3A_88, %dma_wait3A_89] : memref<10240x128xf32, #tpu.memory_space<vmem_shared>> -> memref<80x128xf32, #tpu.memory_space<vmem_shared>>
    %dma_wait3A_91 = arith.constant 0 : i32
    %dma_wait3A_92 = tpu.memref_slice %arg11[%add3A_88, %dma_wait3A_91] : memref<10240x128xf32, #tpu.memory_space<vmem_shared>> -> memref<80x128xf32, #tpu.memory_space<vmem_shared>>
    tpu.wait_dma2 semaphore(%arg14 : memref<!tpu.dma_semaphore, #tpu.memory_space<semaphore_mem>>) src(%arg9 : memref<80x128xf32, #tpu.memory_space<vmem>>) dst(%dma_wait3A_92 : memref<80x128xf32, #tpu.memory_space<vmem_shared>>)
    %mul3A_93 = arith.constant 640 : i32
    %mul3A_94 = arith.muli %arg1, %mul3A_93 : i32
    %add3A_95 = arith.constant 160 : i32
    %add3A_96 = arith.addi %mul3A_94, %add3A_95 : i32
    %dma_wait3A_97 = arith.constant 0 : i32
    %dma_wait3A_98 = tpu.memref_slice %arg11[%add3A_96, %dma_wait3A_97] : memref<10240x128xf32, #tpu.memory_space<vmem_shared>> -> memref<80x128xf32, #tpu.memory_space<vmem_shared>>
    %dma_wait3A_99 = arith.constant 0 : i32
    %dma_wait3A_100 = tpu.memref_slice %arg11[%add3A_96, %dma_wait3A_99] : memref<10240x128xf32, #tpu.memory_space<vmem_shared>> -> memref<80x128xf32, #tpu.memory_space<vmem_shared>>
    tpu.wait_dma2 semaphore(%arg14 : memref<!tpu.dma_semaphore, #tpu.memory_space<semaphore_mem>>) src(%arg9 : memref<80x128xf32, #tpu.memory_space<vmem>>) dst(%dma_wait3A_100 : memref<80x128xf32, #tpu.memory_space<vmem_shared>>)
    %mul3A_101 = arith.constant 640 : i32
    %mul3A_102 = arith.muli %arg1, %mul3A_101 : i32
    %add3A_103 = arith.constant 240 : i32
    %add3A_104 = arith.addi %mul3A_102, %add3A_103 : i32
    %dma_wait3A_105 = arith.constant 0 : i32
    %dma_wait3A_106 = tpu.memref_slice %arg11[%add3A_104, %dma_wait3A_105] : memref<10240x128xf32, #tpu.memory_space<vmem_shared>> -> memref<80x128xf32, #tpu.memory_space<vmem_shared>>
    %dma_wait3A_107 = arith.constant 0 : i32
    %dma_wait3A_108 = tpu.memref_slice %arg11[%add3A_104, %dma_wait3A_107] : memref<10240x128xf32, #tpu.memory_space<vmem_shared>> -> memref<80x128xf32, #tpu.memory_space<vmem_shared>>
    tpu.wait_dma2 semaphore(%arg14 : memref<!tpu.dma_semaphore, #tpu.memory_space<semaphore_mem>>) src(%arg9 : memref<80x128xf32, #tpu.memory_space<vmem>>) dst(%dma_wait3A_108 : memref<80x128xf32, #tpu.memory_space<vmem_shared>>)
    %mul3A_109 = arith.constant 640 : i32
    %mul3A_110 = arith.muli %arg1, %mul3A_109 : i32
    %add3A_111 = arith.constant 320 : i32
    %add3A_112 = arith.addi %mul3A_110, %add3A_111 : i32
    %dma_wait3A_113 = arith.constant 0 : i32
    %dma_wait3A_114 = tpu.memref_slice %arg11[%add3A_112, %dma_wait3A_113] : memref<10240x128xf32, #tpu.memory_space<vmem_shared>> -> memref<80x128xf32, #tpu.memory_space<vmem_shared>>
    %dma_wait3A_115 = arith.constant 0 : i32
    %dma_wait3A_116 = tpu.memref_slice %arg11[%add3A_112, %dma_wait3A_115] : memref<10240x128xf32, #tpu.memory_space<vmem_shared>> -> memref<80x128xf32, #tpu.memory_space<vmem_shared>>
    tpu.wait_dma2 semaphore(%arg14 : memref<!tpu.dma_semaphore, #tpu.memory_space<semaphore_mem>>) src(%arg9 : memref<80x128xf32, #tpu.memory_space<vmem>>) dst(%dma_wait3A_116 : memref<80x128xf32, #tpu.memory_space<vmem_shared>>)
    %mul3A_117 = arith.constant 640 : i32
    %mul3A_118 = arith.muli %arg1, %mul3A_117 : i32
    %add3A_119 = arith.constant 400 : i32
    %add3A_120 = arith.addi %mul3A_118, %add3A_119 : i32
    %dma_wait3A_121 = arith.constant 0 : i32
    %dma_wait3A_122 = tpu.memref_slice %arg11[%add3A_120, %dma_wait3A_121] : memref<10240x128xf32, #tpu.memory_space<vmem_shared>> -> memref<80x128xf32, #tpu.memory_space<vmem_shared>>
    %dma_wait3A_123 = arith.constant 0 : i32
    %dma_wait3A_124 = tpu.memref_slice %arg11[%add3A_120, %dma_wait3A_123] : memref<10240x128xf32, #tpu.memory_space<vmem_shared>> -> memref<80x128xf32, #tpu.memory_space<vmem_shared>>
    tpu.wait_dma2 semaphore(%arg14 : memref<!tpu.dma_semaphore, #tpu.memory_space<semaphore_mem>>) src(%arg9 : memref<80x128xf32, #tpu.memory_space<vmem>>) dst(%dma_wait3A_124 : memref<80x128xf32, #tpu.memory_space<vmem_shared>>)
    %mul3A_125 = arith.constant 640 : i32
    %mul3A_126 = arith.muli %arg1, %mul3A_125 : i32
    %add3A_127 = arith.constant 480 : i32
    %add3A_128 = arith.addi %mul3A_126, %add3A_127 : i32
    %dma_wait3A_129 = arith.constant 0 : i32
    %dma_wait3A_130 = tpu.memref_slice %arg11[%add3A_128, %dma_wait3A_129] : memref<10240x128xf32, #tpu.memory_space<vmem_shared>> -> memref<80x128xf32, #tpu.memory_space<vmem_shared>>
    %dma_wait3A_131 = arith.constant 0 : i32
    %dma_wait3A_132 = tpu.memref_slice %arg11[%add3A_128, %dma_wait3A_131] : memref<10240x128xf32, #tpu.memory_space<vmem_shared>> -> memref<80x128xf32, #tpu.memory_space<vmem_shared>>
    tpu.wait_dma2 semaphore(%arg14 : memref<!tpu.dma_semaphore, #tpu.memory_space<semaphore_mem>>) src(%arg9 : memref<80x128xf32, #tpu.memory_space<vmem>>) dst(%dma_wait3A_132 : memref<80x128xf32, #tpu.memory_space<vmem_shared>>)
    %mul3A_133 = arith.constant 640 : i32
    %mul3A_134 = arith.muli %arg1, %mul3A_133 : i32
    %add3A_135 = arith.constant 560 : i32
    %add3A_136 = arith.addi %mul3A_134, %add3A_135 : i32
    %dma_wait3A_137 = arith.constant 0 : i32
    %dma_wait3A_138 = tpu.memref_slice %arg11[%add3A_136, %dma_wait3A_137] : memref<10240x128xf32, #tpu.memory_space<vmem_shared>> -> memref<80x128xf32, #tpu.memory_space<vmem_shared>>
    %dma_wait3A_139 = arith.constant 0 : i32
    %dma_wait3A_140 = tpu.memref_slice %arg11[%add3A_136, %dma_wait3A_139] : memref<10240x128xf32, #tpu.memory_space<vmem_shared>> -> memref<80x128xf32, #tpu.memory_space<vmem_shared>>
    tpu.wait_dma2 semaphore(%arg14 : memref<!tpu.dma_semaphore, #tpu.memory_space<semaphore_mem>>) src(%arg9 : memref<80x128xf32, #tpu.memory_space<vmem>>) dst(%dma_wait3A_140 : memref<80x128xf32, #tpu.memory_space<vmem_shared>>)
    %dma_wait3A_141 = arith.constant 0 : i32
    %dma_wait3A_142 = tpu.memref_slice %arg3[%add3A, %dma_wait3A_141] : memref<32x10080xi32, #tpu.memory_space<hbm>> -> memref<1x10080xi32, #tpu.memory_space<hbm>>
    %dma_wait3A_143 = tpu.memref_squeeze %dma_wait3A_142 : memref<1x10080xi32, #tpu.memory_space<hbm>> -> memref<10080xi32, #tpu.memory_space<hbm>>
    %dma_wait3A_144 = arith.constant 0 : i32
    %dma_wait3A_145 = tpu.memref_slice %arg3[%add3A, %dma_wait3A_144] : memref<32x10080xi32, #tpu.memory_space<hbm>> -> memref<1x10080xi32, #tpu.memory_space<hbm>>
    %dma_wait3A_146 = tpu.memref_squeeze %dma_wait3A_145 : memref<1x10080xi32, #tpu.memory_space<hbm>> -> memref<10080xi32, #tpu.memory_space<hbm>>
    tpu.wait_dma2 semaphore(%arg12 : memref<!tpu.dma_semaphore, #tpu.memory_space<semaphore_mem>>) src(%dma_wait3A_146 : memref<10080xi32, #tpu.memory_space<hbm>>) dst(%arg7 : memref<10080xi32, #tpu.memory_space<vmem>>)
    %dma_wait3A_147 = arith.constant 0 : i32
    %dma_wait3A_148 = arith.constant 0 : i32
    %dma_wait3A_149 = tpu.memref_slice %arg4[%add3A, %dma_wait3A_147, %dma_wait3A_148] : memref<32x126x80xi32, #tpu.memory_space<hbm>> -> memref<1x126x80xi32, #tpu.memory_space<hbm>>
    %dma_wait3A_150 = tpu.memref_squeeze %dma_wait3A_149 : memref<1x126x80xi32, #tpu.memory_space<hbm>> -> memref<126x80xi32, #tpu.memory_space<hbm>>
    %dma_wait3A_151 = arith.constant 0 : i32
    %dma_wait3A_152 = arith.constant 0 : i32
    %dma_wait3A_153 = tpu.memref_slice %arg4[%add3A, %dma_wait3A_151, %dma_wait3A_152] : memref<32x126x80xi32, #tpu.memory_space<hbm>> -> memref<1x126x80xi32, #tpu.memory_space<hbm>>
    %dma_wait3A_154 = tpu.memref_squeeze %dma_wait3A_153 : memref<1x126x80xi32, #tpu.memory_space<hbm>> -> memref<126x80xi32, #tpu.memory_space<hbm>>
    tpu.wait_dma2 semaphore(%arg13 : memref<!tpu.dma_semaphore, #tpu.memory_space<semaphore_mem>>) src(%dma_wait3A_154 : memref<126x80xi32, #tpu.memory_space<hbm>>) dst(%arg8 : memref<126x80xi32, #tpu.memory_space<vmem>>)
    %barrier3A = arith.constant 0 : index
    tpu.barrier barrier_id(%barrier3A)
    %dma_start3A_155 = arith.constant 0 : i32
    %dma_start3A_156 = tpu.memref_slice %arg7[%dma_start3A_155] : memref<10080xi32, #tpu.memory_space<vmem>> -> memref<80xi32, #tpu.memory_space<vmem>>
    %dma_start3A_157 = arith.constant 0 : i32
    %dma_start3A_158 = arith.constant 0 : i32
    %dma_start3A_159 = tpu.memref_slice %arg2[%dma_start3A_157, %dma_start3A_158] : memref<10240x128xf32, #tpu.memory_space<hbm>> -> memref<10240x128xf32, #tpu.memory_space<hbm>>
    tpu.enqueue_indirect_dma source(%dma_start3A_159 : memref<10240x128xf32, #tpu.memory_space<hbm>>) target(%arg9 : memref<80x128xf32, #tpu.memory_space<vmem>>) offsets(%dma_start3A_156 : memref<80xi32, #tpu.memory_space<vmem>>) semaphore(%arg12 : memref<!tpu.dma_semaphore, #tpu.memory_space<semaphore_mem>>)
    %scan3A = arith.constant 0 : i32
    %scan3A_160 = arith.constant 0 : i32
    %scan3A_161 = arith.constant 63 : i32
    %scan3A_162 = arith.addi %scan3A_160, %scan3A_161 : i32
    %scan3A_163 = arith.constant 1 : i32
    scf.for %scan3A_321 = %scan3A_160 to %scan3A_162 step %scan3A_163  : i32 {
      %mul3A_322 = arith.constant 2 : i32
      %mul3A_323 = arith.muli %mul3A_322, %scan3A_321 : i32
      %add3A_324 = arith.constant 1 : i32
      %add3A_325 = arith.addi %mul3A_323, %add3A_324 : i32
      %add3A_326 = arith.constant 2 : i32
      %add3A_327 = arith.addi %mul3A_323, %add3A_326 : i32
      %min3A = arith.constant 125 : i32
      %min3A_328 = arith.minsi %add3A_327, %min3A : i32
      %mul3A_329 = arith.constant 80 : i32
      %mul3A_330 = arith.muli %mul3A_323, %mul3A_329 : i32
      %dma_wait3A_331 = tpu.memref_slice %arg7[%mul3A_330] : memref<10080xi32, #tpu.memory_space<vmem>> -> memref<80xi32, #tpu.memory_space<vmem>>
      %dma_wait3A_332 = arith.constant 0 : i32
      %dma_wait3A_333 = arith.constant 0 : i32
      %dma_wait3A_334 = tpu.memref_slice %arg2[%dma_wait3A_332, %dma_wait3A_333] : memref<10240x128xf32, #tpu.memory_space<hbm>> -> memref<10240x128xf32, #tpu.memory_space<hbm>>
      tpu.wait_indirect_dma semaphore(%arg12 : memref<!tpu.dma_semaphore, #tpu.memory_space<semaphore_mem>>) src(%dma_wait3A_334 : memref<10240x128xf32, #tpu.memory_space<hbm>>) dst(%arg9 : memref<80x128xf32, #tpu.memory_space<vmem>>)
      %mul3A_335 = arith.constant 80 : i32
      %mul3A_336 = arith.muli %add3A_325, %mul3A_335 : i32
      %dma_start3A_337 = tpu.memref_slice %arg7[%mul3A_336] : memref<10080xi32, #tpu.memory_space<vmem>> -> memref<80xi32, #tpu.memory_space<vmem>>
      %dma_start3A_338 = arith.constant 0 : i32
      %dma_start3A_339 = arith.constant 0 : i32
      %dma_start3A_340 = tpu.memref_slice %arg2[%dma_start3A_338, %dma_start3A_339] : memref<10240x128xf32, #tpu.memory_space<hbm>> -> memref<10240x128xf32, #tpu.memory_space<hbm>>
      tpu.enqueue_indirect_dma source(%dma_start3A_340 : memref<10240x128xf32, #tpu.memory_space<hbm>>) target(%arg10 : memref<80x128xf32, #tpu.memory_space<vmem>>) offsets(%dma_start3A_337 : memref<80xi32, #tpu.memory_space<vmem>>) semaphore(%arg13 : memref<!tpu.dma_semaphore, #tpu.memory_space<semaphore_mem>>)
      "tpu.region"() ({
        %run_scoped3A = tpu.sem_alloc : memref<!tpu.dma_semaphore, #tpu.memory_space<semaphore_mem>>
        %dma_start3A_353 = arith.constant 0 : i32
        %dma_start3A_354 = tpu.memref_slice %arg8[%mul3A_323, %dma_start3A_353] : memref<126x80xi32, #tpu.memory_space<vmem>> -> memref<1x80xi32, #tpu.memory_space<vmem>>
        %dma_start3A_355 = tpu.memref_squeeze %dma_start3A_354 : memref<1x80xi32, #tpu.memory_space<vmem>> -> memref<80xi32, #tpu.memory_space<vmem>>
        %dma_start3A_356 = arith.constant 0 : i32
        %dma_start3A_357 = arith.constant 0 : i32
        %dma_start3A_358 = tpu.memref_slice %arg11[%dma_start3A_356, %dma_start3A_357] : memref<10240x128xf32, #tpu.memory_space<vmem_shared>> -> memref<10240x128xf32, #tpu.memory_space<vmem_shared>>
        tpu.enqueue_indirect_dma source(%arg9 : memref<80x128xf32, #tpu.memory_space<vmem>>) target(%dma_start3A_358 : memref<10240x128xf32, #tpu.memory_space<vmem_shared>>) offsets(%dma_start3A_355 : memref<80xi32, #tpu.memory_space<vmem>>) semaphore(%run_scoped3A : memref<!tpu.dma_semaphore, #tpu.memory_space<semaphore_mem>>) {add = true}
        %dma_wait3A_359 = arith.constant 0 : i32
        %dma_wait3A_360 = tpu.memref_slice %arg8[%mul3A_323, %dma_wait3A_359] : memref<126x80xi32, #tpu.memory_space<vmem>> -> memref<1x80xi32, #tpu.memory_space<vmem>>
        %dma_wait3A_361 = tpu.memref_squeeze %dma_wait3A_360 : memref<1x80xi32, #tpu.memory_space<vmem>> -> memref<80xi32, #tpu.memory_space<vmem>>
        %dma_wait3A_362 = arith.constant 0 : i32
        %dma_wait3A_363 = arith.constant 0 : i32
        %dma_wait3A_364 = tpu.memref_slice %arg11[%dma_wait3A_362, %dma_wait3A_363] : memref<10240x128xf32, #tpu.memory_space<vmem_shared>> -> memref<10240x128xf32, #tpu.memory_space<vmem_shared>>
        tpu.wait_indirect_dma semaphore(%run_scoped3A : memref<!tpu.dma_semaphore, #tpu.memory_space<semaphore_mem>>) src(%arg9 : memref<80x128xf32, #tpu.memory_space<vmem>>) dst(%dma_wait3A_364 : memref<10240x128xf32, #tpu.memory_space<vmem_shared>>)
        tpu.yield
      }) : () -> ()
      %mul3A_341 = arith.constant 80 : i32
      %mul3A_342 = arith.muli %add3A_325, %mul3A_341 : i32
      %dma_wait3A_343 = tpu.memref_slice %arg7[%mul3A_342] : memref<10080xi32, #tpu.memory_space<vmem>> -> memref<80xi32, #tpu.memory_space<vmem>>
      %dma_wait3A_344 = arith.constant 0 : i32
      %dma_wait3A_345 = arith.constant 0 : i32
      %dma_wait3A_346 = tpu.memref_slice %arg2[%dma_wait3A_344, %dma_wait3A_345] : memref<10240x128xf32, #tpu.memory_space<hbm>> -> memref<10240x128xf32, #tpu.memory_space<hbm>>
      tpu.wait_indirect_dma semaphore(%arg13 : memref<!tpu.dma_semaphore, #tpu.memory_space<semaphore_mem>>) src(%dma_wait3A_346 : memref<10240x128xf32, #tpu.memory_space<hbm>>) dst(%arg10 : memref<80x128xf32, #tpu.memory_space<vmem>>)
      %mul3A_347 = arith.constant 80 : i32
      %mul3A_348 = arith.muli %min3A_328, %mul3A_347 : i32
      %dma_start3A_349 = tpu.memref_slice %arg7[%mul3A_348] : memref<10080xi32, #tpu.memory_space<vmem>> -> memref<80xi32, #tpu.memory_space<vmem>>
      %dma_start3A_350 = arith.constant 0 : i32
      %dma_start3A_351 = arith.constant 0 : i32
      %dma_start3A_352 = tpu.memref_slice %arg2[%dma_start3A_350, %dma_start3A_351] : memref<10240x128xf32, #tpu.memory_space<hbm>> -> memref<10240x128xf32, #tpu.memory_space<hbm>>
      tpu.enqueue_indirect_dma source(%dma_start3A_352 : memref<10240x128xf32, #tpu.memory_space<hbm>>) target(%arg9 : memref<80x128xf32, #tpu.memory_space<vmem>>) offsets(%dma_start3A_349 : memref<80xi32, #tpu.memory_space<vmem>>) semaphore(%arg12 : memref<!tpu.dma_semaphore, #tpu.memory_space<semaphore_mem>>)
      "tpu.region"() ({
        %run_scoped3A = tpu.sem_alloc : memref<!tpu.dma_semaphore, #tpu.memory_space<semaphore_mem>>
        %dma_start3A_353 = arith.constant 0 : i32
        %dma_start3A_354 = tpu.memref_slice %arg8[%add3A_325, %dma_start3A_353] : memref<126x80xi32, #tpu.memory_space<vmem>> -> memref<1x80xi32, #tpu.memory_space<vmem>>
        %dma_start3A_355 = tpu.memref_squeeze %dma_start3A_354 : memref<1x80xi32, #tpu.memory_space<vmem>> -> memref<80xi32, #tpu.memory_space<vmem>>
        %dma_start3A_356 = arith.constant 0 : i32
        %dma_start3A_357 = arith.constant 0 : i32
        %dma_start3A_358 = tpu.memref_slice %arg11[%dma_start3A_356, %dma_start3A_357] : memref<10240x128xf32, #tpu.memory_space<vmem_shared>> -> memref<10240x128xf32, #tpu.memory_space<vmem_shared>>
        tpu.enqueue_indirect_dma source(%arg10 : memref<80x128xf32, #tpu.memory_space<vmem>>) target(%dma_start3A_358 : memref<10240x128xf32, #tpu.memory_space<vmem_shared>>) offsets(%dma_start3A_355 : memref<80xi32, #tpu.memory_space<vmem>>) semaphore(%run_scoped3A : memref<!tpu.dma_semaphore, #tpu.memory_space<semaphore_mem>>) {add = true}
        %dma_wait3A_359 = arith.constant 0 : i32
        %dma_wait3A_360 = tpu.memref_slice %arg8[%add3A_325, %dma_wait3A_359] : memref<126x80xi32, #tpu.memory_space<vmem>> -> memref<1x80xi32, #tpu.memory_space<vmem>>
        %dma_wait3A_361 = tpu.memref_squeeze %dma_wait3A_360 : memref<1x80xi32, #tpu.memory_space<vmem>> -> memref<80xi32, #tpu.memory_space<vmem>>
        %dma_wait3A_362 = arith.constant 0 : i32
        %dma_wait3A_363 = arith.constant 0 : i32
        %dma_wait3A_364 = tpu.memref_slice %arg11[%dma_wait3A_362, %dma_wait3A_363] : memref<10240x128xf32, #tpu.memory_space<vmem_shared>> -> memref<10240x128xf32, #tpu.memory_space<vmem_shared>>
        tpu.wait_indirect_dma semaphore(%run_scoped3A : memref<!tpu.dma_semaphore, #tpu.memory_space<semaphore_mem>>) src(%arg10 : memref<80x128xf32, #tpu.memory_space<vmem>>) dst(%dma_wait3A_364 : memref<10240x128xf32, #tpu.memory_space<vmem_shared>>)
        tpu.yield
      }) : () -> ()
    }
    %scan3A_164 = arith.constant 63 : i32
    %dma_wait3A_165 = arith.constant 0 : i32
    %dma_wait3A_166 = tpu.memref_slice %arg7[%dma_wait3A_165] : memref<10080xi32, #tpu.memory_space<vmem>> -> memref<80xi32, #tpu.memory_space<vmem>>
    %dma_wait3A_167 = arith.constant 0 : i32
    %dma_wait3A_168 = arith.constant 0 : i32
    %dma_wait3A_169 = tpu.memref_slice %arg2[%dma_wait3A_167, %dma_wait3A_168] : memref<10240x128xf32, #tpu.memory_space<hbm>> -> memref<10240x128xf32, #tpu.memory_space<hbm>>
    tpu.wait_indirect_dma semaphore(%arg12 : memref<!tpu.dma_semaphore, #tpu.memory_space<semaphore_mem>>) src(%dma_wait3A_169 : memref<10240x128xf32, #tpu.memory_space<hbm>>) dst(%arg9 : memref<80x128xf32, #tpu.memory_space<vmem>>)
    %barrier3A_170 = arith.constant 0 : index
    tpu.barrier barrier_id(%barrier3A_170)
    %mul3A_171 = arith.constant 640 : i32
    %mul3A_172 = arith.muli %arg1, %mul3A_171 : i32
    "tpu.region"() ({
      %run_scoped3A = tpu.sem_alloc : memref<!tpu.dma_semaphore, #tpu.memory_space<semaphore_mem>>
      %dma_start3A_321 = arith.constant 0 : i32
      %dma_start3A_322 = tpu.memref_slice %arg11[%mul3A_172, %dma_start3A_321] : memref<10240x128xf32, #tpu.memory_space<vmem_shared>> -> memref<80x128xf32, #tpu.memory_space<vmem_shared>>
      %dma_start3A_323 = arith.constant 0 : i32
      %dma_start3A_324 = tpu.memref_slice %arg11[%mul3A_172, %dma_start3A_323] : memref<10240x128xf32, #tpu.memory_space<vmem_shared>> -> memref<80x128xf32, #tpu.memory_space<vmem_shared>>
      tpu.enqueue_dma source(%dma_start3A_324 : memref<80x128xf32, #tpu.memory_space<vmem_shared>>) target(%arg9 : memref<80x128xf32, #tpu.memory_space<vmem>>) target_semaphore(%run_scoped3A : memref<!tpu.dma_semaphore, #tpu.memory_space<semaphore_mem>>)
      %dma_wait3A_325 = arith.constant 0 : i32
      %dma_wait3A_326 = tpu.memref_slice %arg11[%mul3A_172, %dma_wait3A_325] : memref<10240x128xf32, #tpu.memory_space<vmem_shared>> -> memref<80x128xf32, #tpu.memory_space<vmem_shared>>
      %dma_wait3A_327 = arith.constant 0 : i32
      %dma_wait3A_328 = tpu.memref_slice %arg11[%mul3A_172, %dma_wait3A_327] : memref<10240x128xf32, #tpu.memory_space<vmem_shared>> -> memref<80x128xf32, #tpu.memory_space<vmem_shared>>
      tpu.wait_dma2 semaphore(%run_scoped3A : memref<!tpu.dma_semaphore, #tpu.memory_space<semaphore_mem>>) src(%dma_wait3A_328 : memref<80x128xf32, #tpu.memory_space<vmem_shared>>) dst(%arg9 : memref<80x128xf32, #tpu.memory_space<vmem>>)
      tpu.yield
    }) : () -> ()
    %mul3A_173 = arith.constant 10240 : i32
    %mul3A_174 = arith.muli %arg0, %mul3A_173 : i32
    %mul3A_175 = arith.constant 640 : i32
    %mul3A_176 = arith.muli %arg1, %mul3A_175 : i32
    %add3A_177 = arith.addi %mul3A_174, %mul3A_176 : i32
    %add3A_178 = arith.constant 0 : i32
    %add3A_179 = arith.addi %add3A_177, %add3A_178 : i32
    %dma_start3A_180 = arith.constant 0 : i32
    %dma_start3A_181 = tpu.memref_slice %arg6[%add3A_179, %dma_start3A_180] : memref<20480x128xf32, #tpu.memory_space<hbm>> -> memref<80x128xf32, #tpu.memory_space<hbm>>
    %dma_start3A_182 = arith.constant 0 : i32
    %dma_start3A_183 = tpu.memref_slice %arg6[%add3A_179, %dma_start3A_182] : memref<20480x128xf32, #tpu.memory_space<hbm>> -> memref<80x128xf32, #tpu.memory_space<hbm>>
    tpu.enqueue_dma source(%arg9 : memref<80x128xf32, #tpu.memory_space<vmem>>) target(%dma_start3A_183 : memref<80x128xf32, #tpu.memory_space<hbm>>) target_semaphore(%arg12 : memref<!tpu.dma_semaphore, #tpu.memory_space<semaphore_mem>>)
    %mul3A_184 = arith.constant 640 : i32
    %mul3A_185 = arith.muli %arg1, %mul3A_184 : i32
    %add3A_186 = arith.constant 80 : i32
    %add3A_187 = arith.addi %mul3A_185, %add3A_186 : i32
    "tpu.region"() ({
      %run_scoped3A = tpu.sem_alloc : memref<!tpu.dma_semaphore, #tpu.memory_space<semaphore_mem>>
      %dma_start3A_321 = arith.constant 0 : i32
      %dma_start3A_322 = tpu.memref_slice %arg11[%add3A_187, %dma_start3A_321] : memref<10240x128xf32, #tpu.memory_space<vmem_shared>> -> memref<80x128xf32, #tpu.memory_space<vmem_shared>>
      %dma_start3A_323 = arith.constant 0 : i32
      %dma_start3A_324 = tpu.memref_slice %arg11[%add3A_187, %dma_start3A_323] : memref<10240x128xf32, #tpu.memory_space<vmem_shared>> -> memref<80x128xf32, #tpu.memory_space<vmem_shared>>
      tpu.enqueue_dma source(%dma_start3A_324 : memref<80x128xf32, #tpu.memory_space<vmem_shared>>) target(%arg10 : memref<80x128xf32, #tpu.memory_space<vmem>>) target_semaphore(%run_scoped3A : memref<!tpu.dma_semaphore, #tpu.memory_space<semaphore_mem>>)
      %dma_wait3A_325 = arith.constant 0 : i32
      %dma_wait3A_326 = tpu.memref_slice %arg11[%add3A_187, %dma_wait3A_325] : memref<10240x128xf32, #tpu.memory_space<vmem_shared>> -> memref<80x128xf32, #tpu.memory_space<vmem_shared>>
      %dma_wait3A_327 = arith.constant 0 : i32
      %dma_wait3A_328 = tpu.memref_slice %arg11[%add3A_187, %dma_wait3A_327] : memref<10240x128xf32, #tpu.memory_space<vmem_shared>> -> memref<80x128xf32, #tpu.memory_space<vmem_shared>>
      tpu.wait_dma2 semaphore(%run_scoped3A : memref<!tpu.dma_semaphore, #tpu.memory_space<semaphore_mem>>) src(%dma_wait3A_328 : memref<80x128xf32, #tpu.memory_space<vmem_shared>>) dst(%arg10 : memref<80x128xf32, #tpu.memory_space<vmem>>)
      tpu.yield
    }) : () -> ()
    %dma_wait3A_188 = arith.constant 0 : i32
    %dma_wait3A_189 = tpu.memref_slice %arg6[%add3A_179, %dma_wait3A_188] : memref<20480x128xf32, #tpu.memory_space<hbm>> -> memref<80x128xf32, #tpu.memory_space<hbm>>
    %dma_wait3A_190 = arith.constant 0 : i32
    %dma_wait3A_191 = tpu.memref_slice %arg6[%add3A_179, %dma_wait3A_190] : memref<20480x128xf32, #tpu.memory_space<hbm>> -> memref<80x128xf32, #tpu.memory_space<hbm>>
    tpu.wait_dma2 semaphore(%arg12 : memref<!tpu.dma_semaphore, #tpu.memory_space<semaphore_mem>>) src(%arg9 : memref<80x128xf32, #tpu.memory_space<vmem>>) dst(%dma_wait3A_191 : memref<80x128xf32, #tpu.memory_space<hbm>>)
    %mul3A_192 = arith.constant 10240 : i32
    %mul3A_193 = arith.muli %arg0, %mul3A_192 : i32
    %mul3A_194 = arith.constant 640 : i32
    %mul3A_195 = arith.muli %arg1, %mul3A_194 : i32
    %add3A_196 = arith.addi %mul3A_193, %mul3A_195 : i32
    %add3A_197 = arith.constant 80 : i32
    %add3A_198 = arith.addi %add3A_196, %add3A_197 : i32
    %dma_start3A_199 = arith.constant 0 : i32
    %dma_start3A_200 = tpu.memref_slice %arg6[%add3A_198, %dma_start3A_199] : memref<20480x128xf32, #tpu.memory_space<hbm>> -> memref<80x128xf32, #tpu.memory_space<hbm>>
    %dma_start3A_201 = arith.constant 0 : i32
    %dma_start3A_202 = tpu.memref_slice %arg6[%add3A_198, %dma_start3A_201] : memref<20480x128xf32, #tpu.memory_space<hbm>> -> memref<80x128xf32, #tpu.memory_space<hbm>>
    tpu.enqueue_dma source(%arg10 : memref<80x128xf32, #tpu.memory_space<vmem>>) target(%dma_start3A_202 : memref<80x128xf32, #tpu.memory_space<hbm>>) target_semaphore(%arg13 : memref<!tpu.dma_semaphore, #tpu.memory_space<semaphore_mem>>)
    %mul3A_203 = arith.constant 640 : i32
    %mul3A_204 = arith.muli %arg1, %mul3A_203 : i32
    %add3A_205 = arith.constant 160 : i32
    %add3A_206 = arith.addi %mul3A_204, %add3A_205 : i32
    "tpu.region"() ({
      %run_scoped3A = tpu.sem_alloc : memref<!tpu.dma_semaphore, #tpu.memory_space<semaphore_mem>>
      %dma_start3A_321 = arith.constant 0 : i32
      %dma_start3A_322 = tpu.memref_slice %arg11[%add3A_206, %dma_start3A_321] : memref<10240x128xf32, #tpu.memory_space<vmem_shared>> -> memref<80x128xf32, #tpu.memory_space<vmem_shared>>
      %dma_start3A_323 = arith.constant 0 : i32
      %dma_start3A_324 = tpu.memref_slice %arg11[%add3A_206, %dma_start3A_323] : memref<10240x128xf32, #tpu.memory_space<vmem_shared>> -> memref<80x128xf32, #tpu.memory_space<vmem_shared>>
      tpu.enqueue_dma source(%dma_start3A_324 : memref<80x128xf32, #tpu.memory_space<vmem_shared>>) target(%arg9 : memref<80x128xf32, #tpu.memory_space<vmem>>) target_semaphore(%run_scoped3A : memref<!tpu.dma_semaphore, #tpu.memory_space<semaphore_mem>>)
      %dma_wait3A_325 = arith.constant 0 : i32
      %dma_wait3A_326 = tpu.memref_slice %arg11[%add3A_206, %dma_wait3A_325] : memref<10240x128xf32, #tpu.memory_space<vmem_shared>> -> memref<80x128xf32, #tpu.memory_space<vmem_shared>>
      %dma_wait3A_327 = arith.constant 0 : i32
      %dma_wait3A_328 = tpu.memref_slice %arg11[%add3A_206, %dma_wait3A_327] : memref<10240x128xf32, #tpu.memory_space<vmem_shared>> -> memref<80x128xf32, #tpu.memory_space<vmem_shared>>
      tpu.wait_dma2 semaphore(%run_scoped3A : memref<!tpu.dma_semaphore, #tpu.memory_space<semaphore_mem>>) src(%dma_wait3A_328 : memref<80x128xf32, #tpu.memory_space<vmem_shared>>) dst(%arg9 : memref<80x128xf32, #tpu.memory_space<vmem>>)
      tpu.yield
    }) : () -> ()
    %dma_wait3A_207 = arith.constant 0 : i32
    %dma_wait3A_208 = tpu.memref_slice %arg6[%add3A_198, %dma_wait3A_207] : memref<20480x128xf32, #tpu.memory_space<hbm>> -> memref<80x128xf32, #tpu.memory_space<hbm>>
    %dma_wait3A_209 = arith.constant 0 : i32
    %dma_wait3A_210 = tpu.memref_slice %arg6[%add3A_198, %dma_wait3A_209] : memref<20480x128xf32, #tpu.memory_space<hbm>> -> memref<80x128xf32, #tpu.memory_space<hbm>>
    tpu.wait_dma2 semaphore(%arg13 : memref<!tpu.dma_semaphore, #tpu.memory_space<semaphore_mem>>) src(%arg10 : memref<80x128xf32, #tpu.memory_space<vmem>>) dst(%dma_wait3A_210 : memref<80x128xf32, #tpu.memory_space<hbm>>)
    %mul3A_211 = arith.constant 10240 : i32
    %mul3A_212 = arith.muli %arg0, %mul3A_211 : i32
    %mul3A_213 = arith.constant 640 : i32
    %mul3A_214 = arith.muli %arg1, %mul3A_213 : i32
    %add3A_215 = arith.addi %mul3A_212, %mul3A_214 : i32
    %add3A_216 = arith.constant 160 : i32
    %add3A_217 = arith.addi %add3A_215, %add3A_216 : i32
    %dma_start3A_218 = arith.constant 0 : i32
    %dma_start3A_219 = tpu.memref_slice %arg6[%add3A_217, %dma_start3A_218] : memref<20480x128xf32, #tpu.memory_space<hbm>> -> memref<80x128xf32, #tpu.memory_space<hbm>>
    %dma_start3A_220 = arith.constant 0 : i32
    %dma_start3A_221 = tpu.memref_slice %arg6[%add3A_217, %dma_start3A_220] : memref<20480x128xf32, #tpu.memory_space<hbm>> -> memref<80x128xf32, #tpu.memory_space<hbm>>
    tpu.enqueue_dma source(%arg9 : memref<80x128xf32, #tpu.memory_space<vmem>>) target(%dma_start3A_221 : memref<80x128xf32, #tpu.memory_space<hbm>>) target_semaphore(%arg12 : memref<!tpu.dma_semaphore, #tpu.memory_space<semaphore_mem>>)
    %mul3A_222 = arith.constant 640 : i32
    %mul3A_223 = arith.muli %arg1, %mul3A_222 : i32
    %add3A_224 = arith.constant 240 : i32
    %add3A_225 = arith.addi %mul3A_223, %add3A_224 : i32
    "tpu.region"() ({
      %run_scoped3A = tpu.sem_alloc : memref<!tpu.dma_semaphore, #tpu.memory_space<semaphore_mem>>
      %dma_start3A_321 = arith.constant 0 : i32
      %dma_start3A_322 = tpu.memref_slice %arg11[%add3A_225, %dma_start3A_321] : memref<10240x128xf32, #tpu.memory_space<vmem_shared>> -> memref<80x128xf32, #tpu.memory_space<vmem_shared>>
      %dma_start3A_323 = arith.constant 0 : i32
      %dma_start3A_324 = tpu.memref_slice %arg11[%add3A_225, %dma_start3A_323] : memref<10240x128xf32, #tpu.memory_space<vmem_shared>> -> memref<80x128xf32, #tpu.memory_space<vmem_shared>>
      tpu.enqueue_dma source(%dma_start3A_324 : memref<80x128xf32, #tpu.memory_space<vmem_shared>>) target(%arg10 : memref<80x128xf32, #tpu.memory_space<vmem>>) target_semaphore(%run_scoped3A : memref<!tpu.dma_semaphore, #tpu.memory_space<semaphore_mem>>)
      %dma_wait3A_325 = arith.constant 0 : i32
      %dma_wait3A_326 = tpu.memref_slice %arg11[%add3A_225, %dma_wait3A_325] : memref<10240x128xf32, #tpu.memory_space<vmem_shared>> -> memref<80x128xf32, #tpu.memory_space<vmem_shared>>
      %dma_wait3A_327 = arith.constant 0 : i32
      %dma_wait3A_328 = tpu.memref_slice %arg11[%add3A_225, %dma_wait3A_327] : memref<10240x128xf32, #tpu.memory_space<vmem_shared>> -> memref<80x128xf32, #tpu.memory_space<vmem_shared>>
      tpu.wait_dma2 semaphore(%run_scoped3A : memref<!tpu.dma_semaphore, #tpu.memory_space<semaphore_mem>>) src(%dma_wait3A_328 : memref<80x128xf32, #tpu.memory_space<vmem_shared>>) dst(%arg10 : memref<80x128xf32, #tpu.memory_space<vmem>>)
      tpu.yield
    }) : () -> ()
    %dma_wait3A_226 = arith.constant 0 : i32
    %dma_wait3A_227 = tpu.memref_slice %arg6[%add3A_217, %dma_wait3A_226] : memref<20480x128xf32, #tpu.memory_space<hbm>> -> memref<80x128xf32, #tpu.memory_space<hbm>>
    %dma_wait3A_228 = arith.constant 0 : i32
    %dma_wait3A_229 = tpu.memref_slice %arg6[%add3A_217, %dma_wait3A_228] : memref<20480x128xf32, #tpu.memory_space<hbm>> -> memref<80x128xf32, #tpu.memory_space<hbm>>
    tpu.wait_dma2 semaphore(%arg12 : memref<!tpu.dma_semaphore, #tpu.memory_space<semaphore_mem>>) src(%arg9 : memref<80x128xf32, #tpu.memory_space<vmem>>) dst(%dma_wait3A_229 : memref<80x128xf32, #tpu.memory_space<hbm>>)
    %mul3A_230 = arith.constant 10240 : i32
    %mul3A_231 = arith.muli %arg0, %mul3A_230 : i32
    %mul3A_232 = arith.constant 640 : i32
    %mul3A_233 = arith.muli %arg1, %mul3A_232 : i32
    %add3A_234 = arith.addi %mul3A_231, %mul3A_233 : i32
    %add3A_235 = arith.constant 240 : i32
    %add3A_236 = arith.addi %add3A_234, %add3A_235 : i32
    %dma_start3A_237 = arith.constant 0 : i32
    %dma_start3A_238 = tpu.memref_slice %arg6[%add3A_236, %dma_start3A_237] : memref<20480x128xf32, #tpu.memory_space<hbm>> -> memref<80x128xf32, #tpu.memory_space<hbm>>
    %dma_start3A_239 = arith.constant 0 : i32
    %dma_start3A_240 = tpu.memref_slice %arg6[%add3A_236, %dma_start3A_239] : memref<20480x128xf32, #tpu.memory_space<hbm>> -> memref<80x128xf32, #tpu.memory_space<hbm>>
    tpu.enqueue_dma source(%arg10 : memref<80x128xf32, #tpu.memory_space<vmem>>) target(%dma_start3A_240 : memref<80x128xf32, #tpu.memory_space<hbm>>) target_semaphore(%arg13 : memref<!tpu.dma_semaphore, #tpu.memory_space<semaphore_mem>>)
    %mul3A_241 = arith.constant 640 : i32
    %mul3A_242 = arith.muli %arg1, %mul3A_241 : i32
    %add3A_243 = arith.constant 320 : i32
    %add3A_244 = arith.addi %mul3A_242, %add3A_243 : i32
    "tpu.region"() ({
      %run_scoped3A = tpu.sem_alloc : memref<!tpu.dma_semaphore, #tpu.memory_space<semaphore_mem>>
      %dma_start3A_321 = arith.constant 0 : i32
      %dma_start3A_322 = tpu.memref_slice %arg11[%add3A_244, %dma_start3A_321] : memref<10240x128xf32, #tpu.memory_space<vmem_shared>> -> memref<80x128xf32, #tpu.memory_space<vmem_shared>>
      %dma_start3A_323 = arith.constant 0 : i32
      %dma_start3A_324 = tpu.memref_slice %arg11[%add3A_244, %dma_start3A_323] : memref<10240x128xf32, #tpu.memory_space<vmem_shared>> -> memref<80x128xf32, #tpu.memory_space<vmem_shared>>
      tpu.enqueue_dma source(%dma_start3A_324 : memref<80x128xf32, #tpu.memory_space<vmem_shared>>) target(%arg9 : memref<80x128xf32, #tpu.memory_space<vmem>>) target_semaphore(%run_scoped3A : memref<!tpu.dma_semaphore, #tpu.memory_space<semaphore_mem>>)
      %dma_wait3A_325 = arith.constant 0 : i32
      %dma_wait3A_326 = tpu.memref_slice %arg11[%add3A_244, %dma_wait3A_325] : memref<10240x128xf32, #tpu.memory_space<vmem_shared>> -> memref<80x128xf32, #tpu.memory_space<vmem_shared>>
      %dma_wait3A_327 = arith.constant 0 : i32
      %dma_wait3A_328 = tpu.memref_slice %arg11[%add3A_244, %dma_wait3A_327] : memref<10240x128xf32, #tpu.memory_space<vmem_shared>> -> memref<80x128xf32, #tpu.memory_space<vmem_shared>>
      tpu.wait_dma2 semaphore(%run_scoped3A : memref<!tpu.dma_semaphore, #tpu.memory_space<semaphore_mem>>) src(%dma_wait3A_328 : memref<80x128xf32, #tpu.memory_space<vmem_shared>>) dst(%arg9 : memref<80x128xf32, #tpu.memory_space<vmem>>)
      tpu.yield
    }) : () -> ()
    %dma_wait3A_245 = arith.constant 0 : i32
    %dma_wait3A_246 = tpu.memref_slice %arg6[%add3A_236, %dma_wait3A_245] : memref<20480x128xf32, #tpu.memory_space<hbm>> -> memref<80x128xf32, #tpu.memory_space<hbm>>
    %dma_wait3A_247 = arith.constant 0 : i32
    %dma_wait3A_248 = tpu.memref_slice %arg6[%add3A_236, %dma_wait3A_247] : memref<20480x128xf32, #tpu.memory_space<hbm>> -> memref<80x128xf32, #tpu.memory_space<hbm>>
    tpu.wait_dma2 semaphore(%arg13 : memref<!tpu.dma_semaphore, #tpu.memory_space<semaphore_mem>>) src(%arg10 : memref<80x128xf32, #tpu.memory_space<vmem>>) dst(%dma_wait3A_248 : memref<80x128xf32, #tpu.memory_space<hbm>>)
    %mul3A_249 = arith.constant 10240 : i32
    %mul3A_250 = arith.muli %arg0, %mul3A_249 : i32
    %mul3A_251 = arith.constant 640 : i32
    %mul3A_252 = arith.muli %arg1, %mul3A_251 : i32
    %add3A_253 = arith.addi %mul3A_250, %mul3A_252 : i32
    %add3A_254 = arith.constant 320 : i32
    %add3A_255 = arith.addi %add3A_253, %add3A_254 : i32
    %dma_start3A_256 = arith.constant 0 : i32
    %dma_start3A_257 = tpu.memref_slice %arg6[%add3A_255, %dma_start3A_256] : memref<20480x128xf32, #tpu.memory_space<hbm>> -> memref<80x128xf32, #tpu.memory_space<hbm>>
    %dma_start3A_258 = arith.constant 0 : i32
    %dma_start3A_259 = tpu.memref_slice %arg6[%add3A_255, %dma_start3A_258] : memref<20480x128xf32, #tpu.memory_space<hbm>> -> memref<80x128xf32, #tpu.memory_space<hbm>>
    tpu.enqueue_dma source(%arg9 : memref<80x128xf32, #tpu.memory_space<vmem>>) target(%dma_start3A_259 : memref<80x128xf32, #tpu.memory_space<hbm>>) target_semaphore(%arg12 : memref<!tpu.dma_semaphore, #tpu.memory_space<semaphore_mem>>)
    %mul3A_260 = arith.constant 640 : i32
    %mul3A_261 = arith.muli %arg1, %mul3A_260 : i32
    %add3A_262 = arith.constant 400 : i32
    %add3A_263 = arith.addi %mul3A_261, %add3A_262 : i32
    "tpu.region"() ({
      %run_scoped3A = tpu.sem_alloc : memref<!tpu.dma_semaphore, #tpu.memory_space<semaphore_mem>>
      %dma_start3A_321 = arith.constant 0 : i32
      %dma_start3A_322 = tpu.memref_slice %arg11[%add3A_263, %dma_start3A_321] : memref<10240x128xf32, #tpu.memory_space<vmem_shared>> -> memref<80x128xf32, #tpu.memory_space<vmem_shared>>
      %dma_start3A_323 = arith.constant 0 : i32
      %dma_start3A_324 = tpu.memref_slice %arg11[%add3A_263, %dma_start3A_323] : memref<10240x128xf32, #tpu.memory_space<vmem_shared>> -> memref<80x128xf32, #tpu.memory_space<vmem_shared>>
      tpu.enqueue_dma source(%dma_start3A_324 : memref<80x128xf32, #tpu.memory_space<vmem_shared>>) target(%arg10 : memref<80x128xf32, #tpu.memory_space<vmem>>) target_semaphore(%run_scoped3A : memref<!tpu.dma_semaphore, #tpu.memory_space<semaphore_mem>>)
      %dma_wait3A_325 = arith.constant 0 : i32
      %dma_wait3A_326 = tpu.memref_slice %arg11[%add3A_263, %dma_wait3A_325] : memref<10240x128xf32, #tpu.memory_space<vmem_shared>> -> memref<80x128xf32, #tpu.memory_space<vmem_shared>>
      %dma_wait3A_327 = arith.constant 0 : i32
      %dma_wait3A_328 = tpu.memref_slice %arg11[%add3A_263, %dma_wait3A_327] : memref<10240x128xf32, #tpu.memory_space<vmem_shared>> -> memref<80x128xf32, #tpu.memory_space<vmem_shared>>
      tpu.wait_dma2 semaphore(%run_scoped3A : memref<!tpu.dma_semaphore, #tpu.memory_space<semaphore_mem>>) src(%dma_wait3A_328 : memref<80x128xf32, #tpu.memory_space<vmem_shared>>) dst(%arg10 : memref<80x128xf32, #tpu.memory_space<vmem>>)
      tpu.yield
    }) : () -> ()
    %dma_wait3A_264 = arith.constant 0 : i32
    %dma_wait3A_265 = tpu.memref_slice %arg6[%add3A_255, %dma_wait3A_264] : memref<20480x128xf32, #tpu.memory_space<hbm>> -> memref<80x128xf32, #tpu.memory_space<hbm>>
    %dma_wait3A_266 = arith.constant 0 : i32
    %dma_wait3A_267 = tpu.memref_slice %arg6[%add3A_255, %dma_wait3A_266] : memref<20480x128xf32, #tpu.memory_space<hbm>> -> memref<80x128xf32, #tpu.memory_space<hbm>>
    tpu.wait_dma2 semaphore(%arg12 : memref<!tpu.dma_semaphore, #tpu.memory_space<semaphore_mem>>) src(%arg9 : memref<80x128xf32, #tpu.memory_space<vmem>>) dst(%dma_wait3A_267 : memref<80x128xf32, #tpu.memory_space<hbm>>)
    %mul3A_268 = arith.constant 10240 : i32
    %mul3A_269 = arith.muli %arg0, %mul3A_268 : i32
    %mul3A_270 = arith.constant 640 : i32
    %mul3A_271 = arith.muli %arg1, %mul3A_270 : i32
    %add3A_272 = arith.addi %mul3A_269, %mul3A_271 : i32
    %add3A_273 = arith.constant 400 : i32
    %add3A_274 = arith.addi %add3A_272, %add3A_273 : i32
    %dma_start3A_275 = arith.constant 0 : i32
    %dma_start3A_276 = tpu.memref_slice %arg6[%add3A_274, %dma_start3A_275] : memref<20480x128xf32, #tpu.memory_space<hbm>> -> memref<80x128xf32, #tpu.memory_space<hbm>>
    %dma_start3A_277 = arith.constant 0 : i32
    %dma_start3A_278 = tpu.memref_slice %arg6[%add3A_274, %dma_start3A_277] : memref<20480x128xf32, #tpu.memory_space<hbm>> -> memref<80x128xf32, #tpu.memory_space<hbm>>
    tpu.enqueue_dma source(%arg10 : memref<80x128xf32, #tpu.memory_space<vmem>>) target(%dma_start3A_278 : memref<80x128xf32, #tpu.memory_space<hbm>>) target_semaphore(%arg13 : memref<!tpu.dma_semaphore, #tpu.memory_space<semaphore_mem>>)
    %mul3A_279 = arith.constant 640 : i32
    %mul3A_280 = arith.muli %arg1, %mul3A_279 : i32
    %add3A_281 = arith.constant 480 : i32
    %add3A_282 = arith.addi %mul3A_280, %add3A_281 : i32
    "tpu.region"() ({
      %run_scoped3A = tpu.sem_alloc : memref<!tpu.dma_semaphore, #tpu.memory_space<semaphore_mem>>
      %dma_start3A_321 = arith.constant 0 : i32
      %dma_start3A_322 = tpu.memref_slice %arg11[%add3A_282, %dma_start3A_321] : memref<10240x128xf32, #tpu.memory_space<vmem_shared>> -> memref<80x128xf32, #tpu.memory_space<vmem_shared>>
      %dma_start3A_323 = arith.constant 0 : i32
      %dma_start3A_324 = tpu.memref_slice %arg11[%add3A_282, %dma_start3A_323] : memref<10240x128xf32, #tpu.memory_space<vmem_shared>> -> memref<80x128xf32, #tpu.memory_space<vmem_shared>>
      tpu.enqueue_dma source(%dma_start3A_324 : memref<80x128xf32, #tpu.memory_space<vmem_shared>>) target(%arg9 : memref<80x128xf32, #tpu.memory_space<vmem>>) target_semaphore(%run_scoped3A : memref<!tpu.dma_semaphore, #tpu.memory_space<semaphore_mem>>)
      %dma_wait3A_325 = arith.constant 0 : i32
      %dma_wait3A_326 = tpu.memref_slice %arg11[%add3A_282, %dma_wait3A_325] : memref<10240x128xf32, #tpu.memory_space<vmem_shared>> -> memref<80x128xf32, #tpu.memory_space<vmem_shared>>
      %dma_wait3A_327 = arith.constant 0 : i32
      %dma_wait3A_328 = tpu.memref_slice %arg11[%add3A_282, %dma_wait3A_327] : memref<10240x128xf32, #tpu.memory_space<vmem_shared>> -> memref<80x128xf32, #tpu.memory_space<vmem_shared>>
      tpu.wait_dma2 semaphore(%run_scoped3A : memref<!tpu.dma_semaphore, #tpu.memory_space<semaphore_mem>>) src(%dma_wait3A_328 : memref<80x128xf32, #tpu.memory_space<vmem_shared>>) dst(%arg9 : memref<80x128xf32, #tpu.memory_space<vmem>>)
      tpu.yield
    }) : () -> ()
    %dma_wait3A_283 = arith.constant 0 : i32
    %dma_wait3A_284 = tpu.memref_slice %arg6[%add3A_274, %dma_wait3A_283] : memref<20480x128xf32, #tpu.memory_space<hbm>> -> memref<80x128xf32, #tpu.memory_space<hbm>>
    %dma_wait3A_285 = arith.constant 0 : i32
    %dma_wait3A_286 = tpu.memref_slice %arg6[%add3A_274, %dma_wait3A_285] : memref<20480x128xf32, #tpu.memory_space<hbm>> -> memref<80x128xf32, #tpu.memory_space<hbm>>
    tpu.wait_dma2 semaphore(%arg13 : memref<!tpu.dma_semaphore, #tpu.memory_space<semaphore_mem>>) src(%arg10 : memref<80x128xf32, #tpu.memory_space<vmem>>) dst(%dma_wait3A_286 : memref<80x128xf32, #tpu.memory_space<hbm>>)
    %mul3A_287 = arith.constant 10240 : i32
    %mul3A_288 = arith.muli %arg0, %mul3A_287 : i32
    %mul3A_289 = arith.constant 640 : i32
    %mul3A_290 = arith.muli %arg1, %mul3A_289 : i32
    %add3A_291 = arith.addi %mul3A_288, %mul3A_290 : i32
    %add3A_292 = arith.constant 480 : i32
    %add3A_293 = arith.addi %add3A_291, %add3A_292 : i32
    %dma_start3A_294 = arith.constant 0 : i32
    %dma_start3A_295 = tpu.memref_slice %arg6[%add3A_293, %dma_start3A_294] : memref<20480x128xf32, #tpu.memory_space<hbm>> -> memref<80x128xf32, #tpu.memory_space<hbm>>
    %dma_start3A_296 = arith.constant 0 : i32
    %dma_start3A_297 = tpu.memref_slice %arg6[%add3A_293, %dma_start3A_296] : memref<20480x128xf32, #tpu.memory_space<hbm>> -> memref<80x128xf32, #tpu.memory_space<hbm>>
    tpu.enqueue_dma source(%arg9 : memref<80x128xf32, #tpu.memory_space<vmem>>) target(%dma_start3A_297 : memref<80x128xf32, #tpu.memory_space<hbm>>) target_semaphore(%arg12 : memref<!tpu.dma_semaphore, #tpu.memory_space<semaphore_mem>>)
    %mul3A_298 = arith.constant 640 : i32
    %mul3A_299 = arith.muli %arg1, %mul3A_298 : i32
    %add3A_300 = arith.constant 560 : i32
    %add3A_301 = arith.addi %mul3A_299, %add3A_300 : i32
    "tpu.region"() ({
      %run_scoped3A = tpu.sem_alloc : memref<!tpu.dma_semaphore, #tpu.memory_space<semaphore_mem>>
      %dma_start3A_321 = arith.constant 0 : i32
      %dma_start3A_322 = tpu.memref_slice %arg11[%add3A_301, %dma_start3A_321] : memref<10240x128xf32, #tpu.memory_space<vmem_shared>> -> memref<80x128xf32, #tpu.memory_space<vmem_shared>>
      %dma_start3A_323 = arith.constant 0 : i32
      %dma_start3A_324 = tpu.memref_slice %arg11[%add3A_301, %dma_start3A_323] : memref<10240x128xf32, #tpu.memory_space<vmem_shared>> -> memref<80x128xf32, #tpu.memory_space<vmem_shared>>
      tpu.enqueue_dma source(%dma_start3A_324 : memref<80x128xf32, #tpu.memory_space<vmem_shared>>) target(%arg10 : memref<80x128xf32, #tpu.memory_space<vmem>>) target_semaphore(%run_scoped3A : memref<!tpu.dma_semaphore, #tpu.memory_space<semaphore_mem>>)
      %dma_wait3A_325 = arith.constant 0 : i32
      %dma_wait3A_326 = tpu.memref_slice %arg11[%add3A_301, %dma_wait3A_325] : memref<10240x128xf32, #tpu.memory_space<vmem_shared>> -> memref<80x128xf32, #tpu.memory_space<vmem_shared>>
      %dma_wait3A_327 = arith.constant 0 : i32
      %dma_wait3A_328 = tpu.memref_slice %arg11[%add3A_301, %dma_wait3A_327] : memref<10240x128xf32, #tpu.memory_space<vmem_shared>> -> memref<80x128xf32, #tpu.memory_space<vmem_shared>>
      tpu.wait_dma2 semaphore(%run_scoped3A : memref<!tpu.dma_semaphore, #tpu.memory_space<semaphore_mem>>) src(%dma_wait3A_328 : memref<80x128xf32, #tpu.memory_space<vmem_shared>>) dst(%arg10 : memref<80x128xf32, #tpu.memory_space<vmem>>)
      tpu.yield
    }) : () -> ()
    %dma_wait3A_302 = arith.constant 0 : i32
    %dma_wait3A_303 = tpu.memref_slice %arg6[%add3A_293, %dma_wait3A_302] : memref<20480x128xf32, #tpu.memory_space<hbm>> -> memref<80x128xf32, #tpu.memory_space<hbm>>
    %dma_wait3A_304 = arith.constant 0 : i32
    %dma_wait3A_305 = tpu.memref_slice %arg6[%add3A_293, %dma_wait3A_304] : memref<20480x128xf32, #tpu.memory_space<hbm>> -> memref<80x128xf32, #tpu.memory_space<hbm>>
    tpu.wait_dma2 semaphore(%arg12 : memref<!tpu.dma_semaphore, #tpu.memory_space<semaphore_mem>>) src(%arg9 : memref<80x128xf32, #tpu.memory_space<vmem>>) dst(%dma_wait3A_305 : memref<80x128xf32, #tpu.memory_space<hbm>>)
    %mul3A_306 = arith.constant 10240 : i32
    %mul3A_307 = arith.muli %arg0, %mul3A_306 : i32
    %mul3A_308 = arith.constant 640 : i32
    %mul3A_309 = arith.muli %arg1, %mul3A_308 : i32
    %add3A_310 = arith.addi %mul3A_307, %mul3A_309 : i32
    %add3A_311 = arith.constant 560 : i32
    %add3A_312 = arith.addi %add3A_310, %add3A_311 : i32
    %dma_start3A_313 = arith.constant 0 : i32
    %dma_start3A_314 = tpu.memref_slice %arg6[%add3A_312, %dma_start3A_313] : memref<20480x128xf32, #tpu.memory_space<hbm>> -> memref<80x128xf32, #tpu.memory_space<hbm>>
    %dma_start3A_315 = arith.constant 0 : i32
    %dma_start3A_316 = tpu.memref_slice %arg6[%add3A_312, %dma_start3A_315] : memref<20480x128xf32, #tpu.memory_space<hbm>> -> memref<80x128xf32, #tpu.memory_space<hbm>>
    tpu.enqueue_dma source(%arg10 : memref<80x128xf32, #tpu.memory_space<vmem>>) target(%dma_start3A_316 : memref<80x128xf32, #tpu.memory_space<hbm>>) target_semaphore(%arg13 : memref<!tpu.dma_semaphore, #tpu.memory_space<semaphore_mem>>)
    %dma_wait3A_317 = arith.constant 0 : i32
    %dma_wait3A_318 = tpu.memref_slice %arg6[%add3A_312, %dma_wait3A_317] : memref<20480x128xf32, #tpu.memory_space<hbm>> -> memref<80x128xf32, #tpu.memory_space<hbm>>
    %dma_wait3A_319 = arith.constant 0 : i32
    %dma_wait3A_320 = tpu.memref_slice %arg6[%add3A_312, %dma_wait3A_319] : memref<20480x128xf32, #tpu.memory_space<hbm>> -> memref<80x128xf32, #tpu.memory_space<hbm>>
    tpu.wait_dma2 semaphore(%arg13 : memref<!tpu.dma_semaphore, #tpu.memory_space<semaphore_mem>>) src(%arg10 : memref<80x128xf32, #tpu.memory_space<vmem>>) dst(%dma_wait3A_320 : memref<80x128xf32, #tpu.memory_space<hbm>>)
    return
  }
}

#map = affine_map<(d0, d1) -> (0, 0)>
#map1 = affine_map<(d0, d1) -> (0, 0, 0)>
module attributes {stable_mosaic.version = 14 : i64} {
  func.func @body(%arg0: i32, %arg1: i32, %arg2: memref<10240x128xf32, #tpu.memory_space<hbm>>, %arg3: memref<32x10080xi32, #tpu.memory_space<hbm>>, %arg4: memref<32x126x80xi32, #tpu.memory_space<hbm>>, %arg5: memref<80x128xf32, #tpu.memory_space<hbm>>, %arg6: memref<20480x128xf32, #tpu.memory_space<hbm>>, %arg7: memref<10080xi32, #tpu.memory_space<vmem>>, %arg8: memref<126x80xi32, #tpu.memory_space<vmem>>, %arg9: memref<80x128xf32, #tpu.memory_space<vmem>>, %arg10: memref<80x128xf32, #tpu.memory_space<vmem>>, %arg11: memref<10240x128xf32, #tpu.memory_space<vmem_shared>>, %arg12: memref<!tpu.dma_semaphore, #tpu.memory_space<semaphore_mem>>, %arg13: memref<!tpu.dma_semaphore, #tpu.memory_space<semaphore_mem>>, %arg14: memref<!tpu.dma_semaphore, #tpu.memory_space<semaphore_mem>>) attributes {dimension_semantics = [#tpu.dimension_semantics<core_parallel>, #tpu.dimension_semantics<subcore_parallel>], iteration_bounds = array<i64: 2, 16>, scalar_prefetch = 0 : i64, scratch_operands = 8 : i64, tpu.core_type = #tpu.core_type<sc_vector_subcore>, window_params = [{transform_indices = #map}, {transform_indices = #map}, {transform_indices = #map1}, {transform_indices = #map}, {transform_indices = #map}]} {
    %mul3A = arith.constant 2 : i32
    %mul3A_0 = arith.muli %arg1, %mul3A : i32
    %add3A = arith.addi %mul3A_0, %arg0 : i32
    %dma_start3A = arith.constant 0 : i32
    %dma_start3A_1 = tpu.memref_slice %arg3[%add3A, %dma_start3A] : memref<32x10080xi32, #tpu.memory_space<hbm>> -> memref<1x10080xi32, #tpu.memory_space<hbm>>
    %dma_start3A_2 = tpu.memref_squeeze %dma_start3A_1 : memref<1x10080xi32, #tpu.memory_space<hbm>> -> memref<10080xi32, #tpu.memory_space<hbm>>
    %dma_start3A_3 = arith.constant 0 : i32
    %dma_start3A_4 = tpu.memref_slice %arg3[%add3A, %dma_start3A_3] : memref<32x10080xi32, #tpu.memory_space<hbm>> -> memref<1x10080xi32, #tpu.memory_space<hbm>>
    %dma_start3A_5 = tpu.memref_squeeze %dma_start3A_4 : memref<1x10080xi32, #tpu.memory_space<hbm>> -> memref<10080xi32, #tpu.memory_space<hbm>>
    tpu.enqueue_dma source(%dma_start3A_5 : memref<10080xi32, #tpu.memory_space<hbm>>) target(%arg7 : memref<10080xi32, #tpu.memory_space<vmem>>) target_semaphore(%arg12 : memref<!tpu.dma_semaphore, #tpu.memory_space<semaphore_mem>>)
    %dma_start3A_6 = arith.constant 0 : i32
    %dma_start3A_7 = arith.constant 0 : i32
    %dma_start3A_8 = tpu.memref_slice %arg4[%add3A, %dma_start3A_6, %dma_start3A_7] : memref<32x126x80xi32, #tpu.memory_space<hbm>> -> memref<1x126x80xi32, #tpu.memory_space<hbm>>
    %dma_start3A_9 = tpu.memref_squeeze %dma_start3A_8 : memref<1x126x80xi32, #tpu.memory_space<hbm>> -> memref<126x80xi32, #tpu.memory_space<hbm>>
    %dma_start3A_10 = arith.constant 0 : i32
    %dma_start3A_11 = arith.constant 0 : i32
    %dma_start3A_12 = tpu.memref_slice %arg4[%add3A, %dma_start3A_10, %dma_start3A_11] : memref<32x126x80xi32, #tpu.memory_space<hbm>> -> memref<1x126x80xi32, #tpu.memory_space<hbm>>
    %dma_start3A_13 = tpu.memref_squeeze %dma_start3A_12 : memref<1x126x80xi32, #tpu.memory_space<hbm>> -> memref<126x80xi32, #tpu.memory_space<hbm>>
    tpu.enqueue_dma source(%dma_start3A_13 : memref<126x80xi32, #tpu.memory_space<hbm>>) target(%arg8 : memref<126x80xi32, #tpu.memory_space<vmem>>) target_semaphore(%arg13 : memref<!tpu.dma_semaphore, #tpu.memory_space<semaphore_mem>>)
    "tpu.region"() ({
      %run_scoped3A = tpu.sem_alloc : memref<!tpu.dma_semaphore, #tpu.memory_space<semaphore_mem>>
      tpu.enqueue_dma source(%arg5 : memref<80x128xf32, #tpu.memory_space<hbm>>) target(%arg9 : memref<80x128xf32, #tpu.memory_space<vmem>>) target_semaphore(%run_scoped3A : memref<!tpu.dma_semaphore, #tpu.memory_space<semaphore_mem>>)
      tpu.wait_dma2 semaphore(%run_scoped3A : memref<!tpu.dma_semaphore, #tpu.memory_space<semaphore_mem>>) src(%arg5 : memref<80x128xf32, #tpu.memory_space<hbm>>) dst(%arg9 : memref<80x128xf32, #tpu.memory_space<vmem>>)
      tpu.yield
    }) : () -> ()
    %mul3A_14 = arith.constant 640 : i32
    %mul3A_15 = arith.muli %arg1, %mul3A_14 : i32
    %add3A_16 = arith.constant 0 : i32
    %add3A_17 = arith.addi %mul3A_15, %add3A_16 : i32
    %dma_start3A_18 = arith.constant 0 : i32
    %dma_start3A_19 = tpu.memref_slice %arg11[%add3A_17, %dma_start3A_18] : memref<10240x128xf32, #tpu.memory_space<vmem_shared>> -> memref<80x128xf32, #tpu.memory_space<vmem_shared>>
    %dma_start3A_20 = arith.constant 0 : i32
    %dma_start3A_21 = tpu.memref_slice %arg11[%add3A_17, %dma_start3A_20] : memref<10240x128xf32, #tpu.memory_space<vmem_shared>> -> memref<80x128xf32, #tpu.memory_space<vmem_shared>>
    tpu.enqueue_dma source(%arg9 : memref<80x128xf32, #tpu.memory_space<vmem>>) target(%dma_start3A_21 : memref<80x128xf32, #tpu.memory_space<vmem_shared>>) target_semaphore(%arg14 : memref<!tpu.dma_semaphore, #tpu.memory_space<semaphore_mem>>)
    %mul3A_22 = arith.constant 640 : i32
    %mul3A_23 = arith.muli %arg1, %mul3A_22 : i32
    %add3A_24 = arith.constant 80 : i32
    %add3A_25 = arith.addi %mul3A_23, %add3A_24 : i32
    %dma_start3A_26 = arith.constant 0 : i32
    %dma_start3A_27 = tpu.memref_slice %arg11[%add3A_25, %dma_start3A_26] : memref<10240x128xf32, #tpu.memory_space<vmem_shared>> -> memref<80x128xf32, #tpu.memory_space<vmem_shared>>
    %dma_start3A_28 = arith.constant 0 : i32
    %dma_start3A_29 = tpu.memref_slice %arg11[%add3A_25, %dma_start3A_28] : memref<10240x128xf32, #tpu.memory_space<vmem_shared>> -> memref<80x128xf32, #tpu.memory_space<vmem_shared>>
    tpu.enqueue_dma source(%arg9 : memref<80x128xf32, #tpu.memory_space<vmem>>) target(%dma_start3A_29 : memref<80x128xf32, #tpu.memory_space<vmem_shared>>) target_semaphore(%arg14 : memref<!tpu.dma_semaphore, #tpu.memory_space<semaphore_mem>>)
    %mul3A_30 = arith.constant 640 : i32
    %mul3A_31 = arith.muli %arg1, %mul3A_30 : i32
    %add3A_32 = arith.constant 160 : i32
    %add3A_33 = arith.addi %mul3A_31, %add3A_32 : i32
    %dma_start3A_34 = arith.constant 0 : i32
    %dma_start3A_35 = tpu.memref_slice %arg11[%add3A_33, %dma_start3A_34] : memref<10240x128xf32, #tpu.memory_space<vmem_shared>> -> memref<80x128xf32, #tpu.memory_space<vmem_shared>>
    %dma_start3A_36 = arith.constant 0 : i32
    %dma_start3A_37 = tpu.memref_slice %arg11[%add3A_33, %dma_start3A_36] : memref<10240x128xf32, #tpu.memory_space<vmem_shared>> -> memref<80x128xf32, #tpu.memory_space<vmem_shared>>
    tpu.enqueue_dma source(%arg9 : memref<80x128xf32, #tpu.memory_space<vmem>>) target(%dma_start3A_37 : memref<80x128xf32, #tpu.memory_space<vmem_shared>>) target_semaphore(%arg14 : memref<!tpu.dma_semaphore, #tpu.memory_space<semaphore_mem>>)
    %mul3A_38 = arith.constant 640 : i32
    %mul3A_39 = arith.muli %arg1, %mul3A_38 : i32
    %add3A_40 = arith.constant 240 : i32
    %add3A_41 = arith.addi %mul3A_39, %add3A_40 : i32
    %dma_start3A_42 = arith.constant 0 : i32
    %dma_start3A_43 = tpu.memref_slice %arg11[%add3A_41, %dma_start3A_42] : memref<10240x128xf32, #tpu.memory_space<vmem_shared>> -> memref<80x128xf32, #tpu.memory_space<vmem_shared>>
    %dma_start3A_44 = arith.constant 0 : i32
    %dma_start3A_45 = tpu.memref_slice %arg11[%add3A_41, %dma_start3A_44] : memref<10240x128xf32, #tpu.memory_space<vmem_shared>> -> memref<80x128xf32, #tpu.memory_space<vmem_shared>>
    tpu.enqueue_dma source(%arg9 : memref<80x128xf32, #tpu.memory_space<vmem>>) target(%dma_start3A_45 : memref<80x128xf32, #tpu.memory_space<vmem_shared>>) target_semaphore(%arg14 : memref<!tpu.dma_semaphore, #tpu.memory_space<semaphore_mem>>)
    %mul3A_46 = arith.constant 640 : i32
    %mul3A_47 = arith.muli %arg1, %mul3A_46 : i32
    %add3A_48 = arith.constant 320 : i32
    %add3A_49 = arith.addi %mul3A_47, %add3A_48 : i32
    %dma_start3A_50 = arith.constant 0 : i32
    %dma_start3A_51 = tpu.memref_slice %arg11[%add3A_49, %dma_start3A_50] : memref<10240x128xf32, #tpu.memory_space<vmem_shared>> -> memref<80x128xf32, #tpu.memory_space<vmem_shared>>
    %dma_start3A_52 = arith.constant 0 : i32
    %dma_start3A_53 = tpu.memref_slice %arg11[%add3A_49, %dma_start3A_52] : memref<10240x128xf32, #tpu.memory_space<vmem_shared>> -> memref<80x128xf32, #tpu.memory_space<vmem_shared>>
    tpu.enqueue_dma source(%arg9 : memref<80x128xf32, #tpu.memory_space<vmem>>) target(%dma_start3A_53 : memref<80x128xf32, #tpu.memory_space<vmem_shared>>) target_semaphore(%arg14 : memref<!tpu.dma_semaphore, #tpu.memory_space<semaphore_mem>>)
    %mul3A_54 = arith.constant 640 : i32
    %mul3A_55 = arith.muli %arg1, %mul3A_54 : i32
    %add3A_56 = arith.constant 400 : i32
    %add3A_57 = arith.addi %mul3A_55, %add3A_56 : i32
    %dma_start3A_58 = arith.constant 0 : i32
    %dma_start3A_59 = tpu.memref_slice %arg11[%add3A_57, %dma_start3A_58] : memref<10240x128xf32, #tpu.memory_space<vmem_shared>> -> memref<80x128xf32, #tpu.memory_space<vmem_shared>>
    %dma_start3A_60 = arith.constant 0 : i32
    %dma_start3A_61 = tpu.memref_slice %arg11[%add3A_57, %dma_start3A_60] : memref<10240x128xf32, #tpu.memory_space<vmem_shared>> -> memref<80x128xf32, #tpu.memory_space<vmem_shared>>
    tpu.enqueue_dma source(%arg9 : memref<80x128xf32, #tpu.memory_space<vmem>>) target(%dma_start3A_61 : memref<80x128xf32, #tpu.memory_space<vmem_shared>>) target_semaphore(%arg14 : memref<!tpu.dma_semaphore, #tpu.memory_space<semaphore_mem>>)
    %mul3A_62 = arith.constant 640 : i32
    %mul3A_63 = arith.muli %arg1, %mul3A_62 : i32
    %add3A_64 = arith.constant 480 : i32
    %add3A_65 = arith.addi %mul3A_63, %add3A_64 : i32
    %dma_start3A_66 = arith.constant 0 : i32
    %dma_start3A_67 = tpu.memref_slice %arg11[%add3A_65, %dma_start3A_66] : memref<10240x128xf32, #tpu.memory_space<vmem_shared>> -> memref<80x128xf32, #tpu.memory_space<vmem_shared>>
    %dma_start3A_68 = arith.constant 0 : i32
    %dma_start3A_69 = tpu.memref_slice %arg11[%add3A_65, %dma_start3A_68] : memref<10240x128xf32, #tpu.memory_space<vmem_shared>> -> memref<80x128xf32, #tpu.memory_space<vmem_shared>>
    tpu.enqueue_dma source(%arg9 : memref<80x128xf32, #tpu.memory_space<vmem>>) target(%dma_start3A_69 : memref<80x128xf32, #tpu.memory_space<vmem_shared>>) target_semaphore(%arg14 : memref<!tpu.dma_semaphore, #tpu.memory_space<semaphore_mem>>)
    %mul3A_70 = arith.constant 640 : i32
    %mul3A_71 = arith.muli %arg1, %mul3A_70 : i32
    %add3A_72 = arith.constant 560 : i32
    %add3A_73 = arith.addi %mul3A_71, %add3A_72 : i32
    %dma_start3A_74 = arith.constant 0 : i32
    %dma_start3A_75 = tpu.memref_slice %arg11[%add3A_73, %dma_start3A_74] : memref<10240x128xf32, #tpu.memory_space<vmem_shared>> -> memref<80x128xf32, #tpu.memory_space<vmem_shared>>
    %dma_start3A_76 = arith.constant 0 : i32
    %dma_start3A_77 = tpu.memref_slice %arg11[%add3A_73, %dma_start3A_76] : memref<10240x128xf32, #tpu.memory_space<vmem_shared>> -> memref<80x128xf32, #tpu.memory_space<vmem_shared>>
    tpu.enqueue_dma source(%arg9 : memref<80x128xf32, #tpu.memory_space<vmem>>) target(%dma_start3A_77 : memref<80x128xf32, #tpu.memory_space<vmem_shared>>) target_semaphore(%arg14 : memref<!tpu.dma_semaphore, #tpu.memory_space<semaphore_mem>>)
    %mul3A_78 = arith.constant 640 : i32
    %mul3A_79 = arith.muli %arg1, %mul3A_78 : i32
    %add3A_80 = arith.constant 0 : i32
    %add3A_81 = arith.addi %mul3A_79, %add3A_80 : i32
    %dma_wait3A = arith.constant 0 : i32
    %dma_wait3A_82 = tpu.memref_slice %arg11[%add3A_81, %dma_wait3A] : memref<10240x128xf32, #tpu.memory_space<vmem_shared>> -> memref<80x128xf32, #tpu.memory_space<vmem_shared>>
    %dma_wait3A_83 = arith.constant 0 : i32
    %dma_wait3A_84 = tpu.memref_slice %arg11[%add3A_81, %dma_wait3A_83] : memref<10240x128xf32, #tpu.memory_space<vmem_shared>> -> memref<80x128xf32, #tpu.memory_space<vmem_shared>>
    tpu.wait_dma2 semaphore(%arg14 : memref<!tpu.dma_semaphore, #tpu.memory_space<semaphore_mem>>) src(%arg9 : memref<80x128xf32, #tpu.memory_space<vmem>>) dst(%dma_wait3A_84 : memref<80x128xf32, #tpu.memory_space<vmem_shared>>)
    %mul3A_85 = arith.constant 640 : i32
    %mul3A_86 = arith.muli %arg1, %mul3A_85 : i32
    %add3A_87 = arith.constant 80 : i32
    %add3A_88 = arith.addi %mul3A_86, %add3A_87 : i32
    %dma_wait3A_89 = arith.constant 0 : i32
    %dma_wait3A_90 = tpu.memref_slice %arg11[%add3A_88, %dma_wait3A_89] : memref<10240x128xf32, #tpu.memory_space<vmem_shared>> -> memref<80x128xf32, #tpu.memory_space<vmem_shared>>
    %dma_wait3A_91 = arith.constant 0 : i32
    %dma_wait3A_92 = tpu.memref_slice %arg11[%add3A_88, %dma_wait3A_91] : memref<10240x128xf32, #tpu.memory_space<vmem_shared>> -> memref<80x128xf32, #tpu.memory_space<vmem_shared>>
    tpu.wait_dma2 semaphore(%arg14 : memref<!tpu.dma_semaphore, #tpu.memory_space<semaphore_mem>>) src(%arg9 : memref<80x128xf32, #tpu.memory_space<vmem>>) dst(%dma_wait3A_92 : memref<80x128xf32, #tpu.memory_space<vmem_shared>>)
    %mul3A_93 = arith.constant 640 : i32
    %mul3A_94 = arith.muli %arg1, %mul3A_93 : i32
    %add3A_95 = arith.constant 160 : i32
    %add3A_96 = arith.addi %mul3A_94, %add3A_95 : i32
    %dma_wait3A_97 = arith.constant 0 : i32
    %dma_wait3A_98 = tpu.memref_slice %arg11[%add3A_96, %dma_wait3A_97] : memref<10240x128xf32, #tpu.memory_space<vmem_shared>> -> memref<80x128xf32, #tpu.memory_space<vmem_shared>>
    %dma_wait3A_99 = arith.constant 0 : i32
    %dma_wait3A_100 = tpu.memref_slice %arg11[%add3A_96, %dma_wait3A_99] : memref<10240x128xf32, #tpu.memory_space<vmem_shared>> -> memref<80x128xf32, #tpu.memory_space<vmem_shared>>
    tpu.wait_dma2 semaphore(%arg14 : memref<!tpu.dma_semaphore, #tpu.memory_space<semaphore_mem>>) src(%arg9 : memref<80x128xf32, #tpu.memory_space<vmem>>) dst(%dma_wait3A_100 : memref<80x128xf32, #tpu.memory_space<vmem_shared>>)
    %mul3A_101 = arith.constant 640 : i32
    %mul3A_102 = arith.muli %arg1, %mul3A_101 : i32
    %add3A_103 = arith.constant 240 : i32
    %add3A_104 = arith.addi %mul3A_102, %add3A_103 : i32
    %dma_wait3A_105 = arith.constant 0 : i32
    %dma_wait3A_106 = tpu.memref_slice %arg11[%add3A_104, %dma_wait3A_105] : memref<10240x128xf32, #tpu.memory_space<vmem_shared>> -> memref<80x128xf32, #tpu.memory_space<vmem_shared>>
    %dma_wait3A_107 = arith.constant 0 : i32
    %dma_wait3A_108 = tpu.memref_slice %arg11[%add3A_104, %dma_wait3A_107] : memref<10240x128xf32, #tpu.memory_space<vmem_shared>> -> memref<80x128xf32, #tpu.memory_space<vmem_shared>>
    tpu.wait_dma2 semaphore(%arg14 : memref<!tpu.dma_semaphore, #tpu.memory_space<semaphore_mem>>) src(%arg9 : memref<80x128xf32, #tpu.memory_space<vmem>>) dst(%dma_wait3A_108 : memref<80x128xf32, #tpu.memory_space<vmem_shared>>)
    %mul3A_109 = arith.constant 640 : i32
    %mul3A_110 = arith.muli %arg1, %mul3A_109 : i32
    %add3A_111 = arith.constant 320 : i32
    %add3A_112 = arith.addi %mul3A_110, %add3A_111 : i32
    %dma_wait3A_113 = arith.constant 0 : i32
    %dma_wait3A_114 = tpu.memref_slice %arg11[%add3A_112, %dma_wait3A_113] : memref<10240x128xf32, #tpu.memory_space<vmem_shared>> -> memref<80x128xf32, #tpu.memory_space<vmem_shared>>
    %dma_wait3A_115 = arith.constant 0 : i32
    %dma_wait3A_116 = tpu.memref_slice %arg11[%add3A_112, %dma_wait3A_115] : memref<10240x128xf32, #tpu.memory_space<vmem_shared>> -> memref<80x128xf32, #tpu.memory_space<vmem_shared>>
    tpu.wait_dma2 semaphore(%arg14 : memref<!tpu.dma_semaphore, #tpu.memory_space<semaphore_mem>>) src(%arg9 : memref<80x128xf32, #tpu.memory_space<vmem>>) dst(%dma_wait3A_116 : memref<80x128xf32, #tpu.memory_space<vmem_shared>>)
    %mul3A_117 = arith.constant 640 : i32
    %mul3A_118 = arith.muli %arg1, %mul3A_117 : i32
    %add3A_119 = arith.constant 400 : i32
    %add3A_120 = arith.addi %mul3A_118, %add3A_119 : i32
    %dma_wait3A_121 = arith.constant 0 : i32
    %dma_wait3A_122 = tpu.memref_slice %arg11[%add3A_120, %dma_wait3A_121] : memref<10240x128xf32, #tpu.memory_space<vmem_shared>> -> memref<80x128xf32, #tpu.memory_space<vmem_shared>>
    %dma_wait3A_123 = arith.constant 0 : i32
    %dma_wait3A_124 = tpu.memref_slice %arg11[%add3A_120, %dma_wait3A_123] : memref<10240x128xf32, #tpu.memory_space<vmem_shared>> -> memref<80x128xf32, #tpu.memory_space<vmem_shared>>
    tpu.wait_dma2 semaphore(%arg14 : memref<!tpu.dma_semaphore, #tpu.memory_space<semaphore_mem>>) src(%arg9 : memref<80x128xf32, #tpu.memory_space<vmem>>) dst(%dma_wait3A_124 : memref<80x128xf32, #tpu.memory_space<vmem_shared>>)
    %mul3A_125 = arith.constant 640 : i32
    %mul3A_126 = arith.muli %arg1, %mul3A_125 : i32
    %add3A_127 = arith.constant 480 : i32
    %add3A_128 = arith.addi %mul3A_126, %add3A_127 : i32
    %dma_wait3A_129 = arith.constant 0 : i32
    %dma_wait3A_130 = tpu.memref_slice %arg11[%add3A_128, %dma_wait3A_129] : memref<10240x128xf32, #tpu.memory_space<vmem_shared>> -> memref<80x128xf32, #tpu.memory_space<vmem_shared>>
    %dma_wait3A_131 = arith.constant 0 : i32
    %dma_wait3A_132 = tpu.memref_slice %arg11[%add3A_128, %dma_wait3A_131] : memref<10240x128xf32, #tpu.memory_space<vmem_shared>> -> memref<80x128xf32, #tpu.memory_space<vmem_shared>>
    tpu.wait_dma2 semaphore(%arg14 : memref<!tpu.dma_semaphore, #tpu.memory_space<semaphore_mem>>) src(%arg9 : memref<80x128xf32, #tpu.memory_space<vmem>>) dst(%dma_wait3A_132 : memref<80x128xf32, #tpu.memory_space<vmem_shared>>)
    %mul3A_133 = arith.constant 640 : i32
    %mul3A_134 = arith.muli %arg1, %mul3A_133 : i32
    %add3A_135 = arith.constant 560 : i32
    %add3A_136 = arith.addi %mul3A_134, %add3A_135 : i32
    %dma_wait3A_137 = arith.constant 0 : i32
    %dma_wait3A_138 = tpu.memref_slice %arg11[%add3A_136, %dma_wait3A_137] : memref<10240x128xf32, #tpu.memory_space<vmem_shared>> -> memref<80x128xf32, #tpu.memory_space<vmem_shared>>
    %dma_wait3A_139 = arith.constant 0 : i32
    %dma_wait3A_140 = tpu.memref_slice %arg11[%add3A_136, %dma_wait3A_139] : memref<10240x128xf32, #tpu.memory_space<vmem_shared>> -> memref<80x128xf32, #tpu.memory_space<vmem_shared>>
    tpu.wait_dma2 semaphore(%arg14 : memref<!tpu.dma_semaphore, #tpu.memory_space<semaphore_mem>>) src(%arg9 : memref<80x128xf32, #tpu.memory_space<vmem>>) dst(%dma_wait3A_140 : memref<80x128xf32, #tpu.memory_space<vmem_shared>>)
    %dma_wait3A_141 = arith.constant 0 : i32
    %dma_wait3A_142 = tpu.memref_slice %arg3[%add3A, %dma_wait3A_141] : memref<32x10080xi32, #tpu.memory_space<hbm>> -> memref<1x10080xi32, #tpu.memory_space<hbm>>
    %dma_wait3A_143 = tpu.memref_squeeze %dma_wait3A_142 : memref<1x10080xi32, #tpu.memory_space<hbm>> -> memref<10080xi32, #tpu.memory_space<hbm>>
    %dma_wait3A_144 = arith.constant 0 : i32
    %dma_wait3A_145 = tpu.memref_slice %arg3[%add3A, %dma_wait3A_144] : memref<32x10080xi32, #tpu.memory_space<hbm>> -> memref<1x10080xi32, #tpu.memory_space<hbm>>
    %dma_wait3A_146 = tpu.memref_squeeze %dma_wait3A_145 : memref<1x10080xi32, #tpu.memory_space<hbm>> -> memref<10080xi32, #tpu.memory_space<hbm>>
    tpu.wait_dma2 semaphore(%arg12 : memref<!tpu.dma_semaphore, #tpu.memory_space<semaphore_mem>>) src(%dma_wait3A_146 : memref<10080xi32, #tpu.memory_space<hbm>>) dst(%arg7 : memref<10080xi32, #tpu.memory_space<vmem>>)
    %dma_wait3A_147 = arith.constant 0 : i32
    %dma_wait3A_148 = arith.constant 0 : i32
    %dma_wait3A_149 = tpu.memref_slice %arg4[%add3A, %dma_wait3A_147, %dma_wait3A_148] : memref<32x126x80xi32, #tpu.memory_space<hbm>> -> memref<1x126x80xi32, #tpu.memory_space<hbm>>
    %dma_wait3A_150 = tpu.memref_squeeze %dma_wait3A_149 : memref<1x126x80xi32, #tpu.memory_space<hbm>> -> memref<126x80xi32, #tpu.memory_space<hbm>>
    %dma_wait3A_151 = arith.constant 0 : i32
    %dma_wait3A_152 = arith.constant 0 : i32
    %dma_wait3A_153 = tpu.memref_slice %arg4[%add3A, %dma_wait3A_151, %dma_wait3A_152] : memref<32x126x80xi32, #tpu.memory_space<hbm>> -> memref<1x126x80xi32, #tpu.memory_space<hbm>>
    %dma_wait3A_154 = tpu.memref_squeeze %dma_wait3A_153 : memref<1x126x80xi32, #tpu.memory_space<hbm>> -> memref<126x80xi32, #tpu.memory_space<hbm>>
    tpu.wait_dma2 semaphore(%arg13 : memref<!tpu.dma_semaphore, #tpu.memory_space<semaphore_mem>>) src(%dma_wait3A_154 : memref<126x80xi32, #tpu.memory_space<hbm>>) dst(%arg8 : memref<126x80xi32, #tpu.memory_space<vmem>>)
    %barrier3A = arith.constant 0 : index
    tpu.barrier barrier_id(%barrier3A)
    %dma_start3A_155 = arith.constant 0 : i32
    %dma_start3A_156 = tpu.memref_slice %arg7[%dma_start3A_155] : memref<10080xi32, #tpu.memory_space<vmem>> -> memref<80xi32, #tpu.memory_space<vmem>>
    %dma_start3A_157 = arith.constant 0 : i32
    %dma_start3A_158 = arith.constant 0 : i32
    %dma_start3A_159 = tpu.memref_slice %arg2[%dma_start3A_157, %dma_start3A_158] : memref<10240x128xf32, #tpu.memory_space<hbm>> -> memref<10240x128xf32, #tpu.memory_space<hbm>>
    tpu.enqueue_indirect_dma source(%dma_start3A_159 : memref<10240x128xf32, #tpu.memory_space<hbm>>) target(%arg9 : memref<80x128xf32, #tpu.memory_space<vmem>>) offsets(%dma_start3A_156 : memref<80xi32, #tpu.memory_space<vmem>>) semaphore(%arg12 : memref<!tpu.dma_semaphore, #tpu.memory_space<semaphore_mem>>)
    %scan3A = arith.constant 0 : i32
    %scan3A_160 = arith.constant 0 : i32
    %scan3A_161 = arith.constant 63 : i32
    %scan3A_162 = arith.addi %scan3A_160, %scan3A_161 : i32
    %scan3A_163 = arith.constant 1 : i32
    scf.for %scan3A_321 = %scan3A_160 to %scan3A_162 step %scan3A_163  : i32 {
      %mul3A_322 = arith.constant 2 : i32
      %mul3A_323 = arith.muli %mul3A_322, %scan3A_321 : i32
      %add3A_324 = arith.constant 1 : i32
      %add3A_325 = arith.addi %mul3A_323, %add3A_324 : i32
      %add3A_326 = arith.constant 2 : i32
      %add3A_327 = arith.addi %mul3A_323, %add3A_326 : i32
      %min3A = arith.constant 125 : i32
      %min3A_328 = arith.minsi %add3A_327, %min3A : i32
      %mul3A_329 = arith.constant 80 : i32
      %mul3A_330 = arith.muli %mul3A_323, %mul3A_329 : i32
      %dma_wait3A_331 = tpu.memref_slice %arg7[%mul3A_330] : memref<10080xi32, #tpu.memory_space<vmem>> -> memref<80xi32, #tpu.memory_space<vmem>>
      %dma_wait3A_332 = arith.constant 0 : i32
      %dma_wait3A_333 = arith.constant 0 : i32
      %dma_wait3A_334 = tpu.memref_slice %arg2[%dma_wait3A_332, %dma_wait3A_333] : memref<10240x128xf32, #tpu.memory_space<hbm>> -> memref<10240x128xf32, #tpu.memory_space<hbm>>
      tpu.wait_indirect_dma semaphore(%arg12 : memref<!tpu.dma_semaphore, #tpu.memory_space<semaphore_mem>>) src(%dma_wait3A_334 : memref<10240x128xf32, #tpu.memory_space<hbm>>) dst(%arg9 : memref<80x128xf32, #tpu.memory_space<vmem>>)
      %mul3A_335 = arith.constant 80 : i32
      %mul3A_336 = arith.muli %add3A_325, %mul3A_335 : i32
      %dma_start3A_337 = tpu.memref_slice %arg7[%mul3A_336] : memref<10080xi32, #tpu.memory_space<vmem>> -> memref<80xi32, #tpu.memory_space<vmem>>
      %dma_start3A_338 = arith.constant 0 : i32
      %dma_start3A_339 = arith.constant 0 : i32
      %dma_start3A_340 = tpu.memref_slice %arg2[%dma_start3A_338, %dma_start3A_339] : memref<10240x128xf32, #tpu.memory_space<hbm>> -> memref<10240x128xf32, #tpu.memory_space<hbm>>
      tpu.enqueue_indirect_dma source(%dma_start3A_340 : memref<10240x128xf32, #tpu.memory_space<hbm>>) target(%arg10 : memref<80x128xf32, #tpu.memory_space<vmem>>) offsets(%dma_start3A_337 : memref<80xi32, #tpu.memory_space<vmem>>) semaphore(%arg13 : memref<!tpu.dma_semaphore, #tpu.memory_space<semaphore_mem>>)
      "tpu.region"() ({
        %run_scoped3A = tpu.sem_alloc : memref<!tpu.dma_semaphore, #tpu.memory_space<semaphore_mem>>
        %dma_start3A_353 = arith.constant 0 : i32
        %dma_start3A_354 = tpu.memref_slice %arg8[%mul3A_323, %dma_start3A_353] : memref<126x80xi32, #tpu.memory_space<vmem>> -> memref<1x80xi32, #tpu.memory_space<vmem>>
        %dma_start3A_355 = tpu.memref_squeeze %dma_start3A_354 : memref<1x80xi32, #tpu.memory_space<vmem>> -> memref<80xi32, #tpu.memory_space<vmem>>
        %dma_start3A_356 = arith.constant 0 : i32
        %dma_start3A_357 = arith.constant 0 : i32
        %dma_start3A_358 = tpu.memref_slice %arg11[%dma_start3A_356, %dma_start3A_357] : memref<10240x128xf32, #tpu.memory_space<vmem_shared>> -> memref<10240x128xf32, #tpu.memory_space<vmem_shared>>
        tpu.enqueue_indirect_dma source(%arg9 : memref<80x128xf32, #tpu.memory_space<vmem>>) target(%dma_start3A_358 : memref<10240x128xf32, #tpu.memory_space<vmem_shared>>) offsets(%dma_start3A_355 : memref<80xi32, #tpu.memory_space<vmem>>) semaphore(%run_scoped3A : memref<!tpu.dma_semaphore, #tpu.memory_space<semaphore_mem>>) {add = true}
        %dma_wait3A_359 = arith.constant 0 : i32
        %dma_wait3A_360 = tpu.memref_slice %arg8[%mul3A_323, %dma_wait3A_359] : memref<126x80xi32, #tpu.memory_space<vmem>> -> memref<1x80xi32, #tpu.memory_space<vmem>>
        %dma_wait3A_361 = tpu.memref_squeeze %dma_wait3A_360 : memref<1x80xi32, #tpu.memory_space<vmem>> -> memref<80xi32, #tpu.memory_space<vmem>>
        %dma_wait3A_362 = arith.constant 0 : i32
        %dma_wait3A_363 = arith.constant 0 : i32
        %dma_wait3A_364 = tpu.memref_slice %arg11[%dma_wait3A_362, %dma_wait3A_363] : memref<10240x128xf32, #tpu.memory_space<vmem_shared>> -> memref<10240x128xf32, #tpu.memory_space<vmem_shared>>
        tpu.wait_indirect_dma semaphore(%run_scoped3A : memref<!tpu.dma_semaphore, #tpu.memory_space<semaphore_mem>>) src(%arg9 : memref<80x128xf32, #tpu.memory_space<vmem>>) dst(%dma_wait3A_364 : memref<10240x128xf32, #tpu.memory_space<vmem_shared>>)
        tpu.yield
      }) : () -> ()
      %mul3A_341 = arith.constant 80 : i32
      %mul3A_342 = arith.muli %add3A_325, %mul3A_341 : i32
      %dma_wait3A_343 = tpu.memref_slice %arg7[%mul3A_342] : memref<10080xi32, #tpu.memory_space<vmem>> -> memref<80xi32, #tpu.memory_space<vmem>>
      %dma_wait3A_344 = arith.constant 0 : i32
      %dma_wait3A_345 = arith.constant 0 : i32
      %dma_wait3A_346 = tpu.memref_slice %arg2[%dma_wait3A_344, %dma_wait3A_345] : memref<10240x128xf32, #tpu.memory_space<hbm>> -> memref<10240x128xf32, #tpu.memory_space<hbm>>
      tpu.wait_indirect_dma semaphore(%arg13 : memref<!tpu.dma_semaphore, #tpu.memory_space<semaphore_mem>>) src(%dma_wait3A_346 : memref<10240x128xf32, #tpu.memory_space<hbm>>) dst(%arg10 : memref<80x128xf32, #tpu.memory_space<vmem>>)
      %mul3A_347 = arith.constant 80 : i32
      %mul3A_348 = arith.muli %min3A_328, %mul3A_347 : i32
      %dma_start3A_349 = tpu.memref_slice %arg7[%mul3A_348] : memref<10080xi32, #tpu.memory_space<vmem>> -> memref<80xi32, #tpu.memory_space<vmem>>
      %dma_start3A_350 = arith.constant 0 : i32
      %dma_start3A_351 = arith.constant 0 : i32
      %dma_start3A_352 = tpu.memref_slice %arg2[%dma_start3A_350, %dma_start3A_351] : memref<10240x128xf32, #tpu.memory_space<hbm>> -> memref<10240x128xf32, #tpu.memory_space<hbm>>
      tpu.enqueue_indirect_dma source(%dma_start3A_352 : memref<10240x128xf32, #tpu.memory_space<hbm>>) target(%arg9 : memref<80x128xf32, #tpu.memory_space<vmem>>) offsets(%dma_start3A_349 : memref<80xi32, #tpu.memory_space<vmem>>) semaphore(%arg12 : memref<!tpu.dma_semaphore, #tpu.memory_space<semaphore_mem>>)
      "tpu.region"() ({
        %run_scoped3A = tpu.sem_alloc : memref<!tpu.dma_semaphore, #tpu.memory_space<semaphore_mem>>
        %dma_start3A_353 = arith.constant 0 : i32
        %dma_start3A_354 = tpu.memref_slice %arg8[%add3A_325, %dma_start3A_353] : memref<126x80xi32, #tpu.memory_space<vmem>> -> memref<1x80xi32, #tpu.memory_space<vmem>>
        %dma_start3A_355 = tpu.memref_squeeze %dma_start3A_354 : memref<1x80xi32, #tpu.memory_space<vmem>> -> memref<80xi32, #tpu.memory_space<vmem>>
        %dma_start3A_356 = arith.constant 0 : i32
        %dma_start3A_357 = arith.constant 0 : i32
        %dma_start3A_358 = tpu.memref_slice %arg11[%dma_start3A_356, %dma_start3A_357] : memref<10240x128xf32, #tpu.memory_space<vmem_shared>> -> memref<10240x128xf32, #tpu.memory_space<vmem_shared>>
        tpu.enqueue_indirect_dma source(%arg10 : memref<80x128xf32, #tpu.memory_space<vmem>>) target(%dma_start3A_358 : memref<10240x128xf32, #tpu.memory_space<vmem_shared>>) offsets(%dma_start3A_355 : memref<80xi32, #tpu.memory_space<vmem>>) semaphore(%run_scoped3A : memref<!tpu.dma_semaphore, #tpu.memory_space<semaphore_mem>>) {add = true}
        %dma_wait3A_359 = arith.constant 0 : i32
        %dma_wait3A_360 = tpu.memref_slice %arg8[%add3A_325, %dma_wait3A_359] : memref<126x80xi32, #tpu.memory_space<vmem>> -> memref<1x80xi32, #tpu.memory_space<vmem>>
        %dma_wait3A_361 = tpu.memref_squeeze %dma_wait3A_360 : memref<1x80xi32, #tpu.memory_space<vmem>> -> memref<80xi32, #tpu.memory_space<vmem>>
        %dma_wait3A_362 = arith.constant 0 : i32
        %dma_wait3A_363 = arith.constant 0 : i32
        %dma_wait3A_364 = tpu.memref_slice %arg11[%dma_wait3A_362, %dma_wait3A_363] : memref<10240x128xf32, #tpu.memory_space<vmem_shared>> -> memref<10240x128xf32, #tpu.memory_space<vmem_shared>>
        tpu.wait_indirect_dma semaphore(%run_scoped3A : memref<!tpu.dma_semaphore, #tpu.memory_space<semaphore_mem>>) src(%arg10 : memref<80x128xf32, #tpu.memory_space<vmem>>) dst(%dma_wait3A_364 : memref<10240x128xf32, #tpu.memory_space<vmem_shared>>)
        tpu.yield
      }) : () -> ()
    }
    %scan3A_164 = arith.constant 63 : i32
    %dma_wait3A_165 = arith.constant 0 : i32
    %dma_wait3A_166 = tpu.memref_slice %arg7[%dma_wait3A_165] : memref<10080xi32, #tpu.memory_space<vmem>> -> memref<80xi32, #tpu.memory_space<vmem>>
    %dma_wait3A_167 = arith.constant 0 : i32
    %dma_wait3A_168 = arith.constant 0 : i32
    %dma_wait3A_169 = tpu.memref_slice %arg2[%dma_wait3A_167, %dma_wait3A_168] : memref<10240x128xf32, #tpu.memory_space<hbm>> -> memref<10240x128xf32, #tpu.memory_space<hbm>>
    tpu.wait_indirect_dma semaphore(%arg12 : memref<!tpu.dma_semaphore, #tpu.memory_space<semaphore_mem>>) src(%dma_wait3A_169 : memref<10240x128xf32, #tpu.memory_space<hbm>>) dst(%arg9 : memref<80x128xf32, #tpu.memory_space<vmem>>)
    %barrier3A_170 = arith.constant 0 : index
    tpu.barrier barrier_id(%barrier3A_170)
    %mul3A_171 = arith.constant 640 : i32
    %mul3A_172 = arith.muli %arg1, %mul3A_171 : i32
    "tpu.region"() ({
      %run_scoped3A = tpu.sem_alloc : memref<!tpu.dma_semaphore, #tpu.memory_space<semaphore_mem>>
      %dma_start3A_321 = arith.constant 0 : i32
      %dma_start3A_322 = tpu.memref_slice %arg11[%mul3A_172, %dma_start3A_321] : memref<10240x128xf32, #tpu.memory_space<vmem_shared>> -> memref<80x128xf32, #tpu.memory_space<vmem_shared>>
      %dma_start3A_323 = arith.constant 0 : i32
      %dma_start3A_324 = tpu.memref_slice %arg11[%mul3A_172, %dma_start3A_323] : memref<10240x128xf32, #tpu.memory_space<vmem_shared>> -> memref<80x128xf32, #tpu.memory_space<vmem_shared>>
      tpu.enqueue_dma source(%dma_start3A_324 : memref<80x128xf32, #tpu.memory_space<vmem_shared>>) target(%arg9 : memref<80x128xf32, #tpu.memory_space<vmem>>) target_semaphore(%run_scoped3A : memref<!tpu.dma_semaphore, #tpu.memory_space<semaphore_mem>>)
      %dma_wait3A_325 = arith.constant 0 : i32
      %dma_wait3A_326 = tpu.memref_slice %arg11[%mul3A_172, %dma_wait3A_325] : memref<10240x128xf32, #tpu.memory_space<vmem_shared>> -> memref<80x128xf32, #tpu.memory_space<vmem_shared>>
      %dma_wait3A_327 = arith.constant 0 : i32
      %dma_wait3A_328 = tpu.memref_slice %arg11[%mul3A_172, %dma_wait3A_327] : memref<10240x128xf32, #tpu.memory_space<vmem_shared>> -> memref<80x128xf32, #tpu.memory_space<vmem_shared>>
      tpu.wait_dma2 semaphore(%run_scoped3A : memref<!tpu.dma_semaphore, #tpu.memory_space<semaphore_mem>>) src(%dma_wait3A_328 : memref<80x128xf32, #tpu.memory_space<vmem_shared>>) dst(%arg9 : memref<80x128xf32, #tpu.memory_space<vmem>>)
      tpu.yield
    }) : () -> ()
    %mul3A_173 = arith.constant 10240 : i32
    %mul3A_174 = arith.muli %arg0, %mul3A_173 : i32
    %mul3A_175 = arith.constant 640 : i32
    %mul3A_176 = arith.muli %arg1, %mul3A_175 : i32
    %add3A_177 = arith.addi %mul3A_174, %mul3A_176 : i32
    %add3A_178 = arith.constant 0 : i32
    %add3A_179 = arith.addi %add3A_177, %add3A_178 : i32
    %dma_start3A_180 = arith.constant 0 : i32
    %dma_start3A_181 = tpu.memref_slice %arg6[%add3A_179, %dma_start3A_180] : memref<20480x128xf32, #tpu.memory_space<hbm>> -> memref<80x128xf32, #tpu.memory_space<hbm>>
    %dma_start3A_182 = arith.constant 0 : i32
    %dma_start3A_183 = tpu.memref_slice %arg6[%add3A_179, %dma_start3A_182] : memref<20480x128xf32, #tpu.memory_space<hbm>> -> memref<80x128xf32, #tpu.memory_space<hbm>>
    tpu.enqueue_dma source(%arg9 : memref<80x128xf32, #tpu.memory_space<vmem>>) target(%dma_start3A_183 : memref<80x128xf32, #tpu.memory_space<hbm>>) target_semaphore(%arg12 : memref<!tpu.dma_semaphore, #tpu.memory_space<semaphore_mem>>)
    %mul3A_184 = arith.constant 640 : i32
    %mul3A_185 = arith.muli %arg1, %mul3A_184 : i32
    %add3A_186 = arith.constant 80 : i32
    %add3A_187 = arith.addi %mul3A_185, %add3A_186 : i32
    "tpu.region"() ({
      %run_scoped3A = tpu.sem_alloc : memref<!tpu.dma_semaphore, #tpu.memory_space<semaphore_mem>>
      %dma_start3A_321 = arith.constant 0 : i32
      %dma_start3A_322 = tpu.memref_slice %arg11[%add3A_187, %dma_start3A_321] : memref<10240x128xf32, #tpu.memory_space<vmem_shared>> -> memref<80x128xf32, #tpu.memory_space<vmem_shared>>
      %dma_start3A_323 = arith.constant 0 : i32
      %dma_start3A_324 = tpu.memref_slice %arg11[%add3A_187, %dma_start3A_323] : memref<10240x128xf32, #tpu.memory_space<vmem_shared>> -> memref<80x128xf32, #tpu.memory_space<vmem_shared>>
      tpu.enqueue_dma source(%dma_start3A_324 : memref<80x128xf32, #tpu.memory_space<vmem_shared>>) target(%arg10 : memref<80x128xf32, #tpu.memory_space<vmem>>) target_semaphore(%run_scoped3A : memref<!tpu.dma_semaphore, #tpu.memory_space<semaphore_mem>>)
      %dma_wait3A_325 = arith.constant 0 : i32
      %dma_wait3A_326 = tpu.memref_slice %arg11[%add3A_187, %dma_wait3A_325] : memref<10240x128xf32, #tpu.memory_space<vmem_shared>> -> memref<80x128xf32, #tpu.memory_space<vmem_shared>>
      %dma_wait3A_327 = arith.constant 0 : i32
      %dma_wait3A_328 = tpu.memref_slice %arg11[%add3A_187, %dma_wait3A_327] : memref<10240x128xf32, #tpu.memory_space<vmem_shared>> -> memref<80x128xf32, #tpu.memory_space<vmem_shared>>
      tpu.wait_dma2 semaphore(%run_scoped3A : memref<!tpu.dma_semaphore, #tpu.memory_space<semaphore_mem>>) src(%dma_wait3A_328 : memref<80x128xf32, #tpu.memory_space<vmem_shared>>) dst(%arg10 : memref<80x128xf32, #tpu.memory_space<vmem>>)
      tpu.yield
    }) : () -> ()
    %dma_wait3A_188 = arith.constant 0 : i32
    %dma_wait3A_189 = tpu.memref_slice %arg6[%add3A_179, %dma_wait3A_188] : memref<20480x128xf32, #tpu.memory_space<hbm>> -> memref<80x128xf32, #tpu.memory_space<hbm>>
    %dma_wait3A_190 = arith.constant 0 : i32
    %dma_wait3A_191 = tpu.memref_slice %arg6[%add3A_179, %dma_wait3A_190] : memref<20480x128xf32, #tpu.memory_space<hbm>> -> memref<80x128xf32, #tpu.memory_space<hbm>>
    tpu.wait_dma2 semaphore(%arg12 : memref<!tpu.dma_semaphore, #tpu.memory_space<semaphore_mem>>) src(%arg9 : memref<80x128xf32, #tpu.memory_space<vmem>>) dst(%dma_wait3A_191 : memref<80x128xf32, #tpu.memory_space<hbm>>)
    %mul3A_192 = arith.constant 10240 : i32
    %mul3A_193 = arith.muli %arg0, %mul3A_192 : i32
    %mul3A_194 = arith.constant 640 : i32
    %mul3A_195 = arith.muli %arg1, %mul3A_194 : i32
    %add3A_196 = arith.addi %mul3A_193, %mul3A_195 : i32
    %add3A_197 = arith.constant 80 : i32
    %add3A_198 = arith.addi %add3A_196, %add3A_197 : i32
    %dma_start3A_199 = arith.constant 0 : i32
    %dma_start3A_200 = tpu.memref_slice %arg6[%add3A_198, %dma_start3A_199] : memref<20480x128xf32, #tpu.memory_space<hbm>> -> memref<80x128xf32, #tpu.memory_space<hbm>>
    %dma_start3A_201 = arith.constant 0 : i32
    %dma_start3A_202 = tpu.memref_slice %arg6[%add3A_198, %dma_start3A_201] : memref<20480x128xf32, #tpu.memory_space<hbm>> -> memref<80x128xf32, #tpu.memory_space<hbm>>
    tpu.enqueue_dma source(%arg10 : memref<80x128xf32, #tpu.memory_space<vmem>>) target(%dma_start3A_202 : memref<80x128xf32, #tpu.memory_space<hbm>>) target_semaphore(%arg13 : memref<!tpu.dma_semaphore, #tpu.memory_space<semaphore_mem>>)
    %mul3A_203 = arith.constant 640 : i32
    %mul3A_204 = arith.muli %arg1, %mul3A_203 : i32
    %add3A_205 = arith.constant 160 : i32
    %add3A_206 = arith.addi %mul3A_204, %add3A_205 : i32
    "tpu.region"() ({
      %run_scoped3A = tpu.sem_alloc : memref<!tpu.dma_semaphore, #tpu.memory_space<semaphore_mem>>
      %dma_start3A_321 = arith.constant 0 : i32
      %dma_start3A_322 = tpu.memref_slice %arg11[%add3A_206, %dma_start3A_321] : memref<10240x128xf32, #tpu.memory_space<vmem_shared>> -> memref<80x128xf32, #tpu.memory_space<vmem_shared>>
      %dma_start3A_323 = arith.constant 0 : i32
      %dma_start3A_324 = tpu.memref_slice %arg11[%add3A_206, %dma_start3A_323] : memref<10240x128xf32, #tpu.memory_space<vmem_shared>> -> memref<80x128xf32, #tpu.memory_space<vmem_shared>>
      tpu.enqueue_dma source(%dma_start3A_324 : memref<80x128xf32, #tpu.memory_space<vmem_shared>>) target(%arg9 : memref<80x128xf32, #tpu.memory_space<vmem>>) target_semaphore(%run_scoped3A : memref<!tpu.dma_semaphore, #tpu.memory_space<semaphore_mem>>)
      %dma_wait3A_325 = arith.constant 0 : i32
      %dma_wait3A_326 = tpu.memref_slice %arg11[%add3A_206, %dma_wait3A_325] : memref<10240x128xf32, #tpu.memory_space<vmem_shared>> -> memref<80x128xf32, #tpu.memory_space<vmem_shared>>
      %dma_wait3A_327 = arith.constant 0 : i32
      %dma_wait3A_328 = tpu.memref_slice %arg11[%add3A_206, %dma_wait3A_327] : memref<10240x128xf32, #tpu.memory_space<vmem_shared>> -> memref<80x128xf32, #tpu.memory_space<vmem_shared>>
      tpu.wait_dma2 semaphore(%run_scoped3A : memref<!tpu.dma_semaphore, #tpu.memory_space<semaphore_mem>>) src(%dma_wait3A_328 : memref<80x128xf32, #tpu.memory_space<vmem_shared>>) dst(%arg9 : memref<80x128xf32, #tpu.memory_space<vmem>>)
      tpu.yield
    }) : () -> ()
    %dma_wait3A_207 = arith.constant 0 : i32
    %dma_wait3A_208 = tpu.memref_slice %arg6[%add3A_198, %dma_wait3A_207] : memref<20480x128xf32, #tpu.memory_space<hbm>> -> memref<80x128xf32, #tpu.memory_space<hbm>>
    %dma_wait3A_209 = arith.constant 0 : i32
    %dma_wait3A_210 = tpu.memref_slice %arg6[%add3A_198, %dma_wait3A_209] : memref<20480x128xf32, #tpu.memory_space<hbm>> -> memref<80x128xf32, #tpu.memory_space<hbm>>
    tpu.wait_dma2 semaphore(%arg13 : memref<!tpu.dma_semaphore, #tpu.memory_space<semaphore_mem>>) src(%arg10 : memref<80x128xf32, #tpu.memory_space<vmem>>) dst(%dma_wait3A_210 : memref<80x128xf32, #tpu.memory_space<hbm>>)
    %mul3A_211 = arith.constant 10240 : i32
    %mul3A_212 = arith.muli %arg0, %mul3A_211 : i32
    %mul3A_213 = arith.constant 640 : i32
    %mul3A_214 = arith.muli %arg1, %mul3A_213 : i32
    %add3A_215 = arith.addi %mul3A_212, %mul3A_214 : i32
    %add3A_216 = arith.constant 160 : i32
    %add3A_217 = arith.addi %add3A_215, %add3A_216 : i32
    %dma_start3A_218 = arith.constant 0 : i32
    %dma_start3A_219 = tpu.memref_slice %arg6[%add3A_217, %dma_start3A_218] : memref<20480x128xf32, #tpu.memory_space<hbm>> -> memref<80x128xf32, #tpu.memory_space<hbm>>
    %dma_start3A_220 = arith.constant 0 : i32
    %dma_start3A_221 = tpu.memref_slice %arg6[%add3A_217, %dma_start3A_220] : memref<20480x128xf32, #tpu.memory_space<hbm>> -> memref<80x128xf32, #tpu.memory_space<hbm>>
    tpu.enqueue_dma source(%arg9 : memref<80x128xf32, #tpu.memory_space<vmem>>) target(%dma_start3A_221 : memref<80x128xf32, #tpu.memory_space<hbm>>) target_semaphore(%arg12 : memref<!tpu.dma_semaphore, #tpu.memory_space<semaphore_mem>>)
    %mul3A_222 = arith.constant 640 : i32
    %mul3A_223 = arith.muli %arg1, %mul3A_222 : i32
    %add3A_224 = arith.constant 240 : i32
    %add3A_225 = arith.addi %mul3A_223, %add3A_224 : i32
    "tpu.region"() ({
      %run_scoped3A = tpu.sem_alloc : memref<!tpu.dma_semaphore, #tpu.memory_space<semaphore_mem>>
      %dma_start3A_321 = arith.constant 0 : i32
      %dma_start3A_322 = tpu.memref_slice %arg11[%add3A_225, %dma_start3A_321] : memref<10240x128xf32, #tpu.memory_space<vmem_shared>> -> memref<80x128xf32, #tpu.memory_space<vmem_shared>>
      %dma_start3A_323 = arith.constant 0 : i32
      %dma_start3A_324 = tpu.memref_slice %arg11[%add3A_225, %dma_start3A_323] : memref<10240x128xf32, #tpu.memory_space<vmem_shared>> -> memref<80x128xf32, #tpu.memory_space<vmem_shared>>
      tpu.enqueue_dma source(%dma_start3A_324 : memref<80x128xf32, #tpu.memory_space<vmem_shared>>) target(%arg10 : memref<80x128xf32, #tpu.memory_space<vmem>>) target_semaphore(%run_scoped3A : memref<!tpu.dma_semaphore, #tpu.memory_space<semaphore_mem>>)
      %dma_wait3A_325 = arith.constant 0 : i32
      %dma_wait3A_326 = tpu.memref_slice %arg11[%add3A_225, %dma_wait3A_325] : memref<10240x128xf32, #tpu.memory_space<vmem_shared>> -> memref<80x128xf32, #tpu.memory_space<vmem_shared>>
      %dma_wait3A_327 = arith.constant 0 : i32
      %dma_wait3A_328 = tpu.memref_slice %arg11[%add3A_225, %dma_wait3A_327] : memref<10240x128xf32, #tpu.memory_space<vmem_shared>> -> memref<80x128xf32, #tpu.memory_space<vmem_shared>>
      tpu.wait_dma2 semaphore(%run_scoped3A : memref<!tpu.dma_semaphore, #tpu.memory_space<semaphore_mem>>) src(%dma_wait3A_328 : memref<80x128xf32, #tpu.memory_space<vmem_shared>>) dst(%arg10 : memref<80x128xf32, #tpu.memory_space<vmem>>)
      tpu.yield
    }) : () -> ()
    %dma_wait3A_226 = arith.constant 0 : i32
    %dma_wait3A_227 = tpu.memref_slice %arg6[%add3A_217, %dma_wait3A_226] : memref<20480x128xf32, #tpu.memory_space<hbm>> -> memref<80x128xf32, #tpu.memory_space<hbm>>
    %dma_wait3A_228 = arith.constant 0 : i32
    %dma_wait3A_229 = tpu.memref_slice %arg6[%add3A_217, %dma_wait3A_228] : memref<20480x128xf32, #tpu.memory_space<hbm>> -> memref<80x128xf32, #tpu.memory_space<hbm>>
    tpu.wait_dma2 semaphore(%arg12 : memref<!tpu.dma_semaphore, #tpu.memory_space<semaphore_mem>>) src(%arg9 : memref<80x128xf32, #tpu.memory_space<vmem>>) dst(%dma_wait3A_229 : memref<80x128xf32, #tpu.memory_space<hbm>>)
    %mul3A_230 = arith.constant 10240 : i32
    %mul3A_231 = arith.muli %arg0, %mul3A_230 : i32
    %mul3A_232 = arith.constant 640 : i32
    %mul3A_233 = arith.muli %arg1, %mul3A_232 : i32
    %add3A_234 = arith.addi %mul3A_231, %mul3A_233 : i32
    %add3A_235 = arith.constant 240 : i32
    %add3A_236 = arith.addi %add3A_234, %add3A_235 : i32
    %dma_start3A_237 = arith.constant 0 : i32
    %dma_start3A_238 = tpu.memref_slice %arg6[%add3A_236, %dma_start3A_237] : memref<20480x128xf32, #tpu.memory_space<hbm>> -> memref<80x128xf32, #tpu.memory_space<hbm>>
    %dma_start3A_239 = arith.constant 0 : i32
    %dma_start3A_240 = tpu.memref_slice %arg6[%add3A_236, %dma_start3A_239] : memref<20480x128xf32, #tpu.memory_space<hbm>> -> memref<80x128xf32, #tpu.memory_space<hbm>>
    tpu.enqueue_dma source(%arg10 : memref<80x128xf32, #tpu.memory_space<vmem>>) target(%dma_start3A_240 : memref<80x128xf32, #tpu.memory_space<hbm>>) target_semaphore(%arg13 : memref<!tpu.dma_semaphore, #tpu.memory_space<semaphore_mem>>)
    %mul3A_241 = arith.constant 640 : i32
    %mul3A_242 = arith.muli %arg1, %mul3A_241 : i32
    %add3A_243 = arith.constant 320 : i32
    %add3A_244 = arith.addi %mul3A_242, %add3A_243 : i32
    "tpu.region"() ({
      %run_scoped3A = tpu.sem_alloc : memref<!tpu.dma_semaphore, #tpu.memory_space<semaphore_mem>>
      %dma_start3A_321 = arith.constant 0 : i32
      %dma_start3A_322 = tpu.memref_slice %arg11[%add3A_244, %dma_start3A_321] : memref<10240x128xf32, #tpu.memory_space<vmem_shared>> -> memref<80x128xf32, #tpu.memory_space<vmem_shared>>
      %dma_start3A_323 = arith.constant 0 : i32
      %dma_start3A_324 = tpu.memref_slice %arg11[%add3A_244, %dma_start3A_323] : memref<10240x128xf32, #tpu.memory_space<vmem_shared>> -> memref<80x128xf32, #tpu.memory_space<vmem_shared>>
      tpu.enqueue_dma source(%dma_start3A_324 : memref<80x128xf32, #tpu.memory_space<vmem_shared>>) target(%arg9 : memref<80x128xf32, #tpu.memory_space<vmem>>) target_semaphore(%run_scoped3A : memref<!tpu.dma_semaphore, #tpu.memory_space<semaphore_mem>>)
      %dma_wait3A_325 = arith.constant 0 : i32
      %dma_wait3A_326 = tpu.memref_slice %arg11[%add3A_244, %dma_wait3A_325] : memref<10240x128xf32, #tpu.memory_space<vmem_shared>> -> memref<80x128xf32, #tpu.memory_space<vmem_shared>>
      %dma_wait3A_327 = arith.constant 0 : i32
      %dma_wait3A_328 = tpu.memref_slice %arg11[%add3A_244, %dma_wait3A_327] : memref<10240x128xf32, #tpu.memory_space<vmem_shared>> -> memref<80x128xf32, #tpu.memory_space<vmem_shared>>
      tpu.wait_dma2 semaphore(%run_scoped3A : memref<!tpu.dma_semaphore, #tpu.memory_space<semaphore_mem>>) src(%dma_wait3A_328 : memref<80x128xf32, #tpu.memory_space<vmem_shared>>) dst(%arg9 : memref<80x128xf32, #tpu.memory_space<vmem>>)
      tpu.yield
    }) : () -> ()
    %dma_wait3A_245 = arith.constant 0 : i32
    %dma_wait3A_246 = tpu.memref_slice %arg6[%add3A_236, %dma_wait3A_245] : memref<20480x128xf32, #tpu.memory_space<hbm>> -> memref<80x128xf32, #tpu.memory_space<hbm>>
    %dma_wait3A_247 = arith.constant 0 : i32
    %dma_wait3A_248 = tpu.memref_slice %arg6[%add3A_236, %dma_wait3A_247] : memref<20480x128xf32, #tpu.memory_space<hbm>> -> memref<80x128xf32, #tpu.memory_space<hbm>>
    tpu.wait_dma2 semaphore(%arg13 : memref<!tpu.dma_semaphore, #tpu.memory_space<semaphore_mem>>) src(%arg10 : memref<80x128xf32, #tpu.memory_space<vmem>>) dst(%dma_wait3A_248 : memref<80x128xf32, #tpu.memory_space<hbm>>)
    %mul3A_249 = arith.constant 10240 : i32
    %mul3A_250 = arith.muli %arg0, %mul3A_249 : i32
    %mul3A_251 = arith.constant 640 : i32
    %mul3A_252 = arith.muli %arg1, %mul3A_251 : i32
    %add3A_253 = arith.addi %mul3A_250, %mul3A_252 : i32
    %add3A_254 = arith.constant 320 : i32
    %add3A_255 = arith.addi %add3A_253, %add3A_254 : i32
    %dma_start3A_256 = arith.constant 0 : i32
    %dma_start3A_257 = tpu.memref_slice %arg6[%add3A_255, %dma_start3A_256] : memref<20480x128xf32, #tpu.memory_space<hbm>> -> memref<80x128xf32, #tpu.memory_space<hbm>>
    %dma_start3A_258 = arith.constant 0 : i32
    %dma_start3A_259 = tpu.memref_slice %arg6[%add3A_255, %dma_start3A_258] : memref<20480x128xf32, #tpu.memory_space<hbm>> -> memref<80x128xf32, #tpu.memory_space<hbm>>
    tpu.enqueue_dma source(%arg9 : memref<80x128xf32, #tpu.memory_space<vmem>>) target(%dma_start3A_259 : memref<80x128xf32, #tpu.memory_space<hbm>>) target_semaphore(%arg12 : memref<!tpu.dma_semaphore, #tpu.memory_space<semaphore_mem>>)
    %mul3A_260 = arith.constant 640 : i32
    %mul3A_261 = arith.muli %arg1, %mul3A_260 : i32
    %add3A_262 = arith.constant 400 : i32
    %add3A_263 = arith.addi %mul3A_261, %add3A_262 : i32
    "tpu.region"() ({
      %run_scoped3A = tpu.sem_alloc : memref<!tpu.dma_semaphore, #tpu.memory_space<semaphore_mem>>
      %dma_start3A_321 = arith.constant 0 : i32
      %dma_start3A_322 = tpu.memref_slice %arg11[%add3A_263, %dma_start3A_321] : memref<10240x128xf32, #tpu.memory_space<vmem_shared>> -> memref<80x128xf32, #tpu.memory_space<vmem_shared>>
      %dma_start3A_323 = arith.constant 0 : i32
      %dma_start3A_324 = tpu.memref_slice %arg11[%add3A_263, %dma_start3A_323] : memref<10240x128xf32, #tpu.memory_space<vmem_shared>> -> memref<80x128xf32, #tpu.memory_space<vmem_shared>>
      tpu.enqueue_dma source(%dma_start3A_324 : memref<80x128xf32, #tpu.memory_space<vmem_shared>>) target(%arg10 : memref<80x128xf32, #tpu.memory_space<vmem>>) target_semaphore(%run_scoped3A : memref<!tpu.dma_semaphore, #tpu.memory_space<semaphore_mem>>)
      %dma_wait3A_325 = arith.constant 0 : i32
      %dma_wait3A_326 = tpu.memref_slice %arg11[%add3A_263, %dma_wait3A_325] : memref<10240x128xf32, #tpu.memory_space<vmem_shared>> -> memref<80x128xf32, #tpu.memory_space<vmem_shared>>
      %dma_wait3A_327 = arith.constant 0 : i32
      %dma_wait3A_328 = tpu.memref_slice %arg11[%add3A_263, %dma_wait3A_327] : memref<10240x128xf32, #tpu.memory_space<vmem_shared>> -> memref<80x128xf32, #tpu.memory_space<vmem_shared>>
      tpu.wait_dma2 semaphore(%run_scoped3A : memref<!tpu.dma_semaphore, #tpu.memory_space<semaphore_mem>>) src(%dma_wait3A_328 : memref<80x128xf32, #tpu.memory_space<vmem_shared>>) dst(%arg10 : memref<80x128xf32, #tpu.memory_space<vmem>>)
      tpu.yield
    }) : () -> ()
    %dma_wait3A_264 = arith.constant 0 : i32
    %dma_wait3A_265 = tpu.memref_slice %arg6[%add3A_255, %dma_wait3A_264] : memref<20480x128xf32, #tpu.memory_space<hbm>> -> memref<80x128xf32, #tpu.memory_space<hbm>>
    %dma_wait3A_266 = arith.constant 0 : i32
    %dma_wait3A_267 = tpu.memref_slice %arg6[%add3A_255, %dma_wait3A_266] : memref<20480x128xf32, #tpu.memory_space<hbm>> -> memref<80x128xf32, #tpu.memory_space<hbm>>
    tpu.wait_dma2 semaphore(%arg12 : memref<!tpu.dma_semaphore, #tpu.memory_space<semaphore_mem>>) src(%arg9 : memref<80x128xf32, #tpu.memory_space<vmem>>) dst(%dma_wait3A_267 : memref<80x128xf32, #tpu.memory_space<hbm>>)
    %mul3A_268 = arith.constant 10240 : i32
    %mul3A_269 = arith.muli %arg0, %mul3A_268 : i32
    %mul3A_270 = arith.constant 640 : i32
    %mul3A_271 = arith.muli %arg1, %mul3A_270 : i32
    %add3A_272 = arith.addi %mul3A_269, %mul3A_271 : i32
    %add3A_273 = arith.constant 400 : i32
    %add3A_274 = arith.addi %add3A_272, %add3A_273 : i32
    %dma_start3A_275 = arith.constant 0 : i32
    %dma_start3A_276 = tpu.memref_slice %arg6[%add3A_274, %dma_start3A_275] : memref<20480x128xf32, #tpu.memory_space<hbm>> -> memref<80x128xf32, #tpu.memory_space<hbm>>
    %dma_start3A_277 = arith.constant 0 : i32
    %dma_start3A_278 = tpu.memref_slice %arg6[%add3A_274, %dma_start3A_277] : memref<20480x128xf32, #tpu.memory_space<hbm>> -> memref<80x128xf32, #tpu.memory_space<hbm>>
    tpu.enqueue_dma source(%arg10 : memref<80x128xf32, #tpu.memory_space<vmem>>) target(%dma_start3A_278 : memref<80x128xf32, #tpu.memory_space<hbm>>) target_semaphore(%arg13 : memref<!tpu.dma_semaphore, #tpu.memory_space<semaphore_mem>>)
    %mul3A_279 = arith.constant 640 : i32
    %mul3A_280 = arith.muli %arg1, %mul3A_279 : i32
    %add3A_281 = arith.constant 480 : i32
    %add3A_282 = arith.addi %mul3A_280, %add3A_281 : i32
    "tpu.region"() ({
      %run_scoped3A = tpu.sem_alloc : memref<!tpu.dma_semaphore, #tpu.memory_space<semaphore_mem>>
      %dma_start3A_321 = arith.constant 0 : i32
      %dma_start3A_322 = tpu.memref_slice %arg11[%add3A_282, %dma_start3A_321] : memref<10240x128xf32, #tpu.memory_space<vmem_shared>> -> memref<80x128xf32, #tpu.memory_space<vmem_shared>>
      %dma_start3A_323 = arith.constant 0 : i32
      %dma_start3A_324 = tpu.memref_slice %arg11[%add3A_282, %dma_start3A_323] : memref<10240x128xf32, #tpu.memory_space<vmem_shared>> -> memref<80x128xf32, #tpu.memory_space<vmem_shared>>
      tpu.enqueue_dma source(%dma_start3A_324 : memref<80x128xf32, #tpu.memory_space<vmem_shared>>) target(%arg9 : memref<80x128xf32, #tpu.memory_space<vmem>>) target_semaphore(%run_scoped3A : memref<!tpu.dma_semaphore, #tpu.memory_space<semaphore_mem>>)
      %dma_wait3A_325 = arith.constant 0 : i32
      %dma_wait3A_326 = tpu.memref_slice %arg11[%add3A_282, %dma_wait3A_325] : memref<10240x128xf32, #tpu.memory_space<vmem_shared>> -> memref<80x128xf32, #tpu.memory_space<vmem_shared>>
      %dma_wait3A_327 = arith.constant 0 : i32
      %dma_wait3A_328 = tpu.memref_slice %arg11[%add3A_282, %dma_wait3A_327] : memref<10240x128xf32, #tpu.memory_space<vmem_shared>> -> memref<80x128xf32, #tpu.memory_space<vmem_shared>>
      tpu.wait_dma2 semaphore(%run_scoped3A : memref<!tpu.dma_semaphore, #tpu.memory_space<semaphore_mem>>) src(%dma_wait3A_328 : memref<80x128xf32, #tpu.memory_space<vmem_shared>>) dst(%arg9 : memref<80x128xf32, #tpu.memory_space<vmem>>)
      tpu.yield
    }) : () -> ()
    %dma_wait3A_283 = arith.constant 0 : i32
    %dma_wait3A_284 = tpu.memref_slice %arg6[%add3A_274, %dma_wait3A_283] : memref<20480x128xf32, #tpu.memory_space<hbm>> -> memref<80x128xf32, #tpu.memory_space<hbm>>
    %dma_wait3A_285 = arith.constant 0 : i32
    %dma_wait3A_286 = tpu.memref_slice %arg6[%add3A_274, %dma_wait3A_285] : memref<20480x128xf32, #tpu.memory_space<hbm>> -> memref<80x128xf32, #tpu.memory_space<hbm>>
    tpu.wait_dma2 semaphore(%arg13 : memref<!tpu.dma_semaphore, #tpu.memory_space<semaphore_mem>>) src(%arg10 : memref<80x128xf32, #tpu.memory_space<vmem>>) dst(%dma_wait3A_286 : memref<80x128xf32, #tpu.memory_space<hbm>>)
    %mul3A_287 = arith.constant 10240 : i32
    %mul3A_288 = arith.muli %arg0, %mul3A_287 : i32
    %mul3A_289 = arith.constant 640 : i32
    %mul3A_290 = arith.muli %arg1, %mul3A_289 : i32
    %add3A_291 = arith.addi %mul3A_288, %mul3A_290 : i32
    %add3A_292 = arith.constant 480 : i32
    %add3A_293 = arith.addi %add3A_291, %add3A_292 : i32
    %dma_start3A_294 = arith.constant 0 : i32
    %dma_start3A_295 = tpu.memref_slice %arg6[%add3A_293, %dma_start3A_294] : memref<20480x128xf32, #tpu.memory_space<hbm>> -> memref<80x128xf32, #tpu.memory_space<hbm>>
    %dma_start3A_296 = arith.constant 0 : i32
    %dma_start3A_297 = tpu.memref_slice %arg6[%add3A_293, %dma_start3A_296] : memref<20480x128xf32, #tpu.memory_space<hbm>> -> memref<80x128xf32, #tpu.memory_space<hbm>>
    tpu.enqueue_dma source(%arg9 : memref<80x128xf32, #tpu.memory_space<vmem>>) target(%dma_start3A_297 : memref<80x128xf32, #tpu.memory_space<hbm>>) target_semaphore(%arg12 : memref<!tpu.dma_semaphore, #tpu.memory_space<semaphore_mem>>)
    %mul3A_298 = arith.constant 640 : i32
    %mul3A_299 = arith.muli %arg1, %mul3A_298 : i32
    %add3A_300 = arith.constant 560 : i32
    %add3A_301 = arith.addi %mul3A_299, %add3A_300 : i32
    "tpu.region"() ({
      %run_scoped3A = tpu.sem_alloc : memref<!tpu.dma_semaphore, #tpu.memory_space<semaphore_mem>>
      %dma_start3A_321 = arith.constant 0 : i32
      %dma_start3A_322 = tpu.memref_slice %arg11[%add3A_301, %dma_start3A_321] : memref<10240x128xf32, #tpu.memory_space<vmem_shared>> -> memref<80x128xf32, #tpu.memory_space<vmem_shared>>
      %dma_start3A_323 = arith.constant 0 : i32
      %dma_start3A_324 = tpu.memref_slice %arg11[%add3A_301, %dma_start3A_323] : memref<10240x128xf32, #tpu.memory_space<vmem_shared>> -> memref<80x128xf32, #tpu.memory_space<vmem_shared>>
      tpu.enqueue_dma source(%dma_start3A_324 : memref<80x128xf32, #tpu.memory_space<vmem_shared>>) target(%arg10 : memref<80x128xf32, #tpu.memory_space<vmem>>) target_semaphore(%run_scoped3A : memref<!tpu.dma_semaphore, #tpu.memory_space<semaphore_mem>>)
      %dma_wait3A_325 = arith.constant 0 : i32
      %dma_wait3A_326 = tpu.memref_slice %arg11[%add3A_301, %dma_wait3A_325] : memref<10240x128xf32, #tpu.memory_space<vmem_shared>> -> memref<80x128xf32, #tpu.memory_space<vmem_shared>>
      %dma_wait3A_327 = arith.constant 0 : i32
      %dma_wait3A_328 = tpu.memref_slice %arg11[%add3A_301, %dma_wait3A_327] : memref<10240x128xf32, #tpu.memory_space<vmem_shared>> -> memref<80x128xf32, #tpu.memory_space<vmem_shared>>
      tpu.wait_dma2 semaphore(%run_scoped3A : memref<!tpu.dma_semaphore, #tpu.memory_space<semaphore_mem>>) src(%dma_wait3A_328 : memref<80x128xf32, #tpu.memory_space<vmem_shared>>) dst(%arg10 : memref<80x128xf32, #tpu.memory_space<vmem>>)
      tpu.yield
    }) : () -> ()
    %dma_wait3A_302 = arith.constant 0 : i32
    %dma_wait3A_303 = tpu.memref_slice %arg6[%add3A_293, %dma_wait3A_302] : memref<20480x128xf32, #tpu.memory_space<hbm>> -> memref<80x128xf32, #tpu.memory_space<hbm>>
    %dma_wait3A_304 = arith.constant 0 : i32
    %dma_wait3A_305 = tpu.memref_slice %arg6[%add3A_293, %dma_wait3A_304] : memref<20480x128xf32, #tpu.memory_space<hbm>> -> memref<80x128xf32, #tpu.memory_space<hbm>>
    tpu.wait_dma2 semaphore(%arg12 : memref<!tpu.dma_semaphore, #tpu.memory_space<semaphore_mem>>) src(%arg9 : memref<80x128xf32, #tpu.memory_space<vmem>>) dst(%dma_wait3A_305 : memref<80x128xf32, #tpu.memory_space<hbm>>)
    %mul3A_306 = arith.constant 10240 : i32
    %mul3A_307 = arith.muli %arg0, %mul3A_306 : i32
    %mul3A_308 = arith.constant 640 : i32
    %mul3A_309 = arith.muli %arg1, %mul3A_308 : i32
    %add3A_310 = arith.addi %mul3A_307, %mul3A_309 : i32
    %add3A_311 = arith.constant 560 : i32
    %add3A_312 = arith.addi %add3A_310, %add3A_311 : i32
    %dma_start3A_313 = arith.constant 0 : i32
    %dma_start3A_314 = tpu.memref_slice %arg6[%add3A_312, %dma_start3A_313] : memref<20480x128xf32, #tpu.memory_space<hbm>> -> memref<80x128xf32, #tpu.memory_space<hbm>>
    %dma_start3A_315 = arith.constant 0 : i32
    %dma_start3A_316 = tpu.memref_slice %arg6[%add3A_312, %dma_start3A_315] : memref<20480x128xf32, #tpu.memory_space<hbm>> -> memref<80x128xf32, #tpu.memory_space<hbm>>
    tpu.enqueue_dma source(%arg10 : memref<80x128xf32, #tpu.memory_space<vmem>>) target(%dma_start3A_316 : memref<80x128xf32, #tpu.memory_space<hbm>>) target_semaphore(%arg13 : memref<!tpu.dma_semaphore, #tpu.memory_space<semaphore_mem>>)
    %dma_wait3A_317 = arith.constant 0 : i32
    %dma_wait3A_318 = tpu.memref_slice %arg6[%add3A_312, %dma_wait3A_317] : memref<20480x128xf32, #tpu.memory_space<hbm>> -> memref<80x128xf32, #tpu.memory_space<hbm>>
    %dma_wait3A_319 = arith.constant 0 : i32
    %dma_wait3A_320 = tpu.memref_slice %arg6[%add3A_312, %dma_wait3A_319] : memref<20480x128xf32, #tpu.memory_space<hbm>> -> memref<80x128xf32, #tpu.memory_space<hbm>>
    tpu.wait_dma2 semaphore(%arg13 : memref<!tpu.dma_semaphore, #tpu.memory_space<semaphore_mem>>) src(%arg10 : memref<80x128xf32, #tpu.memory_space<vmem>>) dst(%dma_wait3A_320 : memref<80x128xf32, #tpu.memory_space<hbm>>)
    return
  }
}

module attributes {stable_mosaic.version = 14 : i64} {
  func.func @_stage0_body(%arg0: i32, %arg1: memref<512x128xf32, #tpu.memory_space<vmem>>, %arg2: memref<128x128xf32, #tpu.memory_space<vmem>>, %arg3: memref<512x128xf32, #tpu.memory_space<vmem>>, %arg4: memref<512x128xf32, #tpu.memory_space<vmem>>, %arg5: memref<512x128xf32, #tpu.memory_space<vmem>>, %arg6: memref<512x128xf32, #tpu.memory_space<vmem>>) attributes {dimension_semantics = [#tpu.dimension_semantics<arbitrary>], iteration_bounds = array<i64: 20>, scalar_prefetch = 0 : i64, scratch_operands = 0 : i64, tpu.core_type = #tpu.core_type<tc>, window_params = [{transform_indices = @transform_0, window_bounds = array<i64: 512, 128>}, {pipeline_mode = #tpu.pipeline_mode<synchronous>, transform_indices = @transform_1, window_bounds = array<i64: 128, 128>}, {transform_indices = @transform_2, window_bounds = array<i64: 512, 128>}, {transform_indices = @transform_3, window_bounds = array<i64: 512, 128>}, {transform_indices = @transform_4, window_bounds = array<i64: 512, 128>}, {transform_indices = @transform_5, window_bounds = array<i64: 512, 128>}]} {
    %get3A = arith.constant 0 : index
    %get3A_0 = arith.constant 0 : index
    %get3A_1 = vector.load %arg3[%get3A, %get3A_0] : memref<512x128xf32, #tpu.memory_space<vmem>>, vector<512x1xf32>
    %get3A_2 = arith.constant 0 : index
    %get3A_3 = arith.constant 0 : index
    %get3A_4 = vector.load %arg4[%get3A_2, %get3A_3] : memref<512x128xf32, #tpu.memory_space<vmem>>, vector<512x1xf32>
    %add3A = arith.addf %get3A_1, %get3A_4 : vector<512x1xf32>
    %add3A_5 = arith.constant 1.000000e+00 : f32
    %add3A_6 = vector.broadcast %add3A_5 : f32 to vector<512x1xf32>
    %add3A_7 = arith.addf %add3A, %add3A_6 : vector<512x1xf32>
    %rsqrt3A = math.rsqrt %add3A_7 : vector<512x1xf32>
    %broadcast_in_dim3A = vector.shape_cast %rsqrt3A : vector<512x1xf32> to vector<512x1xf32>
    %broadcast_in_dim3A_8 = vector.broadcast %broadcast_in_dim3A : vector<512x1xf32> to vector<512x128xf32>
    %swap3A = arith.constant 0 : index
    %swap3A_9 = arith.constant 0 : index
    %swap3A_10 = vector.load %arg6[%swap3A, %swap3A_9] : memref<512x128xf32, #tpu.memory_space<vmem>>, vector<512x128xf32>
    tpu.vector_store %arg6[%swap3A, %swap3A_9], %broadcast_in_dim3A_8 {strides = array<i32>} : memref<512x128xf32, #tpu.memory_space<vmem>>, vector<512x128xf32>,
    %get3A_11 = arith.constant 0 : index
    %get3A_12 = arith.constant 0 : index
    %get3A_13 = vector.load %arg1[%get3A_11, %get3A_12] : memref<512x128xf32, #tpu.memory_space<vmem>>, vector<512x128xf32>
    %get3A_14 = arith.constant 0 : index
    %get3A_15 = arith.constant 0 : index
    %get3A_16 = vector.load %arg2[%get3A_14, %get3A_15] : memref<128x128xf32, #tpu.memory_space<vmem>>, vector<128x128xf32>
    %dot_general3A = arith.constant dense<0.000000e+00> : vector<512x128xf32>
    %dot_general3A_17 = tpu.matmul %get3A_13, %get3A_16, %dot_general3A {dimension_numbers = #tpu.dot_dimension_numbers<[1], [0], [0], [1], [0, 0, 1, 1], [], []>, transpose_lhs_hint = false} : vector<512x128xf32>, vector<128x128xf32>, vector<512x128xf32> -> vector<512x128xf32>
    %mul3A = arith.mulf %broadcast_in_dim3A_8, %dot_general3A_17 : vector<512x128xf32>
    %swap3A_18 = arith.constant 0 : index
    %swap3A_19 = arith.constant 0 : index
    %swap3A_20 = vector.load %arg5[%swap3A_18, %swap3A_19] : memref<512x128xf32, #tpu.memory_space<vmem>>, vector<512x128xf32>
    tpu.vector_store %arg5[%swap3A_18, %swap3A_19], %mul3A {strides = array<i32>} : memref<512x128xf32, #tpu.memory_space<vmem>>, vector<512x128xf32>,
    return
  }
  func.func @transform_0(%arg0: i32) -> (i32, i32) {
    %c0_i32 = arith.constant 0 : i32
    %c0_i32_0 = arith.constant 0 : i32
    return %arg0, %c0_i32 : i32, i32
  }
  func.func @transform_1(%arg0: i32) -> (i32, i32) {
    %c0_i32 = arith.constant 0 : i32
    %c0_i32_0 = arith.constant 0 : i32
    %c0_i32_1 = arith.constant 0 : i32
    return %c0_i32, %c0_i32_0 : i32, i32
  }
  func.func @transform_2(%arg0: i32) -> (i32, i32) {
    %c0_i32 = arith.constant 0 : i32
    %c0_i32_0 = arith.constant 0 : i32
    return %arg0, %c0_i32 : i32, i32
  }
  func.func @transform_3(%arg0: i32) -> (i32, i32) {
    %c0_i32 = arith.constant 0 : i32
    %c0_i32_0 = arith.constant 0 : i32
    return %arg0, %c0_i32 : i32, i32
  }
  func.func @transform_4(%arg0: i32) -> (i32, i32) {
    %c0_i32 = arith.constant 0 : i32
    %c0_i32_0 = arith.constant 0 : i32
    return %arg0, %c0_i32 : i32, i32
  }
  func.func @transform_5(%arg0: i32) -> (i32, i32) {
    %c0_i32 = arith.constant 0 : i32
    %c0_i32_0 = arith.constant 0 : i32
    return %arg0, %c0_i32 : i32, i32
  }
}

module attributes {stable_mosaic.version = 14 : i64} {
  func.func @_stage_mid_body(%arg0: i32, %arg1: memref<512x128xf32, #tpu.memory_space<vmem>>, %arg2: memref<512x128xf32, #tpu.memory_space<vmem>>, %arg3: memref<512x128xf32, #tpu.memory_space<vmem>>, %arg4: memref<512x128xf32, #tpu.memory_space<vmem>>, %arg5: memref<1x128xf32, #tpu.memory_space<vmem>>, %arg6: memref<128x128xf32, #tpu.memory_space<vmem>>, %arg7: memref<1x128xf32, #tpu.memory_space<vmem>>, %arg8: memref<128x128xf32, #tpu.memory_space<vmem>>, %arg9: memref<1x128xf32, #tpu.memory_space<vmem>>, %arg10: memref<128x128xf32, #tpu.memory_space<vmem>>, %arg11: memref<512x128xf32, #tpu.memory_space<vmem>>) attributes {dimension_semantics = [#tpu.dimension_semantics<arbitrary>], iteration_bounds = array<i64: 20>, scalar_prefetch = 0 : i64, scratch_operands = 0 : i64, tpu.core_type = #tpu.core_type<tc>, window_params = [{transform_indices = @transform_0, window_bounds = array<i64: 512, 128>}, {transform_indices = @transform_1, window_bounds = array<i64: 512, 128>}, {transform_indices = @transform_2, window_bounds = array<i64: 512, 128>}, {transform_indices = @transform_3, window_bounds = array<i64: 512, 128>}, {pipeline_mode = #tpu.pipeline_mode<synchronous>, transform_indices = @transform_4, window_bounds = array<i64: 1, 128>}, {pipeline_mode = #tpu.pipeline_mode<synchronous>, transform_indices = @transform_5, window_bounds = array<i64: 128, 128>}, {pipeline_mode = #tpu.pipeline_mode<synchronous>, transform_indices = @transform_6, window_bounds = array<i64: 1, 128>}, {pipeline_mode = #tpu.pipeline_mode<synchronous>, transform_indices = @transform_7, window_bounds = array<i64: 128, 128>}, {pipeline_mode = #tpu.pipeline_mode<synchronous>, transform_indices = @transform_8, window_bounds = array<i64: 1, 128>}, {pipeline_mode = #tpu.pipeline_mode<synchronous>, transform_indices = @transform_9, window_bounds = array<i64: 128, 128>}, {transform_indices = @transform_10, window_bounds = array<i64: 512, 128>}]} {
    %get3A = arith.constant 0 : index
    %get3A_0 = arith.constant 0 : index
    %get3A_1 = vector.load %arg4[%get3A, %get3A_0] : memref<512x128xf32, #tpu.memory_space<vmem>>, vector<512x128xf32>
    %get3A_2 = arith.constant 0 : index
    %get3A_3 = arith.constant 0 : index
    %get3A_4 = vector.load %arg1[%get3A_2, %get3A_3] : memref<512x128xf32, #tpu.memory_space<vmem>>, vector<512x128xf32>
    %get3A_5 = arith.constant 0 : index
    %get3A_6 = arith.constant 0 : index
    %get3A_7 = vector.load %arg2[%get3A_5, %get3A_6] : memref<512x128xf32, #tpu.memory_space<vmem>>, vector<512x128xf32>
    %add3A = arith.addf %get3A_4, %get3A_7 : vector<512x128xf32>
    %get3A_8 = arith.constant 0 : index
    %get3A_9 = arith.constant 0 : index
    %get3A_10 = vector.load %arg3[%get3A_8, %get3A_9] : memref<512x128xf32, #tpu.memory_space<vmem>>, vector<512x128xf32>
    %add3A_11 = arith.addf %add3A, %get3A_10 : vector<512x128xf32>
    %mul3A = arith.mulf %get3A_1, %add3A_11 : vector<512x128xf32>
    %get3A_12 = arith.constant 0 : index
    %get3A_13 = arith.constant 0 : index
    %get3A_14 = vector.load %arg5[%get3A_12, %get3A_13] : memref<1x128xf32, #tpu.memory_space<vmem>>, vector<1x128xf32>
    %add3A_15 = vector.broadcast %get3A_14 : vector<1x128xf32> to vector<512x128xf32>
    %add3A_16 = arith.addf %mul3A, %add3A_15 : vector<512x128xf32>
    %get3A_17 = arith.constant 0 : index
    %get3A_18 = arith.constant 0 : index
    %get3A_19 = vector.load %arg6[%get3A_17, %get3A_18] : memref<128x128xf32, #tpu.memory_space<vmem>>, vector<128x128xf32>
    %dot_general3A = arith.constant dense<0.000000e+00> : vector<512x128xf32>
    %dot_general3A_20 = tpu.matmul %add3A_16, %get3A_19, %dot_general3A {dimension_numbers = #tpu.dot_dimension_numbers<[1], [0], [0], [1], [0, 0, 1, 1], [], []>, transpose_lhs_hint = false} : vector<512x128xf32>, vector<128x128xf32>, vector<512x128xf32> -> vector<512x128xf32>
    %get3A_21 = arith.constant 0 : index
    %get3A_22 = arith.constant 0 : index
    %get3A_23 = vector.load %arg7[%get3A_21, %get3A_22] : memref<1x128xf32, #tpu.memory_space<vmem>>, vector<1x128xf32>
    %add3A_24 = vector.broadcast %get3A_23 : vector<1x128xf32> to vector<512x128xf32>
    %add3A_25 = arith.addf %dot_general3A_20, %add3A_24 : vector<512x128xf32>
    %max3A = arith.constant 0.000000e+00 : f32
    %max3A_26 = vector.broadcast %max3A : f32 to vector<512x128xf32>
    %max3A_27 = arith.maximumf %add3A_25, %max3A_26 : vector<512x128xf32>
    %get3A_28 = arith.constant 0 : index
    %get3A_29 = arith.constant 0 : index
    %get3A_30 = vector.load %arg8[%get3A_28, %get3A_29] : memref<128x128xf32, #tpu.memory_space<vmem>>, vector<128x128xf32>
    %dot_general3A_31 = arith.constant dense<0.000000e+00> : vector<512x128xf32>
    %dot_general3A_32 = tpu.matmul %max3A_27, %get3A_30, %dot_general3A_31 {dimension_numbers = #tpu.dot_dimension_numbers<[1], [0], [0], [1], [0, 0, 1, 1], [], []>, transpose_lhs_hint = false} : vector<512x128xf32>, vector<128x128xf32>, vector<512x128xf32> -> vector<512x128xf32>
    %get3A_33 = arith.constant 0 : index
    %get3A_34 = arith.constant 0 : index
    %get3A_35 = vector.load %arg9[%get3A_33, %get3A_34] : memref<1x128xf32, #tpu.memory_space<vmem>>, vector<1x128xf32>
    %add3A_36 = vector.broadcast %get3A_35 : vector<1x128xf32> to vector<512x128xf32>
    %add3A_37 = arith.addf %dot_general3A_32, %add3A_36 : vector<512x128xf32>
    %max3A_38 = arith.constant 0.000000e+00 : f32
    %max3A_39 = vector.broadcast %max3A_38 : f32 to vector<512x128xf32>
    %max3A_40 = arith.maximumf %add3A_37, %max3A_39 : vector<512x128xf32>
    %get3A_41 = arith.constant 0 : index
    %get3A_42 = arith.constant 0 : index
    %get3A_43 = vector.load %arg10[%get3A_41, %get3A_42] : memref<128x128xf32, #tpu.memory_space<vmem>>, vector<128x128xf32>
    %dot_general3A_44 = arith.constant dense<0.000000e+00> : vector<512x128xf32>
    %dot_general3A_45 = tpu.matmul %max3A_40, %get3A_43, %dot_general3A_44 {dimension_numbers = #tpu.dot_dimension_numbers<[1], [0], [0], [1], [0, 0, 1, 1], [], []>, transpose_lhs_hint = false} : vector<512x128xf32>, vector<128x128xf32>, vector<512x128xf32> -> vector<512x128xf32>
    %mul3A_46 = arith.mulf %get3A_1, %dot_general3A_45 : vector<512x128xf32>
    %swap3A = arith.constant 0 : index
    %swap3A_47 = arith.constant 0 : index
    %swap3A_48 = vector.load %arg11[%swap3A, %swap3A_47] : memref<512x128xf32, #tpu.memory_space<vmem>>, vector<512x128xf32>
    tpu.vector_store %arg11[%swap3A, %swap3A_47], %mul3A_46 {strides = array<i32>} : memref<512x128xf32, #tpu.memory_space<vmem>>, vector<512x128xf32>,
    return
  }
  func.func @transform_0(%arg0: i32) -> (i32, i32) {
    %c0_i32 = arith.constant 0 : i32
    %c0_i32_0 = arith.constant 0 : i32
    return %arg0, %c0_i32 : i32, i32
  }
  func.func @transform_1(%arg0: i32) -> (i32, i32) {
    %c0_i32 = arith.constant 0 : i32
    %c0_i32_0 = arith.constant 0 : i32
    return %arg0, %c0_i32 : i32, i32
  }
  func.func @transform_2(%arg0: i32) -> (i32, i32) {
    %c0_i32 = arith.constant 0 : i32
    %c0_i32_0 = arith.constant 0 : i32
    return %arg0, %c0_i32 : i32, i32
  }
  func.func @transform_3(%arg0: i32) -> (i32, i32) {
    %c0_i32 = arith.constant 0 : i32
    %c0_i32_0 = arith.constant 0 : i32
    return %arg0, %c0_i32 : i32, i32
  }
  func.func @transform_4(%arg0: i32) -> (i32, i32) {
    %c0_i32 = arith.constant 0 : i32
    %c0_i32_0 = arith.constant 0 : i32
    %c0_i32_1 = arith.constant 0 : i32
    return %c0_i32, %c0_i32_0 : i32, i32
  }
  func.func @transform_5(%arg0: i32) -> (i32, i32) {
    %c0_i32 = arith.constant 0 : i32
    %c0_i32_0 = arith.constant 0 : i32
    %c0_i32_1 = arith.constant 0 : i32
    return %c0_i32, %c0_i32_0 : i32, i32
  }
  func.func @transform_6(%arg0: i32) -> (i32, i32) {
    %c0_i32 = arith.constant 0 : i32
    %c0_i32_0 = arith.constant 0 : i32
    %c0_i32_1 = arith.constant 0 : i32
    return %c0_i32, %c0_i32_0 : i32, i32
  }
  func.func @transform_7(%arg0: i32) -> (i32, i32) {
    %c0_i32 = arith.constant 0 : i32
    %c0_i32_0 = arith.constant 0 : i32
    %c0_i32_1 = arith.constant 0 : i32
    return %c0_i32, %c0_i32_0 : i32, i32
  }
  func.func @transform_8(%arg0: i32) -> (i32, i32) {
    %c0_i32 = arith.constant 0 : i32
    %c0_i32_0 = arith.constant 0 : i32
    %c0_i32_1 = arith.constant 0 : i32
    return %c0_i32, %c0_i32_0 : i32, i32
  }
  func.func @transform_9(%arg0: i32) -> (i32, i32) {
    %c0_i32 = arith.constant 0 : i32
    %c0_i32_0 = arith.constant 0 : i32
    %c0_i32_1 = arith.constant 0 : i32
    return %c0_i32, %c0_i32_0 : i32, i32
  }
  func.func @transform_10(%arg0: i32) -> (i32, i32) {
    %c0_i32 = arith.constant 0 : i32
    %c0_i32_0 = arith.constant 0 : i32
    return %arg0, %c0_i32 : i32, i32
  }
}

module attributes {stable_mosaic.version = 14 : i64} {
  func.func @_stage3_body(%arg0: i32, %arg1: memref<512x128xf32, #tpu.memory_space<vmem>>, %arg2: memref<512x128xf32, #tpu.memory_space<vmem>>, %arg3: memref<512x128xf32, #tpu.memory_space<vmem>>, %arg4: memref<512x128xf32, #tpu.memory_space<vmem>>, %arg5: memref<1x128xf32, #tpu.memory_space<vmem>>, %arg6: memref<128x128xf32, #tpu.memory_space<vmem>>, %arg7: memref<1x128xf32, #tpu.memory_space<vmem>>, %arg8: memref<128x128xf32, #tpu.memory_space<vmem>>, %arg9: memref<1x128xf32, #tpu.memory_space<vmem>>, %arg10: memref<128x128xf32, #tpu.memory_space<vmem>>, %arg11: memref<1x128xf32, #tpu.memory_space<vmem>>, %arg12: memref<128x128xf32, #tpu.memory_space<vmem>>, %arg13: memref<1x128xf32, #tpu.memory_space<vmem>>, %arg14: memref<512x128xf32, #tpu.memory_space<vmem>>) attributes {dimension_semantics = [#tpu.dimension_semantics<arbitrary>], iteration_bounds = array<i64: 20>, scalar_prefetch = 0 : i64, scratch_operands = 0 : i64, tpu.core_type = #tpu.core_type<tc>, window_params = [{transform_indices = @transform_0, window_bounds = array<i64: 512, 128>}, {transform_indices = @transform_1, window_bounds = array<i64: 512, 128>}, {transform_indices = @transform_2, window_bounds = array<i64: 512, 128>}, {transform_indices = @transform_3, window_bounds = array<i64: 512, 128>}, {pipeline_mode = #tpu.pipeline_mode<synchronous>, transform_indices = @transform_4, window_bounds = array<i64: 1, 128>}, {pipeline_mode = #tpu.pipeline_mode<synchronous>, transform_indices = @transform_5, window_bounds = array<i64: 128, 128>}, {pipeline_mode = #tpu.pipeline_mode<synchronous>, transform_indices = @transform_6, window_bounds = array<i64: 1, 128>}, {pipeline_mode = #tpu.pipeline_mode<synchronous>, transform_indices = @transform_7, window_bounds = array<i64: 128, 128>}, {pipeline_mode = #tpu.pipeline_mode<synchronous>, transform_indices = @transform_8, window_bounds = array<i64: 1, 128>}, {pipeline_mode = #tpu.pipeline_mode<synchronous>, transform_indices = @transform_9, window_bounds = array<i64: 128, 128>}, {pipeline_mode = #tpu.pipeline_mode<synchronous>, transform_indices = @transform_10, window_bounds = array<i64: 1, 128>}, {pipeline_mode = #tpu.pipeline_mode<synchronous>, transform_indices = @transform_11, window_bounds = array<i64: 128, 128>}, {pipeline_mode = #tpu.pipeline_mode<synchronous>, transform_indices = @transform_12, window_bounds = array<i64: 1, 128>}, {transform_indices = @transform_13, window_bounds = array<i64: 512, 128>}]} {
    %get3A = arith.constant 0 : index
    %get3A_0 = arith.constant 0 : index
    %get3A_1 = vector.load %arg4[%get3A, %get3A_0] : memref<512x128xf32, #tpu.memory_space<vmem>>, vector<512x128xf32>
    %get3A_2 = arith.constant 0 : index
    %get3A_3 = arith.constant 0 : index
    %get3A_4 = vector.load %arg1[%get3A_2, %get3A_3] : memref<512x128xf32, #tpu.memory_space<vmem>>, vector<512x128xf32>
    %get3A_5 = arith.constant 0 : index
    %get3A_6 = arith.constant 0 : index
    %get3A_7 = vector.load %arg2[%get3A_5, %get3A_6] : memref<512x128xf32, #tpu.memory_space<vmem>>, vector<512x128xf32>
    %add3A = arith.addf %get3A_4, %get3A_7 : vector<512x128xf32>
    %get3A_8 = arith.constant 0 : index
    %get3A_9 = arith.constant 0 : index
    %get3A_10 = vector.load %arg3[%get3A_8, %get3A_9] : memref<512x128xf32, #tpu.memory_space<vmem>>, vector<512x128xf32>
    %add3A_11 = arith.addf %add3A, %get3A_10 : vector<512x128xf32>
    %mul3A = arith.mulf %get3A_1, %add3A_11 : vector<512x128xf32>
    %get3A_12 = arith.constant 0 : index
    %get3A_13 = arith.constant 0 : index
    %get3A_14 = vector.load %arg5[%get3A_12, %get3A_13] : memref<1x128xf32, #tpu.memory_space<vmem>>, vector<1x128xf32>
    %add3A_15 = vector.broadcast %get3A_14 : vector<1x128xf32> to vector<512x128xf32>
    %add3A_16 = arith.addf %mul3A, %add3A_15 : vector<512x128xf32>
    %get3A_17 = arith.constant 0 : index
    %get3A_18 = arith.constant 0 : index
    %get3A_19 = vector.load %arg6[%get3A_17, %get3A_18] : memref<128x128xf32, #tpu.memory_space<vmem>>, vector<128x128xf32>
    %dot_general3A = arith.constant dense<0.000000e+00> : vector<512x128xf32>
    %dot_general3A_20 = tpu.matmul %add3A_16, %get3A_19, %dot_general3A {dimension_numbers = #tpu.dot_dimension_numbers<[1], [0], [0], [1], [0, 0, 1, 1], [], []>, transpose_lhs_hint = false} : vector<512x128xf32>, vector<128x128xf32>, vector<512x128xf32> -> vector<512x128xf32>
    %get3A_21 = arith.constant 0 : index
    %get3A_22 = arith.constant 0 : index
    %get3A_23 = vector.load %arg7[%get3A_21, %get3A_22] : memref<1x128xf32, #tpu.memory_space<vmem>>, vector<1x128xf32>
    %add3A_24 = vector.broadcast %get3A_23 : vector<1x128xf32> to vector<512x128xf32>
    %add3A_25 = arith.addf %dot_general3A_20, %add3A_24 : vector<512x128xf32>
    %max3A = arith.constant 0.000000e+00 : f32
    %max3A_26 = vector.broadcast %max3A : f32 to vector<512x128xf32>
    %max3A_27 = arith.maximumf %add3A_25, %max3A_26 : vector<512x128xf32>
    %get3A_28 = arith.constant 0 : index
    %get3A_29 = arith.constant 0 : index
    %get3A_30 = vector.load %arg8[%get3A_28, %get3A_29] : memref<128x128xf32, #tpu.memory_space<vmem>>, vector<128x128xf32>
    %dot_general3A_31 = arith.constant dense<0.000000e+00> : vector<512x128xf32>
    %dot_general3A_32 = tpu.matmul %max3A_27, %get3A_30, %dot_general3A_31 {dimension_numbers = #tpu.dot_dimension_numbers<[1], [0], [0], [1], [0, 0, 1, 1], [], []>, transpose_lhs_hint = false} : vector<512x128xf32>, vector<128x128xf32>, vector<512x128xf32> -> vector<512x128xf32>
    %get3A_33 = arith.constant 0 : index
    %get3A_34 = arith.constant 0 : index
    %get3A_35 = vector.load %arg9[%get3A_33, %get3A_34] : memref<1x128xf32, #tpu.memory_space<vmem>>, vector<1x128xf32>
    %add3A_36 = vector.broadcast %get3A_35 : vector<1x128xf32> to vector<512x128xf32>
    %add3A_37 = arith.addf %dot_general3A_32, %add3A_36 : vector<512x128xf32>
    %max3A_38 = arith.constant 0.000000e+00 : f32
    %max3A_39 = vector.broadcast %max3A_38 : f32 to vector<512x128xf32>
    %max3A_40 = arith.maximumf %add3A_37, %max3A_39 : vector<512x128xf32>
    %get3A_41 = arith.constant 0 : index
    %get3A_42 = arith.constant 0 : index
    %get3A_43 = vector.load %arg10[%get3A_41, %get3A_42] : memref<128x128xf32, #tpu.memory_space<vmem>>, vector<128x128xf32>
    %dot_general3A_44 = arith.constant dense<0.000000e+00> : vector<512x128xf32>
    %dot_general3A_45 = tpu.matmul %max3A_40, %get3A_43, %dot_general3A_44 {dimension_numbers = #tpu.dot_dimension_numbers<[1], [0], [0], [1], [0, 0, 1, 1], [], []>, transpose_lhs_hint = false} : vector<512x128xf32>, vector<128x128xf32>, vector<512x128xf32> -> vector<512x128xf32>
    %get3A_46 = arith.constant 0 : index
    %get3A_47 = arith.constant 0 : index
    %get3A_48 = vector.load %arg11[%get3A_46, %get3A_47] : memref<1x128xf32, #tpu.memory_space<vmem>>, vector<1x128xf32>
    %add3A_49 = vector.broadcast %get3A_48 : vector<1x128xf32> to vector<512x128xf32>
    %add3A_50 = arith.addf %dot_general3A_45, %add3A_49 : vector<512x128xf32>
    %max3A_51 = arith.constant 0.000000e+00 : f32
    %max3A_52 = vector.broadcast %max3A_51 : f32 to vector<512x128xf32>
    %max3A_53 = arith.maximumf %add3A_50, %max3A_52 : vector<512x128xf32>
    %get3A_54 = arith.constant 0 : index
    %get3A_55 = arith.constant 0 : index
    %get3A_56 = vector.load %arg12[%get3A_54, %get3A_55] : memref<128x128xf32, #tpu.memory_space<vmem>>, vector<128x128xf32>
    %dot_general3A_57 = arith.constant dense<0.000000e+00> : vector<512x128xf32>
    %dot_general3A_58 = tpu.matmul %max3A_53, %get3A_56, %dot_general3A_57 {dimension_numbers = #tpu.dot_dimension_numbers<[1], [0], [0], [1], [0, 0, 1, 1], [], []>, transpose_lhs_hint = false} : vector<512x128xf32>, vector<128x128xf32>, vector<512x128xf32> -> vector<512x128xf32>
    %get3A_59 = arith.constant 0 : index
    %get3A_60 = arith.constant 0 : index
    %get3A_61 = vector.load %arg13[%get3A_59, %get3A_60] : memref<1x128xf32, #tpu.memory_space<vmem>>, vector<1x128xf32>
    %add3A_62 = vector.broadcast %get3A_61 : vector<1x128xf32> to vector<512x128xf32>
    %add3A_63 = arith.addf %dot_general3A_58, %add3A_62 : vector<512x128xf32>
    %neg3A = arith.constant 0.000000e+00 : f32
    %neg3A_64 = vector.broadcast %neg3A : f32 to vector<512x128xf32>
    %neg3A_65 = arith.subf %neg3A_64, %add3A_63 : vector<512x128xf32>
    %exp3A = math.exp %neg3A_65 : vector<512x128xf32>
    %add3A_66 = arith.constant 1.000000e+00 : f32
    %add3A_67 = vector.broadcast %add3A_66 : f32 to vector<512x128xf32>
    %add3A_68 = arith.addf %add3A_67, %exp3A : vector<512x128xf32>
    %div3A = arith.constant 1.000000e+00 : f32
    %div3A_69 = vector.broadcast %div3A : f32 to vector<512x128xf32>
    %div3A_70 = arith.divf %div3A_69, %add3A_68 : vector<512x128xf32>
    %swap3A = arith.constant 0 : index
    %swap3A_71 = arith.constant 0 : index
    %swap3A_72 = vector.load %arg14[%swap3A, %swap3A_71] : memref<512x128xf32, #tpu.memory_space<vmem>>, vector<512x128xf32>
    tpu.vector_store %arg14[%swap3A, %swap3A_71], %div3A_70 {strides = array<i32>} : memref<512x128xf32, #tpu.memory_space<vmem>>, vector<512x128xf32>,
    return
  }
  func.func @transform_0(%arg0: i32) -> (i32, i32) {
    %c0_i32 = arith.constant 0 : i32
    %c0_i32_0 = arith.constant 0 : i32
    return %arg0, %c0_i32 : i32, i32
  }
  func.func @transform_1(%arg0: i32) -> (i32, i32) {
    %c0_i32 = arith.constant 0 : i32
    %c0_i32_0 = arith.constant 0 : i32
    return %arg0, %c0_i32 : i32, i32
  }
  func.func @transform_2(%arg0: i32) -> (i32, i32) {
    %c0_i32 = arith.constant 0 : i32
    %c0_i32_0 = arith.constant 0 : i32
    return %arg0, %c0_i32 : i32, i32
  }
  func.func @transform_3(%arg0: i32) -> (i32, i32) {
    %c0_i32 = arith.constant 0 : i32
    %c0_i32_0 = arith.constant 0 : i32
    return %arg0, %c0_i32 : i32, i32
  }
  func.func @transform_4(%arg0: i32) -> (i32, i32) {
    %c0_i32 = arith.constant 0 : i32
    %c0_i32_0 = arith.constant 0 : i32
    %c0_i32_1 = arith.constant 0 : i32
    return %c0_i32, %c0_i32_0 : i32, i32
  }
  func.func @transform_5(%arg0: i32) -> (i32, i32) {
    %c0_i32 = arith.constant 0 : i32
    %c0_i32_0 = arith.constant 0 : i32
    %c0_i32_1 = arith.constant 0 : i32
    return %c0_i32, %c0_i32_0 : i32, i32
  }
  func.func @transform_6(%arg0: i32) -> (i32, i32) {
    %c0_i32 = arith.constant 0 : i32
    %c0_i32_0 = arith.constant 0 : i32
    %c0_i32_1 = arith.constant 0 : i32
    return %c0_i32, %c0_i32_0 : i32, i32
  }
  func.func @transform_7(%arg0: i32) -> (i32, i32) {
    %c0_i32 = arith.constant 0 : i32
    %c0_i32_0 = arith.constant 0 : i32
    %c0_i32_1 = arith.constant 0 : i32
    return %c0_i32, %c0_i32_0 : i32, i32
  }
  func.func @transform_8(%arg0: i32) -> (i32, i32) {
    %c0_i32 = arith.constant 0 : i32
    %c0_i32_0 = arith.constant 0 : i32
    %c0_i32_1 = arith.constant 0 : i32
    return %c0_i32, %c0_i32_0 : i32, i32
  }
  func.func @transform_9(%arg0: i32) -> (i32, i32) {
    %c0_i32 = arith.constant 0 : i32
    %c0_i32_0 = arith.constant 0 : i32
    %c0_i32_1 = arith.constant 0 : i32
    return %c0_i32, %c0_i32_0 : i32, i32
  }
  func.func @transform_10(%arg0: i32) -> (i32, i32) {
    %c0_i32 = arith.constant 0 : i32
    %c0_i32_0 = arith.constant 0 : i32
    %c0_i32_1 = arith.constant 0 : i32
    return %c0_i32, %c0_i32_0 : i32, i32
  }
  func.func @transform_11(%arg0: i32) -> (i32, i32) {
    %c0_i32 = arith.constant 0 : i32
    %c0_i32_0 = arith.constant 0 : i32
    %c0_i32_1 = arith.constant 0 : i32
    return %c0_i32, %c0_i32_0 : i32, i32
  }
  func.func @transform_12(%arg0: i32) -> (i32, i32) {
    %c0_i32 = arith.constant 0 : i32
    %c0_i32_0 = arith.constant 0 : i32
    %c0_i32_1 = arith.constant 0 : i32
    return %c0_i32, %c0_i32_0 : i32, i32
  }
  func.func @transform_13(%arg0: i32) -> (i32, i32) {
    %c0_i32 = arith.constant 0 : i32
    %c0_i32_0 = arith.constant 0 : i32
    return %arg0, %c0_i32 : i32, i32
  }
}

</mosaic_0001>

<sc_bundles>
// kernel: kernel.10.cloned.1.call-start
scs
__scs_entry_jumppad:
0x0: {  	(pc) =	sbr.rel $0x88, $3  }
0x1: {  	(tag) =	ssettag $0x0;
	lr =	simm.s32 $0x1  }
0x2: {  	[smem:$0x3F89] =	sst lr;
	_ =	strace $0xD0000000  }
0x3: {  	_ = 	snop  }
0x4: {  	_ = 	snop  }
0x5: {  	_ = 	snop  }
0x6: {  	_ = 	snop  }
0x7: {  	_ = 	snop  }
__scs_overlays_trampoline_lowered:
0x8: {  	[smem:$0x3F98] =	sst s0  }
0x9: {  	[smem:$0x3F99] =	sst s1  }
0xa: {  	[smem:$0x3F9A] =	sst s2  }
0xb: {  	[smem:$0x3F9B] =	sst s3  }
0xc: {  	[smem:$0x3F9C] =	sst s4  }
0xd: {  	[smem:$0x3F9D] =	sst s5  }
0xe: {  	[smem:$0x3F9E] =	sst s6  }
0xf: {  	[smem:$0x3F9F] =	sst s7  }
0x10: {  	[smem:$0x3FA0] =	sst s8  }
0x11: {  	[smem:$0x3FA1] =	sst s9;
	s0 =	simm.s32 @!p0 $0x0  }
0x12: {  	s1 =	sld [smem:$0x3F87];
	s0 =	simm.s32 @p0 $0x1  }
0x13: {  	[smem:$0x3FA2] =	sst s0;
	s0 =	simm.s32 @!p1 $0x0  }
0x14: {  	s2 =	sld [smem:$0x3F86];
	s0 =	simm.s32 @p1 $0x1  }
0x15: {  	[smem:$0x3FA3] =	sst s0;
	s0 =	simm.s32 @!p2 $0x0  }
0x16: {  	s3 =	sld [smem:$0x3FDB];
	s0 =	simm.s32 @p2 $0x1  }
0x17: {  	s4 =	simm.s32 $0x1BF5;
	[smem:$0x3FA5] =	sst s0  }
0x18: {  	s0 =	sld [smem:$0x3F88];
	_ =	swait.ge [sflag:s4], $0x0  }
0x19: {  	s7 =	sld [smem:$0x3F89]  }
0x1a: {  	s8 =	sadd.s32 $0xFFFFE003, lr  }
0x1b: {  	s9 =	sadd.s32 $0xFFFFFEF7, lr;
	s5 =	simm.s32 $0xFFFFFFFF;
	p2 =	slt.u32 s8, $0xFFFFF086  }
0x1c: {  	p1 =	slt.u32 s9, $0xF7A;
	s5 =	simm.s32 @!p2 $0x0  }
0x1d: {  	s5 =	simm.s32 @p1 $0x1;
	p0 =	seq.s32 s7, s2  }
0x1e: {  	s7 =	smul.u32 @!p0 $0xF7A, s2;
	p2 =	seq.s32 @!p0 s5, $0x0  }
0x1f: {  	s9 =	smul.u32 $0xF7A, s1;
	s8 =	simm.s32 @!p0 $0x1BF5;
	p2 =	por !p2, p0  }
0x20: {  	[sflag:s8] =	ssyncset.s32 @!p0 $0xFFFFF086;
	s6 =	sadd.s32 @!p0 s3, s7;
	s7 =	simm.s32 @!p0 $0x108  }
0x21: {  	s3 =	sadd.s32 s3, s9;
	s6 =	sadd.s32 @!p0 $0x88, s6;
	s7 =	simm.s32 @p2 $0x1082  }
0x22: {  	[simem:s7], [sflag:s8] =	dma.local @!p0 [hbm:s6], $0xF7A  }
0x23: {  	s9 =	sor.u32 $0xD0000000, s2;
	s6 =	simm.s32 $0x108;
	_ =	swait.ge @!p0 [sflag:s8], $0x0  }
0x24: {  	s3 =	sadd.s32 $0x88, s3;
	s6 =	simm.s32 @!p1 $0x1082;
	[sflag:s4] =	ssyncset.s32 $0xFFFFF086  }
0x25: {  	[simem:s6], [sflag:s4] =	dma.local [hbm:s3], $0xF7A  }
0x26: {  	[smem:$0x3F89] =	sst s1;
	(tag) =	ssettag s2;
	_ =	strace s9  }
0x27: {  	s1 =	sld [smem:$0x3F99]  }
0x28: {  	s2 =	sld [smem:$0x3F9A]  }
0x29: {  	s4 =	sld [smem:$0x3F9C]  }
0x2a: {  	p0 =	seq.s32 s5, $0x0;
	s5 =	sld [smem:$0x3F9D]  }
0x2b: {  	s6 =	sld [smem:$0x3F9E]  }
0x2c: {  	s7 =	sld [smem:$0x3F9F]  }
0x2d: {  	s3 =	simm.s32 $0x108;
	s8 =	sld [smem:$0x3FA0]  }
0x2e: {  	s3 =	simm.s32 @!p0 $0x1082;
	s9 =	sld [smem:$0x3FA1]  }
0x2f: {  	lr =	sadd.s32 s0, s3;
	s0 =	sld [smem:$0x3F98]  }
0x30: {  	s3 =	sld [smem:$0x3F9B]  }
0x31: {  	[smem:$0x3FA4] =	sst s10  }
0x32: {  	s10 =	sld [smem:$0x3FA2];
	_ =	sdelay $0x3  }
0x33: {  	p0 =	seq.s32 s10, $0x1;
	s10 =	sld [smem:$0x3FA4];
	_ =	sdelay $0x3  }
0x34: {  	[smem:$0x3FA4] =	sst s10  }
0x35: {  	s10 =	sld [smem:$0x3FA3];
	_ =	sdelay $0x3  }
0x36: {  	p1 =	seq.s32 s10, $0x1;
	s10 =	sld [smem:$0x3FA4];
	_ =	sdelay $0x3  }
0x37: {  	[smem:$0x3FA4] =	sst s10  }
0x38: {  	s10 =	sld [smem:$0x3FA5]  }
0x39: {  	_ = 	snop;
	(pc) =	sbr.ind lr, $3  }
0x3a: {  	_ = 	snop  }
0x3b: {  	_ = 	snop  }
0x3c: {  	p2 =	seq.s32 s10, $0x1;
	s10 =	sld [smem:$0x3FA4]  }
0x3d: {  	_ =	shalt  }
0x3e: {  	_ =	shalt  }
0x3f: {  	_ =	shalt  }
0x40: {  	_ =	shalt  }
0x41: {  	_ =	shalt  }
0x42: {  	_ =	shalt  }
0x43: {  	_ =	shalt  }
0x44: {  	_ =	shalt  }
0x45: {  	_ =	shalt  }
0x46: {  	_ =	shalt  }
0x47: {  	_ =	shalt  }
0x48: {  	_ =	shalt  }
0x49: {  	_ =	shalt  }
0x4a: {  	_ =	shalt  }
0x4b: {  	_ =	shalt  }
0x4c: {  	_ =	shalt  }
0x4d: {  	_ =	shalt  }
0x4e: {  	_ =	shalt  }
0x4f: {  	_ =	shalt  }
0x50: {  	_ =	shalt  }
0x51: {  	_ =	shalt  }
0x52: {  	_ =	shalt  }
0x53: {  	_ =	shalt  }
0x54: {  	_ =	shalt  }
0x55: {  	_ =	shalt  }
0x56: {  	_ =	shalt  }
0x57: {  	_ =	shalt  }
0x58: {  	_ =	shalt  }
0x59: {  	_ =	shalt  }
0x5a: {  	_ =	shalt  }
0x5b: {  	_ =	shalt  }
0x5c: {  	_ =	shalt  }
0x5d: {  	_ =	shalt  }
0x5e: {  	_ =	shalt  }
0x5f: {  	_ =	shalt  }
0x60: {  	_ =	shalt  }
0x61: {  	_ =	shalt  }
0x62: {  	_ =	shalt  }
0x63: {  	_ =	shalt  }
0x64: {  	_ =	shalt  }
0x65: {  	_ =	shalt  }
0x66: {  	_ =	shalt  }
0x67: {  	_ =	shalt  }
0x68: {  	_ =	shalt  }
0x69: {  	_ =	shalt  }
0x6a: {  	_ =	shalt  }
0x6b: {  	_ =	shalt  }
0x6c: {  	_ =	shalt  }
0x6d: {  	_ =	shalt  }
0x6e: {  	_ =	shalt  }
0x6f: {  	_ =	shalt  }
0x70: {  	_ =	shalt  }
0x71: {  	_ =	shalt  }
0x72: {  	_ =	shalt  }
0x73: {  	_ =	shalt  }
0x74: {  	_ =	shalt  }
0x75: {  	_ =	shalt  }
0x76: {  	_ =	shalt  }
0x77: {  	_ =	shalt  }
0x78: {  	_ =	shalt  }
0x79: {  	_ =	shalt  }
0x7a: {  	_ =	shalt  }
0x7b: {  	_ =	shalt  }
0x7c: {  	_ =	shalt  }
0x7d: {  	_ =	shalt  }
0x7e: {  	_ =	shalt  }
0x7f: {  	_ =	shalt  }
0x80: {  	_ =	shalt  }
0x81: {  	_ =	shalt  }
0x82: {  	_ =	shalt  }
0x83: {  	_ =	shalt  }
0x84: {  	_ =	shalt  }
0x85: {  	_ =	shalt  }
0x86: {  	_ =	shalt  }
0x87: {  	_ =	shalt  }
.Lfunc_end0:
.L_simem_size_0:
called_computation_lowered:
.L_overlay_start_0:
0x88: {  	s2 =	sld [smem:$0x3FD9]  }
0x89: {  	s3 =	sld [smem:$0x3FFE];
	_ =	sdelay $0x1  }
0x8a: {  	s1 =	srdreg.scid  }
0x8b: {  	s0 =	sand.u32 $0x1, s1  }
0x8c: {  	s16 =	sshll.u32 s0, $0xA;
	s2 =	sadd.s32 s3, s2  }
0x8d: {  	s2 =	sadd.s32 s2, s16  }
0x8e: {  	[smem:$0x3FB0] =	sst s2  }
0x8f: {  	_ = 	snop  }
0x90: {  	(tm) =	ssettm $0x1  }
0x91: {  	s17 =	sld [smem:$0x3FFB];
	_ =	sdelay $0x3  }
0x92: {  	_ =	strace s17  }
0x93: {  	s2 =	sld [smem:$0x3FFC];
	_ =	sdelay $0x3  }
0x94: {  	_ =	strace s2  }
0x95: {  	s2 =	sld [smem:$0x3FFD];
	_ =	sdelay $0x3  }
0x96: {  	_ =	strace s2  }
0x97: {  	_ =	strace $0x8FFFFFFF  }
0x98: {  	s18 =	sld [smem:$0x3FDB];
	_ =	sdelay $0x1  }
0x99: {  	s19 =	simm.s32 $_scs_section_size  }
0x9a: {  	s4 =	simm.s32 $_size__tile_overlayer_lowered;
	s5 =	simm.s32 $_tile_overlayer_lowered  }
0x9b: {  	s22 =	simm.s32 $0x1BFF;
	s21 =	sshll.u32 s5, $0x1;
	s2 =	sadd.s32 s19, s18  }
0x9c: {  	s6 =	simm.s32 $0x0;
	s20 =	sshll.u32 s4, $0x1;
	s4 =	sadd.s32 s21, s2  }
0x9d: {  	[timem:s6], [sflag:s22] =	dma.local [hbm:s4], s20  }
0x9e: {  	_ =	swait.ge [sflag:s22], s20  }
0x9f: {  	s3 =	ssub.s32 $0x0, s20;
	[sflag:s22] =	ssyncset.done $0x0  }
0xa0: {  	[sflag:s22] =	ssyncadd.s32 s3;
	_ =	sdelay $0x1  }
0xa1: {  	s23 =	simm.s32 $0x1B8B  }
0xa2: {  	_ =	swait.ge [sflag:s23], $0x1  }
0xa3: {  	[sflag:s23] =	ssyncset.done $0x0  }
0xa4: {  	s25 =	simm.s32 $0x1B8E;
	s24 =	sld [smem:$0x3FFE];
	[sflag:s23] =	ssyncadd.s32 $0xFFFFFFFF  }
0xa5: {  	s26 =	simm.s32 $execute0_lowered;
	[smem:$0x3FD2] =	sst s25  }
0xa6: {  	s4 =	sshll.u32 s26, $0x1;
	_ =	strace $0x80000046;
	[dreg:$0x1] =	wrdreg $0xFFFFFFFF  }
0xa7: {  	s28 =	simm.s32 $_size_execute0_lowered;
	s2 =	sadd.s32 s2, s4;
	[dreg:$0x0] =	wrdreg $0x0  }
0xa8: {  	s4 =	sshll.u32 s28, $0x1;
	[dreg:$0x2] =	wrdreg s2  }
0xa9: {  	[dreg:$0x3] =	wrdreg s4  }
0xaa: {  	[dreg:$0x4] =	wrdreg $0xC0  }
0xab: {  	_ =	task [dreg:s6], $0x5FFFF  }
0xac: {  	[dreg:$0x1] =	wrdreg $0xFFFFFFFF  }
0xad: {  	[dreg:$0x0] =	wrdreg $0x60  }
0xae: {  	[dreg:$0x2] =	wrdreg s24  }
0xaf: {  	[dreg:$0x3] =	wrdreg $0x90000  }
0xb0: {  	[dreg:$0x4] =	wrdreg $0x9  }
0xb1: {  	_ =	task.clear_ibuf [dreg:s6], $0x5FFFF;
	_ =	strace $0x90000046  }
0xb2: {  	s29 =	simm.s32 $0x9;
	_ =	strace $0x80000048  }
0xb3: {  	_ =	swait.ge [sflag:s29], $0x1  }
0xb4: {  	[sflag:s29] =	ssyncadd.s32 $0xFFFFFFFF  }
0xb5: {  	_ =	strace $0x90000048  }
0xb6: {  	_ =	sfence  }
0xb7: {  	s30 =	sld [smem:$0x0];
	_ =	sdelay $0x2  }
0xb8: {  	s31 =	sshll.u32 s1, $0xD;
	s1 =	sshrl.u32 s1, $0x2  }
0xb9: {  	s3 =	sand.u32 $0x4000, s31;
	s1 =	sadd.s32 s1, s30  }
0xba: {  	s0 =	sor.u32 s3, s0;
	s1 =	sshll.u32 s1, $0x11  }
0xbb: {  	s0 =	sor.u32 s1, s0  }
0xbc: {  	s0 =	sadd.s32 $0x8F2B, s0  }
0xbd: {  	[sflag:s0] =	ssyncadd.remote.s32 $0x1  }
0xbe: {  	_ =	sfence.sel $0xFFFF  }
0xbf: {  	[dreg:$0x0] =	wrdreg $0xFFFFFFFF;
	(pc) =	sbr.abs _section_cstart, $3  }
0xc0: {  	[dreg:$0x1] =	wrdreg $0xFFFFFFFF  }
0xc1: {  	_ =	task.clear_ibuf [dreg:s6], $0x2FFFF;
	_ =	strace $0x9FFFFFFF  }
0xc2: {  	(tm) =	ssettm $0x7FFFFFFF  }
0xc3: {  	_ =	shalt  }
tec
execute0_lowered:
.L_overlay_start_1:
0x0: {  	(tag) =	ssettag $0x1  }
0x1: {  	s0 =	rddreg [dreg:$0x0]  }
0x2: {  	s2 =	rddreg [dreg:$0x1];
	s1 =	srdreg.scid  }
0x3: {  	s4 =	stileid.u32;
	s3 =	simm.s32 $0x0;
	s28 =	simm.s32 $0x2  }
0x4: {  	s29 =	simm.s32 $0x50;
	s30 =	simm.s32 $0x6800;
	s31 =	simm.s32 $0x1  }
0x5: {  	s1 =	sand.u32 $0x1, s1;
	s5 =	smul.u32 $0x280, s4;
	[smem:$0x7FF] =	sst s3  }
0x6: {  	s8 =	sadd.s32 $0x1FC00, s0;
	s24 =	smul.u32 $0x50000, s4;
	s25 =	sshll.u32 s4, $0xC  }
0x7: {  	s6 =	smul.u32 $0x2800, s1;
	_ =	strace $0x80000047;
	s7 =	sshll.u32 s1, $0xB  }
0x8: {  	[dreg:$0x3] =	wrdreg s8;
	s1 =	ssub.s32 $0x2, s1;
	s7 =	sadd.s32 s7, s0  }
0x9: {  	s9 =	sshrl.u32 s1, $0x1;
	s26 =	sshrl.u32 s24, $0x2;
	s6 =	sadd.s32 s5, s6  }
0xa: {  	s24 =	simm.s32 $0x4000;
	s1 =	ssub.s32 s1, s9;
	s6 =	sshll.u32 s6, $0x4  }
0xb: {  	s5 =	sadd.s32 $0x1F600, s0;
	s23 =	smax.u32 s1, $0x1;
	s0 =	sadd.s32 s6, s0  }
0xc: {  	s6 =	sadd.s32 s25, s7;
	s7 =	sadd.s32 s26, s2;
	s25 =	simm.s32 $0x4  }
0xd: {  	s26 =	simm.s32 $0x3;
	s6 =	sadd.s32 $0x5800, s6;
	s8 =	sadd.s32 $0x2800, s7  }
0xe: {  	s9 =	sadd.s32 $0x5000, s7;
	s10 =	sadd.s32 $0x7800, s7;
	s11 =	sadd.s32 $0xA000, s7  }
0xf: {  	s12 =	sadd.s32 $0xC800, s7;
	s13 =	sadd.s32 $0xF000, s7;
	s14 =	sadd.s32 $0x11800, s7  }
0x10: {  	s15 =	sadd.s32 $0x20200, s0;
	s16 =	sadd.s32 $0x20700, s0;
	s17 =	sadd.s32 $0x20C00, s0  }
0x11: {  	s18 =	sadd.s32 $0x21100, s0;
	s19 =	sadd.s32 $0x21600, s0;
	s20 =	sadd.s32 $0x21B00, s0  }
0x12: {  	s21 =	sadd.s32 $0x22000, s0;
	s22 =	sadd.s32 $0x22500, s0;
	s0 =	simm.s32 $0x0  }
.LBB2_1:
0x13: {  	[tilespmem:s3], [sflag:$0x2] =	stream.linear.gather [hbm4b:s6+s3], $0x3F00, $0x38;
	[tilespmem:$0x1D000] =	vst v63  }
0x14: {  	_ = 	snop  }
0x15: {  	[tilespmem:s24], [sflag:$0x4] =	stream.linear.gather [hbm4b:s5+s3], $0x2800, $0x38;
	[tilespmem:$0x1D000] =	vst v63  }
0x16: {  	_ =	swait.ge [sflag:s25], $0x2800  }
0x17: {  	[sflag:s25] =	ssyncset.done $0x0  }
0x18: {  	[sflag:s25] =	ssyncadd.s32 $0xFFFFD800  }
0x19: {  	[spmem:s7] =	stream.linear.scatter [tilespmem:s24], [sflag:$0x3], $0x2800, $0x38;
	[tilespmem:$0x1D000] =	vst v63  }
0x1a: {  	_ = 	snop  }
0x1b: {  	[spmem:s8] =	stream.linear.scatter [tilespmem:s24], [sflag:$0x3], $0x2800, $0x38;
	[tilespmem:$0x1D000] =	vst v63  }
0x1c: {  	_ = 	snop  }
0x1d: {  	[spmem:s9] =	stream.linear.scatter [tilespmem:s24], [sflag:$0x3], $0x2800, $0x38;
	[tilespmem:$0x1D000] =	vst v63  }
0x1e: {  	_ = 	snop  }
0x1f: {  	[spmem:s10] =	stream.linear.scatter [tilespmem:s24], [sflag:$0x3], $0x2800, $0x38;
	[tilespmem:$0x1D000] =	vst v63  }
0x20: {  	_ = 	snop  }
0x21: {  	[spmem:s11] =	stream.linear.scatter [tilespmem:s24], [sflag:$0x3], $0x2800, $0x38;
	[tilespmem:$0x1D000] =	vst v63  }
0x22: {  	_ = 	snop  }
0x23: {  	[spmem:s12] =	stream.linear.scatter [tilespmem:s24], [sflag:$0x3], $0x2800, $0x38;
	[tilespmem:$0x1D000] =	vst v63  }
0x24: {  	_ = 	snop  }
0x25: {  	[spmem:s13] =	stream.linear.scatter [tilespmem:s24], [sflag:$0x3], $0x2800, $0x38;
	[tilespmem:$0x1D000] =	vst v63  }
0x26: {  	_ = 	snop  }
0x27: {  	[spmem:s14] =	stream.linear.scatter [tilespmem:s24], [sflag:$0x3], $0x2800, $0x38;
	[tilespmem:$0x1D000] =	vst v63  }
0x28: {  	_ =	swait.ge [sflag:s26], $0x2800  }
0x29: {  	[sflag:s26] =	ssyncset.done $0x0  }
0x2a: {  	[sflag:s26] =	ssyncadd.s32 $0xFFFFD800  }
0x2b: {  	_ =	swait.ge [sflag:s26], $0x2800  }
0x2c: {  	[sflag:s26] =	ssyncset.done $0x0  }
0x2d: {  	[sflag:s26] =	ssyncadd.s32 $0xFFFFD800  }
0x2e: {  	_ =	swait.ge [sflag:s26], $0x2800  }
0x2f: {  	[sflag:s26] =	ssyncset.done $0x0  }
0x30: {  	[sflag:s26] =	ssyncadd.s32 $0xFFFFD800  }
0x31: {  	_ =	swait.ge [sflag:s26], $0x2800  }
0x32: {  	[sflag:s26] =	ssyncset.done $0x0  }
0x33: {  	[sflag:s26] =	ssyncadd.s32 $0xFFFFD800  }
0x34: {  	_ =	swait.ge [sflag:s26], $0x2800  }
0x35: {  	[sflag:s26] =	ssyncset.done $0x0  }
0x36: {  	[sflag:s26] =	ssyncadd.s32 $0xFFFFD800  }
0x37: {  	_ =	swait.ge [sflag:s26], $0x2800  }
0x38: {  	[sflag:s26] =	ssyncset.done $0x0  }
0x39: {  	[sflag:s26] =	ssyncadd.s32 $0xFFFFD800  }
0x3a: {  	_ =	swait.ge [sflag:s26], $0x2800  }
0x3b: {  	[sflag:s26] =	ssyncset.done $0x0  }
0x3c: {  	[sflag:s26] =	ssyncadd.s32 $0xFFFFD800  }
0x3d: {  	_ =	swait.ge [sflag:s26], $0x2800  }
0x3e: {  	[sflag:s26] =	ssyncset.done $0x0  }
0x3f: {  	[sflag:s26] =	ssyncadd.s32 $0xFFFFD800  }
0x40: {  	_ =	swait.ge [sflag:s28], $0x3F00  }
0x41: {  	[sflag:s28] =	ssyncset.done $0x0  }
0x42: {  	s1 =	rddreg [dreg:$0x3];
	[sflag:s28] =	ssyncadd.s32 $0xFFFFC100  }
0x43: {  	[tilespmem:s24], [sflag:$0x4] =	stream.linear.gather [hbm4b:s1+s3], $0x2800, $0x38;
	[tilespmem:$0x1D000] =	vst v63  }
0x44: {  	_ =	swait.ge [sflag:s25], $0x2800  }
0x45: {  	[sflag:s25] =	ssyncset.done $0x0  }
0x46: {  	[sflag:s25] =	ssyncadd.s32 $0xFFFFD800  }
0x47: {  	s4 =	simm.s32 $0x0;
	[bflag:$0x0] =	sbarrier.arrive $0xFFFF  }
0x48: {  	[spmem:s2] =	stream.indirect.scatter.add.f32 [tilespmem:s24], [sflag:$0x4], $0x80, s4, s29, $0xb8;
	[tilespmem:$0x1D000] =	vst v63  }
0x49: {  	_ =	swait.ge [sflag:s25], $0x2800  }
0x4a: {  	s1 =	simm.s32 $0x200;
	[sflag:s25] =	ssyncset.done $0x0  }
.LBB2_2:
0x4b: {  	s4 =	sshra.s32 s1, $0x2;
	[sflag:s25] =	ssyncadd.s32 $0xFFFFD800;
	p0 =	sne.s32 s1, $0xFA00  }
0x4c: {  	[spmem:s2] =	stream.indirect.scatter.add.f32 [tilespmem:s24], [sflag:$0x4], $0x80, s4, s29, $0xb8;
	[tilespmem:$0x1D000] =	vst v63  }
.Ltmp0:
0x4d: {  	_ = 	snop;
	(pc) =	sbr.rel @p0 .LBB2_2-.Ltmp0, $4  }
0x4e: {  	_ = 	snop  }
0x4f: {  	s1 =	sadd.s32 $0x200, s1  }
0x50: {  	_ =	swait.ge [sflag:s25], $0x2800  }
0x51: {  	[sflag:s25] =	ssyncset.done $0x0  }
0x52: {  	[sflag:s25] =	ssyncadd.s32 $0xFFFFD800  }
0x53: {  	[bflag:$0x0] =	sbarrier.arrive $0xFFFF  }
0x54: {  	[tilespmem:s24], [sflag:$0x4] =	stream.linear.gather [spmem:s7], $0x2800, $0x38;
	[tilespmem:$0x1D000] =	vst v63  }
0x55: {  	_ =	swait.ge [sflag:s25], $0x2800  }
0x56: {  	[sflag:s25] =	ssyncset.done $0x0  }
0x57: {  	[sflag:s25] =	ssyncadd.s32 $0xFFFFD800  }
0x58: {  	[hbm4b:s15+s3] =	stream.linear.scatter [tilespmem:s24], [sflag:$0x1], $0x2800, $0x38;
	[tilespmem:$0x1D000] =	vst v63  }
0x59: {  	_ = 	snop  }
0x5a: {  	[tilespmem:s30], [sflag:$0x4] =	stream.linear.gather [spmem:s8], $0x2800, $0x38;
	[tilespmem:$0x1D000] =	vst v63  }
0x5b: {  	_ =	swait.ge [sflag:s25], $0x2800  }
0x5c: {  	[sflag:s25] =	ssyncset.done $0x0  }
0x5d: {  	[sflag:s25] =	ssyncadd.s32 $0xFFFFD800  }
0x5e: {  	_ =	swait.ge [sflag:s31], $0x2800  }
0x5f: {  	[sflag:s31] =	ssyncset.done $0x0  }
0x60: {  	[sflag:s31] =	ssyncadd.s32 $0xFFFFD800  }
0x61: {  	[hbm4b:s16+s3] =	stream.linear.scatter [tilespmem:s30], [sflag:$0x2], $0x2800, $0x38;
	[tilespmem:$0x1D000] =	vst v63  }
0x62: {  	_ = 	snop  }
0x63: {  	[tilespmem:s24], [sflag:$0x4] =	stream.linear.gather [spmem:s9], $0x2800, $0x38;
	[tilespmem:$0x1D000] =	vst v63  }
0x64: {  	_ =	swait.ge [sflag:s25], $0x2800  }
0x65: {  	[sflag:s25] =	ssyncset.done $0x0  }
0x66: {  	[sflag:s25] =	ssyncadd.s32 $0xFFFFD800  }
0x67: {  	_ =	swait.ge [sflag:s28], $0x2800  }
0x68: {  	[sflag:s28] =	ssyncset.done $0x0  }
0x69: {  	[sflag:s28] =	ssyncadd.s32 $0xFFFFD800  }
0x6a: {  	[hbm4b:s17+s3] =	stream.linear.scatter [tilespmem:s24], [sflag:$0x1], $0x2800, $0x38;
	[tilespmem:$0x1D000] =	vst v63  }
0x6b: {  	_ = 	snop  }
0x6c: {  	[tilespmem:s30], [sflag:$0x4] =	stream.linear.gather [spmem:s10], $0x2800, $0x38;
	[tilespmem:$0x1D000] =	vst v63  }
0x6d: {  	_ =	swait.ge [sflag:s25], $0x2800  }
0x6e: {  	[sflag:s25] =	ssyncset.done $0x0  }
0x6f: {  	[sflag:s25] =	ssyncadd.s32 $0xFFFFD800  }
0x70: {  	_ =	swait.ge [sflag:s31], $0x2800  }
0x71: {  	[sflag:s31] =	ssyncset.done $0x0  }
0x72: {  	[sflag:s31] =	ssyncadd.s32 $0xFFFFD800  }
0x73: {  	[hbm4b:s18+s3] =	stream.linear.scatter [tilespmem:s30], [sflag:$0x2], $0x2800, $0x38;
	[tilespmem:$0x1D000] =	vst v63  }
0x74: {  	_ = 	snop  }
0x75: {  	[tilespmem:s24], [sflag:$0x4] =	stream.linear.gather [spmem:s11], $0x2800, $0x38;
	[tilespmem:$0x1D000] =	vst v63  }
0x76: {  	_ =	swait.ge [sflag:s25], $0x2800  }
0x77: {  	[sflag:s25] =	ssyncset.done $0x0  }
0x78: {  	[sflag:s25] =	ssyncadd.s32 $0xFFFFD800  }
0x79: {  	_ =	swait.ge [sflag:s28], $0x2800  }
0x7a: {  	[sflag:s28] =	ssyncset.done $0x0  }
0x7b: {  	[sflag:s28] =	ssyncadd.s32 $0xFFFFD800  }
0x7c: {  	[hbm4b:s19+s3] =	stream.linear.scatter [tilespmem:s24], [sflag:$0x1], $0x2800, $0x38;
	[tilespmem:$0x1D000] =	vst v63  }
0x7d: {  	_ = 	snop  }
0x7e: {  	[tilespmem:s30], [sflag:$0x4] =	stream.linear.gather [spmem:s12], $0x2800, $0x38;
	[tilespmem:$0x1D000] =	vst v63  }
0x7f: {  	_ =	swait.ge [sflag:s25], $0x2800  }
0x80: {  	[sflag:s25] =	ssyncset.done $0x0  }
0x81: {  	[sflag:s25] =	ssyncadd.s32 $0xFFFFD800  }
0x82: {  	_ =	swait.ge [sflag:s31], $0x2800  }
0x83: {  	[sflag:s31] =	ssyncset.done $0x0  }
0x84: {  	[sflag:s31] =	ssyncadd.s32 $0xFFFFD800  }
0x85: {  	[hbm4b:s20+s3] =	stream.linear.scatter [tilespmem:s30], [sflag:$0x2], $0x2800, $0x38;
	[tilespmem:$0x1D000] =	vst v63  }
0x86: {  	_ = 	snop  }
0x87: {  	[tilespmem:s24], [sflag:$0x4] =	stream.linear.gather [spmem:s13], $0x2800, $0x38;
	[tilespmem:$0x1D000] =	vst v63  }
0x88: {  	_ =	swait.ge [sflag:s25], $0x2800  }
0x89: {  	[sflag:s25] =	ssyncset.done $0x0  }
0x8a: {  	[sflag:s25] =	ssyncadd.s32 $0xFFFFD800  }
0x8b: {  	_ =	swait.ge [sflag:s28], $0x2800  }
0x8c: {  	[sflag:s28] =	ssyncset.done $0x0  }
0x8d: {  	[sflag:s28] =	ssyncadd.s32 $0xFFFFD800  }
0x8e: {  	[hbm4b:s21+s3] =	stream.linear.scatter [tilespmem:s24], [sflag:$0x1], $0x2800, $0x38;
	[tilespmem:$0x1D000] =	vst v63  }
0x8f: {  	_ = 	snop  }
0x90: {  	[tilespmem:s30], [sflag:$0x4] =	stream.linear.gather [spmem:s14], $0x2800, $0x38;
	[tilespmem:$0x1D000] =	vst v63  }
0x91: {  	_ =	swait.ge [sflag:s25], $0x2800  }
0x92: {  	[sflag:s25] =	ssyncset.done $0x0  }
0x93: {  	[sflag:s25] =	ssyncadd.s32 $0xFFFFD800  }
0x94: {  	s0 =	sadd.s32 $0x1, s0;
	_ =	swait.ge [sflag:s31], $0x2800  }
0x95: {  	p0 =	sne.s32 s0, s23;
	[sflag:s31] =	ssyncset.done $0x0  }
.Ltmp1:
0x96: {  	[sflag:s31] =	ssyncadd.s32 $0xFFFFD800;
	(pc) =	sbr.rel @p0 .LBB2_1-.Ltmp1, $4  }
0x97: {  	[hbm4b:s22+s3] =	stream.linear.scatter [tilespmem:s30], [sflag:$0x2], $0x2800, $0x38;
	[tilespmem:$0x1D000] =	vst v63  }
0x98: {  	_ =	swait.ge [sflag:s28], $0x2800  }
0x99: {  	[sflag:s28] =	ssyncset.done $0x0  }
0x9a: {  	[sflag:s28] =	ssyncadd.s32 $0xFFFFD800  }
0x9b: {  	_ =	sfence.sel $0x180000  }
0x9c: {  	[bflag:$0x0] =	sbarrier.arrive $0xFFFF  }
0x9d: {  	_ =	strace $0x90000047  }
0x9e: {  	s0 =	stileid.u32;
	[bflag:$0x2] =	sbarrier.arrive $0xFFFF  }
0x9f: {  	p0 =	sne.s32 s0, $0x0;
	s0 =	rddreg [dreg:$0x2]  }
0xa0: {  	s0 =	sadd.s32 @!p0 $0x100000, s0  }
0xa1: {  	[sflag:s0] =	ssyncadd.tile.s32 @!p0 $0x1;
	_ =	shalt  }
.Lfunc_end2:
_tile_overlayer_lowered:
.L_overlay_start_2:
0xa2: {  	(tag) =	ssettag $0x2  }
0xa3: {  	s0 =	rddreg [dreg:$0x0];
	s2 =	stileid.u32  }
0xa4: {  	s1 =	rddreg [dreg:$0x1];
	p0 =	sne.s32 s2, $0x0  }
0xa5: {  	s3 =	rddreg [dreg:$0x2];
	[bflag:$0x3] =	sbarrier.arrive $0xFFFF;
	s2 =	simm.s32 @!p0 $0x1C04  }
0xa6: {  	[timem:s3], [sflag:s2] =	dma.local @!p0 [hbm:s0], s1  }
0xa7: {  	s0 =	simm.s32 @!p0 $0x4  }
0xa8: {  	_ =	swait.ge @!p0 [sflag:s0], s1  }
0xa9: {  	s1 =	ssub.s32 @!p0 $0x0, s1;
	[sflag:s0] =	ssyncset.done @!p0 $0x0  }
0xaa: {  	[sflag:s0] =	ssyncadd.s32 @!p0 s1  }
0xab: {  	[bflag:$0x3] =	sbarrier.arrive $0xFFFF  }
0xac: {  	_ =	shalt  }

// kernel: kernel.13.cloned.1.call-start
scs
__scs_entry_jumppad:
0x0: {  	(pc) =	sbr.rel $0x88, $3  }
0x1: {  	(tag) =	ssettag $0x0;
	lr =	simm.s32 $0x1  }
0x2: {  	[smem:$0x3F89] =	sst lr;
	_ =	strace $0xD0000000  }
0x3: {  	_ = 	snop  }
0x4: {  	_ = 	snop  }
0x5: {  	_ = 	snop  }
0x6: {  	_ = 	snop  }
0x7: {  	_ = 	snop  }
__scs_overlays_trampoline_lowered:
0x8: {  	[smem:$0x3F98] =	sst s0  }
0x9: {  	[smem:$0x3F99] =	sst s1  }
0xa: {  	[smem:$0x3F9A] =	sst s2  }
0xb: {  	[smem:$0x3F9B] =	sst s3  }
0xc: {  	[smem:$0x3F9C] =	sst s4  }
0xd: {  	[smem:$0x3F9D] =	sst s5  }
0xe: {  	[smem:$0x3F9E] =	sst s6  }
0xf: {  	[smem:$0x3F9F] =	sst s7  }
0x10: {  	[smem:$0x3FA0] =	sst s8  }
0x11: {  	[smem:$0x3FA1] =	sst s9;
	s0 =	simm.s32 @!p0 $0x0  }
0x12: {  	s1 =	sld [smem:$0x3F87];
	s0 =	simm.s32 @p0 $0x1  }
0x13: {  	[smem:$0x3FA2] =	sst s0;
	s0 =	simm.s32 @!p1 $0x0  }
0x14: {  	s2 =	sld [smem:$0x3F86];
	s0 =	simm.s32 @p1 $0x1  }
0x15: {  	[smem:$0x3FA3] =	sst s0;
	s0 =	simm.s32 @!p2 $0x0  }
0x16: {  	s3 =	sld [smem:$0x3FDB];
	s0 =	simm.s32 @p2 $0x1  }
0x17: {  	s4 =	simm.s32 $0x1BF5;
	[smem:$0x3FA5] =	sst s0  }
0x18: {  	s0 =	sld [smem:$0x3F88];
	_ =	swait.ge [sflag:s4], $0x0  }
0x19: {  	s7 =	sld [smem:$0x3F89]  }
0x1a: {  	s8 =	sadd.s32 $0xFFFFE003, lr  }
0x1b: {  	s9 =	sadd.s32 $0xFFFFFEF7, lr;
	s5 =	simm.s32 $0xFFFFFFFF;
	p2 =	slt.u32 s8, $0xFFFFF086  }
0x1c: {  	p1 =	slt.u32 s9, $0xF7A;
	s5 =	simm.s32 @!p2 $0x0  }
0x1d: {  	s5 =	simm.s32 @p1 $0x1;
	p0 =	seq.s32 s7, s2  }
0x1e: {  	s7 =	smul.u32 @!p0 $0xF7A, s2;
	p2 =	seq.s32 @!p0 s5, $0x0  }
0x1f: {  	s9 =	smul.u32 $0xF7A, s1;
	s8 =	simm.s32 @!p0 $0x1BF5;
	p2 =	por !p2, p0  }
0x20: {  	[sflag:s8] =	ssyncset.s32 @!p0 $0xFFFFF086;
	s6 =	sadd.s32 @!p0 s3, s7;
	s7 =	simm.s32 @!p0 $0x108  }
0x21: {  	s3 =	sadd.s32 s3, s9;
	s6 =	sadd.s32 @!p0 $0x88, s6;
	s7 =	simm.s32 @p2 $0x1082  }
0x22: {  	[simem:s7], [sflag:s8] =	dma.local @!p0 [hbm:s6], $0xF7A  }
0x23: {  	s9 =	sor.u32 $0xD0000000, s2;
	s6 =	simm.s32 $0x108;
	_ =	swait.ge @!p0 [sflag:s8], $0x0  }
0x24: {  	s3 =	sadd.s32 $0x88, s3;
	s6 =	simm.s32 @!p1 $0x1082;
	[sflag:s4] =	ssyncset.s32 $0xFFFFF086  }
0x25: {  	[simem:s6], [sflag:s4] =	dma.local [hbm:s3], $0xF7A  }
0x26: {  	[smem:$0x3F89] =	sst s1;
	(tag) =	ssettag s2;
	_ =	strace s9  }
0x27: {  	s1 =	sld [smem:$0x3F99]  }
0x28: {  	s2 =	sld [smem:$0x3F9A]  }
0x29: {  	s4 =	sld [smem:$0x3F9C]  }
0x2a: {  	p0 =	seq.s32 s5, $0x0;
	s5 =	sld [smem:$0x3F9D]  }
0x2b: {  	s6 =	sld [smem:$0x3F9E]  }
0x2c: {  	s7 =	sld [smem:$0x3F9F]  }
0x2d: {  	s3 =	simm.s32 $0x108;
	s8 =	sld [smem:$0x3FA0]  }
0x2e: {  	s3 =	simm.s32 @!p0 $0x1082;
	s9 =	sld [smem:$0x3FA1]  }
0x2f: {  	lr =	sadd.s32 s0, s3;
	s0 =	sld [smem:$0x3F98]  }
0x30: {  	s3 =	sld [smem:$0x3F9B]  }
0x31: {  	[smem:$0x3FA4] =	sst s10  }
0x32: {  	s10 =	sld [smem:$0x3FA2];
	_ =	sdelay $0x3  }
0x33: {  	p0 =	seq.s32 s10, $0x1;
	s10 =	sld [smem:$0x3FA4];
	_ =	sdelay $0x3  }
0x34: {  	[smem:$0x3FA4] =	sst s10  }
0x35: {  	s10 =	sld [smem:$0x3FA3];
	_ =	sdelay $0x3  }
0x36: {  	p1 =	seq.s32 s10, $0x1;
	s10 =	sld [smem:$0x3FA4];
	_ =	sdelay $0x3  }
0x37: {  	[smem:$0x3FA4] =	sst s10  }
0x38: {  	s10 =	sld [smem:$0x3FA5]  }
0x39: {  	_ = 	snop;
	(pc) =	sbr.ind lr, $3  }
0x3a: {  	_ = 	snop  }
0x3b: {  	_ = 	snop  }
0x3c: {  	p2 =	seq.s32 s10, $0x1;
	s10 =	sld [smem:$0x3FA4]  }
0x3d: {  	_ =	shalt  }
0x3e: {  	_ =	shalt  }
0x3f: {  	_ =	shalt  }
0x40: {  	_ =	shalt  }
0x41: {  	_ =	shalt  }
0x42: {  	_ =	shalt  }
0x43: {  	_ =	shalt  }
0x44: {  	_ =	shalt  }
0x45: {  	_ =	shalt  }
0x46: {  	_ =	shalt  }
0x47: {  	_ =	shalt  }
0x48: {  	_ =	shalt  }
0x49: {  	_ =	shalt  }
0x4a: {  	_ =	shalt  }
0x4b: {  	_ =	shalt  }
0x4c: {  	_ =	shalt  }
0x4d: {  	_ =	shalt  }
0x4e: {  	_ =	shalt  }
0x4f: {  	_ =	shalt  }
0x50: {  	_ =	shalt  }
0x51: {  	_ =	shalt  }
0x52: {  	_ =	shalt  }
0x53: {  	_ =	shalt  }
0x54: {  	_ =	shalt  }
0x55: {  	_ =	shalt  }
0x56: {  	_ =	shalt  }
0x57: {  	_ =	shalt  }
0x58: {  	_ =	shalt  }
0x59: {  	_ =	shalt  }
0x5a: {  	_ =	shalt  }
0x5b: {  	_ =	shalt  }
0x5c: {  	_ =	shalt  }
0x5d: {  	_ =	shalt  }
0x5e: {  	_ =	shalt  }
0x5f: {  	_ =	shalt  }
0x60: {  	_ =	shalt  }
0x61: {  	_ =	shalt  }
0x62: {  	_ =	shalt  }
0x63: {  	_ =	shalt  }
0x64: {  	_ =	shalt  }
0x65: {  	_ =	shalt  }
0x66: {  	_ =	shalt  }
0x67: {  	_ =	shalt  }
0x68: {  	_ =	shalt  }
0x69: {  	_ =	shalt  }
0x6a: {  	_ =	shalt  }
0x6b: {  	_ =	shalt  }
0x6c: {  	_ =	shalt  }
0x6d: {  	_ =	shalt  }
0x6e: {  	_ =	shalt  }
0x6f: {  	_ =	shalt  }
0x70: {  	_ =	shalt  }
0x71: {  	_ =	shalt  }
0x72: {  	_ =	shalt  }
0x73: {  	_ =	shalt  }
0x74: {  	_ =	shalt  }
0x75: {  	_ =	shalt  }
0x76: {  	_ =	shalt  }
0x77: {  	_ =	shalt  }
0x78: {  	_ =	shalt  }
0x79: {  	_ =	shalt  }
0x7a: {  	_ =	shalt  }
0x7b: {  	_ =	shalt  }
0x7c: {  	_ =	shalt  }
0x7d: {  	_ =	shalt  }
0x7e: {  	_ =	shalt  }
0x7f: {  	_ =	shalt  }
0x80: {  	_ =	shalt  }
0x81: {  	_ =	shalt  }
0x82: {  	_ =	shalt  }
0x83: {  	_ =	shalt  }
0x84: {  	_ =	shalt  }
0x85: {  	_ =	shalt  }
0x86: {  	_ =	shalt  }
0x87: {  	_ =	shalt  }
.Lfunc_end0:
.L_simem_size_0:
called_computation.1_lowered:
.L_overlay_start_0:
0x88: {  	s2 =	sld [smem:$0x3FD9]  }
0x89: {  	s3 =	sld [smem:$0x3FFE];
	_ =	sdelay $0x1  }
0x8a: {  	s1 =	srdreg.scid  }
0x8b: {  	s0 =	sand.u32 $0x1, s1  }
0x8c: {  	s16 =	sshll.u32 s0, $0xA;
	s2 =	sadd.s32 s3, s2  }
0x8d: {  	s2 =	sadd.s32 s2, s16  }
0x8e: {  	[smem:$0x3FB0] =	sst s2  }
0x8f: {  	_ = 	snop  }
0x90: {  	(tm) =	ssettm $0x1  }
0x91: {  	s17 =	sld [smem:$0x3FFB];
	_ =	sdelay $0x3  }
0x92: {  	_ =	strace s17  }
0x93: {  	s2 =	sld [smem:$0x3FFC];
	_ =	sdelay $0x3  }
0x94: {  	_ =	strace s2  }
0x95: {  	s2 =	sld [smem:$0x3FFD];
	_ =	sdelay $0x3  }
0x96: {  	_ =	strace s2  }
0x97: {  	_ =	strace $0x8FFFFFFF  }
0x98: {  	s18 =	sld [smem:$0x3FDB];
	_ =	sdelay $0x1  }
0x99: {  	s19 =	simm.s32 $_scs_section_size  }
0x9a: {  	s4 =	simm.s32 $_size__tile_overlayer_lowered;
	s5 =	simm.s32 $_tile_overlayer_lowered  }
0x9b: {  	s22 =	simm.s32 $0x1BFF;
	s21 =	sshll.u32 s5, $0x1;
	s2 =	sadd.s32 s19, s18  }
0x9c: {  	s6 =	simm.s32 $0x0;
	s20 =	sshll.u32 s4, $0x1;
	s4 =	sadd.s32 s21, s2  }
0x9d: {  	[timem:s6], [sflag:s22] =	dma.local [hbm:s4], s20  }
0x9e: {  	_ =	swait.ge [sflag:s22], s20  }
0x9f: {  	s3 =	ssub.s32 $0x0, s20;
	[sflag:s22] =	ssyncset.done $0x0  }
0xa0: {  	[sflag:s22] =	ssyncadd.s32 s3;
	_ =	sdelay $0x1  }
0xa1: {  	s23 =	simm.s32 $0x1B8B  }
0xa2: {  	_ =	swait.ge [sflag:s23], $0x1  }
0xa3: {  	[sflag:s23] =	ssyncset.done $0x0  }
0xa4: {  	s25 =	simm.s32 $0x1B8E;
	s24 =	sld [smem:$0x3FFE];
	[sflag:s23] =	ssyncadd.s32 $0xFFFFFFFF  }
0xa5: {  	s26 =	simm.s32 $execute0_lowered;
	[smem:$0x3FD2] =	sst s25  }
0xa6: {  	s4 =	sshll.u32 s26, $0x1;
	_ =	strace $0x80000049;
	[dreg:$0x1] =	wrdreg $0xFFFFFFFF  }
0xa7: {  	s28 =	simm.s32 $_size_execute0_lowered;
	s2 =	sadd.s32 s2, s4;
	[dreg:$0x0] =	wrdreg $0x0  }
0xa8: {  	s4 =	sshll.u32 s28, $0x1;
	[dreg:$0x2] =	wrdreg s2  }
0xa9: {  	[dreg:$0x3] =	wrdreg s4  }
0xaa: {  	[dreg:$0x4] =	wrdreg $0xC0  }
0xab: {  	_ =	task [dreg:s6], $0x5FFFF  }
0xac: {  	[dreg:$0x1] =	wrdreg $0xFFFFFFFF  }
0xad: {  	[dreg:$0x0] =	wrdreg $0x60  }
0xae: {  	[dreg:$0x2] =	wrdreg s24  }
0xaf: {  	[dreg:$0x3] =	wrdreg $0xB7800  }
0xb0: {  	[dreg:$0x4] =	wrdreg $0x9  }
0xb1: {  	_ =	task.clear_ibuf [dreg:s6], $0x5FFFF;
	_ =	strace $0x90000049  }
0xb2: {  	s29 =	simm.s32 $0x9;
	_ =	strace $0x8000004B  }
0xb3: {  	_ =	swait.ge [sflag:s29], $0x1  }
0xb4: {  	[sflag:s29] =	ssyncadd.s32 $0xFFFFFFFF  }
0xb5: {  	_ =	strace $0x9000004B  }
0xb6: {  	_ =	sfence  }
0xb7: {  	s30 =	sld [smem:$0x0];
	_ =	sdelay $0x2  }
0xb8: {  	s31 =	sshll.u32 s1, $0xD;
	s1 =	sshrl.u32 s1, $0x2  }
0xb9: {  	s3 =	sand.u32 $0x4000, s31;
	s1 =	sadd.s32 s1, s30  }
0xba: {  	s0 =	sor.u32 s3, s0;
	s1 =	sshll.u32 s1, $0x11  }
0xbb: {  	s0 =	sor.u32 s1, s0  }
0xbc: {  	s0 =	sadd.s32 $0x8F2B, s0  }
0xbd: {  	[sflag:s0] =	ssyncadd.remote.s32 $0x1  }
0xbe: {  	_ =	sfence.sel $0xFFFF  }
0xbf: {  	[dreg:$0x0] =	wrdreg $0xFFFFFFFF;
	(pc) =	sbr.abs _section_cstart, $3  }
0xc0: {  	[dreg:$0x1] =	wrdreg $0xFFFFFFFF  }
0xc1: {  	_ =	task.clear_ibuf [dreg:s6], $0x2FFFF;
	_ =	strace $0x9FFFFFFF  }
0xc2: {  	(tm) =	ssettm $0x7FFFFFFF  }
0xc3: {  	_ =	shalt  }
tec
execute0_lowered:
.L_overlay_start_1:
0x0: {  	(tag) =	ssettag $0x1  }
0x1: {  	s0 =	rddreg [dreg:$0x0];
	s1 =	srdreg.scid  }
0x2: {  	s9 =	stileid.u32;
	s2 =	rddreg [dreg:$0x1]  }
0x3: {  	s29 =	simm.s32 $0x6780;
	s30 =	simm.s32 $0x4;
	s31 =	simm.s32 $0x3  }
0x4: {  	s28 =	simm.s32 $0x2710;
	s1 =	sand.u32 $0x1, s1;
	s19 =	smul.u32 $0x280, s9  }
0x5: {  	s3 =	sshll.u32 s9, $0x1;
	s5 =	sshrl.u32 s9, $0x2;
	s20 =	smul.u32 $0x50000, s9  }
0x6: {  	s21 =	sadd.s32 $0x1F600, s0;
	s4 =	sor.u32 s1, s3;
	s5 =	smul.u32 $0x13C00, s5  }
0x7: {  	s3 =	simm.s32 $0x0;
	s8 =	smul.u32 $0x2800, s1;
	s1 =	ssub.s32 $0x2, s1  }
0x8: {  	s6 =	sshll.u32 s4, $0x7;
	[smem:$0x7FF] =	sst s3;
	s7 =	sshll.u32 s4, $0xB  }
0x9: {  	s4 =	sadd.s32 $0x1FC00, s0;
	s22 =	sshrl.u32 s1, $0x1;
	s23 =	sshrl.u32 s20, $0x2  }
0xa: {  	s6 =	sand.u32 $0x380, s6;
	_ =	strace $0x8000004A;
	s7 =	sadd.s32 s7, s0  }
0xb: {  	[dreg:$0x3] =	wrdreg s21;
	s1 =	ssub.s32 s1, s22;
	s5 =	sor.u32 s5, s6  }
0xc: {  	s6 =	sadd.s32 s19, s8;
	s24 =	sadd.s32 $0x5800, s7;
	s8 =	sadd.s32 s23, s2  }
0xd: {  	s5 =	sshrl.u32 s5, $0x3;
	s6 =	sshll.u32 s6, $0x4;
	[dreg:$0x5] =	wrdreg s24  }
0xe: {  	s9 =	sadd.s32 $0x2800, s8;
	s10 =	sadd.s32 $0x5000, s8;
	s11 =	sadd.s32 $0x7800, s8  }
0xf: {  	s12 =	sadd.s32 $0xA000, s8;
	s13 =	sadd.s32 $0xC800, s8;
	s14 =	sadd.s32 $0xF000, s8  }
0x10: {  	s15 =	sadd.s32 $0x11800, s8;
	s24 =	smax.u32 s1, $0x1;
	s5 =	sadd.s32 s5, s0  }
0x11: {  	s1 =	simm.s32 $0x1;
	s0 =	sadd.s32 s6, s0;
	s5 =	sadd.s32 $0x15800, s5  }
0x12: {  	s25 =	sadd.s32 $0x6FC00, s0;
	s26 =	sadd.s32 $0x70100, s0;
	s18 =	sadd.s32 $0x70600, s0  }
0x13: {  	s19 =	sadd.s32 $0x70B00, s0;
	s20 =	sadd.s32 $0x71000, s0;
	[dreg:$0x4] =	wrdreg s5  }
0x14: {  	s21 =	sadd.s32 $0x71500, s0;
	s22 =	sadd.s32 $0x71A00, s0;
	[dreg:$0x6] =	wrdreg s25  }
0x15: {  	s23 =	sadd.s32 $0x71F00, s0;
	s0 =	simm.s32 $0x2;
	[dreg:$0x7] =	wrdreg s26  }
0x16: {  	s25 =	simm.s32 $0x50;
	s26 =	simm.s32 $0x8F80;
	s5 =	simm.s32 $0x0  }
.LBB2_1:
0x17: {  	s6 =	rddreg [dreg:$0x4];
	s7 =	simm.s32 $0x80;
	s16 =	simm.s32 $0x400  }
0x18: {  	[tilespmem:s3], [sflag:$0x1] =	stream.strided.gather [hbm4b:s6+s7], $0x2780, s16, s7, $0x38;
	[tilespmem:$0x1F780] =	vst v63  }
0x19: {  	s7 =	rddreg [dreg:$0x5];
	s16 =	simm.s32 $0x2780  }
0x1a: {  	[tilespmem:s16], [sflag:$0x2] =	stream.linear.gather [hbm4b:s7+s3], $0x3F00, $0x38;
	[tilespmem:$0x1F780] =	vst v63  }
0x1b: {  	s17 =	rddreg [dreg:$0x3]  }
0x1c: {  	[tilespmem:s29], [sflag:$0x4] =	stream.linear.gather [hbm4b:s17+s3], $0x2800, $0x38;
	[tilespmem:$0x1F780] =	vst v63  }
0x1d: {  	_ =	swait.ge [sflag:s30], $0x2800  }
0x1e: {  	[sflag:s30] =	ssyncset.done $0x0  }
0x1f: {  	[sflag:s30] =	ssyncadd.s32 $0xFFFFD800  }
0x20: {  	[spmem:s8] =	stream.linear.scatter [tilespmem:s29], [sflag:$0x3], $0x2800, $0x38;
	[tilespmem:$0x1F780] =	vst v63  }
0x21: {  	_ = 	snop  }
0x22: {  	[spmem:s9] =	stream.linear.scatter [tilespmem:s29], [sflag:$0x3], $0x2800, $0x38;
	[tilespmem:$0x1F780] =	vst v63  }
0x23: {  	_ = 	snop  }
0x24: {  	[spmem:s10] =	stream.linear.scatter [tilespmem:s29], [sflag:$0x3], $0x2800, $0x38;
	[tilespmem:$0x1F780] =	vst v63  }
0x25: {  	_ = 	snop  }
0x26: {  	[spmem:s11] =	stream.linear.scatter [tilespmem:s29], [sflag:$0x3], $0x2800, $0x38;
	[tilespmem:$0x1F780] =	vst v63  }
0x27: {  	_ = 	snop  }
0x28: {  	[spmem:s12] =	stream.linear.scatter [tilespmem:s29], [sflag:$0x3], $0x2800, $0x38;
	[tilespmem:$0x1F780] =	vst v63  }
0x29: {  	_ = 	snop  }
0x2a: {  	[spmem:s13] =	stream.linear.scatter [tilespmem:s29], [sflag:$0x3], $0x2800, $0x38;
	[tilespmem:$0x1F780] =	vst v63  }
0x2b: {  	_ = 	snop  }
0x2c: {  	[spmem:s14] =	stream.linear.scatter [tilespmem:s29], [sflag:$0x3], $0x2800, $0x38;
	[tilespmem:$0x1F780] =	vst v63  }
0x2d: {  	_ = 	snop  }
0x2e: {  	[spmem:s15] =	stream.linear.scatter [tilespmem:s29], [sflag:$0x3], $0x2800, $0x38;
	[tilespmem:$0x1F780] =	vst v63  }
0x2f: {  	_ =	swait.ge [sflag:s31], $0x2800  }
0x30: {  	[sflag:s31] =	ssyncset.done $0x0  }
0x31: {  	[sflag:s31] =	ssyncadd.s32 $0xFFFFD800  }
0x32: {  	_ =	swait.ge [sflag:s31], $0x2800  }
0x33: {  	[sflag:s31] =	ssyncset.done $0x0  }
0x34: {  	[sflag:s31] =	ssyncadd.s32 $0xFFFFD800  }
0x35: {  	_ =	swait.ge [sflag:s31], $0x2800  }
0x36: {  	[sflag:s31] =	ssyncset.done $0x0  }
0x37: {  	[sflag:s31] =	ssyncadd.s32 $0xFFFFD800  }
0x38: {  	_ =	swait.ge [sflag:s31], $0x2800  }
0x39: {  	[sflag:s31] =	ssyncset.done $0x0  }
0x3a: {  	[sflag:s31] =	ssyncadd.s32 $0xFFFFD800  }
0x3b: {  	_ =	swait.ge [sflag:s31], $0x2800  }
0x3c: {  	[sflag:s31] =	ssyncset.done $0x0  }
0x3d: {  	[sflag:s31] =	ssyncadd.s32 $0xFFFFD800  }
0x3e: {  	_ =	swait.ge [sflag:s31], $0x2800  }
0x3f: {  	[sflag:s31] =	ssyncset.done $0x0  }
0x40: {  	[sflag:s31] =	ssyncadd.s32 $0xFFFFD800  }
0x41: {  	_ =	swait.ge [sflag:s31], $0x2800  }
0x42: {  	[sflag:s31] =	ssyncset.done $0x0  }
0x43: {  	[sflag:s31] =	ssyncadd.s32 $0xFFFFD800  }
0x44: {  	_ =	swait.ge [sflag:s31], $0x2800  }
0x45: {  	[sflag:s31] =	ssyncset.done $0x0  }
0x46: {  	[sflag:s31] =	ssyncadd.s32 $0xFFFFD800  }
0x47: {  	_ =	swait.ge [sflag:s1], $0x2780  }
0x48: {  	[sflag:s1] =	ssyncset.done $0x0  }
0x49: {  	[sflag:s1] =	ssyncadd.s32 $0xFFFFD880  }
0x4a: {  	_ =	swait.ge [sflag:s0], $0x3F00  }
0x4b: {  	[sflag:s0] =	ssyncset.done $0x0  }
0x4c: {  	[sflag:s0] =	ssyncadd.s32 $0xFFFFC100  }
0x4d: {  	[bflag:$0x0] =	sbarrier.arrive $0xFFFF  }
0x4e: {  	[tilespmem:s29], [sflag:$0x1] =	stream.indirect.gather [hbm4b:s4+s25], $0x80, s3, s25, $0xb8;
	[tilespmem:$0x1F780] =	vst v63  }
0x4f: {  	_ =	swait.ge [sflag:s1], $0x2800  }
0x50: {  	[sflag:s1] =	ssyncset.done $0x0  }
0x51: {  	s7 =	simm.s32 $0x50;
	[sflag:s1] =	ssyncadd.s32 $0xFFFFD800  }
0x52: {  	[tilespmem:s26], [sflag:$0x2] =	stream.indirect.gather [hbm4b:s4+s25], $0x80, s7, s25, $0xb8;
	[tilespmem:$0x1F780] =	vst v63  }
0x53: {  	s16 =	simm.s32 $0x2780  }
0x54: {  	[spmem:s2] =	stream.indirect.scatter.add.f32 [tilespmem:s29], [sflag:$0x4], $0x80, s16, s25, $0xb8;
	[tilespmem:$0x1F780] =	vst v63  }
0x55: {  	_ =	swait.ge [sflag:s30], $0x2800  }
0x56: {  	[sflag:s30] =	ssyncset.done $0x0  }
0x57: {  	[sflag:s30] =	ssyncadd.s32 $0xFFFFD800  }
0x58: {  	_ =	swait.ge [sflag:s0], $0x2800  }
0x59: {  	[sflag:s0] =	ssyncset.done $0x0  }
0x5a: {  	s6 =	simm.s32 $0xA0;
	[sflag:s0] =	ssyncadd.s32 $0xFFFFD800  }
0x5b: {  	[tilespmem:s29], [sflag:$0x1] =	stream.indirect.gather [hbm4b:s4+s25], $0x80, s6, s25, $0xb8;
	[tilespmem:$0x1F780] =	vst v63  }
0x5c: {  	s17 =	simm.s32 $0x2800  }
0x5d: {  	[spmem:s2] =	stream.indirect.scatter.add.f32 [tilespmem:s26], [sflag:$0x4], $0x80, s17, s25, $0xb8;
	[tilespmem:$0x1F780] =	vst v63  }
0x5e: {  	_ =	swait.ge [sflag:s30], $0x2800  }
0x5f: {  	s7 =	simm.s32 $0x400;
	[sflag:s30] =	ssyncset.done $0x0  }
.LBB2_2:
0x60: {  	p0 =	sne.s32 s7, $0xF400;
	[sflag:s30] =	ssyncadd.s32 $0xFFFFD800;
	s6 =	sadd.s32 $0xA0, s6  }
0x61: {  	s16 =	smov.u32 s7;
	s7 =	sadd.s32 $0x400, s7  }
0x62: {  	_ =	swait.ge [sflag:s1], $0x2800  }
0x63: {  	[sflag:s1] =	ssyncset.done $0x0  }
0x64: {  	s17 =	sadd.s32 $0xFFFFFFB0, s6;
	s16 =	sshra.s32 s16, $0x2;
	[sflag:s1] =	ssyncadd.s32 $0xFFFFD800  }
0x65: {  	[tilespmem:s26], [sflag:$0x2] =	stream.indirect.gather [hbm4b:s4+s25], $0x80, s17, s25, $0xb8;
	[tilespmem:$0x1F780] =	vst v63  }
0x66: {  	s17 =	sadd.s32 $0x2780, s16  }
0x67: {  	[spmem:s2] =	stream.indirect.scatter.add.f32 [tilespmem:s29], [sflag:$0x4], $0x80, s17, s25, $0xb8;
	[tilespmem:$0x1F780] =	vst v63  }
0x68: {  	_ =	swait.ge [sflag:s30], $0x2800  }
0x69: {  	[sflag:s30] =	ssyncset.done $0x0  }
0x6a: {  	[sflag:s30] =	ssyncadd.s32 $0xFFFFD800  }
0x6b: {  	_ =	swait.ge [sflag:s0], $0x2800  }
0x6c: {  	[sflag:s0] =	ssyncset.done $0x0  }
0x6d: {  	[sflag:s0] =	ssyncadd.s32 $0xFFFFD800  }
0x6e: {  	[tilespmem:s29], [sflag:$0x1] =	stream.indirect.gather [hbm4b:s4+s25], $0x80, s6, s25, $0xb8;
	[tilespmem:$0x1F780] =	vst v63  }
.Ltmp0:
0x6f: {  	_ = 	snop;
	(pc) =	sbr.rel @p0 .LBB2_2-.Ltmp0, $4  }
0x70: {  	s16 =	sadd.s32 $0x2800, s16  }
0x71: {  	[spmem:s2] =	stream.indirect.scatter.add.f32 [tilespmem:s26], [sflag:$0x4], $0x80, s16, s25, $0xb8;
	[tilespmem:$0x1F780] =	vst v63  }
0x72: {  	_ =	swait.ge [sflag:s30], $0x2800  }
0x73: {  	[sflag:s30] =	ssyncset.done $0x0  }
0x74: {  	[sflag:s30] =	ssyncadd.s32 $0xFFFFD800  }
0x75: {  	_ =	swait.ge [sflag:s1], $0x2800  }
0x76: {  	[sflag:s1] =	ssyncset.done $0x0  }
0x77: {  	[sflag:s1] =	ssyncadd.s32 $0xFFFFD800  }
0x78: {  	[tilespmem:s26], [sflag:$0x2] =	stream.indirect.gather [hbm4b:s4+s25], $0x80, s28, s25, $0xb8;
	[tilespmem:$0x1F780] =	vst v63  }
0x79: {  	s6 =	simm.s32 $0x6580  }
0x7a: {  	[spmem:s2] =	stream.indirect.scatter.add.f32 [tilespmem:s29], [sflag:$0x4], $0x80, s6, s25, $0xb8;
	[tilespmem:$0x1F780] =	vst v63  }
0x7b: {  	_ =	swait.ge [sflag:s30], $0x2800  }
0x7c: {  	[sflag:s30] =	ssyncset.done $0x0  }
0x7d: {  	[sflag:s30] =	ssyncadd.s32 $0xFFFFD800  }
0x7e: {  	_ =	swait.ge [sflag:s0], $0x2800  }
0x7f: {  	[sflag:s0] =	ssyncset.done $0x0  }
0x80: {  	[sflag:s0] =	ssyncadd.s32 $0xFFFFD800  }
0x81: {  	[tilespmem:s29], [sflag:$0x1] =	stream.indirect.gather [hbm4b:s4+s25], $0x80, s28, s25, $0xb8;
	[tilespmem:$0x1F780] =	vst v63  }
0x82: {  	s7 =	simm.s32 $0x6600  }
0x83: {  	[spmem:s2] =	stream.indirect.scatter.add.f32 [tilespmem:s26], [sflag:$0x4], $0x80, s7, s25, $0xb8;
	[tilespmem:$0x1F780] =	vst v63  }
0x84: {  	_ =	swait.ge [sflag:s30], $0x2800  }
0x85: {  	[sflag:s30] =	ssyncset.done $0x0  }
0x86: {  	[sflag:s30] =	ssyncadd.s32 $0xFFFFD800  }
0x87: {  	_ =	swait.ge [sflag:s1], $0x2800  }
0x88: {  	[sflag:s1] =	ssyncset.done $0x0  }
0x89: {  	[sflag:s1] =	ssyncadd.s32 $0xFFFFD800  }
0x8a: {  	[bflag:$0x0] =	sbarrier.arrive $0xFFFF  }
0x8b: {  	[tilespmem:s29], [sflag:$0x4] =	stream.linear.gather [spmem:s8], $0x2800, $0x38;
	[tilespmem:$0x1F780] =	vst v63  }
0x8c: {  	_ =	swait.ge [sflag:s30], $0x2800  }
0x8d: {  	[sflag:s30] =	ssyncset.done $0x0  }
0x8e: {  	s16 =	rddreg [dreg:$0x6];
	[sflag:s30] =	ssyncadd.s32 $0xFFFFD800  }
0x8f: {  	[hbm4b:s16+s3] =	stream.linear.scatter [tilespmem:s29], [sflag:$0x1], $0x2800, $0x38;
	[tilespmem:$0x1F780] =	vst v63  }
0x90: {  	_ = 	snop  }
0x91: {  	[tilespmem:s26], [sflag:$0x4] =	stream.linear.gather [spmem:s9], $0x2800, $0x38;
	[tilespmem:$0x1F780] =	vst v63  }
0x92: {  	_ =	swait.ge [sflag:s30], $0x2800  }
0x93: {  	[sflag:s30] =	ssyncset.done $0x0  }
0x94: {  	[sflag:s30] =	ssyncadd.s32 $0xFFFFD800  }
0x95: {  	_ =	swait.ge [sflag:s1], $0x2800  }
0x96: {  	[sflag:s1] =	ssyncset.done $0x0  }
0x97: {  	s17 =	rddreg [dreg:$0x7];
	[sflag:s1] =	ssyncadd.s32 $0xFFFFD800  }
0x98: {  	[hbm4b:s17+s3] =	stream.linear.scatter [tilespmem:s26], [sflag:$0x2], $0x2800, $0x38;
	[tilespmem:$0x1F780] =	vst v63  }
0x99: {  	_ = 	snop  }
0x9a: {  	[tilespmem:s29], [sflag:$0x4] =	stream.linear.gather [spmem:s10], $0x2800, $0x38;
	[tilespmem:$0x1F780] =	vst v63  }
0x9b: {  	_ =	swait.ge [sflag:s30], $0x2800  }
0x9c: {  	[sflag:s30] =	ssyncset.done $0x0  }
0x9d: {  	[sflag:s30] =	ssyncadd.s32 $0xFFFFD800  }
0x9e: {  	_ =	swait.ge [sflag:s0], $0x2800  }
0x9f: {  	[sflag:s0] =	ssyncset.done $0x0  }
0xa0: {  	[sflag:s0] =	ssyncadd.s32 $0xFFFFD800  }
0xa1: {  	[hbm4b:s18+s3] =	stream.linear.scatter [tilespmem:s29], [sflag:$0x1], $0x2800, $0x38;
	[tilespmem:$0x1F780] =	vst v63  }
0xa2: {  	_ = 	snop  }
0xa3: {  	[tilespmem:s26], [sflag:$0x4] =	stream.linear.gather [spmem:s11], $0x2800, $0x38;
	[tilespmem:$0x1F780] =	vst v63  }
0xa4: {  	_ =	swait.ge [sflag:s30], $0x2800  }
0xa5: {  	[sflag:s30] =	ssyncset.done $0x0  }
0xa6: {  	[sflag:s30] =	ssyncadd.s32 $0xFFFFD800  }
0xa7: {  	_ =	swait.ge [sflag:s1], $0x2800  }
0xa8: {  	[sflag:s1] =	ssyncset.done $0x0  }
0xa9: {  	[sflag:s1] =	ssyncadd.s32 $0xFFFFD800  }
0xaa: {  	[hbm4b:s19+s3] =	stream.linear.scatter [tilespmem:s26], [sflag:$0x2], $0x2800, $0x38;
	[tilespmem:$0x1F780] =	vst v63  }
0xab: {  	_ = 	snop  }
0xac: {  	[tilespmem:s29], [sflag:$0x4] =	stream.linear.gather [spmem:s12], $0x2800, $0x38;
	[tilespmem:$0x1F780] =	vst v63  }
0xad: {  	_ =	swait.ge [sflag:s30], $0x2800  }
0xae: {  	[sflag:s30] =	ssyncset.done $0x0  }
0xaf: {  	[sflag:s30] =	ssyncadd.s32 $0xFFFFD800  }
0xb0: {  	_ =	swait.ge [sflag:s0], $0x2800  }
0xb1: {  	[sflag:s0] =	ssyncset.done $0x0  }
0xb2: {  	[sflag:s0] =	ssyncadd.s32 $0xFFFFD800  }
0xb3: {  	[hbm4b:s20+s3] =	stream.linear.scatter [tilespmem:s29], [sflag:$0x1], $0x2800, $0x38;
	[tilespmem:$0x1F780] =	vst v63  }
0xb4: {  	_ = 	snop  }
0xb5: {  	[tilespmem:s26], [sflag:$0x4] =	stream.linear.gather [spmem:s13], $0x2800, $0x38;
	[tilespmem:$0x1F780] =	vst v63  }
0xb6: {  	_ =	swait.ge [sflag:s30], $0x2800  }
0xb7: {  	[sflag:s30] =	ssyncset.done $0x0  }
0xb8: {  	[sflag:s30] =	ssyncadd.s32 $0xFFFFD800  }
0xb9: {  	_ =	swait.ge [sflag:s1], $0x2800  }
0xba: {  	[sflag:s1] =	ssyncset.done $0x0  }
0xbb: {  	[sflag:s1] =	ssyncadd.s32 $0xFFFFD800  }
0xbc: {  	[hbm4b:s21+s3] =	stream.linear.scatter [tilespmem:s26], [sflag:$0x2], $0x2800, $0x38;
	[tilespmem:$0x1F780] =	vst v63  }
0xbd: {  	_ = 	snop  }
0xbe: {  	[tilespmem:s29], [sflag:$0x4] =	stream.linear.gather [spmem:s14], $0x2800, $0x38;
	[tilespmem:$0x1F780] =	vst v63  }
0xbf: {  	_ =	swait.ge [sflag:s30], $0x2800  }
0xc0: {  	[sflag:s30] =	ssyncset.done $0x0  }
0xc1: {  	[sflag:s30] =	ssyncadd.s32 $0xFFFFD800  }
0xc2: {  	_ =	swait.ge [sflag:s0], $0x2800  }
0xc3: {  	[sflag:s0] =	ssyncset.done $0x0  }
0xc4: {  	[sflag:s0] =	ssyncadd.s32 $0xFFFFD800  }
0xc5: {  	[hbm4b:s22+s3] =	stream.linear.scatter [tilespmem:s29], [sflag:$0x1], $0x2800, $0x38;
	[tilespmem:$0x1F780] =	vst v63  }
0xc6: {  	_ = 	snop  }
0xc7: {  	[tilespmem:s26], [sflag:$0x4] =	stream.linear.gather [spmem:s15], $0x2800, $0x38;
	[tilespmem:$0x1F780] =	vst v63  }
0xc8: {  	_ =	swait.ge [sflag:s30], $0x2800  }
0xc9: {  	[sflag:s30] =	ssyncset.done $0x0  }
0xca: {  	[sflag:s30] =	ssyncadd.s32 $0xFFFFD800  }
0xcb: {  	s5 =	sadd.s32 $0x1, s5;
	_ =	swait.ge [sflag:s1], $0x2800  }
0xcc: {  	p0 =	sne.s32 s5, s24;
	[sflag:s1] =	ssyncset.done $0x0  }
.Ltmp1:
0xcd: {  	[sflag:s1] =	ssyncadd.s32 $0xFFFFD800;
	(pc) =	sbr.rel @p0 .LBB2_1-.Ltmp1, $4  }
0xce: {  	[hbm4b:s23+s3] =	stream.linear.scatter [tilespmem:s26], [sflag:$0x2], $0x2800, $0x38;
	[tilespmem:$0x1F780] =	vst v63  }
0xcf: {  	_ =	swait.ge [sflag:s0], $0x2800  }
0xd0: {  	[sflag:s0] =	ssyncset.done $0x0  }
0xd1: {  	[sflag:s0] =	ssyncadd.s32 $0xFFFFD800  }
0xd2: {  	_ =	sfence.sel $0x180000  }
0xd3: {  	[bflag:$0x0] =	sbarrier.arrive $0xFFFF  }
0xd4: {  	_ =	strace $0x9000004A  }
0xd5: {  	s0 =	stileid.u32;
	[bflag:$0x2] =	sbarrier.arrive $0xFFFF  }
0xd6: {  	p0 =	sne.s32 s0, $0x0;
	s0 =	rddreg [dreg:$0x2]  }
0xd7: {  	s0 =	sadd.s32 @!p0 $0x100000, s0  }
0xd8: {  	[sflag:s0] =	ssyncadd.tile.s32 @!p0 $0x1;
	_ =	shalt  }
.Lfunc_end2:
_tile_overlayer_lowered:
.L_overlay_start_2:
0xd9: {  	(tag) =	ssettag $0x2  }
0xda: {  	s0 =	rddreg [dreg:$0x0];
	s2 =	stileid.u32  }
0xdb: {  	s1 =	rddreg [dreg:$0x1];
	p0 =	sne.s32 s2, $0x0  }
0xdc: {  	s3 =	rddreg [dreg:$0x2];
	[bflag:$0x3] =	sbarrier.arrive $0xFFFF;
	s2 =	simm.s32 @!p0 $0x1C04  }
0xdd: {  	[timem:s3], [sflag:s2] =	dma.local @!p0 [hbm:s0], s1  }
0xde: {  	s0 =	simm.s32 @!p0 $0x4  }
0xdf: {  	_ =	swait.ge @!p0 [sflag:s0], s1  }
0xe0: {  	s1 =	ssub.s32 @!p0 $0x0, s1;
	[sflag:s0] =	ssyncset.done @!p0 $0x0  }
0xe1: {  	[sflag:s0] =	ssyncadd.s32 @!p0 s1  }
0xe2: {  	[bflag:$0x3] =	sbarrier.arrive $0xFFFF  }
0xe3: {  	_ =	shalt  }

// kernel: kernel.16.cloned.1.call-start
scs
__scs_entry_jumppad:
0x0: {  	(pc) =	sbr.rel $0x88, $3  }
0x1: {  	(tag) =	ssettag $0x0;
	lr =	simm.s32 $0x1  }
0x2: {  	[smem:$0x3F89] =	sst lr;
	_ =	strace $0xD0000000  }
0x3: {  	_ = 	snop  }
0x4: {  	_ = 	snop  }
0x5: {  	_ = 	snop  }
0x6: {  	_ = 	snop  }
0x7: {  	_ = 	snop  }
__scs_overlays_trampoline_lowered:
0x8: {  	[smem:$0x3F98] =	sst s0  }
0x9: {  	[smem:$0x3F99] =	sst s1  }
0xa: {  	[smem:$0x3F9A] =	sst s2  }
0xb: {  	[smem:$0x3F9B] =	sst s3  }
0xc: {  	[smem:$0x3F9C] =	sst s4  }
0xd: {  	[smem:$0x3F9D] =	sst s5  }
0xe: {  	[smem:$0x3F9E] =	sst s6  }
0xf: {  	[smem:$0x3F9F] =	sst s7  }
0x10: {  	[smem:$0x3FA0] =	sst s8  }
0x11: {  	[smem:$0x3FA1] =	sst s9;
	s0 =	simm.s32 @!p0 $0x0  }
0x12: {  	s1 =	sld [smem:$0x3F87];
	s0 =	simm.s32 @p0 $0x1  }
0x13: {  	[smem:$0x3FA2] =	sst s0;
	s0 =	simm.s32 @!p1 $0x0  }
0x14: {  	s2 =	sld [smem:$0x3F86];
	s0 =	simm.s32 @p1 $0x1  }
0x15: {  	[smem:$0x3FA3] =	sst s0;
	s0 =	simm.s32 @!p2 $0x0  }
0x16: {  	s3 =	sld [smem:$0x3FDB];
	s0 =	simm.s32 @p2 $0x1  }
0x17: {  	s4 =	simm.s32 $0x1BF5;
	[smem:$0x3FA5] =	sst s0  }
0x18: {  	s0 =	sld [smem:$0x3F88];
	_ =	swait.ge [sflag:s4], $0x0  }
0x19: {  	s7 =	sld [smem:$0x3F89]  }
0x1a: {  	s8 =	sadd.s32 $0xFFFFE003, lr  }
0x1b: {  	s9 =	sadd.s32 $0xFFFFFEF7, lr;
	s5 =	simm.s32 $0xFFFFFFFF;
	p2 =	slt.u32 s8, $0xFFFFF086  }
0x1c: {  	p1 =	slt.u32 s9, $0xF7A;
	s5 =	simm.s32 @!p2 $0x0  }
0x1d: {  	s5 =	simm.s32 @p1 $0x1;
	p0 =	seq.s32 s7, s2  }
0x1e: {  	s7 =	smul.u32 @!p0 $0xF7A, s2;
	p2 =	seq.s32 @!p0 s5, $0x0  }
0x1f: {  	s9 =	smul.u32 $0xF7A, s1;
	s8 =	simm.s32 @!p0 $0x1BF5;
	p2 =	por !p2, p0  }
0x20: {  	[sflag:s8] =	ssyncset.s32 @!p0 $0xFFFFF086;
	s6 =	sadd.s32 @!p0 s3, s7;
	s7 =	simm.s32 @!p0 $0x108  }
0x21: {  	s3 =	sadd.s32 s3, s9;
	s6 =	sadd.s32 @!p0 $0x88, s6;
	s7 =	simm.s32 @p2 $0x1082  }
0x22: {  	[simem:s7], [sflag:s8] =	dma.local @!p0 [hbm:s6], $0xF7A  }
0x23: {  	s9 =	sor.u32 $0xD0000000, s2;
	s6 =	simm.s32 $0x108;
	_ =	swait.ge @!p0 [sflag:s8], $0x0  }
0x24: {  	s3 =	sadd.s32 $0x88, s3;
	s6 =	simm.s32 @!p1 $0x1082;
	[sflag:s4] =	ssyncset.s32 $0xFFFFF086  }
0x25: {  	[simem:s6], [sflag:s4] =	dma.local [hbm:s3], $0xF7A  }
0x26: {  	[smem:$0x3F89] =	sst s1;
	(tag) =	ssettag s2;
	_ =	strace s9  }
0x27: {  	s1 =	sld [smem:$0x3F99]  }
0x28: {  	s2 =	sld [smem:$0x3F9A]  }
0x29: {  	s4 =	sld [smem:$0x3F9C]  }
0x2a: {  	p0 =	seq.s32 s5, $0x0;
	s5 =	sld [smem:$0x3F9D]  }
0x2b: {  	s6 =	sld [smem:$0x3F9E]  }
0x2c: {  	s7 =	sld [smem:$0x3F9F]  }
0x2d: {  	s3 =	simm.s32 $0x108;
	s8 =	sld [smem:$0x3FA0]  }
0x2e: {  	s3 =	simm.s32 @!p0 $0x1082;
	s9 =	sld [smem:$0x3FA1]  }
0x2f: {  	lr =	sadd.s32 s0, s3;
	s0 =	sld [smem:$0x3F98]  }
0x30: {  	s3 =	sld [smem:$0x3F9B]  }
0x31: {  	[smem:$0x3FA4] =	sst s10  }
0x32: {  	s10 =	sld [smem:$0x3FA2];
	_ =	sdelay $0x3  }
0x33: {  	p0 =	seq.s32 s10, $0x1;
	s10 =	sld [smem:$0x3FA4];
	_ =	sdelay $0x3  }
0x34: {  	[smem:$0x3FA4] =	sst s10  }
0x35: {  	s10 =	sld [smem:$0x3FA3];
	_ =	sdelay $0x3  }
0x36: {  	p1 =	seq.s32 s10, $0x1;
	s10 =	sld [smem:$0x3FA4];
	_ =	sdelay $0x3  }
0x37: {  	[smem:$0x3FA4] =	sst s10  }
0x38: {  	s10 =	sld [smem:$0x3FA5]  }
0x39: {  	_ = 	snop;
	(pc) =	sbr.ind lr, $3  }
0x3a: {  	_ = 	snop  }
0x3b: {  	_ = 	snop  }
0x3c: {  	p2 =	seq.s32 s10, $0x1;
	s10 =	sld [smem:$0x3FA4]  }
0x3d: {  	_ =	shalt  }
0x3e: {  	_ =	shalt  }
0x3f: {  	_ =	shalt  }
0x40: {  	_ =	shalt  }
0x41: {  	_ =	shalt  }
0x42: {  	_ =	shalt  }
0x43: {  	_ =	shalt  }
0x44: {  	_ =	shalt  }
0x45: {  	_ =	shalt  }
0x46: {  	_ =	shalt  }
0x47: {  	_ =	shalt  }
0x48: {  	_ =	shalt  }
0x49: {  	_ =	shalt  }
0x4a: {  	_ =	shalt  }
0x4b: {  	_ =	shalt  }
0x4c: {  	_ =	shalt  }
0x4d: {  	_ =	shalt  }
0x4e: {  	_ =	shalt  }
0x4f: {  	_ =	shalt  }
0x50: {  	_ =	shalt  }
0x51: {  	_ =	shalt  }
0x52: {  	_ =	shalt  }
0x53: {  	_ =	shalt  }
0x54: {  	_ =	shalt  }
0x55: {  	_ =	shalt  }
0x56: {  	_ =	shalt  }
0x57: {  	_ =	shalt  }
0x58: {  	_ =	shalt  }
0x59: {  	_ =	shalt  }
0x5a: {  	_ =	shalt  }
0x5b: {  	_ =	shalt  }
0x5c: {  	_ =	shalt  }
0x5d: {  	_ =	shalt  }
0x5e: {  	_ =	shalt  }
0x5f: {  	_ =	shalt  }
0x60: {  	_ =	shalt  }
0x61: {  	_ =	shalt  }
0x62: {  	_ =	shalt  }
0x63: {  	_ =	shalt  }
0x64: {  	_ =	shalt  }
0x65: {  	_ =	shalt  }
0x66: {  	_ =	shalt  }
0x67: {  	_ =	shalt  }
0x68: {  	_ =	shalt  }
0x69: {  	_ =	shalt  }
0x6a: {  	_ =	shalt  }
0x6b: {  	_ =	shalt  }
0x6c: {  	_ =	shalt  }
0x6d: {  	_ =	shalt  }
0x6e: {  	_ =	shalt  }
0x6f: {  	_ =	shalt  }
0x70: {  	_ =	shalt  }
0x71: {  	_ =	shalt  }
0x72: {  	_ =	shalt  }
0x73: {  	_ =	shalt  }
0x74: {  	_ =	shalt  }
0x75: {  	_ =	shalt  }
0x76: {  	_ =	shalt  }
0x77: {  	_ =	shalt  }
0x78: {  	_ =	shalt  }
0x79: {  	_ =	shalt  }
0x7a: {  	_ =	shalt  }
0x7b: {  	_ =	shalt  }
0x7c: {  	_ =	shalt  }
0x7d: {  	_ =	shalt  }
0x7e: {  	_ =	shalt  }
0x7f: {  	_ =	shalt  }
0x80: {  	_ =	shalt  }
0x81: {  	_ =	shalt  }
0x82: {  	_ =	shalt  }
0x83: {  	_ =	shalt  }
0x84: {  	_ =	shalt  }
0x85: {  	_ =	shalt  }
0x86: {  	_ =	shalt  }
0x87: {  	_ =	shalt  }
.Lfunc_end0:
.L_simem_size_0:
called_computation.2_lowered:
.L_overlay_start_0:
0x88: {  	s2 =	sld [smem:$0x3FD9]  }
0x89: {  	s3 =	sld [smem:$0x3FFE];
	_ =	sdelay $0x1  }
0x8a: {  	s1 =	srdreg.scid  }
0x8b: {  	s0 =	sand.u32 $0x1, s1  }
0x8c: {  	s16 =	sshll.u32 s0, $0xA;
	s2 =	sadd.s32 s3, s2  }
0x8d: {  	s2 =	sadd.s32 s2, s16  }
0x8e: {  	[smem:$0x3FB0] =	sst s2  }
0x8f: {  	_ = 	snop  }
0x90: {  	(tm) =	ssettm $0x1  }
0x91: {  	s17 =	sld [smem:$0x3FFB];
	_ =	sdelay $0x3  }
0x92: {  	_ =	strace s17  }
0x93: {  	s2 =	sld [smem:$0x3FFC];
	_ =	sdelay $0x3  }
0x94: {  	_ =	strace s2  }
0x95: {  	s2 =	sld [smem:$0x3FFD];
	_ =	sdelay $0x3  }
0x96: {  	_ =	strace s2  }
0x97: {  	_ =	strace $0x8FFFFFFF  }
0x98: {  	s18 =	sld [smem:$0x3FDB];
	_ =	sdelay $0x1  }
0x99: {  	s19 =	simm.s32 $_scs_section_size  }
0x9a: {  	s4 =	simm.s32 $_size__tile_overlayer_lowered;
	s5 =	simm.s32 $_tile_overlayer_lowered  }
0x9b: {  	s22 =	simm.s32 $0x1BFF;
	s21 =	sshll.u32 s5, $0x1;
	s2 =	sadd.s32 s19, s18  }
0x9c: {  	s6 =	simm.s32 $0x0;
	s20 =	sshll.u32 s4, $0x1;
	s4 =	sadd.s32 s21, s2  }
0x9d: {  	[timem:s6], [sflag:s22] =	dma.local [hbm:s4], s20  }
0x9e: {  	_ =	swait.ge [sflag:s22], s20  }
0x9f: {  	s3 =	ssub.s32 $0x0, s20;
	[sflag:s22] =	ssyncset.done $0x0  }
0xa0: {  	[sflag:s22] =	ssyncadd.s32 s3;
	_ =	sdelay $0x1  }
0xa1: {  	s23 =	simm.s32 $0x1B8B  }
0xa2: {  	_ =	swait.ge [sflag:s23], $0x1  }
0xa3: {  	[sflag:s23] =	ssyncset.done $0x0  }
0xa4: {  	s25 =	simm.s32 $0x1B8E;
	s24 =	sld [smem:$0x3FFE];
	[sflag:s23] =	ssyncadd.s32 $0xFFFFFFFF  }
0xa5: {  	s26 =	simm.s32 $execute0_lowered;
	[smem:$0x3FD2] =	sst s25  }
0xa6: {  	s4 =	sshll.u32 s26, $0x1;
	_ =	strace $0x8000004C;
	[dreg:$0x1] =	wrdreg $0xFFFFFFFF  }
0xa7: {  	s28 =	simm.s32 $_size_execute0_lowered;
	s2 =	sadd.s32 s2, s4;
	[dreg:$0x0] =	wrdreg $0x0  }
0xa8: {  	s4 =	sshll.u32 s28, $0x1;
	[dreg:$0x2] =	wrdreg s2  }
0xa9: {  	[dreg:$0x3] =	wrdreg s4  }
0xaa: {  	[dreg:$0x4] =	wrdreg $0xC0  }
0xab: {  	_ =	task [dreg:s6], $0x5FFFF  }
0xac: {  	[dreg:$0x1] =	wrdreg $0xFFFFFFFF  }
0xad: {  	[dreg:$0x0] =	wrdreg $0x60  }
0xae: {  	[dreg:$0x2] =	wrdreg s24  }
0xaf: {  	[dreg:$0x3] =	wrdreg $0xB7800  }
0xb0: {  	[dreg:$0x4] =	wrdreg $0x9  }
0xb1: {  	_ =	task.clear_ibuf [dreg:s6], $0x5FFFF;
	_ =	strace $0x9000004C  }
0xb2: {  	s29 =	simm.s32 $0x9;
	_ =	strace $0x8000004E  }
0xb3: {  	_ =	swait.ge [sflag:s29], $0x1  }
0xb4: {  	[sflag:s29] =	ssyncadd.s32 $0xFFFFFFFF  }
0xb5: {  	_ =	strace $0x9000004E  }
0xb6: {  	_ =	sfence  }
0xb7: {  	s30 =	sld [smem:$0x0];
	_ =	sdelay $0x2  }
0xb8: {  	s31 =	sshll.u32 s1, $0xD;
	s1 =	sshrl.u32 s1, $0x2  }
0xb9: {  	s3 =	sand.u32 $0x4000, s31;
	s1 =	sadd.s32 s1, s30  }
0xba: {  	s0 =	sor.u32 s3, s0;
	s1 =	sshll.u32 s1, $0x11  }
0xbb: {  	s0 =	sor.u32 s1, s0  }
0xbc: {  	s0 =	sadd.s32 $0x8F2B, s0  }
0xbd: {  	[sflag:s0] =	ssyncadd.remote.s32 $0x1  }
0xbe: {  	_ =	sfence.sel $0xFFFF  }
0xbf: {  	[dreg:$0x0] =	wrdreg $0xFFFFFFFF;
	(pc) =	sbr.abs _section_cstart, $3  }
0xc0: {  	[dreg:$0x1] =	wrdreg $0xFFFFFFFF  }
0xc1: {  	_ =	task.clear_ibuf [dreg:s6], $0x2FFFF;
	_ =	strace $0x9FFFFFFF  }
0xc2: {  	(tm) =	ssettm $0x7FFFFFFF  }
0xc3: {  	_ =	shalt  }
tec
execute0_lowered:
.L_overlay_start_1:
0x0: {  	(tag) =	ssettag $0x1  }
0x1: {  	s0 =	rddreg [dreg:$0x0];
	s1 =	srdreg.scid  }
0x2: {  	s9 =	stileid.u32;
	s2 =	rddreg [dreg:$0x1]  }
0x3: {  	s29 =	simm.s32 $0x6780;
	s30 =	simm.s32 $0x4;
	s31 =	simm.s32 $0x3  }
0x4: {  	s28 =	simm.s32 $0x2710;
	s1 =	sand.u32 $0x1, s1;
	s19 =	smul.u32 $0x280, s9  }
0x5: {  	s3 =	sshll.u32 s9, $0x1;
	s5 =	sshrl.u32 s9, $0x2;
	s20 =	smul.u32 $0x50000, s9  }
0x6: {  	s21 =	sadd.s32 $0x1F600, s0;
	s4 =	sor.u32 s1, s3;
	s5 =	smul.u32 $0x13C00, s5  }
0x7: {  	s3 =	simm.s32 $0x0;
	s8 =	smul.u32 $0x2800, s1;
	s1 =	ssub.s32 $0x2, s1  }
0x8: {  	s6 =	sshll.u32 s4, $0x7;
	[smem:$0x7FF] =	sst s3;
	s7 =	sshll.u32 s4, $0xB  }
0x9: {  	s4 =	sadd.s32 $0x1FC00, s0;
	s22 =	sshrl.u32 s1, $0x1;
	s23 =	sshrl.u32 s20, $0x2  }
0xa: {  	s6 =	sand.u32 $0x380, s6;
	_ =	strace $0x8000004D;
	s7 =	sadd.s32 s7, s0  }
0xb: {  	[dreg:$0x3] =	wrdreg s21;
	s1 =	ssub.s32 s1, s22;
	s5 =	sor.u32 s5, s6  }
0xc: {  	s6 =	sadd.s32 s19, s8;
	s24 =	sadd.s32 $0x5800, s7;
	s8 =	sadd.s32 s23, s2  }
0xd: {  	s5 =	sshrl.u32 s5, $0x3;
	s6 =	sshll.u32 s6, $0x4;
	[dreg:$0x5] =	wrdreg s24  }
0xe: {  	s9 =	sadd.s32 $0x2800, s8;
	s10 =	sadd.s32 $0x5000, s8;
	s11 =	sadd.s32 $0x7800, s8  }
0xf: {  	s12 =	sadd.s32 $0xA000, s8;
	s13 =	sadd.s32 $0xC800, s8;
	s14 =	sadd.s32 $0xF000, s8  }
0x10: {  	s15 =	sadd.s32 $0x11800, s8;
	s24 =	smax.u32 s1, $0x1;
	s5 =	sadd.s32 s5, s0  }
0x11: {  	s1 =	simm.s32 $0x1;
	s0 =	sadd.s32 s6, s0;
	s5 =	sadd.s32 $0x15800, s5  }
0x12: {  	s25 =	sadd.s32 $0x6FC00, s0;
	s26 =	sadd.s32 $0x70100, s0;
	s18 =	sadd.s32 $0x70600, s0  }
0x13: {  	s19 =	sadd.s32 $0x70B00, s0;
	s20 =	sadd.s32 $0x71000, s0;
	[dreg:$0x4] =	wrdreg s5  }
0x14: {  	s21 =	sadd.s32 $0x71500, s0;
	s22 =	sadd.s32 $0x71A00, s0;
	[dreg:$0x6] =	wrdreg s25  }
0x15: {  	s23 =	sadd.s32 $0x71F00, s0;
	s0 =	simm.s32 $0x2;
	[dreg:$0x7] =	wrdreg s26  }
0x16: {  	s25 =	simm.s32 $0x50;
	s26 =	simm.s32 $0x8F80;
	s5 =	simm.s32 $0x0  }
.LBB2_1:
0x17: {  	s6 =	rddreg [dreg:$0x4];
	s7 =	simm.s32 $0x80;
	s16 =	simm.s32 $0x400  }
0x18: {  	[tilespmem:s3], [sflag:$0x1] =	stream.strided.gather [hbm4b:s6+s7], $0x2780, s16, s7, $0x38;
	[tilespmem:$0x1F780] =	vst v63  }
0x19: {  	s7 =	rddreg [dreg:$0x5];
	s16 =	simm.s32 $0x2780  }
0x1a: {  	[tilespmem:s16], [sflag:$0x2] =	stream.linear.gather [hbm4b:s7+s3], $0x3F00, $0x38;
	[tilespmem:$0x1F780] =	vst v63  }
0x1b: {  	s17 =	rddreg [dreg:$0x3]  }
0x1c: {  	[tilespmem:s29], [sflag:$0x4] =	stream.linear.gather [hbm4b:s17+s3], $0x2800, $0x38;
	[tilespmem:$0x1F780] =	vst v63  }
0x1d: {  	_ =	swait.ge [sflag:s30], $0x2800  }
0x1e: {  	[sflag:s30] =	ssyncset.done $0x0  }
0x1f: {  	[sflag:s30] =	ssyncadd.s32 $0xFFFFD800  }
0x20: {  	[spmem:s8] =	stream.linear.scatter [tilespmem:s29], [sflag:$0x3], $0x2800, $0x38;
	[tilespmem:$0x1F780] =	vst v63  }
0x21: {  	_ = 	snop  }
0x22: {  	[spmem:s9] =	stream.linear.scatter [tilespmem:s29], [sflag:$0x3], $0x2800, $0x38;
	[tilespmem:$0x1F780] =	vst v63  }
0x23: {  	_ = 	snop  }
0x24: {  	[spmem:s10] =	stream.linear.scatter [tilespmem:s29], [sflag:$0x3], $0x2800, $0x38;
	[tilespmem:$0x1F780] =	vst v63  }
0x25: {  	_ = 	snop  }
0x26: {  	[spmem:s11] =	stream.linear.scatter [tilespmem:s29], [sflag:$0x3], $0x2800, $0x38;
	[tilespmem:$0x1F780] =	vst v63  }
0x27: {  	_ = 	snop  }
0x28: {  	[spmem:s12] =	stream.linear.scatter [tilespmem:s29], [sflag:$0x3], $0x2800, $0x38;
	[tilespmem:$0x1F780] =	vst v63  }
0x29: {  	_ = 	snop  }
0x2a: {  	[spmem:s13] =	stream.linear.scatter [tilespmem:s29], [sflag:$0x3], $0x2800, $0x38;
	[tilespmem:$0x1F780] =	vst v63  }
0x2b: {  	_ = 	snop  }
0x2c: {  	[spmem:s14] =	stream.linear.scatter [tilespmem:s29], [sflag:$0x3], $0x2800, $0x38;
	[tilespmem:$0x1F780] =	vst v63  }
0x2d: {  	_ = 	snop  }
0x2e: {  	[spmem:s15] =	stream.linear.scatter [tilespmem:s29], [sflag:$0x3], $0x2800, $0x38;
	[tilespmem:$0x1F780] =	vst v63  }
0x2f: {  	_ =	swait.ge [sflag:s31], $0x2800  }
0x30: {  	[sflag:s31] =	ssyncset.done $0x0  }
0x31: {  	[sflag:s31] =	ssyncadd.s32 $0xFFFFD800  }
0x32: {  	_ =	swait.ge [sflag:s31], $0x2800  }
0x33: {  	[sflag:s31] =	ssyncset.done $0x0  }
0x34: {  	[sflag:s31] =	ssyncadd.s32 $0xFFFFD800  }
0x35: {  	_ =	swait.ge [sflag:s31], $0x2800  }
0x36: {  	[sflag:s31] =	ssyncset.done $0x0  }
0x37: {  	[sflag:s31] =	ssyncadd.s32 $0xFFFFD800  }
0x38: {  	_ =	swait.ge [sflag:s31], $0x2800  }
0x39: {  	[sflag:s31] =	ssyncset.done $0x0  }
0x3a: {  	[sflag:s31] =	ssyncadd.s32 $0xFFFFD800  }
0x3b: {  	_ =	swait.ge [sflag:s31], $0x2800  }
0x3c: {  	[sflag:s31] =	ssyncset.done $0x0  }
0x3d: {  	[sflag:s31] =	ssyncadd.s32 $0xFFFFD800  }
0x3e: {  	_ =	swait.ge [sflag:s31], $0x2800  }
0x3f: {  	[sflag:s31] =	ssyncset.done $0x0  }
0x40: {  	[sflag:s31] =	ssyncadd.s32 $0xFFFFD800  }
0x41: {  	_ =	swait.ge [sflag:s31], $0x2800  }
0x42: {  	[sflag:s31] =	ssyncset.done $0x0  }
0x43: {  	[sflag:s31] =	ssyncadd.s32 $0xFFFFD800  }
0x44: {  	_ =	swait.ge [sflag:s31], $0x2800  }
0x45: {  	[sflag:s31] =	ssyncset.done $0x0  }
0x46: {  	[sflag:s31] =	ssyncadd.s32 $0xFFFFD800  }
0x47: {  	_ =	swait.ge [sflag:s1], $0x2780  }
0x48: {  	[sflag:s1] =	ssyncset.done $0x0  }
0x49: {  	[sflag:s1] =	ssyncadd.s32 $0xFFFFD880  }
0x4a: {  	_ =	swait.ge [sflag:s0], $0x3F00  }
0x4b: {  	[sflag:s0] =	ssyncset.done $0x0  }
0x4c: {  	[sflag:s0] =	ssyncadd.s32 $0xFFFFC100  }
0x4d: {  	[bflag:$0x0] =	sbarrier.arrive $0xFFFF  }
0x4e: {  	[tilespmem:s29], [sflag:$0x1] =	stream.indirect.gather [hbm4b:s4+s25], $0x80, s3, s25, $0xb8;
	[tilespmem:$0x1F780] =	vst v63  }
0x4f: {  	_ =	swait.ge [sflag:s1], $0x2800  }
0x50: {  	[sflag:s1] =	ssyncset.done $0x0  }
0x51: {  	s7 =	simm.s32 $0x50;
	[sflag:s1] =	ssyncadd.s32 $0xFFFFD800  }
0x52: {  	[tilespmem:s26], [sflag:$0x2] =	stream.indirect.gather [hbm4b:s4+s25], $0x80, s7, s25, $0xb8;
	[tilespmem:$0x1F780] =	vst v63  }
0x53: {  	s16 =	simm.s32 $0x2780  }
0x54: {  	[spmem:s2] =	stream.indirect.scatter.add.f32 [tilespmem:s29], [sflag:$0x4], $0x80, s16, s25, $0xb8;
	[tilespmem:$0x1F780] =	vst v63  }
0x55: {  	_ =	swait.ge [sflag:s30], $0x2800  }
0x56: {  	[sflag:s30] =	ssyncset.done $0x0  }
0x57: {  	[sflag:s30] =	ssyncadd.s32 $0xFFFFD800  }
0x58: {  	_ =	swait.ge [sflag:s0], $0x2800  }
0x59: {  	[sflag:s0] =	ssyncset.done $0x0  }
0x5a: {  	s6 =	simm.s32 $0xA0;
	[sflag:s0] =	ssyncadd.s32 $0xFFFFD800  }
0x5b: {  	[tilespmem:s29], [sflag:$0x1] =	stream.indirect.gather [hbm4b:s4+s25], $0x80, s6, s25, $0xb8;
	[tilespmem:$0x1F780] =	vst v63  }
0x5c: {  	s17 =	simm.s32 $0x2800  }
0x5d: {  	[spmem:s2] =	stream.indirect.scatter.add.f32 [tilespmem:s26], [sflag:$0x4], $0x80, s17, s25, $0xb8;
	[tilespmem:$0x1F780] =	vst v63  }
0x5e: {  	_ =	swait.ge [sflag:s30], $0x2800  }
0x5f: {  	s7 =	simm.s32 $0x400;
	[sflag:s30] =	ssyncset.done $0x0  }
.LBB2_2:
0x60: {  	p0 =	sne.s32 s7, $0xF400;
	[sflag:s30] =	ssyncadd.s32 $0xFFFFD800;
	s6 =	sadd.s32 $0xA0, s6  }
0x61: {  	s16 =	smov.u32 s7;
	s7 =	sadd.s32 $0x400, s7  }
0x62: {  	_ =	swait.ge [sflag:s1], $0x2800  }
0x63: {  	[sflag:s1] =	ssyncset.done $0x0  }
0x64: {  	s17 =	sadd.s32 $0xFFFFFFB0, s6;
	s16 =	sshra.s32 s16, $0x2;
	[sflag:s1] =	ssyncadd.s32 $0xFFFFD800  }
0x65: {  	[tilespmem:s26], [sflag:$0x2] =	stream.indirect.gather [hbm4b:s4+s25], $0x80, s17, s25, $0xb8;
	[tilespmem:$0x1F780] =	vst v63  }
0x66: {  	s17 =	sadd.s32 $0x2780, s16  }
0x67: {  	[spmem:s2] =	stream.indirect.scatter.add.f32 [tilespmem:s29], [sflag:$0x4], $0x80, s17, s25, $0xb8;
	[tilespmem:$0x1F780] =	vst v63  }
0x68: {  	_ =	swait.ge [sflag:s30], $0x2800  }
0x69: {  	[sflag:s30] =	ssyncset.done $0x0  }
0x6a: {  	[sflag:s30] =	ssyncadd.s32 $0xFFFFD800  }
0x6b: {  	_ =	swait.ge [sflag:s0], $0x2800  }
0x6c: {  	[sflag:s0] =	ssyncset.done $0x0  }
0x6d: {  	[sflag:s0] =	ssyncadd.s32 $0xFFFFD800  }
0x6e: {  	[tilespmem:s29], [sflag:$0x1] =	stream.indirect.gather [hbm4b:s4+s25], $0x80, s6, s25, $0xb8;
	[tilespmem:$0x1F780] =	vst v63  }
.Ltmp0:
0x6f: {  	_ = 	snop;
	(pc) =	sbr.rel @p0 .LBB2_2-.Ltmp0, $4  }
0x70: {  	s16 =	sadd.s32 $0x2800, s16  }
0x71: {  	[spmem:s2] =	stream.indirect.scatter.add.f32 [tilespmem:s26], [sflag:$0x4], $0x80, s16, s25, $0xb8;
	[tilespmem:$0x1F780] =	vst v63  }
0x72: {  	_ =	swait.ge [sflag:s30], $0x2800  }
0x73: {  	[sflag:s30] =	ssyncset.done $0x0  }
0x74: {  	[sflag:s30] =	ssyncadd.s32 $0xFFFFD800  }
0x75: {  	_ =	swait.ge [sflag:s1], $0x2800  }
0x76: {  	[sflag:s1] =	ssyncset.done $0x0  }
0x77: {  	[sflag:s1] =	ssyncadd.s32 $0xFFFFD800  }
0x78: {  	[tilespmem:s26], [sflag:$0x2] =	stream.indirect.gather [hbm4b:s4+s25], $0x80, s28, s25, $0xb8;
	[tilespmem:$0x1F780] =	vst v63  }
0x79: {  	s6 =	simm.s32 $0x6580  }
0x7a: {  	[spmem:s2] =	stream.indirect.scatter.add.f32 [tilespmem:s29], [sflag:$0x4], $0x80, s6, s25, $0xb8;
	[tilespmem:$0x1F780] =	vst v63  }
0x7b: {  	_ =	swait.ge [sflag:s30], $0x2800  }
0x7c: {  	[sflag:s30] =	ssyncset.done $0x0  }
0x7d: {  	[sflag:s30] =	ssyncadd.s32 $0xFFFFD800  }
0x7e: {  	_ =	swait.ge [sflag:s0], $0x2800  }
0x7f: {  	[sflag:s0] =	ssyncset.done $0x0  }
0x80: {  	[sflag:s0] =	ssyncadd.s32 $0xFFFFD800  }
0x81: {  	[tilespmem:s29], [sflag:$0x1] =	stream.indirect.gather [hbm4b:s4+s25], $0x80, s28, s25, $0xb8;
	[tilespmem:$0x1F780] =	vst v63  }
0x82: {  	s7 =	simm.s32 $0x6600  }
0x83: {  	[spmem:s2] =	stream.indirect.scatter.add.f32 [tilespmem:s26], [sflag:$0x4], $0x80, s7, s25, $0xb8;
	[tilespmem:$0x1F780] =	vst v63  }
0x84: {  	_ =	swait.ge [sflag:s30], $0x2800  }
0x85: {  	[sflag:s30] =	ssyncset.done $0x0  }
0x86: {  	[sflag:s30] =	ssyncadd.s32 $0xFFFFD800  }
0x87: {  	_ =	swait.ge [sflag:s1], $0x2800  }
0x88: {  	[sflag:s1] =	ssyncset.done $0x0  }
0x89: {  	[sflag:s1] =	ssyncadd.s32 $0xFFFFD800  }
0x8a: {  	[bflag:$0x0] =	sbarrier.arrive $0xFFFF  }
0x8b: {  	[tilespmem:s29], [sflag:$0x4] =	stream.linear.gather [spmem:s8], $0x2800, $0x38;
	[tilespmem:$0x1F780] =	vst v63  }
0x8c: {  	_ =	swait.ge [sflag:s30], $0x2800  }
0x8d: {  	[sflag:s30] =	ssyncset.done $0x0  }
0x8e: {  	s16 =	rddreg [dreg:$0x6];
	[sflag:s30] =	ssyncadd.s32 $0xFFFFD800  }
0x8f: {  	[hbm4b:s16+s3] =	stream.linear.scatter [tilespmem:s29], [sflag:$0x1], $0x2800, $0x38;
	[tilespmem:$0x1F780] =	vst v63  }
0x90: {  	_ = 	snop  }
0x91: {  	[tilespmem:s26], [sflag:$0x4] =	stream.linear.gather [spmem:s9], $0x2800, $0x38;
	[tilespmem:$0x1F780] =	vst v63  }
0x92: {  	_ =	swait.ge [sflag:s30], $0x2800  }
0x93: {  	[sflag:s30] =	ssyncset.done $0x0  }
0x94: {  	[sflag:s30] =	ssyncadd.s32 $0xFFFFD800  }
0x95: {  	_ =	swait.ge [sflag:s1], $0x2800  }
0x96: {  	[sflag:s1] =	ssyncset.done $0x0  }
0x97: {  	s17 =	rddreg [dreg:$0x7];
	[sflag:s1] =	ssyncadd.s32 $0xFFFFD800  }
0x98: {  	[hbm4b:s17+s3] =	stream.linear.scatter [tilespmem:s26], [sflag:$0x2], $0x2800, $0x38;
	[tilespmem:$0x1F780] =	vst v63  }
0x99: {  	_ = 	snop  }
0x9a: {  	[tilespmem:s29], [sflag:$0x4] =	stream.linear.gather [spmem:s10], $0x2800, $0x38;
	[tilespmem:$0x1F780] =	vst v63  }
0x9b: {  	_ =	swait.ge [sflag:s30], $0x2800  }
0x9c: {  	[sflag:s30] =	ssyncset.done $0x0  }
0x9d: {  	[sflag:s30] =	ssyncadd.s32 $0xFFFFD800  }
0x9e: {  	_ =	swait.ge [sflag:s0], $0x2800  }
0x9f: {  	[sflag:s0] =	ssyncset.done $0x0  }
0xa0: {  	[sflag:s0] =	ssyncadd.s32 $0xFFFFD800  }
0xa1: {  	[hbm4b:s18+s3] =	stream.linear.scatter [tilespmem:s29], [sflag:$0x1], $0x2800, $0x38;
	[tilespmem:$0x1F780] =	vst v63  }
0xa2: {  	_ = 	snop  }
0xa3: {  	[tilespmem:s26], [sflag:$0x4] =	stream.linear.gather [spmem:s11], $0x2800, $0x38;
	[tilespmem:$0x1F780] =	vst v63  }
0xa4: {  	_ =	swait.ge [sflag:s30], $0x2800  }
0xa5: {  	[sflag:s30] =	ssyncset.done $0x0  }
0xa6: {  	[sflag:s30] =	ssyncadd.s32 $0xFFFFD800  }
0xa7: {  	_ =	swait.ge [sflag:s1], $0x2800  }
0xa8: {  	[sflag:s1] =	ssyncset.done $0x0  }
0xa9: {  	[sflag:s1] =	ssyncadd.s32 $0xFFFFD800  }
0xaa: {  	[hbm4b:s19+s3] =	stream.linear.scatter [tilespmem:s26], [sflag:$0x2], $0x2800, $0x38;
	[tilespmem:$0x1F780] =	vst v63  }
0xab: {  	_ = 	snop  }
0xac: {  	[tilespmem:s29], [sflag:$0x4] =	stream.linear.gather [spmem:s12], $0x2800, $0x38;
	[tilespmem:$0x1F780] =	vst v63  }
0xad: {  	_ =	swait.ge [sflag:s30], $0x2800  }
0xae: {  	[sflag:s30] =	ssyncset.done $0x0  }
0xaf: {  	[sflag:s30] =	ssyncadd.s32 $0xFFFFD800  }
0xb0: {  	_ =	swait.ge [sflag:s0], $0x2800  }
0xb1: {  	[sflag:s0] =	ssyncset.done $0x0  }
0xb2: {  	[sflag:s0] =	ssyncadd.s32 $0xFFFFD800  }
0xb3: {  	[hbm4b:s20+s3] =	stream.linear.scatter [tilespmem:s29], [sflag:$0x1], $0x2800, $0x38;
	[tilespmem:$0x1F780] =	vst v63  }
0xb4: {  	_ = 	snop  }
0xb5: {  	[tilespmem:s26], [sflag:$0x4] =	stream.linear.gather [spmem:s13], $0x2800, $0x38;
	[tilespmem:$0x1F780] =	vst v63  }
0xb6: {  	_ =	swait.ge [sflag:s30], $0x2800  }
0xb7: {  	[sflag:s30] =	ssyncset.done $0x0  }
0xb8: {  	[sflag:s30] =	ssyncadd.s32 $0xFFFFD800  }
0xb9: {  	_ =	swait.ge [sflag:s1], $0x2800  }
0xba: {  	[sflag:s1] =	ssyncset.done $0x0  }
0xbb: {  	[sflag:s1] =	ssyncadd.s32 $0xFFFFD800  }
0xbc: {  	[hbm4b:s21+s3] =	stream.linear.scatter [tilespmem:s26], [sflag:$0x2], $0x2800, $0x38;
	[tilespmem:$0x1F780] =	vst v63  }
0xbd: {  	_ = 	snop  }
0xbe: {  	[tilespmem:s29], [sflag:$0x4] =	stream.linear.gather [spmem:s14], $0x2800, $0x38;
	[tilespmem:$0x1F780] =	vst v63  }
0xbf: {  	_ =	swait.ge [sflag:s30], $0x2800  }
0xc0: {  	[sflag:s30] =	ssyncset.done $0x0  }
0xc1: {  	[sflag:s30] =	ssyncadd.s32 $0xFFFFD800  }
0xc2: {  	_ =	swait.ge [sflag:s0], $0x2800  }
0xc3: {  	[sflag:s0] =	ssyncset.done $0x0  }
0xc4: {  	[sflag:s0] =	ssyncadd.s32 $0xFFFFD800  }
0xc5: {  	[hbm4b:s22+s3] =	stream.linear.scatter [tilespmem:s29], [sflag:$0x1], $0x2800, $0x38;
	[tilespmem:$0x1F780] =	vst v63  }
0xc6: {  	_ = 	snop  }
0xc7: {  	[tilespmem:s26], [sflag:$0x4] =	stream.linear.gather [spmem:s15], $0x2800, $0x38;
	[tilespmem:$0x1F780] =	vst v63  }
0xc8: {  	_ =	swait.ge [sflag:s30], $0x2800  }
0xc9: {  	[sflag:s30] =	ssyncset.done $0x0  }
0xca: {  	[sflag:s30] =	ssyncadd.s32 $0xFFFFD800  }
0xcb: {  	s5 =	sadd.s32 $0x1, s5;
	_ =	swait.ge [sflag:s1], $0x2800  }
0xcc: {  	p0 =	sne.s32 s5, s24;
	[sflag:s1] =	ssyncset.done $0x0  }
.Ltmp1:
0xcd: {  	[sflag:s1] =	ssyncadd.s32 $0xFFFFD800;
	(pc) =	sbr.rel @p0 .LBB2_1-.Ltmp1, $4  }
0xce: {  	[hbm4b:s23+s3] =	stream.linear.scatter [tilespmem:s26], [sflag:$0x2], $0x2800, $0x38;
	[tilespmem:$0x1F780] =	vst v63  }
0xcf: {  	_ =	swait.ge [sflag:s0], $0x2800  }
0xd0: {  	[sflag:s0] =	ssyncset.done $0x0  }
0xd1: {  	[sflag:s0] =	ssyncadd.s32 $0xFFFFD800  }
0xd2: {  	_ =	sfence.sel $0x180000  }
0xd3: {  	[bflag:$0x0] =	sbarrier.arrive $0xFFFF  }
0xd4: {  	_ =	strace $0x9000004D  }
0xd5: {  	s0 =	stileid.u32;
	[bflag:$0x2] =	sbarrier.arrive $0xFFFF  }
0xd6: {  	p0 =	sne.s32 s0, $0x0;
	s0 =	rddreg [dreg:$0x2]  }
0xd7: {  	s0 =	sadd.s32 @!p0 $0x100000, s0  }
0xd8: {  	[sflag:s0] =	ssyncadd.tile.s32 @!p0 $0x1;
	_ =	shalt  }
.Lfunc_end2:
_tile_overlayer_lowered:
.L_overlay_start_2:
0xd9: {  	(tag) =	ssettag $0x2  }
0xda: {  	s0 =	rddreg [dreg:$0x0];
	s2 =	stileid.u32  }
0xdb: {  	s1 =	rddreg [dreg:$0x1];
	p0 =	sne.s32 s2, $0x0  }
0xdc: {  	s3 =	rddreg [dreg:$0x2];
	[bflag:$0x3] =	sbarrier.arrive $0xFFFF;
	s2 =	simm.s32 @!p0 $0x1C04  }
0xdd: {  	[timem:s3], [sflag:s2] =	dma.local @!p0 [hbm:s0], s1  }
0xde: {  	s0 =	simm.s32 @!p0 $0x4  }
0xdf: {  	_ =	swait.ge @!p0 [sflag:s0], s1  }
0xe0: {  	s1 =	ssub.s32 @!p0 $0x0, s1;
	[sflag:s0] =	ssyncset.done @!p0 $0x0  }
0xe1: {  	[sflag:s0] =	ssyncadd.s32 @!p0 s1  }
0xe2: {  	[bflag:$0x3] =	sbarrier.arrive $0xFFFF  }
0xe3: {  	_ =	shalt  }

// kernel: kernel.19.cloned.1.call-start
scs
__scs_entry_jumppad:
0x0: {  	(pc) =	sbr.rel $0x88, $3  }
0x1: {  	(tag) =	ssettag $0x0;
	lr =	simm.s32 $0x1  }
0x2: {  	[smem:$0x3F89] =	sst lr;
	_ =	strace $0xD0000000  }
0x3: {  	_ = 	snop  }
0x4: {  	_ = 	snop  }
0x5: {  	_ = 	snop  }
0x6: {  	_ = 	snop  }
0x7: {  	_ = 	snop  }
__scs_overlays_trampoline_lowered:
0x8: {  	[smem:$0x3F98] =	sst s0  }
0x9: {  	[smem:$0x3F99] =	sst s1  }
0xa: {  	[smem:$0x3F9A] =	sst s2  }
0xb: {  	[smem:$0x3F9B] =	sst s3  }
0xc: {  	[smem:$0x3F9C] =	sst s4  }
0xd: {  	[smem:$0x3F9D] =	sst s5  }
0xe: {  	[smem:$0x3F9E] =	sst s6  }
0xf: {  	[smem:$0x3F9F] =	sst s7  }
0x10: {  	[smem:$0x3FA0] =	sst s8  }
0x11: {  	[smem:$0x3FA1] =	sst s9;
	s0 =	simm.s32 @!p0 $0x0  }
0x12: {  	s1 =	sld [smem:$0x3F87];
	s0 =	simm.s32 @p0 $0x1  }
0x13: {  	[smem:$0x3FA2] =	sst s0;
	s0 =	simm.s32 @!p1 $0x0  }
0x14: {  	s2 =	sld [smem:$0x3F86];
	s0 =	simm.s32 @p1 $0x1  }
0x15: {  	[smem:$0x3FA3] =	sst s0;
	s0 =	simm.s32 @!p2 $0x0  }
0x16: {  	s3 =	sld [smem:$0x3FDB];
	s0 =	simm.s32 @p2 $0x1  }
0x17: {  	s4 =	simm.s32 $0x1BF5;
	[smem:$0x3FA5] =	sst s0  }
0x18: {  	s0 =	sld [smem:$0x3F88];
	_ =	swait.ge [sflag:s4], $0x0  }
0x19: {  	s7 =	sld [smem:$0x3F89]  }
0x1a: {  	s8 =	sadd.s32 $0xFFFFE003, lr  }
0x1b: {  	s9 =	sadd.s32 $0xFFFFFEF7, lr;
	s5 =	simm.s32 $0xFFFFFFFF;
	p2 =	slt.u32 s8, $0xFFFFF086  }
0x1c: {  	p1 =	slt.u32 s9, $0xF7A;
	s5 =	simm.s32 @!p2 $0x0  }
0x1d: {  	s5 =	simm.s32 @p1 $0x1;
	p0 =	seq.s32 s7, s2  }
0x1e: {  	s7 =	smul.u32 @!p0 $0xF7A, s2;
	p2 =	seq.s32 @!p0 s5, $0x0  }
0x1f: {  	s9 =	smul.u32 $0xF7A, s1;
	s8 =	simm.s32 @!p0 $0x1BF5;
	p2 =	por !p2, p0  }
0x20: {  	[sflag:s8] =	ssyncset.s32 @!p0 $0xFFFFF086;
	s6 =	sadd.s32 @!p0 s3, s7;
	s7 =	simm.s32 @!p0 $0x108  }
0x21: {  	s3 =	sadd.s32 s3, s9;
	s6 =	sadd.s32 @!p0 $0x88, s6;
	s7 =	simm.s32 @p2 $0x1082  }
0x22: {  	[simem:s7], [sflag:s8] =	dma.local @!p0 [hbm:s6], $0xF7A  }
0x23: {  	s9 =	sor.u32 $0xD0000000, s2;
	s6 =	simm.s32 $0x108;
	_ =	swait.ge @!p0 [sflag:s8], $0x0  }
0x24: {  	s3 =	sadd.s32 $0x88, s3;
	s6 =	simm.s32 @!p1 $0x1082;
	[sflag:s4] =	ssyncset.s32 $0xFFFFF086  }
0x25: {  	[simem:s6], [sflag:s4] =	dma.local [hbm:s3], $0xF7A  }
0x26: {  	[smem:$0x3F89] =	sst s1;
	(tag) =	ssettag s2;
	_ =	strace s9  }
0x27: {  	s1 =	sld [smem:$0x3F99]  }
0x28: {  	s2 =	sld [smem:$0x3F9A]  }
0x29: {  	s4 =	sld [smem:$0x3F9C]  }
0x2a: {  	p0 =	seq.s32 s5, $0x0;
	s5 =	sld [smem:$0x3F9D]  }
0x2b: {  	s6 =	sld [smem:$0x3F9E]  }
0x2c: {  	s7 =	sld [smem:$0x3F9F]  }
0x2d: {  	s3 =	simm.s32 $0x108;
	s8 =	sld [smem:$0x3FA0]  }
0x2e: {  	s3 =	simm.s32 @!p0 $0x1082;
	s9 =	sld [smem:$0x3FA1]  }
0x2f: {  	lr =	sadd.s32 s0, s3;
	s0 =	sld [smem:$0x3F98]  }
0x30: {  	s3 =	sld [smem:$0x3F9B]  }
0x31: {  	[smem:$0x3FA4] =	sst s10  }
0x32: {  	s10 =	sld [smem:$0x3FA2];
	_ =	sdelay $0x3  }
0x33: {  	p0 =	seq.s32 s10, $0x1;
	s10 =	sld [smem:$0x3FA4];
	_ =	sdelay $0x3  }
0x34: {  	[smem:$0x3FA4] =	sst s10  }
0x35: {  	s10 =	sld [smem:$0x3FA3];
	_ =	sdelay $0x3  }
0x36: {  	p1 =	seq.s32 s10, $0x1;
	s10 =	sld [smem:$0x3FA4];
	_ =	sdelay $0x3  }
0x37: {  	[smem:$0x3FA4] =	sst s10  }
0x38: {  	s10 =	sld [smem:$0x3FA5]  }
0x39: {  	_ = 	snop;
	(pc) =	sbr.ind lr, $3  }
0x3a: {  	_ = 	snop  }
0x3b: {  	_ = 	snop  }
0x3c: {  	p2 =	seq.s32 s10, $0x1;
	s10 =	sld [smem:$0x3FA4]  }
0x3d: {  	_ =	shalt  }
0x3e: {  	_ =	shalt  }
0x3f: {  	_ =	shalt  }
0x40: {  	_ =	shalt  }
0x41: {  	_ =	shalt  }
0x42: {  	_ =	shalt  }
0x43: {  	_ =	shalt  }
0x44: {  	_ =	shalt  }
0x45: {  	_ =	shalt  }
0x46: {  	_ =	shalt  }
0x47: {  	_ =	shalt  }
0x48: {  	_ =	shalt  }
0x49: {  	_ =	shalt  }
0x4a: {  	_ =	shalt  }
0x4b: {  	_ =	shalt  }
0x4c: {  	_ =	shalt  }
0x4d: {  	_ =	shalt  }
0x4e: {  	_ =	shalt  }
0x4f: {  	_ =	shalt  }
0x50: {  	_ =	shalt  }
0x51: {  	_ =	shalt  }
0x52: {  	_ =	shalt  }
0x53: {  	_ =	shalt  }
0x54: {  	_ =	shalt  }
0x55: {  	_ =	shalt  }
0x56: {  	_ =	shalt  }
0x57: {  	_ =	shalt  }
0x58: {  	_ =	shalt  }
0x59: {  	_ =	shalt  }
0x5a: {  	_ =	shalt  }
0x5b: {  	_ =	shalt  }
0x5c: {  	_ =	shalt  }
0x5d: {  	_ =	shalt  }
0x5e: {  	_ =	shalt  }
0x5f: {  	_ =	shalt  }
0x60: {  	_ =	shalt  }
0x61: {  	_ =	shalt  }
0x62: {  	_ =	shalt  }
0x63: {  	_ =	shalt  }
0x64: {  	_ =	shalt  }
0x65: {  	_ =	shalt  }
0x66: {  	_ =	shalt  }
0x67: {  	_ =	shalt  }
0x68: {  	_ =	shalt  }
0x69: {  	_ =	shalt  }
0x6a: {  	_ =	shalt  }
0x6b: {  	_ =	shalt  }
0x6c: {  	_ =	shalt  }
0x6d: {  	_ =	shalt  }
0x6e: {  	_ =	shalt  }
0x6f: {  	_ =	shalt  }
0x70: {  	_ =	shalt  }
0x71: {  	_ =	shalt  }
0x72: {  	_ =	shalt  }
0x73: {  	_ =	shalt  }
0x74: {  	_ =	shalt  }
0x75: {  	_ =	shalt  }
0x76: {  	_ =	shalt  }
0x77: {  	_ =	shalt  }
0x78: {  	_ =	shalt  }
0x79: {  	_ =	shalt  }
0x7a: {  	_ =	shalt  }
0x7b: {  	_ =	shalt  }
0x7c: {  	_ =	shalt  }
0x7d: {  	_ =	shalt  }
0x7e: {  	_ =	shalt  }
0x7f: {  	_ =	shalt  }
0x80: {  	_ =	shalt  }
0x81: {  	_ =	shalt  }
0x82: {  	_ =	shalt  }
0x83: {  	_ =	shalt  }
0x84: {  	_ =	shalt  }
0x85: {  	_ =	shalt  }
0x86: {  	_ =	shalt  }
0x87: {  	_ =	shalt  }
.Lfunc_end0:
.L_simem_size_0:
called_computation.3_lowered:
.L_overlay_start_0:
0x88: {  	s2 =	sld [smem:$0x3FD9]  }
0x89: {  	s3 =	sld [smem:$0x3FFE];
	_ =	sdelay $0x1  }
0x8a: {  	s1 =	srdreg.scid  }
0x8b: {  	s0 =	sand.u32 $0x1, s1  }
0x8c: {  	s16 =	sshll.u32 s0, $0xA;
	s2 =	sadd.s32 s3, s2  }
0x8d: {  	s2 =	sadd.s32 s2, s16  }
0x8e: {  	[smem:$0x3FB0] =	sst s2  }
0x8f: {  	_ = 	snop  }
0x90: {  	(tm) =	ssettm $0x1  }
0x91: {  	s17 =	sld [smem:$0x3FFB];
	_ =	sdelay $0x3  }
0x92: {  	_ =	strace s17  }
0x93: {  	s2 =	sld [smem:$0x3FFC];
	_ =	sdelay $0x3  }
0x94: {  	_ =	strace s2  }
0x95: {  	s2 =	sld [smem:$0x3FFD];
	_ =	sdelay $0x3  }
0x96: {  	_ =	strace s2  }
0x97: {  	_ =	strace $0x8FFFFFFF  }
0x98: {  	s18 =	sld [smem:$0x3FDB];
	_ =	sdelay $0x1  }
0x99: {  	s19 =	simm.s32 $_scs_section_size  }
0x9a: {  	s4 =	simm.s32 $_size__tile_overlayer_lowered;
	s5 =	simm.s32 $_tile_overlayer_lowered  }
0x9b: {  	s22 =	simm.s32 $0x1BFF;
	s21 =	sshll.u32 s5, $0x1;
	s2 =	sadd.s32 s19, s18  }
0x9c: {  	s6 =	simm.s32 $0x0;
	s20 =	sshll.u32 s4, $0x1;
	s4 =	sadd.s32 s21, s2  }
0x9d: {  	[timem:s6], [sflag:s22] =	dma.local [hbm:s4], s20  }
0x9e: {  	_ =	swait.ge [sflag:s22], s20  }
0x9f: {  	s3 =	ssub.s32 $0x0, s20;
	[sflag:s22] =	ssyncset.done $0x0  }
0xa0: {  	[sflag:s22] =	ssyncadd.s32 s3;
	_ =	sdelay $0x1  }
0xa1: {  	s23 =	simm.s32 $0x1B8B  }
0xa2: {  	_ =	swait.ge [sflag:s23], $0x1  }
0xa3: {  	[sflag:s23] =	ssyncset.done $0x0  }
0xa4: {  	s25 =	simm.s32 $0x1B8E;
	s24 =	sld [smem:$0x3FFE];
	[sflag:s23] =	ssyncadd.s32 $0xFFFFFFFF  }
0xa5: {  	s26 =	simm.s32 $execute0_lowered;
	[smem:$0x3FD2] =	sst s25  }
0xa6: {  	s4 =	sshll.u32 s26, $0x1;
	_ =	strace $0x8000004F;
	[dreg:$0x1] =	wrdreg $0xFFFFFFFF  }
0xa7: {  	s28 =	simm.s32 $_size_execute0_lowered;
	s2 =	sadd.s32 s2, s4;
	[dreg:$0x0] =	wrdreg $0x0  }
0xa8: {  	s4 =	sshll.u32 s28, $0x1;
	[dreg:$0x2] =	wrdreg s2  }
0xa9: {  	[dreg:$0x3] =	wrdreg s4  }
0xaa: {  	[dreg:$0x4] =	wrdreg $0xC0  }
0xab: {  	_ =	task [dreg:s6], $0x5FFFF  }
0xac: {  	[dreg:$0x1] =	wrdreg $0xFFFFFFFF  }
0xad: {  	[dreg:$0x0] =	wrdreg $0x60  }
0xae: {  	[dreg:$0x2] =	wrdreg s24  }
0xaf: {  	[dreg:$0x3] =	wrdreg $0xB7800  }
0xb0: {  	[dreg:$0x4] =	wrdreg $0x9  }
0xb1: {  	_ =	task.clear_ibuf [dreg:s6], $0x5FFFF;
	_ =	strace $0x9000004F  }
0xb2: {  	s29 =	simm.s32 $0x9;
	_ =	strace $0x80000051  }
0xb3: {  	_ =	swait.ge [sflag:s29], $0x1  }
0xb4: {  	[sflag:s29] =	ssyncadd.s32 $0xFFFFFFFF  }
0xb5: {  	_ =	strace $0x90000051  }
0xb6: {  	_ =	sfence  }
0xb7: {  	s30 =	sld [smem:$0x0];
	_ =	sdelay $0x2  }
0xb8: {  	s31 =	sshll.u32 s1, $0xD;
	s1 =	sshrl.u32 s1, $0x2  }
0xb9: {  	s3 =	sand.u32 $0x4000, s31;
	s1 =	sadd.s32 s1, s30  }
0xba: {  	s0 =	sor.u32 s3, s0;
	s1 =	sshll.u32 s1, $0x11  }
0xbb: {  	s0 =	sor.u32 s1, s0  }
0xbc: {  	s0 =	sadd.s32 $0x8F2B, s0  }
0xbd: {  	[sflag:s0] =	ssyncadd.remote.s32 $0x1  }
0xbe: {  	_ =	sfence.sel $0xFFFF  }
0xbf: {  	[dreg:$0x0] =	wrdreg $0xFFFFFFFF;
	(pc) =	sbr.abs _section_cstart, $3  }
0xc0: {  	[dreg:$0x1] =	wrdreg $0xFFFFFFFF  }
0xc1: {  	_ =	task.clear_ibuf [dreg:s6], $0x2FFFF;
	_ =	strace $0x9FFFFFFF  }
0xc2: {  	(tm) =	ssettm $0x7FFFFFFF  }
0xc3: {  	_ =	shalt  }
tec
execute0_lowered:
.L_overlay_start_1:
0x0: {  	(tag) =	ssettag $0x1  }
0x1: {  	s0 =	rddreg [dreg:$0x0];
	s1 =	srdreg.scid  }
0x2: {  	s9 =	stileid.u32;
	s2 =	rddreg [dreg:$0x1]  }
0x3: {  	s29 =	simm.s32 $0x6780;
	s30 =	simm.s32 $0x4;
	s31 =	simm.s32 $0x3  }
0x4: {  	s28 =	simm.s32 $0x2710;
	s1 =	sand.u32 $0x1, s1;
	s19 =	smul.u32 $0x280, s9  }
0x5: {  	s3 =	sshll.u32 s9, $0x1;
	s5 =	sshrl.u32 s9, $0x2;
	s20 =	smul.u32 $0x50000, s9  }
0x6: {  	s21 =	sadd.s32 $0x1F600, s0;
	s4 =	sor.u32 s1, s3;
	s5 =	smul.u32 $0x13C00, s5  }
0x7: {  	s3 =	simm.s32 $0x0;
	s8 =	smul.u32 $0x2800, s1;
	s1 =	ssub.s32 $0x2, s1  }
0x8: {  	s6 =	sshll.u32 s4, $0x7;
	[smem:$0x7FF] =	sst s3;
	s7 =	sshll.u32 s4, $0xB  }
0x9: {  	s4 =	sadd.s32 $0x1FC00, s0;
	s22 =	sshrl.u32 s1, $0x1;
	s23 =	sshrl.u32 s20, $0x2  }
0xa: {  	s6 =	sand.u32 $0x380, s6;
	_ =	strace $0x80000050;
	s7 =	sadd.s32 s7, s0  }
0xb: {  	[dreg:$0x3] =	wrdreg s21;
	s1 =	ssub.s32 s1, s22;
	s5 =	sor.u32 s5, s6  }
0xc: {  	s6 =	sadd.s32 s19, s8;
	s24 =	sadd.s32 $0x5800, s7;
	s8 =	sadd.s32 s23, s2  }
0xd: {  	s5 =	sshrl.u32 s5, $0x3;
	s6 =	sshll.u32 s6, $0x4;
	[dreg:$0x5] =	wrdreg s24  }
0xe: {  	s9 =	sadd.s32 $0x2800, s8;
	s10 =	sadd.s32 $0x5000, s8;
	s11 =	sadd.s32 $0x7800, s8  }
0xf: {  	s12 =	sadd.s32 $0xA000, s8;
	s13 =	sadd.s32 $0xC800, s8;
	s14 =	sadd.s32 $0xF000, s8  }
0x10: {  	s15 =	sadd.s32 $0x11800, s8;
	s24 =	smax.u32 s1, $0x1;
	s5 =	sadd.s32 s5, s0  }
0x11: {  	s1 =	simm.s32 $0x1;
	s0 =	sadd.s32 s6, s0;
	s5 =	sadd.s32 $0x15800, s5  }
0x12: {  	s25 =	sadd.s32 $0x6FC00, s0;
	s26 =	sadd.s32 $0x70100, s0;
	s18 =	sadd.s32 $0x70600, s0  }
0x13: {  	s19 =	sadd.s32 $0x70B00, s0;
	s20 =	sadd.s32 $0x71000, s0;
	[dreg:$0x4] =	wrdreg s5  }
0x14: {  	s21 =	sadd.s32 $0x71500, s0;
	s22 =	sadd.s32 $0x71A00, s0;
	[dreg:$0x6] =	wrdreg s25  }
0x15: {  	s23 =	sadd.s32 $0x71F00, s0;
	s0 =	simm.s32 $0x2;
	[dreg:$0x7] =	wrdreg s26  }
0x16: {  	s25 =	simm.s32 $0x50;
	s26 =	simm.s32 $0x8F80;
	s5 =	simm.s32 $0x0  }
.LBB2_1:
0x17: {  	s6 =	rddreg [dreg:$0x4];
	s7 =	simm.s32 $0x80;
	s16 =	simm.s32 $0x400  }
0x18: {  	[tilespmem:s3], [sflag:$0x1] =	stream.strided.gather [hbm4b:s6+s7], $0x2780, s16, s7, $0x38;
	[tilespmem:$0x1F780] =	vst v63  }
0x19: {  	s7 =	rddreg [dreg:$0x5];
	s16 =	simm.s32 $0x2780  }
0x1a: {  	[tilespmem:s16], [sflag:$0x2] =	stream.linear.gather [hbm4b:s7+s3], $0x3F00, $0x38;
	[tilespmem:$0x1F780] =	vst v63  }
0x1b: {  	s17 =	rddreg [dreg:$0x3]  }
0x1c: {  	[tilespmem:s29], [sflag:$0x4] =	stream.linear.gather [hbm4b:s17+s3], $0x2800, $0x38;
	[tilespmem:$0x1F780] =	vst v63  }
0x1d: {  	_ =	swait.ge [sflag:s30], $0x2800  }
0x1e: {  	[sflag:s30] =	ssyncset.done $0x0  }
0x1f: {  	[sflag:s30] =	ssyncadd.s32 $0xFFFFD800  }
0x20: {  	[spmem:s8] =	stream.linear.scatter [tilespmem:s29], [sflag:$0x3], $0x2800, $0x38;
	[tilespmem:$0x1F780] =	vst v63  }
0x21: {  	_ = 	snop  }
0x22: {  	[spmem:s9] =	stream.linear.scatter [tilespmem:s29], [sflag:$0x3], $0x2800, $0x38;
	[tilespmem:$0x1F780] =	vst v63  }
0x23: {  	_ = 	snop  }
0x24: {  	[spmem:s10] =	stream.linear.scatter [tilespmem:s29], [sflag:$0x3], $0x2800, $0x38;
	[tilespmem:$0x1F780] =	vst v63  }
0x25: {  	_ = 	snop  }
0x26: {  	[spmem:s11] =	stream.linear.scatter [tilespmem:s29], [sflag:$0x3], $0x2800, $0x38;
	[tilespmem:$0x1F780] =	vst v63  }
0x27: {  	_ = 	snop  }
0x28: {  	[spmem:s12] =	stream.linear.scatter [tilespmem:s29], [sflag:$0x3], $0x2800, $0x38;
	[tilespmem:$0x1F780] =	vst v63  }
0x29: {  	_ = 	snop  }
0x2a: {  	[spmem:s13] =	stream.linear.scatter [tilespmem:s29], [sflag:$0x3], $0x2800, $0x38;
	[tilespmem:$0x1F780] =	vst v63  }
0x2b: {  	_ = 	snop  }
0x2c: {  	[spmem:s14] =	stream.linear.scatter [tilespmem:s29], [sflag:$0x3], $0x2800, $0x38;
	[tilespmem:$0x1F780] =	vst v63  }
0x2d: {  	_ = 	snop  }
0x2e: {  	[spmem:s15] =	stream.linear.scatter [tilespmem:s29], [sflag:$0x3], $0x2800, $0x38;
	[tilespmem:$0x1F780] =	vst v63  }
0x2f: {  	_ =	swait.ge [sflag:s31], $0x2800  }
0x30: {  	[sflag:s31] =	ssyncset.done $0x0  }
0x31: {  	[sflag:s31] =	ssyncadd.s32 $0xFFFFD800  }
0x32: {  	_ =	swait.ge [sflag:s31], $0x2800  }
0x33: {  	[sflag:s31] =	ssyncset.done $0x0  }
0x34: {  	[sflag:s31] =	ssyncadd.s32 $0xFFFFD800  }
0x35: {  	_ =	swait.ge [sflag:s31], $0x2800  }
0x36: {  	[sflag:s31] =	ssyncset.done $0x0  }
0x37: {  	[sflag:s31] =	ssyncadd.s32 $0xFFFFD800  }
0x38: {  	_ =	swait.ge [sflag:s31], $0x2800  }
0x39: {  	[sflag:s31] =	ssyncset.done $0x0  }
0x3a: {  	[sflag:s31] =	ssyncadd.s32 $0xFFFFD800  }
0x3b: {  	_ =	swait.ge [sflag:s31], $0x2800  }
0x3c: {  	[sflag:s31] =	ssyncset.done $0x0  }
0x3d: {  	[sflag:s31] =	ssyncadd.s32 $0xFFFFD800  }
0x3e: {  	_ =	swait.ge [sflag:s31], $0x2800  }
0x3f: {  	[sflag:s31] =	ssyncset.done $0x0  }
0x40: {  	[sflag:s31] =	ssyncadd.s32 $0xFFFFD800  }
0x41: {  	_ =	swait.ge [sflag:s31], $0x2800  }
0x42: {  	[sflag:s31] =	ssyncset.done $0x0  }
0x43: {  	[sflag:s31] =	ssyncadd.s32 $0xFFFFD800  }
0x44: {  	_ =	swait.ge [sflag:s31], $0x2800  }
0x45: {  	[sflag:s31] =	ssyncset.done $0x0  }
0x46: {  	[sflag:s31] =	ssyncadd.s32 $0xFFFFD800  }
0x47: {  	_ =	swait.ge [sflag:s1], $0x2780  }
0x48: {  	[sflag:s1] =	ssyncset.done $0x0  }
0x49: {  	[sflag:s1] =	ssyncadd.s32 $0xFFFFD880  }
0x4a: {  	_ =	swait.ge [sflag:s0], $0x3F00  }
0x4b: {  	[sflag:s0] =	ssyncset.done $0x0  }
0x4c: {  	[sflag:s0] =	ssyncadd.s32 $0xFFFFC100  }
0x4d: {  	[bflag:$0x0] =	sbarrier.arrive $0xFFFF  }
0x4e: {  	[tilespmem:s29], [sflag:$0x1] =	stream.indirect.gather [hbm4b:s4+s25], $0x80, s3, s25, $0xb8;
	[tilespmem:$0x1F780] =	vst v63  }
0x4f: {  	_ =	swait.ge [sflag:s1], $0x2800  }
0x50: {  	[sflag:s1] =	ssyncset.done $0x0  }
0x51: {  	s7 =	simm.s32 $0x50;
	[sflag:s1] =	ssyncadd.s32 $0xFFFFD800  }
0x52: {  	[tilespmem:s26], [sflag:$0x2] =	stream.indirect.gather [hbm4b:s4+s25], $0x80, s7, s25, $0xb8;
	[tilespmem:$0x1F780] =	vst v63  }
0x53: {  	s16 =	simm.s32 $0x2780  }
0x54: {  	[spmem:s2] =	stream.indirect.scatter.add.f32 [tilespmem:s29], [sflag:$0x4], $0x80, s16, s25, $0xb8;
	[tilespmem:$0x1F780] =	vst v63  }
0x55: {  	_ =	swait.ge [sflag:s30], $0x2800  }
0x56: {  	[sflag:s30] =	ssyncset.done $0x0  }
0x57: {  	[sflag:s30] =	ssyncadd.s32 $0xFFFFD800  }
0x58: {  	_ =	swait.ge [sflag:s0], $0x2800  }
0x59: {  	[sflag:s0] =	ssyncset.done $0x0  }
0x5a: {  	s6 =	simm.s32 $0xA0;
	[sflag:s0] =	ssyncadd.s32 $0xFFFFD800  }
0x5b: {  	[tilespmem:s29], [sflag:$0x1] =	stream.indirect.gather [hbm4b:s4+s25], $0x80, s6, s25, $0xb8;
	[tilespmem:$0x1F780] =	vst v63  }
0x5c: {  	s17 =	simm.s32 $0x2800  }
0x5d: {  	[spmem:s2] =	stream.indirect.scatter.add.f32 [tilespmem:s26], [sflag:$0x4], $0x80, s17, s25, $0xb8;
	[tilespmem:$0x1F780] =	vst v63  }
0x5e: {  	_ =	swait.ge [sflag:s30], $0x2800  }
0x5f: {  	s7 =	simm.s32 $0x400;
	[sflag:s30] =	ssyncset.done $0x0  }
.LBB2_2:
0x60: {  	p0 =	sne.s32 s7, $0xF400;
	[sflag:s30] =	ssyncadd.s32 $0xFFFFD800;
	s6 =	sadd.s32 $0xA0, s6  }
0x61: {  	s16 =	smov.u32 s7;
	s7 =	sadd.s32 $0x400, s7  }
0x62: {  	_ =	swait.ge [sflag:s1], $0x2800  }
0x63: {  	[sflag:s1] =	ssyncset.done $0x0  }
0x64: {  	s17 =	sadd.s32 $0xFFFFFFB0, s6;
	s16 =	sshra.s32 s16, $0x2;
	[sflag:s1] =	ssyncadd.s32 $0xFFFFD800  }
0x65: {  	[tilespmem:s26], [sflag:$0x2] =	stream.indirect.gather [hbm4b:s4+s25], $0x80, s17, s25, $0xb8;
	[tilespmem:$0x1F780] =	vst v63  }
0x66: {  	s17 =	sadd.s32 $0x2780, s16  }
0x67: {  	[spmem:s2] =	stream.indirect.scatter.add.f32 [tilespmem:s29], [sflag:$0x4], $0x80, s17, s25, $0xb8;
	[tilespmem:$0x1F780] =	vst v63  }
0x68: {  	_ =	swait.ge [sflag:s30], $0x2800  }
0x69: {  	[sflag:s30] =	ssyncset.done $0x0  }
0x6a: {  	[sflag:s30] =	ssyncadd.s32 $0xFFFFD800  }
0x6b: {  	_ =	swait.ge [sflag:s0], $0x2800  }
0x6c: {  	[sflag:s0] =	ssyncset.done $0x0  }
0x6d: {  	[sflag:s0] =	ssyncadd.s32 $0xFFFFD800  }
0x6e: {  	[tilespmem:s29], [sflag:$0x1] =	stream.indirect.gather [hbm4b:s4+s25], $0x80, s6, s25, $0xb8;
	[tilespmem:$0x1F780] =	vst v63  }
.Ltmp0:
0x6f: {  	_ = 	snop;
	(pc) =	sbr.rel @p0 .LBB2_2-.Ltmp0, $4  }
0x70: {  	s16 =	sadd.s32 $0x2800, s16  }
0x71: {  	[spmem:s2] =	stream.indirect.scatter.add.f32 [tilespmem:s26], [sflag:$0x4], $0x80, s16, s25, $0xb8;
	[tilespmem:$0x1F780] =	vst v63  }
0x72: {  	_ =	swait.ge [sflag:s30], $0x2800  }
0x73: {  	[sflag:s30] =	ssyncset.done $0x0  }
0x74: {  	[sflag:s30] =	ssyncadd.s32 $0xFFFFD800  }
0x75: {  	_ =	swait.ge [sflag:s1], $0x2800  }
0x76: {  	[sflag:s1] =	ssyncset.done $0x0  }
0x77: {  	[sflag:s1] =	ssyncadd.s32 $0xFFFFD800  }
0x78: {  	[tilespmem:s26], [sflag:$0x2] =	stream.indirect.gather [hbm4b:s4+s25], $0x80, s28, s25, $0xb8;
	[tilespmem:$0x1F780] =	vst v63  }
0x79: {  	s6 =	simm.s32 $0x6580  }
0x7a: {  	[spmem:s2] =	stream.indirect.scatter.add.f32 [tilespmem:s29], [sflag:$0x4], $0x80, s6, s25, $0xb8;
	[tilespmem:$0x1F780] =	vst v63  }
0x7b: {  	_ =	swait.ge [sflag:s30], $0x2800  }
0x7c: {  	[sflag:s30] =	ssyncset.done $0x0  }
0x7d: {  	[sflag:s30] =	ssyncadd.s32 $0xFFFFD800  }
0x7e: {  	_ =	swait.ge [sflag:s0], $0x2800  }
0x7f: {  	[sflag:s0] =	ssyncset.done $0x0  }
0x80: {  	[sflag:s0] =	ssyncadd.s32 $0xFFFFD800  }
0x81: {  	[tilespmem:s29], [sflag:$0x1] =	stream.indirect.gather [hbm4b:s4+s25], $0x80, s28, s25, $0xb8;
	[tilespmem:$0x1F780] =	vst v63  }
0x82: {  	s7 =	simm.s32 $0x6600  }
0x83: {  	[spmem:s2] =	stream.indirect.scatter.add.f32 [tilespmem:s26], [sflag:$0x4], $0x80, s7, s25, $0xb8;
	[tilespmem:$0x1F780] =	vst v63  }
0x84: {  	_ =	swait.ge [sflag:s30], $0x2800  }
0x85: {  	[sflag:s30] =	ssyncset.done $0x0  }
0x86: {  	[sflag:s30] =	ssyncadd.s32 $0xFFFFD800  }
0x87: {  	_ =	swait.ge [sflag:s1], $0x2800  }
0x88: {  	[sflag:s1] =	ssyncset.done $0x0  }
0x89: {  	[sflag:s1] =	ssyncadd.s32 $0xFFFFD800  }
0x8a: {  	[bflag:$0x0] =	sbarrier.arrive $0xFFFF  }
0x8b: {  	[tilespmem:s29], [sflag:$0x4] =	stream.linear.gather [spmem:s8], $0x2800, $0x38;
	[tilespmem:$0x1F780] =	vst v63  }
0x8c: {  	_ =	swait.ge [sflag:s30], $0x2800  }
0x8d: {  	[sflag:s30] =	ssyncset.done $0x0  }
0x8e: {  	s16 =	rddreg [dreg:$0x6];
	[sflag:s30] =	ssyncadd.s32 $0xFFFFD800  }
0x8f: {  	[hbm4b:s16+s3] =	stream.linear.scatter [tilespmem:s29], [sflag:$0x1], $0x2800, $0x38;
	[tilespmem:$0x1F780] =	vst v63  }
0x90: {  	_ = 	snop  }
0x91: {  	[tilespmem:s26], [sflag:$0x4] =	stream.linear.gather [spmem:s9], $0x2800, $0x38;
	[tilespmem:$0x1F780] =	vst v63  }
0x92: {  	_ =	swait.ge [sflag:s30], $0x2800  }
0x93: {  	[sflag:s30] =	ssyncset.done $0x0  }
0x94: {  	[sflag:s30] =	ssyncadd.s32 $0xFFFFD800  }
0x95: {  	_ =	swait.ge [sflag:s1], $0x2800  }
0x96: {  	[sflag:s1] =	ssyncset.done $0x0  }
0x97: {  	s17 =	rddreg [dreg:$0x7];
	[sflag:s1] =	ssyncadd.s32 $0xFFFFD800  }
0x98: {  	[hbm4b:s17+s3] =	stream.linear.scatter [tilespmem:s26], [sflag:$0x2], $0x2800, $0x38;
	[tilespmem:$0x1F780] =	vst v63  }
0x99: {  	_ = 	snop  }
0x9a: {  	[tilespmem:s29], [sflag:$0x4] =	stream.linear.gather [spmem:s10], $0x2800, $0x38;
	[tilespmem:$0x1F780] =	vst v63  }
0x9b: {  	_ =	swait.ge [sflag:s30], $0x2800  }
0x9c: {  	[sflag:s30] =	ssyncset.done $0x0  }
0x9d: {  	[sflag:s30] =	ssyncadd.s32 $0xFFFFD800  }
0x9e: {  	_ =	swait.ge [sflag:s0], $0x2800  }
0x9f: {  	[sflag:s0] =	ssyncset.done $0x0  }
0xa0: {  	[sflag:s0] =	ssyncadd.s32 $0xFFFFD800  }
0xa1: {  	[hbm4b:s18+s3] =	stream.linear.scatter [tilespmem:s29], [sflag:$0x1], $0x2800, $0x38;
	[tilespmem:$0x1F780] =	vst v63  }
0xa2: {  	_ = 	snop  }
0xa3: {  	[tilespmem:s26], [sflag:$0x4] =	stream.linear.gather [spmem:s11], $0x2800, $0x38;
	[tilespmem:$0x1F780] =	vst v63  }
0xa4: {  	_ =	swait.ge [sflag:s30], $0x2800  }
0xa5: {  	[sflag:s30] =	ssyncset.done $0x0  }
0xa6: {  	[sflag:s30] =	ssyncadd.s32 $0xFFFFD800  }
0xa7: {  	_ =	swait.ge [sflag:s1], $0x2800  }
0xa8: {  	[sflag:s1] =	ssyncset.done $0x0  }
0xa9: {  	[sflag:s1] =	ssyncadd.s32 $0xFFFFD800  }
0xaa: {  	[hbm4b:s19+s3] =	stream.linear.scatter [tilespmem:s26], [sflag:$0x2], $0x2800, $0x38;
	[tilespmem:$0x1F780] =	vst v63  }
0xab: {  	_ = 	snop  }
0xac: {  	[tilespmem:s29], [sflag:$0x4] =	stream.linear.gather [spmem:s12], $0x2800, $0x38;
	[tilespmem:$0x1F780] =	vst v63  }
0xad: {  	_ =	swait.ge [sflag:s30], $0x2800  }
0xae: {  	[sflag:s30] =	ssyncset.done $0x0  }
0xaf: {  	[sflag:s30] =	ssyncadd.s32 $0xFFFFD800  }
0xb0: {  	_ =	swait.ge [sflag:s0], $0x2800  }
0xb1: {  	[sflag:s0] =	ssyncset.done $0x0  }
0xb2: {  	[sflag:s0] =	ssyncadd.s32 $0xFFFFD800  }
0xb3: {  	[hbm4b:s20+s3] =	stream.linear.scatter [tilespmem:s29], [sflag:$0x1], $0x2800, $0x38;
	[tilespmem:$0x1F780] =	vst v63  }
0xb4: {  	_ = 	snop  }
0xb5: {  	[tilespmem:s26], [sflag:$0x4] =	stream.linear.gather [spmem:s13], $0x2800, $0x38;
	[tilespmem:$0x1F780] =	vst v63  }
0xb6: {  	_ =	swait.ge [sflag:s30], $0x2800  }
0xb7: {  	[sflag:s30] =	ssyncset.done $0x0  }
0xb8: {  	[sflag:s30] =	ssyncadd.s32 $0xFFFFD800  }
0xb9: {  	_ =	swait.ge [sflag:s1], $0x2800  }
0xba: {  	[sflag:s1] =	ssyncset.done $0x0  }
0xbb: {  	[sflag:s1] =	ssyncadd.s32 $0xFFFFD800  }
0xbc: {  	[hbm4b:s21+s3] =	stream.linear.scatter [tilespmem:s26], [sflag:$0x2], $0x2800, $0x38;
	[tilespmem:$0x1F780] =	vst v63  }
0xbd: {  	_ = 	snop  }
0xbe: {  	[tilespmem:s29], [sflag:$0x4] =	stream.linear.gather [spmem:s14], $0x2800, $0x38;
	[tilespmem:$0x1F780] =	vst v63  }
0xbf: {  	_ =	swait.ge [sflag:s30], $0x2800  }
0xc0: {  	[sflag:s30] =	ssyncset.done $0x0  }
0xc1: {  	[sflag:s30] =	ssyncadd.s32 $0xFFFFD800  }
0xc2: {  	_ =	swait.ge [sflag:s0], $0x2800  }
0xc3: {  	[sflag:s0] =	ssyncset.done $0x0  }
0xc4: {  	[sflag:s0] =	ssyncadd.s32 $0xFFFFD800  }
0xc5: {  	[hbm4b:s22+s3] =	stream.linear.scatter [tilespmem:s29], [sflag:$0x1], $0x2800, $0x38;
	[tilespmem:$0x1F780] =	vst v63  }
0xc6: {  	_ = 	snop  }
0xc7: {  	[tilespmem:s26], [sflag:$0x4] =	stream.linear.gather [spmem:s15], $0x2800, $0x38;
	[tilespmem:$0x1F780] =	vst v63  }
0xc8: {  	_ =	swait.ge [sflag:s30], $0x2800  }
0xc9: {  	[sflag:s30] =	ssyncset.done $0x0  }
0xca: {  	[sflag:s30] =	ssyncadd.s32 $0xFFFFD800  }
0xcb: {  	s5 =	sadd.s32 $0x1, s5;
	_ =	swait.ge [sflag:s1], $0x2800  }
0xcc: {  	p0 =	sne.s32 s5, s24;
	[sflag:s1] =	ssyncset.done $0x0  }
.Ltmp1:
0xcd: {  	[sflag:s1] =	ssyncadd.s32 $0xFFFFD800;
	(pc) =	sbr.rel @p0 .LBB2_1-.Ltmp1, $4  }
0xce: {  	[hbm4b:s23+s3] =	stream.linear.scatter [tilespmem:s26], [sflag:$0x2], $0x2800, $0x38;
	[tilespmem:$0x1F780] =	vst v63  }
0xcf: {  	_ =	swait.ge [sflag:s0], $0x2800  }
0xd0: {  	[sflag:s0] =	ssyncset.done $0x0  }
0xd1: {  	[sflag:s0] =	ssyncadd.s32 $0xFFFFD800  }
0xd2: {  	_ =	sfence.sel $0x180000  }
0xd3: {  	[bflag:$0x0] =	sbarrier.arrive $0xFFFF  }
0xd4: {  	_ =	strace $0x90000050  }
0xd5: {  	s0 =	stileid.u32;
	[bflag:$0x2] =	sbarrier.arrive $0xFFFF  }
0xd6: {  	p0 =	sne.s32 s0, $0x0;
	s0 =	rddreg [dreg:$0x2]  }
0xd7: {  	s0 =	sadd.s32 @!p0 $0x100000, s0  }
0xd8: {  	[sflag:s0] =	ssyncadd.tile.s32 @!p0 $0x1;
	_ =	shalt  }
.Lfunc_end2:
_tile_overlayer_lowered:
.L_overlay_start_2:
0xd9: {  	(tag) =	ssettag $0x2  }
0xda: {  	s0 =	rddreg [dreg:$0x0];
	s2 =	stileid.u32  }
0xdb: {  	s1 =	rddreg [dreg:$0x1];
	p0 =	sne.s32 s2, $0x0  }
0xdc: {  	s3 =	rddreg [dreg:$0x2];
	[bflag:$0x3] =	sbarrier.arrive $0xFFFF;
	s2 =	simm.s32 @!p0 $0x1C04  }
0xdd: {  	[timem:s3], [sflag:s2] =	dma.local @!p0 [hbm:s0], s1  }
0xde: {  	s0 =	simm.s32 @!p0 $0x4  }
0xdf: {  	_ =	swait.ge @!p0 [sflag:s0], s1  }
0xe0: {  	s1 =	ssub.s32 @!p0 $0x0, s1;
	[sflag:s0] =	ssyncset.done @!p0 $0x0  }
0xe1: {  	[sflag:s0] =	ssyncadd.s32 @!p0 s1  }
0xe2: {  	[bflag:$0x3] =	sbarrier.arrive $0xFFFF  }
0xe3: {  	_ =	shalt  }

</sc_bundles>
